<compile_context>
chip_gen: v7x
topology: tpu7x:2x2x1
jax: 0.10.2.dev20260603
libtpu: 0.0.44.dev20260713+nightly
codegen_flags: <defaults>
</compile_context>

<pallas_src>
import functools

import jax
import jax.numpy as jnp
from jax import lax
from jax.experimental import pallas as pl
from jax.experimental.pallas import tpu as pltpu
from jax.experimental.pallas import tpu_sc as plsc

_NC = 2
_NS = 16
_CHUNK = 80
_CPT0 = 98
_CPT1 = 154


def _agg_body(table, src, dst, out, sidx_a, sidx_b, didx_a, didx_b,
              rows_a, rows_b, zbuf, acc,
              sem_ra, sem_rb, sem_sa, sem_sb, sem_da, sem_db,
              *, n_pad):
    cid = lax.axis_index("c")
    sid = lax.axis_index("s")
    cpt = jnp.where(cid == 0, _CPT0, _CPT1)
    base = jnp.where(cid == 0, sid * _CPT0,
                     _NS * _CPT0 + sid * _CPT1) * _CHUNK

    def sload(ci, sidx, sem):
        pltpu.async_copy(src.at[pl.ds(base + ci * _CHUNK, _CHUNK)], sidx, sem)

    def swait(ci, sidx, sem):
        pltpu.make_async_copy(src.at[pl.ds(base + ci * _CHUNK, _CHUNK)],
                              sidx, sem).wait()

    def dload(ci, didx, sem):
        pltpu.async_copy(dst.at[pl.ds(base + ci * _CHUNK, _CHUNK)], didx, sem)

    def dwait(ci, didx, sem):
        pltpu.make_async_copy(dst.at[pl.ds(base + ci * _CHUNK, _CHUNK)],
                              didx, sem).wait()

    def gather(sidx, rows, sem):
        pltpu.async_copy(table.at[sidx], rows, sem)

    def gwait(sidx, rows, sem):
        pltpu.make_async_copy(table.at[sidx], rows, sem).wait()

    def scat(rows, didx):
        pltpu.sync_copy(rows, acc.at[didx], add=True)

    sload(0, sidx_a, sem_sa)
    dload(0, didx_a, sem_da)
    z16 = jnp.zeros((16,), jnp.float32)

    def zbody(i, _):
        for cc in range(8):
            zbuf[i, pl.ds(cc * 16, 16)] = z16
        return ()

    lax.fori_loop(0, zbuf.shape[0], zbody, ())
    swait(0, sidx_a, sem_sa)
    gather(sidx_a, rows_a, sem_ra)
    sload(1, sidx_b, sem_sb)
    dload(1, didx_b, sem_db)

    rpt = n_pad // _NS
    zrows = zbuf.shape[0]
    for k in range(rpt // zrows):
        pltpu.sync_copy(zbuf, acc.at[pl.ds(sid * rpt + k * zrows, zrows)])
    plsc.subcore_barrier()

    def body(i, _):
        c0 = 2 * i
        swait(c0 + 1, sidx_b, sem_sb)
        gwait(sidx_a, rows_a, sem_ra)
        gather(sidx_b, rows_b, sem_rb)
        sload(c0 + 2, sidx_a, sem_sa)
        dwait(c0, didx_a, sem_da)
        scat(rows_a, didx_a)
        dload(c0 + 2, didx_a, sem_da)
        swait(c0 + 2, sidx_a, sem_sa)
        gwait(sidx_b, rows_b, sem_rb)
        gather(sidx_a, rows_a, sem_ra)
        sload(c0 + 3, sidx_b, sem_sb)
        dwait(c0 + 1, didx_b, sem_db)
        scat(rows_b, didx_b)
        dload(c0 + 3, didx_b, sem_db)
        return ()

    lax.fori_loop(0, (cpt - 2) // 2, body, ())
    swait(cpt - 1, sidx_b, sem_sb)
    gwait(sidx_a, rows_a, sem_ra)
    gather(sidx_b, rows_b, sem_rb)
    dwait(cpt - 2, didx_a, sem_da)
    scat(rows_a, didx_a)
    gwait(sidx_b, rows_b, sem_rb)
    dwait(cpt - 1, didx_b, sem_db)
    scat(rows_b, didx_b)
    plsc.subcore_barrier()

    pltpu.sync_copy(acc.at[pl.ds(sid * rpt, rpt)],
                    out.at[cid, pl.ds(sid * rpt, rpt)])


def _sc_agg(table, src, dst, n_pad):
    _, d = table.shape
    mesh = plsc.VectorSubcoreMesh(core_axis_name="c", subcore_axis_name="s")
    kern = pl.kernel(
        functools.partial(_agg_body, n_pad=n_pad),
        out_type=jax.ShapeDtypeStruct((_NC, n_pad, d), jnp.float32),
        mesh=mesh,
        scratch_types=[
            pltpu.VMEM((_CHUNK,), jnp.int32),
            pltpu.VMEM((_CHUNK,), jnp.int32),
            pltpu.VMEM((_CHUNK,), jnp.int32),
            pltpu.VMEM((_CHUNK,), jnp.int32),
            pltpu.VMEM((_CHUNK, d), jnp.float32),
            pltpu.VMEM((_CHUNK, d), jnp.float32),
            pltpu.VMEM((16, d), jnp.float32),
            pltpu.VMEM_SHARED((n_pad, d), jnp.float32),
            pltpu.SemaphoreType.DMA,
            pltpu.SemaphoreType.DMA,
            pltpu.SemaphoreType.DMA,
            pltpu.SemaphoreType.DMA,
            pltpu.SemaphoreType.DMA,
            pltpu.SemaphoreType.DMA,
        ],
    )
    return kern(table, src, dst)


def _combine_body(p_ref, deg_ref, out_ref):
    out_ref[...] = (p_ref[0] + p_ref[1]) / deg_ref[...]


def _combine(p, deg2d):
    n, d = deg2d.shape[0], p.shape[2]
    bn = 1000
    return pl.pallas_call(
        _combine_body,
        grid=(n // bn,),
        in_specs=[
            pl.BlockSpec((2, bn, d), lambda i: (0, i, 0)),
            pl.BlockSpec((bn, 1), lambda i: (i, 0)),
        ],
        out_specs=pl.BlockSpec((bn, d), lambda i: (i, 0)),
        out_shape=jax.ShapeDtypeStruct((n, d), jnp.float32),
    )(p, deg2d)


def _final_body(h_ref, nb1_ref, q_ref, deg_ref, ws, w1, whp, w2,
                b_ref, lg_ref, g_ref, bt_ref, out_ref):
    s = 2.0 * jax.nn.sigmoid(lg_ref[...])
    hb = h_ref[...]
    n1 = nb1_ref[...]
    n2 = (q_ref[0] + q_ref[1]) / deg_ref[...]
    hp = hb - n1
    dot = functools.partial(jnp.dot, preferred_element_type=jnp.float32,
                            precision=lax.Precision.HIGHEST)
    z = (s[0:1, :] * dot(hb, ws[...])
         + s[1:2, :] * dot(n1, w1[...])
         + s[2:3, :] * dot(hp, whp[...])
         + s[3:4, :] * dot(n2, w2[...])
         + b_ref[...])
    mu = jnp.mean(z, axis=-1, keepdims=True)
    zc = z - mu
    var = jnp.mean(zc * zc, axis=-1, keepdims=True)
    out_ref[...] = zc * lax.rsqrt(var + 1e-5) * g_ref[...] + bt_ref[...]


def _final(h, nb1, q, deg2d, wst, w1t, whpt, w2t, bias2d, lg, gamma2d, beta2d):
    n, d = h.shape
    bn = 1000
    row = lambda i: (i, 0)
    full = lambda i: (0, 0)
    return pl.pallas_call(
        _final_body,
        grid=(n // bn,),
        in_specs=[
            pl.BlockSpec((bn, d), row),
            pl.BlockSpec((bn, d), row),
            pl.BlockSpec((2, bn, d), lambda i: (0, i, 0)),
            pl.BlockSpec((bn, 1), row),
            pl.BlockSpec((d, d), full),
            pl.BlockSpec((d, d), full),
            pl.BlockSpec((d, d), full),
            pl.BlockSpec((d, d), full),
            pl.BlockSpec((1, d), full),
            pl.BlockSpec((4, d), full),
            pl.BlockSpec((1, d), full),
            pl.BlockSpec((1, d), full),
        ],
        out_specs=pl.BlockSpec((bn, d), row),
        out_shape=jax.ShapeDtypeStruct((n, d), jnp.float32),
    )(h, nb1, q, deg2d, wst, w1t, whpt, w2t, bias2d, lg, gamma2d, beta2d)


def kernel(h, edge_index_mp, deg_mp, W_self, W_nb1, W_hp, W_nb2, bias,
           branch_logits, ln_gamma, ln_beta):
    n, d = h.shape
    e = edge_index_mp.shape[1]
    src = edge_index_mp[0].astype(jnp.int32)
    dst = edge_index_mp[1].astype(jnp.int32)
    deg2d = deg_mp.reshape(n, 1)

    n_pad = ((n + _NS * 128 - 1) // (_NS * 128)) * (_NS * 128)
    e_pad = (_CPT0 + _CPT1) * _NS * _CHUNK
    assert e_pad >= e
    src_p = jnp.pad(src, (0, e_pad - e))
    dst_p = jnp.pad(dst, (0, e_pad - e), constant_values=n_pad - 1)

    p = _sc_agg(h, src_p, dst_p, n_pad)
    nb1 = _combine(p, deg2d)
    q = _sc_agg(nb1, src_p, dst_p, n_pad)

    lg = jnp.broadcast_to(branch_logits[:, None], (4, d))
    return _final(h, nb1, q, deg2d,
                  W_self.T, W_nb1.T, W_hp.T, W_nb2.T,
                  bias.reshape(1, d), lg,
                  ln_gamma.reshape(1, d), ln_beta.reshape(1, d))

# --- scband reference (transcript-rebuilt; emitter-appended) ---
"""Pipeline reference for scband-heterophily-linear-agg-39273180955310 (READ-ONLY COPY).

The authoritative reference and input builder live on the scoring server;
editing this copy changes nothing except your own understanding.
"""

import jax, jax.numpy as jnp
import numpy as np

N = 10000
E = 320000
D = 128

def setup_inputs(seed: int = 0) -> dict:
    key = jax.random.key(seed)
    k1, k2, k3, k4, k5, k6, k7 = jax.random.split(key, 7)
    h = jax.random.normal(k1, (N, D), dtype=jnp.float32)
    src = jax.random.randint(k2, (E,), 0, N)
    dst = jax.random.randint(k3, (E,), 0, N)
    edge_index_mp = jnp.stack([src, dst]).astype(jnp.int64)
    # realistic in-degree derived from the sampled graph, clamped to avoid div-by-zero
    deg_mp = jnp.maximum(jnp.bincount(dst, length=N).astype(jnp.float32), 1.0)
    W_self = jax.random.normal(k4, (D, D), dtype=jnp.float32) * 0.02
    W_nb1 = jax.random.normal(k5, (D, D), dtype=jnp.float32) * 0.02
    W_hp = jax.random.normal(k6, (D, D), dtype=jnp.float32) * 0.02
    W_nb2 = jax.random.normal(k7, (D, D), dtype=jnp.float32) * 0.02
    bias = jnp.zeros((D,), dtype=jnp.float32)
    branch_logits = jnp.zeros((4,), dtype=jnp.float32)
    ln_gamma = jnp.ones((D,), dtype=jnp.float32)
    ln_beta = jnp.zeros((D,), dtype=jnp.float32)
    return {"h": h, "edge_index_mp": edge_index_mp, "deg_mp": deg_mp,
            "W_self": W_self, "W_nb1": W_nb1, "W_hp": W_hp, "W_nb2": W_nb2,
            "bias": bias, "branch_logits": branch_logits,
            "ln_gamma": ln_gamma, "ln_beta": ln_beta}

def reference(h, edge_index_mp, deg_mp, W_self, W_nb1, W_hp, W_nb2, bias, branch_logits, ln_gamma, ln_beta):
    src = edge_index_mp[0]
    dst = edge_index_mp[1]

    def agg(x):
        out = jnp.zeros_like(x).at[dst].add(x[src])
        return out / deg_mp[:, None].astype(x.dtype)

    nb1 = agg(h)
    nb2 = agg(nb1)
    hp = h - nb1
    scales = 2.0 * jax.nn.sigmoid(branch_logits)
    z = (scales[0] * (h @ W_self.T)
         + scales[1] * (nb1 @ W_nb1.T)
         + scales[2] * (hp @ W_hp.T)
         + scales[3] * (nb2 @ W_nb2.T)
         + bias)
    mu = jnp.mean(z, axis=-1, keepdims=True)
    var = jnp.var(z, axis=-1, keepdims=True)
    zn = (z - mu) / jnp.sqrt(var + 1e-5)
    return zn * ln_gamma + ln_beta

if __name__ == "__main__":
    import jax
    _d = setup_inputs()
    print(jax.jit(kernel)(*tuple(_d.values())))

</pallas_src>

<mosaic_0001>
#map = affine_map<(d0, d1) -> (0, 0)>
#map1 = affine_map<(d0, d1) -> (0)>
#map2 = affine_map<(d0, d1) -> (0, 0, 0)>
module attributes {stable_mosaic.version = 14 : i64} {
  func.func @_agg_body(%arg0: i32, %arg1: i32, %arg2: memref<10000x128xf32, #tpu.memory_space<hbm>>, %arg3: memref<322560xi32, #tpu.memory_space<hbm>>, %arg4: memref<322560xi32, #tpu.memory_space<hbm>>, %arg5: memref<2x10240x128xf32, #tpu.memory_space<hbm>>, %arg6: memref<80xi32, #tpu.memory_space<vmem>>, %arg7: memref<80xi32, #tpu.memory_space<vmem>>, %arg8: memref<80xi32, #tpu.memory_space<vmem>>, %arg9: memref<80xi32, #tpu.memory_space<vmem>>, %arg10: memref<80x128xf32, #tpu.memory_space<vmem>>, %arg11: memref<80x128xf32, #tpu.memory_space<vmem>>, %arg12: memref<16x128xf32, #tpu.memory_space<vmem>>, %arg13: memref<10240x128xf32, #tpu.memory_space<vmem_shared>>, %arg14: memref<!tpu.dma_semaphore, #tpu.memory_space<semaphore_mem>>, %arg15: memref<!tpu.dma_semaphore, #tpu.memory_space<semaphore_mem>>, %arg16: memref<!tpu.dma_semaphore, #tpu.memory_space<semaphore_mem>>, %arg17: memref<!tpu.dma_semaphore, #tpu.memory_space<semaphore_mem>>, %arg18: memref<!tpu.dma_semaphore, #tpu.memory_space<semaphore_mem>>, %arg19: memref<!tpu.dma_semaphore, #tpu.memory_space<semaphore_mem>>) attributes {dimension_semantics = [#tpu.dimension_semantics<core_parallel>, #tpu.dimension_semantics<subcore_parallel>], iteration_bounds = array<i64: 2, 16>, scalar_prefetch = 0 : i64, scratch_operands = 14 : i64, tpu.core_type = #tpu.core_type<sc_vector_subcore>, window_params = [{transform_indices = #map}, {transform_indices = #map1}, {transform_indices = #map1}, {transform_indices = #map2}]} {
    %eq3A = arith.constant 0 : i32
    %eq3A_0 = arith.cmpi eq, %arg0, %eq3A : i32
    %jit3A = arith.constant 98 : i32
    %jit3A_1 = arith.constant 154 : i32
    %select_n3A = arith.select %eq3A_0, %jit3A, %jit3A_1 : i32
    %eq3A_2 = arith.constant 0 : i32
    %eq3A_3 = arith.cmpi eq, %arg0, %eq3A_2 : i32
    %mul3A = arith.constant 98 : i32
    %mul3A_4 = arith.muli %arg1, %mul3A : i32
    %mul3A_5 = arith.constant 154 : i32
    %mul3A_6 = arith.muli %arg1, %mul3A_5 : i32
    %add3A = arith.constant 1568 : i32
    %add3A_7 = arith.addi %add3A, %mul3A_6 : i32
    %select_n3A_8 = arith.select %eq3A_3, %mul3A_4, %add3A_7 : i32
    %mul3A_9 = arith.constant 80 : i32
    %mul3A_10 = arith.muli %select_n3A_8, %mul3A_9 : i32
    %add3A_11 = arith.constant 0 : i32
    %add3A_12 = arith.addi %mul3A_10, %add3A_11 : i32
    %dma_start3A = tpu.memref_slice %arg3[%add3A_12] : memref<322560xi32, #tpu.memory_space<hbm>> -> memref<80xi32, #tpu.memory_space<hbm>>
    %dma_start3A_13 = tpu.memref_slice %arg3[%add3A_12] : memref<322560xi32, #tpu.memory_space<hbm>> -> memref<80xi32, #tpu.memory_space<hbm>>
    tpu.enqueue_dma source(%dma_start3A_13 : memref<80xi32, #tpu.memory_space<hbm>>) target(%arg6 : memref<80xi32, #tpu.memory_space<vmem>>) target_semaphore(%arg16 : memref<!tpu.dma_semaphore, #tpu.memory_space<semaphore_mem>>)
    %add3A_14 = arith.constant 0 : i32
    %add3A_15 = arith.addi %mul3A_10, %add3A_14 : i32
    %dma_start3A_16 = tpu.memref_slice %arg4[%add3A_15] : memref<322560xi32, #tpu.memory_space<hbm>> -> memref<80xi32, #tpu.memory_space<hbm>>
    %dma_start3A_17 = tpu.memref_slice %arg4[%add3A_15] : memref<322560xi32, #tpu.memory_space<hbm>> -> memref<80xi32, #tpu.memory_space<hbm>>
    tpu.enqueue_dma source(%dma_start3A_17 : memref<80xi32, #tpu.memory_space<hbm>>) target(%arg8 : memref<80xi32, #tpu.memory_space<vmem>>) target_semaphore(%arg18 : memref<!tpu.dma_semaphore, #tpu.memory_space<semaphore_mem>>)
    %broadcast_in_dim3A = arith.constant 0.000000e+00 : f32
    %broadcast_in_dim3A_18 = vector.broadcast %broadcast_in_dim3A : f32 to vector<16xf32>
    %scan3A = arith.constant 0 : i32
    %scan3A_19 = arith.constant 16 : i32
    %scan3A_20 = arith.addi %scan3A, %scan3A_19 : i32
    %scan3A_21 = arith.constant 1 : i32
    scf.for %scan3A_260 = %scan3A to %scan3A_20 step %scan3A_21  : i32 {
      %swap3A = arith.index_cast %scan3A_260 : i32 to index
      %swap3A_261 = arith.constant 0 : index
      %swap3A_262 = tpu.vector_load %arg12[%swap3A, %swap3A_261] {strides = array<i32>} : memref<16x128xf32, #tpu.memory_space<vmem>>, vector<1x16xf32>,
      %swap3A_263 = vector.shape_cast %swap3A_262 : vector<1x16xf32> to vector<16xf32>
      %swap3A_264 = vector.shape_cast %broadcast_in_dim3A_18 : vector<16xf32> to vector<1x16xf32>
      tpu.vector_store %arg12[%swap3A, %swap3A_261], %swap3A_264 {strides = array<i32>} : memref<16x128xf32, #tpu.memory_space<vmem>>, vector<1x16xf32>,
      %swap3A_265 = arith.index_cast %scan3A_260 : i32 to index
      %swap3A_266 = arith.constant 16 : index
      %swap3A_267 = tpu.vector_load %arg12[%swap3A_265, %swap3A_266] {strides = array<i32>} : memref<16x128xf32, #tpu.memory_space<vmem>>, vector<1x16xf32>,
      %swap3A_268 = vector.shape_cast %swap3A_267 : vector<1x16xf32> to vector<16xf32>
      %swap3A_269 = vector.shape_cast %broadcast_in_dim3A_18 : vector<16xf32> to vector<1x16xf32>
      tpu.vector_store %arg12[%swap3A_265, %swap3A_266], %swap3A_269 {strides = array<i32>} : memref<16x128xf32, #tpu.memory_space<vmem>>, vector<1x16xf32>,
      %swap3A_270 = arith.index_cast %scan3A_260 : i32 to index
      %swap3A_271 = arith.constant 32 : index
      %swap3A_272 = tpu.vector_load %arg12[%swap3A_270, %swap3A_271] {strides = array<i32>} : memref<16x128xf32, #tpu.memory_space<vmem>>, vector<1x16xf32>,
      %swap3A_273 = vector.shape_cast %swap3A_272 : vector<1x16xf32> to vector<16xf32>
      %swap3A_274 = vector.shape_cast %broadcast_in_dim3A_18 : vector<16xf32> to vector<1x16xf32>
      tpu.vector_store %arg12[%swap3A_270, %swap3A_271], %swap3A_274 {strides = array<i32>} : memref<16x128xf32, #tpu.memory_space<vmem>>, vector<1x16xf32>,
      %swap3A_275 = arith.index_cast %scan3A_260 : i32 to index
      %swap3A_276 = arith.constant 48 : index
      %swap3A_277 = tpu.vector_load %arg12[%swap3A_275, %swap3A_276] {strides = array<i32>} : memref<16x128xf32, #tpu.memory_space<vmem>>, vector<1x16xf32>,
      %swap3A_278 = vector.shape_cast %swap3A_277 : vector<1x16xf32> to vector<16xf32>
      %swap3A_279 = vector.shape_cast %broadcast_in_dim3A_18 : vector<16xf32> to vector<1x16xf32>
      tpu.vector_store %arg12[%swap3A_275, %swap3A_276], %swap3A_279 {strides = array<i32>} : memref<16x128xf32, #tpu.memory_space<vmem>>, vector<1x16xf32>,
      %swap3A_280 = arith.index_cast %scan3A_260 : i32 to index
      %swap3A_281 = arith.constant 64 : index
      %swap3A_282 = tpu.vector_load %arg12[%swap3A_280, %swap3A_281] {strides = array<i32>} : memref<16x128xf32, #tpu.memory_space<vmem>>, vector<1x16xf32>,
      %swap3A_283 = vector.shape_cast %swap3A_282 : vector<1x16xf32> to vector<16xf32>
      %swap3A_284 = vector.shape_cast %broadcast_in_dim3A_18 : vector<16xf32> to vector<1x16xf32>
      tpu.vector_store %arg12[%swap3A_280, %swap3A_281], %swap3A_284 {strides = array<i32>} : memref<16x128xf32, #tpu.memory_space<vmem>>, vector<1x16xf32>,
      %swap3A_285 = arith.index_cast %scan3A_260 : i32 to index
      %swap3A_286 = arith.constant 80 : index
      %swap3A_287 = tpu.vector_load %arg12[%swap3A_285, %swap3A_286] {strides = array<i32>} : memref<16x128xf32, #tpu.memory_space<vmem>>, vector<1x16xf32>,
      %swap3A_288 = vector.shape_cast %swap3A_287 : vector<1x16xf32> to vector<16xf32>
      %swap3A_289 = vector.shape_cast %broadcast_in_dim3A_18 : vector<16xf32> to vector<1x16xf32>
      tpu.vector_store %arg12[%swap3A_285, %swap3A_286], %swap3A_289 {strides = array<i32>} : memref<16x128xf32, #tpu.memory_space<vmem>>, vector<1x16xf32>,
      %swap3A_290 = arith.index_cast %scan3A_260 : i32 to index
      %swap3A_291 = arith.constant 96 : index
      %swap3A_292 = tpu.vector_load %arg12[%swap3A_290, %swap3A_291] {strides = array<i32>} : memref<16x128xf32, #tpu.memory_space<vmem>>, vector<1x16xf32>,
      %swap3A_293 = vector.shape_cast %swap3A_292 : vector<1x16xf32> to vector<16xf32>
      %swap3A_294 = vector.shape_cast %broadcast_in_dim3A_18 : vector<16xf32> to vector<1x16xf32>
      tpu.vector_store %arg12[%swap3A_290, %swap3A_291], %swap3A_294 {strides = array<i32>} : memref<16x128xf32, #tpu.memory_space<vmem>>, vector<1x16xf32>,
      %swap3A_295 = arith.index_cast %scan3A_260 : i32 to index
      %swap3A_296 = arith.constant 112 : index
      %swap3A_297 = tpu.vector_load %arg12[%swap3A_295, %swap3A_296] {strides = array<i32>} : memref<16x128xf32, #tpu.memory_space<vmem>>, vector<1x16xf32>,
      %swap3A_298 = vector.shape_cast %swap3A_297 : vector<1x16xf32> to vector<16xf32>
      %swap3A_299 = vector.shape_cast %broadcast_in_dim3A_18 : vector<16xf32> to vector<1x16xf32>
      tpu.vector_store %arg12[%swap3A_295, %swap3A_296], %swap3A_299 {strides = array<i32>} : memref<16x128xf32, #tpu.memory_space<vmem>>, vector<1x16xf32>,
    }
    %scan3A_22 = arith.constant 16 : i32
    %add3A_23 = arith.constant 0 : i32
    %add3A_24 = arith.addi %mul3A_10, %add3A_23 : i32
    %dma_wait3A = tpu.memref_slice %arg3[%add3A_24] : memref<322560xi32, #tpu.memory_space<hbm>> -> memref<80xi32, #tpu.memory_space<hbm>>
    %dma_wait3A_25 = tpu.memref_slice %arg3[%add3A_24] : memref<322560xi32, #tpu.memory_space<hbm>> -> memref<80xi32, #tpu.memory_space<hbm>>
    tpu.wait_dma2 semaphore(%arg16 : memref<!tpu.dma_semaphore, #tpu.memory_space<semaphore_mem>>) src(%dma_wait3A_25 : memref<80xi32, #tpu.memory_space<hbm>>) dst(%arg6 : memref<80xi32, #tpu.memory_space<vmem>>)
    %dma_start3A_26 = arith.constant 0 : i32
    %dma_start3A_27 = arith.constant 0 : i32
    %dma_start3A_28 = tpu.memref_slice %arg2[%dma_start3A_26, %dma_start3A_27] : memref<10000x128xf32, #tpu.memory_space<hbm>> -> memref<10000x128xf32, #tpu.memory_space<hbm>>
    tpu.enqueue_indirect_dma source(%dma_start3A_28 : memref<10000x128xf32, #tpu.memory_space<hbm>>) target(%arg10 : memref<80x128xf32, #tpu.memory_space<vmem>>) offsets(%arg6 : memref<80xi32, #tpu.memory_space<vmem>>) semaphore(%arg14 : memref<!tpu.dma_semaphore, #tpu.memory_space<semaphore_mem>>)
    %add3A_29 = arith.constant 80 : i32
    %add3A_30 = arith.addi %mul3A_10, %add3A_29 : i32
    %dma_start3A_31 = tpu.memref_slice %arg3[%add3A_30] : memref<322560xi32, #tpu.memory_space<hbm>> -> memref<80xi32, #tpu.memory_space<hbm>>
    %dma_start3A_32 = tpu.memref_slice %arg3[%add3A_30] : memref<322560xi32, #tpu.memory_space<hbm>> -> memref<80xi32, #tpu.memory_space<hbm>>
    tpu.enqueue_dma source(%dma_start3A_32 : memref<80xi32, #tpu.memory_space<hbm>>) target(%arg7 : memref<80xi32, #tpu.memory_space<vmem>>) target_semaphore(%arg17 : memref<!tpu.dma_semaphore, #tpu.memory_space<semaphore_mem>>)
    %add3A_33 = arith.constant 80 : i32
    %add3A_34 = arith.addi %mul3A_10, %add3A_33 : i32
    %dma_start3A_35 = tpu.memref_slice %arg4[%add3A_34] : memref<322560xi32, #tpu.memory_space<hbm>> -> memref<80xi32, #tpu.memory_space<hbm>>
    %dma_start3A_36 = tpu.memref_slice %arg4[%add3A_34] : memref<322560xi32, #tpu.memory_space<hbm>> -> memref<80xi32, #tpu.memory_space<hbm>>
    tpu.enqueue_dma source(%dma_start3A_36 : memref<80xi32, #tpu.memory_space<hbm>>) target(%arg9 : memref<80xi32, #tpu.memory_space<vmem>>) target_semaphore(%arg19 : memref<!tpu.dma_semaphore, #tpu.memory_space<semaphore_mem>>)
    %mul3A_37 = arith.constant 640 : i32
    %mul3A_38 = arith.muli %arg1, %mul3A_37 : i32
    %add3A_39 = arith.constant 0 : i32
    %add3A_40 = arith.addi %mul3A_38, %add3A_39 : i32
    "tpu.region"() ({
      %run_scoped3A = tpu.sem_alloc : memref<!tpu.dma_semaphore, #tpu.memory_space<semaphore_mem>>
      %dma_start3A_260 = arith.constant 0 : i32
      %dma_start3A_261 = tpu.memref_slice %arg13[%add3A_40, %dma_start3A_260] : memref<10240x128xf32, #tpu.memory_space<vmem_shared>> -> memref<16x128xf32, #tpu.memory_space<vmem_shared>>
      %dma_start3A_262 = arith.constant 0 : i32
      %dma_start3A_263 = tpu.memref_slice %arg13[%add3A_40, %dma_start3A_262] : memref<10240x128xf32, #tpu.memory_space<vmem_shared>> -> memref<16x128xf32, #tpu.memory_space<vmem_shared>>
      tpu.enqueue_dma source(%arg12 : memref<16x128xf32, #tpu.memory_space<vmem>>) target(%dma_start3A_263 : memref<16x128xf32, #tpu.memory_space<vmem_shared>>) target_semaphore(%run_scoped3A : memref<!tpu.dma_semaphore, #tpu.memory_space<semaphore_mem>>)
      %dma_wait3A_264 = arith.constant 0 : i32
      %dma_wait3A_265 = tpu.memref_slice %arg13[%add3A_40, %dma_wait3A_264] : memref<10240x128xf32, #tpu.memory_space<vmem_shared>> -> memref<16x128xf32, #tpu.memory_space<vmem_shared>>
      %dma_wait3A_266 = arith.constant 0 : i32
      %dma_wait3A_267 = tpu.memref_slice %arg13[%add3A_40, %dma_wait3A_266] : memref<10240x128xf32, #tpu.memory_space<vmem_shared>> -> memref<16x128xf32, #tpu.memory_space<vmem_shared>>
      tpu.wait_dma2 semaphore(%run_scoped3A : memref<!tpu.dma_semaphore, #tpu.memory_space<semaphore_mem>>) src(%arg12 : memref<16x128xf32, #tpu.memory_space<vmem>>) dst(%dma_wait3A_267 : memref<16x128xf32, #tpu.memory_space<vmem_shared>>)
      tpu.yield
    }) : () -> ()
    %mul3A_41 = arith.constant 640 : i32
    %mul3A_42 = arith.muli %arg1, %mul3A_41 : i32
    %add3A_43 = arith.constant 16 : i32
    %add3A_44 = arith.addi %mul3A_42, %add3A_43 : i32
    "tpu.region"() ({
      %run_scoped3A = tpu.sem_alloc : memref<!tpu.dma_semaphore, #tpu.memory_space<semaphore_mem>>
      %dma_start3A_260 = arith.constant 0 : i32
      %dma_start3A_261 = tpu.memref_slice %arg13[%add3A_44, %dma_start3A_260] : memref<10240x128xf32, #tpu.memory_space<vmem_shared>> -> memref<16x128xf32, #tpu.memory_space<vmem_shared>>
      %dma_start3A_262 = arith.constant 0 : i32
      %dma_start3A_263 = tpu.memref_slice %arg13[%add3A_44, %dma_start3A_262] : memref<10240x128xf32, #tpu.memory_space<vmem_shared>> -> memref<16x128xf32, #tpu.memory_space<vmem_shared>>
      tpu.enqueue_dma source(%arg12 : memref<16x128xf32, #tpu.memory_space<vmem>>) target(%dma_start3A_263 : memref<16x128xf32, #tpu.memory_space<vmem_shared>>) target_semaphore(%run_scoped3A : memref<!tpu.dma_semaphore, #tpu.memory_space<semaphore_mem>>)
      %dma_wait3A_264 = arith.constant 0 : i32
      %dma_wait3A_265 = tpu.memref_slice %arg13[%add3A_44, %dma_wait3A_264] : memref<10240x128xf32, #tpu.memory_space<vmem_shared>> -> memref<16x128xf32, #tpu.memory_space<vmem_shared>>
      %dma_wait3A_266 = arith.constant 0 : i32
      %dma_wait3A_267 = tpu.memref_slice %arg13[%add3A_44, %dma_wait3A_266] : memref<10240x128xf32, #tpu.memory_space<vmem_shared>> -> memref<16x128xf32, #tpu.memory_space<vmem_shared>>
      tpu.wait_dma2 semaphore(%run_scoped3A : memref<!tpu.dma_semaphore, #tpu.memory_space<semaphore_mem>>) src(%arg12 : memref<16x128xf32, #tpu.memory_space<vmem>>) dst(%dma_wait3A_267 : memref<16x128xf32, #tpu.memory_space<vmem_shared>>)
      tpu.yield
    }) : () -> ()
    %mul3A_45 = arith.constant 640 : i32
    %mul3A_46 = arith.muli %arg1, %mul3A_45 : i32
    %add3A_47 = arith.constant 32 : i32
    %add3A_48 = arith.addi %mul3A_46, %add3A_47 : i32
    "tpu.region"() ({
      %run_scoped3A = tpu.sem_alloc : memref<!tpu.dma_semaphore, #tpu.memory_space<semaphore_mem>>
      %dma_start3A_260 = arith.constant 0 : i32
      %dma_start3A_261 = tpu.memref_slice %arg13[%add3A_48, %dma_start3A_260] : memref<10240x128xf32, #tpu.memory_space<vmem_shared>> -> memref<16x128xf32, #tpu.memory_space<vmem_shared>>
      %dma_start3A_262 = arith.constant 0 : i32
      %dma_start3A_263 = tpu.memref_slice %arg13[%add3A_48, %dma_start3A_262] : memref<10240x128xf32, #tpu.memory_space<vmem_shared>> -> memref<16x128xf32, #tpu.memory_space<vmem_shared>>
      tpu.enqueue_dma source(%arg12 : memref<16x128xf32, #tpu.memory_space<vmem>>) target(%dma_start3A_263 : memref<16x128xf32, #tpu.memory_space<vmem_shared>>) target_semaphore(%run_scoped3A : memref<!tpu.dma_semaphore, #tpu.memory_space<semaphore_mem>>)
      %dma_wait3A_264 = arith.constant 0 : i32
      %dma_wait3A_265 = tpu.memref_slice %arg13[%add3A_48, %dma_wait3A_264] : memref<10240x128xf32, #tpu.memory_space<vmem_shared>> -> memref<16x128xf32, #tpu.memory_space<vmem_shared>>
      %dma_wait3A_266 = arith.constant 0 : i32
      %dma_wait3A_267 = tpu.memref_slice %arg13[%add3A_48, %dma_wait3A_266] : memref<10240x128xf32, #tpu.memory_space<vmem_shared>> -> memref<16x128xf32, #tpu.memory_space<vmem_shared>>
      tpu.wait_dma2 semaphore(%run_scoped3A : memref<!tpu.dma_semaphore, #tpu.memory_space<semaphore_mem>>) src(%arg12 : memref<16x128xf32, #tpu.memory_space<vmem>>) dst(%dma_wait3A_267 : memref<16x128xf32, #tpu.memory_space<vmem_shared>>)
      tpu.yield
    }) : () -> ()
    %mul3A_49 = arith.constant 640 : i32
    %mul3A_50 = arith.muli %arg1, %mul3A_49 : i32
    %add3A_51 = arith.constant 48 : i32
    %add3A_52 = arith.addi %mul3A_50, %add3A_51 : i32
    "tpu.region"() ({
      %run_scoped3A = tpu.sem_alloc : memref<!tpu.dma_semaphore, #tpu.memory_space<semaphore_mem>>
      %dma_start3A_260 = arith.constant 0 : i32
      %dma_start3A_261 = tpu.memref_slice %arg13[%add3A_52, %dma_start3A_260] : memref<10240x128xf32, #tpu.memory_space<vmem_shared>> -> memref<16x128xf32, #tpu.memory_space<vmem_shared>>
      %dma_start3A_262 = arith.constant 0 : i32
      %dma_start3A_263 = tpu.memref_slice %arg13[%add3A_52, %dma_start3A_262] : memref<10240x128xf32, #tpu.memory_space<vmem_shared>> -> memref<16x128xf32, #tpu.memory_space<vmem_shared>>
      tpu.enqueue_dma source(%arg12 : memref<16x128xf32, #tpu.memory_space<vmem>>) target(%dma_start3A_263 : memref<16x128xf32, #tpu.memory_space<vmem_shared>>) target_semaphore(%run_scoped3A : memref<!tpu.dma_semaphore, #tpu.memory_space<semaphore_mem>>)
      %dma_wait3A_264 = arith.constant 0 : i32
      %dma_wait3A_265 = tpu.memref_slice %arg13[%add3A_52, %dma_wait3A_264] : memref<10240x128xf32, #tpu.memory_space<vmem_shared>> -> memref<16x128xf32, #tpu.memory_space<vmem_shared>>
      %dma_wait3A_266 = arith.constant 0 : i32
      %dma_wait3A_267 = tpu.memref_slice %arg13[%add3A_52, %dma_wait3A_266] : memref<10240x128xf32, #tpu.memory_space<vmem_shared>> -> memref<16x128xf32, #tpu.memory_space<vmem_shared>>
      tpu.wait_dma2 semaphore(%run_scoped3A : memref<!tpu.dma_semaphore, #tpu.memory_space<semaphore_mem>>) src(%arg12 : memref<16x128xf32, #tpu.memory_space<vmem>>) dst(%dma_wait3A_267 : memref<16x128xf32, #tpu.memory_space<vmem_shared>>)
      tpu.yield
    }) : () -> ()
    %mul3A_53 = arith.constant 640 : i32
    %mul3A_54 = arith.muli %arg1, %mul3A_53 : i32
    %add3A_55 = arith.constant 64 : i32
    %add3A_56 = arith.addi %mul3A_54, %add3A_55 : i32
    "tpu.region"() ({
      %run_scoped3A = tpu.sem_alloc : memref<!tpu.dma_semaphore, #tpu.memory_space<semaphore_mem>>
      %dma_start3A_260 = arith.constant 0 : i32
      %dma_start3A_261 = tpu.memref_slice %arg13[%add3A_56, %dma_start3A_260] : memref<10240x128xf32, #tpu.memory_space<vmem_shared>> -> memref<16x128xf32, #tpu.memory_space<vmem_shared>>
      %dma_start3A_262 = arith.constant 0 : i32
      %dma_start3A_263 = tpu.memref_slice %arg13[%add3A_56, %dma_start3A_262] : memref<10240x128xf32, #tpu.memory_space<vmem_shared>> -> memref<16x128xf32, #tpu.memory_space<vmem_shared>>
      tpu.enqueue_dma source(%arg12 : memref<16x128xf32, #tpu.memory_space<vmem>>) target(%dma_start3A_263 : memref<16x128xf32, #tpu.memory_space<vmem_shared>>) target_semaphore(%run_scoped3A : memref<!tpu.dma_semaphore, #tpu.memory_space<semaphore_mem>>)
      %dma_wait3A_264 = arith.constant 0 : i32
      %dma_wait3A_265 = tpu.memref_slice %arg13[%add3A_56, %dma_wait3A_264] : memref<10240x128xf32, #tpu.memory_space<vmem_shared>> -> memref<16x128xf32, #tpu.memory_space<vmem_shared>>
      %dma_wait3A_266 = arith.constant 0 : i32
      %dma_wait3A_267 = tpu.memref_slice %arg13[%add3A_56, %dma_wait3A_266] : memref<10240x128xf32, #tpu.memory_space<vmem_shared>> -> memref<16x128xf32, #tpu.memory_space<vmem_shared>>
      tpu.wait_dma2 semaphore(%run_scoped3A : memref<!tpu.dma_semaphore, #tpu.memory_space<semaphore_mem>>) src(%arg12 : memref<16x128xf32, #tpu.memory_space<vmem>>) dst(%dma_wait3A_267 : memref<16x128xf32, #tpu.memory_space<vmem_shared>>)
      tpu.yield
    }) : () -> ()
    %mul3A_57 = arith.constant 640 : i32
    %mul3A_58 = arith.muli %arg1, %mul3A_57 : i32
    %add3A_59 = arith.constant 80 : i32
    %add3A_60 = arith.addi %mul3A_58, %add3A_59 : i32
    "tpu.region"() ({
      %run_scoped3A = tpu.sem_alloc : memref<!tpu.dma_semaphore, #tpu.memory_space<semaphore_mem>>
      %dma_start3A_260 = arith.constant 0 : i32
      %dma_start3A_261 = tpu.memref_slice %arg13[%add3A_60, %dma_start3A_260] : memref<10240x128xf32, #tpu.memory_space<vmem_shared>> -> memref<16x128xf32, #tpu.memory_space<vmem_shared>>
      %dma_start3A_262 = arith.constant 0 : i32
      %dma_start3A_263 = tpu.memref_slice %arg13[%add3A_60, %dma_start3A_262] : memref<10240x128xf32, #tpu.memory_space<vmem_shared>> -> memref<16x128xf32, #tpu.memory_space<vmem_shared>>
      tpu.enqueue_dma source(%arg12 : memref<16x128xf32, #tpu.memory_space<vmem>>) target(%dma_start3A_263 : memref<16x128xf32, #tpu.memory_space<vmem_shared>>) target_semaphore(%run_scoped3A : memref<!tpu.dma_semaphore, #tpu.memory_space<semaphore_mem>>)
      %dma_wait3A_264 = arith.constant 0 : i32
      %dma_wait3A_265 = tpu.memref_slice %arg13[%add3A_60, %dma_wait3A_264] : memref<10240x128xf32, #tpu.memory_space<vmem_shared>> -> memref<16x128xf32, #tpu.memory_space<vmem_shared>>
      %dma_wait3A_266 = arith.constant 0 : i32
      %dma_wait3A_267 = tpu.memref_slice %arg13[%add3A_60, %dma_wait3A_266] : memref<10240x128xf32, #tpu.memory_space<vmem_shared>> -> memref<16x128xf32, #tpu.memory_space<vmem_shared>>
      tpu.wait_dma2 semaphore(%run_scoped3A : memref<!tpu.dma_semaphore, #tpu.memory_space<semaphore_mem>>) src(%arg12 : memref<16x128xf32, #tpu.memory_space<vmem>>) dst(%dma_wait3A_267 : memref<16x128xf32, #tpu.memory_space<vmem_shared>>)
      tpu.yield
    }) : () -> ()
    %mul3A_61 = arith.constant 640 : i32
    %mul3A_62 = arith.muli %arg1, %mul3A_61 : i32
    %add3A_63 = arith.constant 96 : i32
    %add3A_64 = arith.addi %mul3A_62, %add3A_63 : i32
    "tpu.region"() ({
      %run_scoped3A = tpu.sem_alloc : memref<!tpu.dma_semaphore, #tpu.memory_space<semaphore_mem>>
      %dma_start3A_260 = arith.constant 0 : i32
      %dma_start3A_261 = tpu.memref_slice %arg13[%add3A_64, %dma_start3A_260] : memref<10240x128xf32, #tpu.memory_space<vmem_shared>> -> memref<16x128xf32, #tpu.memory_space<vmem_shared>>
      %dma_start3A_262 = arith.constant 0 : i32
      %dma_start3A_263 = tpu.memref_slice %arg13[%add3A_64, %dma_start3A_262] : memref<10240x128xf32, #tpu.memory_space<vmem_shared>> -> memref<16x128xf32, #tpu.memory_space<vmem_shared>>
      tpu.enqueue_dma source(%arg12 : memref<16x128xf32, #tpu.memory_space<vmem>>) target(%dma_start3A_263 : memref<16x128xf32, #tpu.memory_space<vmem_shared>>) target_semaphore(%run_scoped3A : memref<!tpu.dma_semaphore, #tpu.memory_space<semaphore_mem>>)
      %dma_wait3A_264 = arith.constant 0 : i32
      %dma_wait3A_265 = tpu.memref_slice %arg13[%add3A_64, %dma_wait3A_264] : memref<10240x128xf32, #tpu.memory_space<vmem_shared>> -> memref<16x128xf32, #tpu.memory_space<vmem_shared>>
      %dma_wait3A_266 = arith.constant 0 : i32
      %dma_wait3A_267 = tpu.memref_slice %arg13[%add3A_64, %dma_wait3A_266] : memref<10240x128xf32, #tpu.memory_space<vmem_shared>> -> memref<16x128xf32, #tpu.memory_space<vmem_shared>>
      tpu.wait_dma2 semaphore(%run_scoped3A : memref<!tpu.dma_semaphore, #tpu.memory_space<semaphore_mem>>) src(%arg12 : memref<16x128xf32, #tpu.memory_space<vmem>>) dst(%dma_wait3A_267 : memref<16x128xf32, #tpu.memory_space<vmem_shared>>)
      tpu.yield
    }) : () -> ()
    %mul3A_65 = arith.constant 640 : i32
    %mul3A_66 = arith.muli %arg1, %mul3A_65 : i32
    %add3A_67 = arith.constant 112 : i32
    %add3A_68 = arith.addi %mul3A_66, %add3A_67 : i32
    "tpu.region"() ({
      %run_scoped3A = tpu.sem_alloc : memref<!tpu.dma_semaphore, #tpu.memory_space<semaphore_mem>>
      %dma_start3A_260 = arith.constant 0 : i32
      %dma_start3A_261 = tpu.memref_slice %arg13[%add3A_68, %dma_start3A_260] : memref<10240x128xf32, #tpu.memory_space<vmem_shared>> -> memref<16x128xf32, #tpu.memory_space<vmem_shared>>
      %dma_start3A_262 = arith.constant 0 : i32
      %dma_start3A_263 = tpu.memref_slice %arg13[%add3A_68, %dma_start3A_262] : memref<10240x128xf32, #tpu.memory_space<vmem_shared>> -> memref<16x128xf32, #tpu.memory_space<vmem_shared>>
      tpu.enqueue_dma source(%arg12 : memref<16x128xf32, #tpu.memory_space<vmem>>) target(%dma_start3A_263 : memref<16x128xf32, #tpu.memory_space<vmem_shared>>) target_semaphore(%run_scoped3A : memref<!tpu.dma_semaphore, #tpu.memory_space<semaphore_mem>>)
      %dma_wait3A_264 = arith.constant 0 : i32
      %dma_wait3A_265 = tpu.memref_slice %arg13[%add3A_68, %dma_wait3A_264] : memref<10240x128xf32, #tpu.memory_space<vmem_shared>> -> memref<16x128xf32, #tpu.memory_space<vmem_shared>>
      %dma_wait3A_266 = arith.constant 0 : i32
      %dma_wait3A_267 = tpu.memref_slice %arg13[%add3A_68, %dma_wait3A_266] : memref<10240x128xf32, #tpu.memory_space<vmem_shared>> -> memref<16x128xf32, #tpu.memory_space<vmem_shared>>
      tpu.wait_dma2 semaphore(%run_scoped3A : memref<!tpu.dma_semaphore, #tpu.memory_space<semaphore_mem>>) src(%arg12 : memref<16x128xf32, #tpu.memory_space<vmem>>) dst(%dma_wait3A_267 : memref<16x128xf32, #tpu.memory_space<vmem_shared>>)
      tpu.yield
    }) : () -> ()
    %mul3A_69 = arith.constant 640 : i32
    %mul3A_70 = arith.muli %arg1, %mul3A_69 : i32
    %add3A_71 = arith.constant 128 : i32
    %add3A_72 = arith.addi %mul3A_70, %add3A_71 : i32
    "tpu.region"() ({
      %run_scoped3A = tpu.sem_alloc : memref<!tpu.dma_semaphore, #tpu.memory_space<semaphore_mem>>
      %dma_start3A_260 = arith.constant 0 : i32
      %dma_start3A_261 = tpu.memref_slice %arg13[%add3A_72, %dma_start3A_260] : memref<10240x128xf32, #tpu.memory_space<vmem_shared>> -> memref<16x128xf32, #tpu.memory_space<vmem_shared>>
      %dma_start3A_262 = arith.constant 0 : i32
      %dma_start3A_263 = tpu.memref_slice %arg13[%add3A_72, %dma_start3A_262] : memref<10240x128xf32, #tpu.memory_space<vmem_shared>> -> memref<16x128xf32, #tpu.memory_space<vmem_shared>>
      tpu.enqueue_dma source(%arg12 : memref<16x128xf32, #tpu.memory_space<vmem>>) target(%dma_start3A_263 : memref<16x128xf32, #tpu.memory_space<vmem_shared>>) target_semaphore(%run_scoped3A : memref<!tpu.dma_semaphore, #tpu.memory_space<semaphore_mem>>)
      %dma_wait3A_264 = arith.constant 0 : i32
      %dma_wait3A_265 = tpu.memref_slice %arg13[%add3A_72, %dma_wait3A_264] : memref<10240x128xf32, #tpu.memory_space<vmem_shared>> -> memref<16x128xf32, #tpu.memory_space<vmem_shared>>
      %dma_wait3A_266 = arith.constant 0 : i32
      %dma_wait3A_267 = tpu.memref_slice %arg13[%add3A_72, %dma_wait3A_266] : memref<10240x128xf32, #tpu.memory_space<vmem_shared>> -> memref<16x128xf32, #tpu.memory_space<vmem_shared>>
      tpu.wait_dma2 semaphore(%run_scoped3A : memref<!tpu.dma_semaphore, #tpu.memory_space<semaphore_mem>>) src(%arg12 : memref<16x128xf32, #tpu.memory_space<vmem>>) dst(%dma_wait3A_267 : memref<16x128xf32, #tpu.memory_space<vmem_shared>>)
      tpu.yield
    }) : () -> ()
    %mul3A_73 = arith.constant 640 : i32
    %mul3A_74 = arith.muli %arg1, %mul3A_73 : i32
    %add3A_75 = arith.constant 144 : i32
    %add3A_76 = arith.addi %mul3A_74, %add3A_75 : i32
    "tpu.region"() ({
      %run_scoped3A = tpu.sem_alloc : memref<!tpu.dma_semaphore, #tpu.memory_space<semaphore_mem>>
      %dma_start3A_260 = arith.constant 0 : i32
      %dma_start3A_261 = tpu.memref_slice %arg13[%add3A_76, %dma_start3A_260] : memref<10240x128xf32, #tpu.memory_space<vmem_shared>> -> memref<16x128xf32, #tpu.memory_space<vmem_shared>>
      %dma_start3A_262 = arith.constant 0 : i32
      %dma_start3A_263 = tpu.memref_slice %arg13[%add3A_76, %dma_start3A_262] : memref<10240x128xf32, #tpu.memory_space<vmem_shared>> -> memref<16x128xf32, #tpu.memory_space<vmem_shared>>
      tpu.enqueue_dma source(%arg12 : memref<16x128xf32, #tpu.memory_space<vmem>>) target(%dma_start3A_263 : memref<16x128xf32, #tpu.memory_space<vmem_shared>>) target_semaphore(%run_scoped3A : memref<!tpu.dma_semaphore, #tpu.memory_space<semaphore_mem>>)
      %dma_wait3A_264 = arith.constant 0 : i32
      %dma_wait3A_265 = tpu.memref_slice %arg13[%add3A_76, %dma_wait3A_264] : memref<10240x128xf32, #tpu.memory_space<vmem_shared>> -> memref<16x128xf32, #tpu.memory_space<vmem_shared>>
      %dma_wait3A_266 = arith.constant 0 : i32
      %dma_wait3A_267 = tpu.memref_slice %arg13[%add3A_76, %dma_wait3A_266] : memref<10240x128xf32, #tpu.memory_space<vmem_shared>> -> memref<16x128xf32, #tpu.memory_space<vmem_shared>>
      tpu.wait_dma2 semaphore(%run_scoped3A : memref<!tpu.dma_semaphore, #tpu.memory_space<semaphore_mem>>) src(%arg12 : memref<16x128xf32, #tpu.memory_space<vmem>>) dst(%dma_wait3A_267 : memref<16x128xf32, #tpu.memory_space<vmem_shared>>)
      tpu.yield
    }) : () -> ()
    %mul3A_77 = arith.constant 640 : i32
    %mul3A_78 = arith.muli %arg1, %mul3A_77 : i32
    %add3A_79 = arith.constant 160 : i32
    %add3A_80 = arith.addi %mul3A_78, %add3A_79 : i32
    "tpu.region"() ({
      %run_scoped3A = tpu.sem_alloc : memref<!tpu.dma_semaphore, #tpu.memory_space<semaphore_mem>>
      %dma_start3A_260 = arith.constant 0 : i32
      %dma_start3A_261 = tpu.memref_slice %arg13[%add3A_80, %dma_start3A_260] : memref<10240x128xf32, #tpu.memory_space<vmem_shared>> -> memref<16x128xf32, #tpu.memory_space<vmem_shared>>
      %dma_start3A_262 = arith.constant 0 : i32
      %dma_start3A_263 = tpu.memref_slice %arg13[%add3A_80, %dma_start3A_262] : memref<10240x128xf32, #tpu.memory_space<vmem_shared>> -> memref<16x128xf32, #tpu.memory_space<vmem_shared>>
      tpu.enqueue_dma source(%arg12 : memref<16x128xf32, #tpu.memory_space<vmem>>) target(%dma_start3A_263 : memref<16x128xf32, #tpu.memory_space<vmem_shared>>) target_semaphore(%run_scoped3A : memref<!tpu.dma_semaphore, #tpu.memory_space<semaphore_mem>>)
      %dma_wait3A_264 = arith.constant 0 : i32
      %dma_wait3A_265 = tpu.memref_slice %arg13[%add3A_80, %dma_wait3A_264] : memref<10240x128xf32, #tpu.memory_space<vmem_shared>> -> memref<16x128xf32, #tpu.memory_space<vmem_shared>>
      %dma_wait3A_266 = arith.constant 0 : i32
      %dma_wait3A_267 = tpu.memref_slice %arg13[%add3A_80, %dma_wait3A_266] : memref<10240x128xf32, #tpu.memory_space<vmem_shared>> -> memref<16x128xf32, #tpu.memory_space<vmem_shared>>
      tpu.wait_dma2 semaphore(%run_scoped3A : memref<!tpu.dma_semaphore, #tpu.memory_space<semaphore_mem>>) src(%arg12 : memref<16x128xf32, #tpu.memory_space<vmem>>) dst(%dma_wait3A_267 : memref<16x128xf32, #tpu.memory_space<vmem_shared>>)
      tpu.yield
    }) : () -> ()
    %mul3A_81 = arith.constant 640 : i32
    %mul3A_82 = arith.muli %arg1, %mul3A_81 : i32
    %add3A_83 = arith.constant 176 : i32
    %add3A_84 = arith.addi %mul3A_82, %add3A_83 : i32
    "tpu.region"() ({
      %run_scoped3A = tpu.sem_alloc : memref<!tpu.dma_semaphore, #tpu.memory_space<semaphore_mem>>
      %dma_start3A_260 = arith.constant 0 : i32
      %dma_start3A_261 = tpu.memref_slice %arg13[%add3A_84, %dma_start3A_260] : memref<10240x128xf32, #tpu.memory_space<vmem_shared>> -> memref<16x128xf32, #tpu.memory_space<vmem_shared>>
      %dma_start3A_262 = arith.constant 0 : i32
      %dma_start3A_263 = tpu.memref_slice %arg13[%add3A_84, %dma_start3A_262] : memref<10240x128xf32, #tpu.memory_space<vmem_shared>> -> memref<16x128xf32, #tpu.memory_space<vmem_shared>>
      tpu.enqueue_dma source(%arg12 : memref<16x128xf32, #tpu.memory_space<vmem>>) target(%dma_start3A_263 : memref<16x128xf32, #tpu.memory_space<vmem_shared>>) target_semaphore(%run_scoped3A : memref<!tpu.dma_semaphore, #tpu.memory_space<semaphore_mem>>)
      %dma_wait3A_264 = arith.constant 0 : i32
      %dma_wait3A_265 = tpu.memref_slice %arg13[%add3A_84, %dma_wait3A_264] : memref<10240x128xf32, #tpu.memory_space<vmem_shared>> -> memref<16x128xf32, #tpu.memory_space<vmem_shared>>
      %dma_wait3A_266 = arith.constant 0 : i32
      %dma_wait3A_267 = tpu.memref_slice %arg13[%add3A_84, %dma_wait3A_266] : memref<10240x128xf32, #tpu.memory_space<vmem_shared>> -> memref<16x128xf32, #tpu.memory_space<vmem_shared>>
      tpu.wait_dma2 semaphore(%run_scoped3A : memref<!tpu.dma_semaphore, #tpu.memory_space<semaphore_mem>>) src(%arg12 : memref<16x128xf32, #tpu.memory_space<vmem>>) dst(%dma_wait3A_267 : memref<16x128xf32, #tpu.memory_space<vmem_shared>>)
      tpu.yield
    }) : () -> ()
    %mul3A_85 = arith.constant 640 : i32
    %mul3A_86 = arith.muli %arg1, %mul3A_85 : i32
    %add3A_87 = arith.constant 192 : i32
    %add3A_88 = arith.addi %mul3A_86, %add3A_87 : i32
    "tpu.region"() ({
      %run_scoped3A = tpu.sem_alloc : memref<!tpu.dma_semaphore, #tpu.memory_space<semaphore_mem>>
      %dma_start3A_260 = arith.constant 0 : i32
      %dma_start3A_261 = tpu.memref_slice %arg13[%add3A_88, %dma_start3A_260] : memref<10240x128xf32, #tpu.memory_space<vmem_shared>> -> memref<16x128xf32, #tpu.memory_space<vmem_shared>>
      %dma_start3A_262 = arith.constant 0 : i32
      %dma_start3A_263 = tpu.memref_slice %arg13[%add3A_88, %dma_start3A_262] : memref<10240x128xf32, #tpu.memory_space<vmem_shared>> -> memref<16x128xf32, #tpu.memory_space<vmem_shared>>
      tpu.enqueue_dma source(%arg12 : memref<16x128xf32, #tpu.memory_space<vmem>>) target(%dma_start3A_263 : memref<16x128xf32, #tpu.memory_space<vmem_shared>>) target_semaphore(%run_scoped3A : memref<!tpu.dma_semaphore, #tpu.memory_space<semaphore_mem>>)
      %dma_wait3A_264 = arith.constant 0 : i32
      %dma_wait3A_265 = tpu.memref_slice %arg13[%add3A_88, %dma_wait3A_264] : memref<10240x128xf32, #tpu.memory_space<vmem_shared>> -> memref<16x128xf32, #tpu.memory_space<vmem_shared>>
      %dma_wait3A_266 = arith.constant 0 : i32
      %dma_wait3A_267 = tpu.memref_slice %arg13[%add3A_88, %dma_wait3A_266] : memref<10240x128xf32, #tpu.memory_space<vmem_shared>> -> memref<16x128xf32, #tpu.memory_space<vmem_shared>>
      tpu.wait_dma2 semaphore(%run_scoped3A : memref<!tpu.dma_semaphore, #tpu.memory_space<semaphore_mem>>) src(%arg12 : memref<16x128xf32, #tpu.memory_space<vmem>>) dst(%dma_wait3A_267 : memref<16x128xf32, #tpu.memory_space<vmem_shared>>)
      tpu.yield
    }) : () -> ()
    %mul3A_89 = arith.constant 640 : i32
    %mul3A_90 = arith.muli %arg1, %mul3A_89 : i32
    %add3A_91 = arith.constant 208 : i32
    %add3A_92 = arith.addi %mul3A_90, %add3A_91 : i32
    "tpu.region"() ({
      %run_scoped3A = tpu.sem_alloc : memref<!tpu.dma_semaphore, #tpu.memory_space<semaphore_mem>>
      %dma_start3A_260 = arith.constant 0 : i32
      %dma_start3A_261 = tpu.memref_slice %arg13[%add3A_92, %dma_start3A_260] : memref<10240x128xf32, #tpu.memory_space<vmem_shared>> -> memref<16x128xf32, #tpu.memory_space<vmem_shared>>
      %dma_start3A_262 = arith.constant 0 : i32
      %dma_start3A_263 = tpu.memref_slice %arg13[%add3A_92, %dma_start3A_262] : memref<10240x128xf32, #tpu.memory_space<vmem_shared>> -> memref<16x128xf32, #tpu.memory_space<vmem_shared>>
      tpu.enqueue_dma source(%arg12 : memref<16x128xf32, #tpu.memory_space<vmem>>) target(%dma_start3A_263 : memref<16x128xf32, #tpu.memory_space<vmem_shared>>) target_semaphore(%run_scoped3A : memref<!tpu.dma_semaphore, #tpu.memory_space<semaphore_mem>>)
      %dma_wait3A_264 = arith.constant 0 : i32
      %dma_wait3A_265 = tpu.memref_slice %arg13[%add3A_92, %dma_wait3A_264] : memref<10240x128xf32, #tpu.memory_space<vmem_shared>> -> memref<16x128xf32, #tpu.memory_space<vmem_shared>>
      %dma_wait3A_266 = arith.constant 0 : i32
      %dma_wait3A_267 = tpu.memref_slice %arg13[%add3A_92, %dma_wait3A_266] : memref<10240x128xf32, #tpu.memory_space<vmem_shared>> -> memref<16x128xf32, #tpu.memory_space<vmem_shared>>
      tpu.wait_dma2 semaphore(%run_scoped3A : memref<!tpu.dma_semaphore, #tpu.memory_space<semaphore_mem>>) src(%arg12 : memref<16x128xf32, #tpu.memory_space<vmem>>) dst(%dma_wait3A_267 : memref<16x128xf32, #tpu.memory_space<vmem_shared>>)
      tpu.yield
    }) : () -> ()
    %mul3A_93 = arith.constant 640 : i32
    %mul3A_94 = arith.muli %arg1, %mul3A_93 : i32
    %add3A_95 = arith.constant 224 : i32
    %add3A_96 = arith.addi %mul3A_94, %add3A_95 : i32
    "tpu.region"() ({
      %run_scoped3A = tpu.sem_alloc : memref<!tpu.dma_semaphore, #tpu.memory_space<semaphore_mem>>
      %dma_start3A_260 = arith.constant 0 : i32
      %dma_start3A_261 = tpu.memref_slice %arg13[%add3A_96, %dma_start3A_260] : memref<10240x128xf32, #tpu.memory_space<vmem_shared>> -> memref<16x128xf32, #tpu.memory_space<vmem_shared>>
      %dma_start3A_262 = arith.constant 0 : i32
      %dma_start3A_263 = tpu.memref_slice %arg13[%add3A_96, %dma_start3A_262] : memref<10240x128xf32, #tpu.memory_space<vmem_shared>> -> memref<16x128xf32, #tpu.memory_space<vmem_shared>>
      tpu.enqueue_dma source(%arg12 : memref<16x128xf32, #tpu.memory_space<vmem>>) target(%dma_start3A_263 : memref<16x128xf32, #tpu.memory_space<vmem_shared>>) target_semaphore(%run_scoped3A : memref<!tpu.dma_semaphore, #tpu.memory_space<semaphore_mem>>)
      %dma_wait3A_264 = arith.constant 0 : i32
      %dma_wait3A_265 = tpu.memref_slice %arg13[%add3A_96, %dma_wait3A_264] : memref<10240x128xf32, #tpu.memory_space<vmem_shared>> -> memref<16x128xf32, #tpu.memory_space<vmem_shared>>
      %dma_wait3A_266 = arith.constant 0 : i32
      %dma_wait3A_267 = tpu.memref_slice %arg13[%add3A_96, %dma_wait3A_266] : memref<10240x128xf32, #tpu.memory_space<vmem_shared>> -> memref<16x128xf32, #tpu.memory_space<vmem_shared>>
      tpu.wait_dma2 semaphore(%run_scoped3A : memref<!tpu.dma_semaphore, #tpu.memory_space<semaphore_mem>>) src(%arg12 : memref<16x128xf32, #tpu.memory_space<vmem>>) dst(%dma_wait3A_267 : memref<16x128xf32, #tpu.memory_space<vmem_shared>>)
      tpu.yield
    }) : () -> ()
    %mul3A_97 = arith.constant 640 : i32
    %mul3A_98 = arith.muli %arg1, %mul3A_97 : i32
    %add3A_99 = arith.constant 240 : i32
    %add3A_100 = arith.addi %mul3A_98, %add3A_99 : i32
    "tpu.region"() ({
      %run_scoped3A = tpu.sem_alloc : memref<!tpu.dma_semaphore, #tpu.memory_space<semaphore_mem>>
      %dma_start3A_260 = arith.constant 0 : i32
      %dma_start3A_261 = tpu.memref_slice %arg13[%add3A_100, %dma_start3A_260] : memref<10240x128xf32, #tpu.memory_space<vmem_shared>> -> memref<16x128xf32, #tpu.memory_space<vmem_shared>>
      %dma_start3A_262 = arith.constant 0 : i32
      %dma_start3A_263 = tpu.memref_slice %arg13[%add3A_100, %dma_start3A_262] : memref<10240x128xf32, #tpu.memory_space<vmem_shared>> -> memref<16x128xf32, #tpu.memory_space<vmem_shared>>
      tpu.enqueue_dma source(%arg12 : memref<16x128xf32, #tpu.memory_space<vmem>>) target(%dma_start3A_263 : memref<16x128xf32, #tpu.memory_space<vmem_shared>>) target_semaphore(%run_scoped3A : memref<!tpu.dma_semaphore, #tpu.memory_space<semaphore_mem>>)
      %dma_wait3A_264 = arith.constant 0 : i32
      %dma_wait3A_265 = tpu.memref_slice %arg13[%add3A_100, %dma_wait3A_264] : memref<10240x128xf32, #tpu.memory_space<vmem_shared>> -> memref<16x128xf32, #tpu.memory_space<vmem_shared>>
      %dma_wait3A_266 = arith.constant 0 : i32
      %dma_wait3A_267 = tpu.memref_slice %arg13[%add3A_100, %dma_wait3A_266] : memref<10240x128xf32, #tpu.memory_space<vmem_shared>> -> memref<16x128xf32, #tpu.memory_space<vmem_shared>>
      tpu.wait_dma2 semaphore(%run_scoped3A : memref<!tpu.dma_semaphore, #tpu.memory_space<semaphore_mem>>) src(%arg12 : memref<16x128xf32, #tpu.memory_space<vmem>>) dst(%dma_wait3A_267 : memref<16x128xf32, #tpu.memory_space<vmem_shared>>)
      tpu.yield
    }) : () -> ()
    %mul3A_101 = arith.constant 640 : i32
    %mul3A_102 = arith.muli %arg1, %mul3A_101 : i32
    %add3A_103 = arith.constant 256 : i32
    %add3A_104 = arith.addi %mul3A_102, %add3A_103 : i32
    "tpu.region"() ({
      %run_scoped3A = tpu.sem_alloc : memref<!tpu.dma_semaphore, #tpu.memory_space<semaphore_mem>>
      %dma_start3A_260 = arith.constant 0 : i32
      %dma_start3A_261 = tpu.memref_slice %arg13[%add3A_104, %dma_start3A_260] : memref<10240x128xf32, #tpu.memory_space<vmem_shared>> -> memref<16x128xf32, #tpu.memory_space<vmem_shared>>
      %dma_start3A_262 = arith.constant 0 : i32
      %dma_start3A_263 = tpu.memref_slice %arg13[%add3A_104, %dma_start3A_262] : memref<10240x128xf32, #tpu.memory_space<vmem_shared>> -> memref<16x128xf32, #tpu.memory_space<vmem_shared>>
      tpu.enqueue_dma source(%arg12 : memref<16x128xf32, #tpu.memory_space<vmem>>) target(%dma_start3A_263 : memref<16x128xf32, #tpu.memory_space<vmem_shared>>) target_semaphore(%run_scoped3A : memref<!tpu.dma_semaphore, #tpu.memory_space<semaphore_mem>>)
      %dma_wait3A_264 = arith.constant 0 : i32
      %dma_wait3A_265 = tpu.memref_slice %arg13[%add3A_104, %dma_wait3A_264] : memref<10240x128xf32, #tpu.memory_space<vmem_shared>> -> memref<16x128xf32, #tpu.memory_space<vmem_shared>>
      %dma_wait3A_266 = arith.constant 0 : i32
      %dma_wait3A_267 = tpu.memref_slice %arg13[%add3A_104, %dma_wait3A_266] : memref<10240x128xf32, #tpu.memory_space<vmem_shared>> -> memref<16x128xf32, #tpu.memory_space<vmem_shared>>
      tpu.wait_dma2 semaphore(%run_scoped3A : memref<!tpu.dma_semaphore, #tpu.memory_space<semaphore_mem>>) src(%arg12 : memref<16x128xf32, #tpu.memory_space<vmem>>) dst(%dma_wait3A_267 : memref<16x128xf32, #tpu.memory_space<vmem_shared>>)
      tpu.yield
    }) : () -> ()
    %mul3A_105 = arith.constant 640 : i32
    %mul3A_106 = arith.muli %arg1, %mul3A_105 : i32
    %add3A_107 = arith.constant 272 : i32
    %add3A_108 = arith.addi %mul3A_106, %add3A_107 : i32
    "tpu.region"() ({
      %run_scoped3A = tpu.sem_alloc : memref<!tpu.dma_semaphore, #tpu.memory_space<semaphore_mem>>
      %dma_start3A_260 = arith.constant 0 : i32
      %dma_start3A_261 = tpu.memref_slice %arg13[%add3A_108, %dma_start3A_260] : memref<10240x128xf32, #tpu.memory_space<vmem_shared>> -> memref<16x128xf32, #tpu.memory_space<vmem_shared>>
      %dma_start3A_262 = arith.constant 0 : i32
      %dma_start3A_263 = tpu.memref_slice %arg13[%add3A_108, %dma_start3A_262] : memref<10240x128xf32, #tpu.memory_space<vmem_shared>> -> memref<16x128xf32, #tpu.memory_space<vmem_shared>>
      tpu.enqueue_dma source(%arg12 : memref<16x128xf32, #tpu.memory_space<vmem>>) target(%dma_start3A_263 : memref<16x128xf32, #tpu.memory_space<vmem_shared>>) target_semaphore(%run_scoped3A : memref<!tpu.dma_semaphore, #tpu.memory_space<semaphore_mem>>)
      %dma_wait3A_264 = arith.constant 0 : i32
      %dma_wait3A_265 = tpu.memref_slice %arg13[%add3A_108, %dma_wait3A_264] : memref<10240x128xf32, #tpu.memory_space<vmem_shared>> -> memref<16x128xf32, #tpu.memory_space<vmem_shared>>
      %dma_wait3A_266 = arith.constant 0 : i32
      %dma_wait3A_267 = tpu.memref_slice %arg13[%add3A_108, %dma_wait3A_266] : memref<10240x128xf32, #tpu.memory_space<vmem_shared>> -> memref<16x128xf32, #tpu.memory_space<vmem_shared>>
      tpu.wait_dma2 semaphore(%run_scoped3A : memref<!tpu.dma_semaphore, #tpu.memory_space<semaphore_mem>>) src(%arg12 : memref<16x128xf32, #tpu.memory_space<vmem>>) dst(%dma_wait3A_267 : memref<16x128xf32, #tpu.memory_space<vmem_shared>>)
      tpu.yield
    }) : () -> ()
    %mul3A_109 = arith.constant 640 : i32
    %mul3A_110 = arith.muli %arg1, %mul3A_109 : i32
    %add3A_111 = arith.constant 288 : i32
    %add3A_112 = arith.addi %mul3A_110, %add3A_111 : i32
    "tpu.region"() ({
      %run_scoped3A = tpu.sem_alloc : memref<!tpu.dma_semaphore, #tpu.memory_space<semaphore_mem>>
      %dma_start3A_260 = arith.constant 0 : i32
      %dma_start3A_261 = tpu.memref_slice %arg13[%add3A_112, %dma_start3A_260] : memref<10240x128xf32, #tpu.memory_space<vmem_shared>> -> memref<16x128xf32, #tpu.memory_space<vmem_shared>>
      %dma_start3A_262 = arith.constant 0 : i32
      %dma_start3A_263 = tpu.memref_slice %arg13[%add3A_112, %dma_start3A_262] : memref<10240x128xf32, #tpu.memory_space<vmem_shared>> -> memref<16x128xf32, #tpu.memory_space<vmem_shared>>
      tpu.enqueue_dma source(%arg12 : memref<16x128xf32, #tpu.memory_space<vmem>>) target(%dma_start3A_263 : memref<16x128xf32, #tpu.memory_space<vmem_shared>>) target_semaphore(%run_scoped3A : memref<!tpu.dma_semaphore, #tpu.memory_space<semaphore_mem>>)
      %dma_wait3A_264 = arith.constant 0 : i32
      %dma_wait3A_265 = tpu.memref_slice %arg13[%add3A_112, %dma_wait3A_264] : memref<10240x128xf32, #tpu.memory_space<vmem_shared>> -> memref<16x128xf32, #tpu.memory_space<vmem_shared>>
      %dma_wait3A_266 = arith.constant 0 : i32
      %dma_wait3A_267 = tpu.memref_slice %arg13[%add3A_112, %dma_wait3A_266] : memref<10240x128xf32, #tpu.memory_space<vmem_shared>> -> memref<16x128xf32, #tpu.memory_space<vmem_shared>>
      tpu.wait_dma2 semaphore(%run_scoped3A : memref<!tpu.dma_semaphore, #tpu.memory_space<semaphore_mem>>) src(%arg12 : memref<16x128xf32, #tpu.memory_space<vmem>>) dst(%dma_wait3A_267 : memref<16x128xf32, #tpu.memory_space<vmem_shared>>)
      tpu.yield
    }) : () -> ()
    %mul3A_113 = arith.constant 640 : i32
    %mul3A_114 = arith.muli %arg1, %mul3A_113 : i32
    %add3A_115 = arith.constant 304 : i32
    %add3A_116 = arith.addi %mul3A_114, %add3A_115 : i32
    "tpu.region"() ({
      %run_scoped3A = tpu.sem_alloc : memref<!tpu.dma_semaphore, #tpu.memory_space<semaphore_mem>>
      %dma_start3A_260 = arith.constant 0 : i32
      %dma_start3A_261 = tpu.memref_slice %arg13[%add3A_116, %dma_start3A_260] : memref<10240x128xf32, #tpu.memory_space<vmem_shared>> -> memref<16x128xf32, #tpu.memory_space<vmem_shared>>
      %dma_start3A_262 = arith.constant 0 : i32
      %dma_start3A_263 = tpu.memref_slice %arg13[%add3A_116, %dma_start3A_262] : memref<10240x128xf32, #tpu.memory_space<vmem_shared>> -> memref<16x128xf32, #tpu.memory_space<vmem_shared>>
      tpu.enqueue_dma source(%arg12 : memref<16x128xf32, #tpu.memory_space<vmem>>) target(%dma_start3A_263 : memref<16x128xf32, #tpu.memory_space<vmem_shared>>) target_semaphore(%run_scoped3A : memref<!tpu.dma_semaphore, #tpu.memory_space<semaphore_mem>>)
      %dma_wait3A_264 = arith.constant 0 : i32
      %dma_wait3A_265 = tpu.memref_slice %arg13[%add3A_116, %dma_wait3A_264] : memref<10240x128xf32, #tpu.memory_space<vmem_shared>> -> memref<16x128xf32, #tpu.memory_space<vmem_shared>>
      %dma_wait3A_266 = arith.constant 0 : i32
      %dma_wait3A_267 = tpu.memref_slice %arg13[%add3A_116, %dma_wait3A_266] : memref<10240x128xf32, #tpu.memory_space<vmem_shared>> -> memref<16x128xf32, #tpu.memory_space<vmem_shared>>
      tpu.wait_dma2 semaphore(%run_scoped3A : memref<!tpu.dma_semaphore, #tpu.memory_space<semaphore_mem>>) src(%arg12 : memref<16x128xf32, #tpu.memory_space<vmem>>) dst(%dma_wait3A_267 : memref<16x128xf32, #tpu.memory_space<vmem_shared>>)
      tpu.yield
    }) : () -> ()
    %mul3A_117 = arith.constant 640 : i32
    %mul3A_118 = arith.muli %arg1, %mul3A_117 : i32
    %add3A_119 = arith.constant 320 : i32
    %add3A_120 = arith.addi %mul3A_118, %add3A_119 : i32
    "tpu.region"() ({
      %run_scoped3A = tpu.sem_alloc : memref<!tpu.dma_semaphore, #tpu.memory_space<semaphore_mem>>
      %dma_start3A_260 = arith.constant 0 : i32
      %dma_start3A_261 = tpu.memref_slice %arg13[%add3A_120, %dma_start3A_260] : memref<10240x128xf32, #tpu.memory_space<vmem_shared>> -> memref<16x128xf32, #tpu.memory_space<vmem_shared>>
      %dma_start3A_262 = arith.constant 0 : i32
      %dma_start3A_263 = tpu.memref_slice %arg13[%add3A_120, %dma_start3A_262] : memref<10240x128xf32, #tpu.memory_space<vmem_shared>> -> memref<16x128xf32, #tpu.memory_space<vmem_shared>>
      tpu.enqueue_dma source(%arg12 : memref<16x128xf32, #tpu.memory_space<vmem>>) target(%dma_start3A_263 : memref<16x128xf32, #tpu.memory_space<vmem_shared>>) target_semaphore(%run_scoped3A : memref<!tpu.dma_semaphore, #tpu.memory_space<semaphore_mem>>)
      %dma_wait3A_264 = arith.constant 0 : i32
      %dma_wait3A_265 = tpu.memref_slice %arg13[%add3A_120, %dma_wait3A_264] : memref<10240x128xf32, #tpu.memory_space<vmem_shared>> -> memref<16x128xf32, #tpu.memory_space<vmem_shared>>
      %dma_wait3A_266 = arith.constant 0 : i32
      %dma_wait3A_267 = tpu.memref_slice %arg13[%add3A_120, %dma_wait3A_266] : memref<10240x128xf32, #tpu.memory_space<vmem_shared>> -> memref<16x128xf32, #tpu.memory_space<vmem_shared>>
      tpu.wait_dma2 semaphore(%run_scoped3A : memref<!tpu.dma_semaphore, #tpu.memory_space<semaphore_mem>>) src(%arg12 : memref<16x128xf32, #tpu.memory_space<vmem>>) dst(%dma_wait3A_267 : memref<16x128xf32, #tpu.memory_space<vmem_shared>>)
      tpu.yield
    }) : () -> ()
    %mul3A_121 = arith.constant 640 : i32
    %mul3A_122 = arith.muli %arg1, %mul3A_121 : i32
    %add3A_123 = arith.constant 336 : i32
    %add3A_124 = arith.addi %mul3A_122, %add3A_123 : i32
    "tpu.region"() ({
      %run_scoped3A = tpu.sem_alloc : memref<!tpu.dma_semaphore, #tpu.memory_space<semaphore_mem>>
      %dma_start3A_260 = arith.constant 0 : i32
      %dma_start3A_261 = tpu.memref_slice %arg13[%add3A_124, %dma_start3A_260] : memref<10240x128xf32, #tpu.memory_space<vmem_shared>> -> memref<16x128xf32, #tpu.memory_space<vmem_shared>>
      %dma_start3A_262 = arith.constant 0 : i32
      %dma_start3A_263 = tpu.memref_slice %arg13[%add3A_124, %dma_start3A_262] : memref<10240x128xf32, #tpu.memory_space<vmem_shared>> -> memref<16x128xf32, #tpu.memory_space<vmem_shared>>
      tpu.enqueue_dma source(%arg12 : memref<16x128xf32, #tpu.memory_space<vmem>>) target(%dma_start3A_263 : memref<16x128xf32, #tpu.memory_space<vmem_shared>>) target_semaphore(%run_scoped3A : memref<!tpu.dma_semaphore, #tpu.memory_space<semaphore_mem>>)
      %dma_wait3A_264 = arith.constant 0 : i32
      %dma_wait3A_265 = tpu.memref_slice %arg13[%add3A_124, %dma_wait3A_264] : memref<10240x128xf32, #tpu.memory_space<vmem_shared>> -> memref<16x128xf32, #tpu.memory_space<vmem_shared>>
      %dma_wait3A_266 = arith.constant 0 : i32
      %dma_wait3A_267 = tpu.memref_slice %arg13[%add3A_124, %dma_wait3A_266] : memref<10240x128xf32, #tpu.memory_space<vmem_shared>> -> memref<16x128xf32, #tpu.memory_space<vmem_shared>>
      tpu.wait_dma2 semaphore(%run_scoped3A : memref<!tpu.dma_semaphore, #tpu.memory_space<semaphore_mem>>) src(%arg12 : memref<16x128xf32, #tpu.memory_space<vmem>>) dst(%dma_wait3A_267 : memref<16x128xf32, #tpu.memory_space<vmem_shared>>)
      tpu.yield
    }) : () -> ()
    %mul3A_125 = arith.constant 640 : i32
    %mul3A_126 = arith.muli %arg1, %mul3A_125 : i32
    %add3A_127 = arith.constant 352 : i32
    %add3A_128 = arith.addi %mul3A_126, %add3A_127 : i32
    "tpu.region"() ({
      %run_scoped3A = tpu.sem_alloc : memref<!tpu.dma_semaphore, #tpu.memory_space<semaphore_mem>>
      %dma_start3A_260 = arith.constant 0 : i32
      %dma_start3A_261 = tpu.memref_slice %arg13[%add3A_128, %dma_start3A_260] : memref<10240x128xf32, #tpu.memory_space<vmem_shared>> -> memref<16x128xf32, #tpu.memory_space<vmem_shared>>
      %dma_start3A_262 = arith.constant 0 : i32
      %dma_start3A_263 = tpu.memref_slice %arg13[%add3A_128, %dma_start3A_262] : memref<10240x128xf32, #tpu.memory_space<vmem_shared>> -> memref<16x128xf32, #tpu.memory_space<vmem_shared>>
      tpu.enqueue_dma source(%arg12 : memref<16x128xf32, #tpu.memory_space<vmem>>) target(%dma_start3A_263 : memref<16x128xf32, #tpu.memory_space<vmem_shared>>) target_semaphore(%run_scoped3A : memref<!tpu.dma_semaphore, #tpu.memory_space<semaphore_mem>>)
      %dma_wait3A_264 = arith.constant 0 : i32
      %dma_wait3A_265 = tpu.memref_slice %arg13[%add3A_128, %dma_wait3A_264] : memref<10240x128xf32, #tpu.memory_space<vmem_shared>> -> memref<16x128xf32, #tpu.memory_space<vmem_shared>>
      %dma_wait3A_266 = arith.constant 0 : i32
      %dma_wait3A_267 = tpu.memref_slice %arg13[%add3A_128, %dma_wait3A_266] : memref<10240x128xf32, #tpu.memory_space<vmem_shared>> -> memref<16x128xf32, #tpu.memory_space<vmem_shared>>
      tpu.wait_dma2 semaphore(%run_scoped3A : memref<!tpu.dma_semaphore, #tpu.memory_space<semaphore_mem>>) src(%arg12 : memref<16x128xf32, #tpu.memory_space<vmem>>) dst(%dma_wait3A_267 : memref<16x128xf32, #tpu.memory_space<vmem_shared>>)
      tpu.yield
    }) : () -> ()
    %mul3A_129 = arith.constant 640 : i32
    %mul3A_130 = arith.muli %arg1, %mul3A_129 : i32
    %add3A_131 = arith.constant 368 : i32
    %add3A_132 = arith.addi %mul3A_130, %add3A_131 : i32
    "tpu.region"() ({
      %run_scoped3A = tpu.sem_alloc : memref<!tpu.dma_semaphore, #tpu.memory_space<semaphore_mem>>
      %dma_start3A_260 = arith.constant 0 : i32
      %dma_start3A_261 = tpu.memref_slice %arg13[%add3A_132, %dma_start3A_260] : memref<10240x128xf32, #tpu.memory_space<vmem_shared>> -> memref<16x128xf32, #tpu.memory_space<vmem_shared>>
      %dma_start3A_262 = arith.constant 0 : i32
      %dma_start3A_263 = tpu.memref_slice %arg13[%add3A_132, %dma_start3A_262] : memref<10240x128xf32, #tpu.memory_space<vmem_shared>> -> memref<16x128xf32, #tpu.memory_space<vmem_shared>>
      tpu.enqueue_dma source(%arg12 : memref<16x128xf32, #tpu.memory_space<vmem>>) target(%dma_start3A_263 : memref<16x128xf32, #tpu.memory_space<vmem_shared>>) target_semaphore(%run_scoped3A : memref<!tpu.dma_semaphore, #tpu.memory_space<semaphore_mem>>)
      %dma_wait3A_264 = arith.constant 0 : i32
      %dma_wait3A_265 = tpu.memref_slice %arg13[%add3A_132, %dma_wait3A_264] : memref<10240x128xf32, #tpu.memory_space<vmem_shared>> -> memref<16x128xf32, #tpu.memory_space<vmem_shared>>
      %dma_wait3A_266 = arith.constant 0 : i32
      %dma_wait3A_267 = tpu.memref_slice %arg13[%add3A_132, %dma_wait3A_266] : memref<10240x128xf32, #tpu.memory_space<vmem_shared>> -> memref<16x128xf32, #tpu.memory_space<vmem_shared>>
      tpu.wait_dma2 semaphore(%run_scoped3A : memref<!tpu.dma_semaphore, #tpu.memory_space<semaphore_mem>>) src(%arg12 : memref<16x128xf32, #tpu.memory_space<vmem>>) dst(%dma_wait3A_267 : memref<16x128xf32, #tpu.memory_space<vmem_shared>>)
      tpu.yield
    }) : () -> ()
    %mul3A_133 = arith.constant 640 : i32
    %mul3A_134 = arith.muli %arg1, %mul3A_133 : i32
    %add3A_135 = arith.constant 384 : i32
    %add3A_136 = arith.addi %mul3A_134, %add3A_135 : i32
    "tpu.region"() ({
      %run_scoped3A = tpu.sem_alloc : memref<!tpu.dma_semaphore, #tpu.memory_space<semaphore_mem>>
      %dma_start3A_260 = arith.constant 0 : i32
      %dma_start3A_261 = tpu.memref_slice %arg13[%add3A_136, %dma_start3A_260] : memref<10240x128xf32, #tpu.memory_space<vmem_shared>> -> memref<16x128xf32, #tpu.memory_space<vmem_shared>>
      %dma_start3A_262 = arith.constant 0 : i32
      %dma_start3A_263 = tpu.memref_slice %arg13[%add3A_136, %dma_start3A_262] : memref<10240x128xf32, #tpu.memory_space<vmem_shared>> -> memref<16x128xf32, #tpu.memory_space<vmem_shared>>
      tpu.enqueue_dma source(%arg12 : memref<16x128xf32, #tpu.memory_space<vmem>>) target(%dma_start3A_263 : memref<16x128xf32, #tpu.memory_space<vmem_shared>>) target_semaphore(%run_scoped3A : memref<!tpu.dma_semaphore, #tpu.memory_space<semaphore_mem>>)
      %dma_wait3A_264 = arith.constant 0 : i32
      %dma_wait3A_265 = tpu.memref_slice %arg13[%add3A_136, %dma_wait3A_264] : memref<10240x128xf32, #tpu.memory_space<vmem_shared>> -> memref<16x128xf32, #tpu.memory_space<vmem_shared>>
      %dma_wait3A_266 = arith.constant 0 : i32
      %dma_wait3A_267 = tpu.memref_slice %arg13[%add3A_136, %dma_wait3A_266] : memref<10240x128xf32, #tpu.memory_space<vmem_shared>> -> memref<16x128xf32, #tpu.memory_space<vmem_shared>>
      tpu.wait_dma2 semaphore(%run_scoped3A : memref<!tpu.dma_semaphore, #tpu.memory_space<semaphore_mem>>) src(%arg12 : memref<16x128xf32, #tpu.memory_space<vmem>>) dst(%dma_wait3A_267 : memref<16x128xf32, #tpu.memory_space<vmem_shared>>)
      tpu.yield
    }) : () -> ()
    %mul3A_137 = arith.constant 640 : i32
    %mul3A_138 = arith.muli %arg1, %mul3A_137 : i32
    %add3A_139 = arith.constant 400 : i32
    %add3A_140 = arith.addi %mul3A_138, %add3A_139 : i32
    "tpu.region"() ({
      %run_scoped3A = tpu.sem_alloc : memref<!tpu.dma_semaphore, #tpu.memory_space<semaphore_mem>>
      %dma_start3A_260 = arith.constant 0 : i32
      %dma_start3A_261 = tpu.memref_slice %arg13[%add3A_140, %dma_start3A_260] : memref<10240x128xf32, #tpu.memory_space<vmem_shared>> -> memref<16x128xf32, #tpu.memory_space<vmem_shared>>
      %dma_start3A_262 = arith.constant 0 : i32
      %dma_start3A_263 = tpu.memref_slice %arg13[%add3A_140, %dma_start3A_262] : memref<10240x128xf32, #tpu.memory_space<vmem_shared>> -> memref<16x128xf32, #tpu.memory_space<vmem_shared>>
      tpu.enqueue_dma source(%arg12 : memref<16x128xf32, #tpu.memory_space<vmem>>) target(%dma_start3A_263 : memref<16x128xf32, #tpu.memory_space<vmem_shared>>) target_semaphore(%run_scoped3A : memref<!tpu.dma_semaphore, #tpu.memory_space<semaphore_mem>>)
      %dma_wait3A_264 = arith.constant 0 : i32
      %dma_wait3A_265 = tpu.memref_slice %arg13[%add3A_140, %dma_wait3A_264] : memref<10240x128xf32, #tpu.memory_space<vmem_shared>> -> memref<16x128xf32, #tpu.memory_space<vmem_shared>>
      %dma_wait3A_266 = arith.constant 0 : i32
      %dma_wait3A_267 = tpu.memref_slice %arg13[%add3A_140, %dma_wait3A_266] : memref<10240x128xf32, #tpu.memory_space<vmem_shared>> -> memref<16x128xf32, #tpu.memory_space<vmem_shared>>
      tpu.wait_dma2 semaphore(%run_scoped3A : memref<!tpu.dma_semaphore, #tpu.memory_space<semaphore_mem>>) src(%arg12 : memref<16x128xf32, #tpu.memory_space<vmem>>) dst(%dma_wait3A_267 : memref<16x128xf32, #tpu.memory_space<vmem_shared>>)
      tpu.yield
    }) : () -> ()
    %mul3A_141 = arith.constant 640 : i32
    %mul3A_142 = arith.muli %arg1, %mul3A_141 : i32
    %add3A_143 = arith.constant 416 : i32
    %add3A_144 = arith.addi %mul3A_142, %add3A_143 : i32
    "tpu.region"() ({
      %run_scoped3A = tpu.sem_alloc : memref<!tpu.dma_semaphore, #tpu.memory_space<semaphore_mem>>
      %dma_start3A_260 = arith.constant 0 : i32
      %dma_start3A_261 = tpu.memref_slice %arg13[%add3A_144, %dma_start3A_260] : memref<10240x128xf32, #tpu.memory_space<vmem_shared>> -> memref<16x128xf32, #tpu.memory_space<vmem_shared>>
      %dma_start3A_262 = arith.constant 0 : i32
      %dma_start3A_263 = tpu.memref_slice %arg13[%add3A_144, %dma_start3A_262] : memref<10240x128xf32, #tpu.memory_space<vmem_shared>> -> memref<16x128xf32, #tpu.memory_space<vmem_shared>>
      tpu.enqueue_dma source(%arg12 : memref<16x128xf32, #tpu.memory_space<vmem>>) target(%dma_start3A_263 : memref<16x128xf32, #tpu.memory_space<vmem_shared>>) target_semaphore(%run_scoped3A : memref<!tpu.dma_semaphore, #tpu.memory_space<semaphore_mem>>)
      %dma_wait3A_264 = arith.constant 0 : i32
      %dma_wait3A_265 = tpu.memref_slice %arg13[%add3A_144, %dma_wait3A_264] : memref<10240x128xf32, #tpu.memory_space<vmem_shared>> -> memref<16x128xf32, #tpu.memory_space<vmem_shared>>
      %dma_wait3A_266 = arith.constant 0 : i32
      %dma_wait3A_267 = tpu.memref_slice %arg13[%add3A_144, %dma_wait3A_266] : memref<10240x128xf32, #tpu.memory_space<vmem_shared>> -> memref<16x128xf32, #tpu.memory_space<vmem_shared>>
      tpu.wait_dma2 semaphore(%run_scoped3A : memref<!tpu.dma_semaphore, #tpu.memory_space<semaphore_mem>>) src(%arg12 : memref<16x128xf32, #tpu.memory_space<vmem>>) dst(%dma_wait3A_267 : memref<16x128xf32, #tpu.memory_space<vmem_shared>>)
      tpu.yield
    }) : () -> ()
    %mul3A_145 = arith.constant 640 : i32
    %mul3A_146 = arith.muli %arg1, %mul3A_145 : i32
    %add3A_147 = arith.constant 432 : i32
    %add3A_148 = arith.addi %mul3A_146, %add3A_147 : i32
    "tpu.region"() ({
      %run_scoped3A = tpu.sem_alloc : memref<!tpu.dma_semaphore, #tpu.memory_space<semaphore_mem>>
      %dma_start3A_260 = arith.constant 0 : i32
      %dma_start3A_261 = tpu.memref_slice %arg13[%add3A_148, %dma_start3A_260] : memref<10240x128xf32, #tpu.memory_space<vmem_shared>> -> memref<16x128xf32, #tpu.memory_space<vmem_shared>>
      %dma_start3A_262 = arith.constant 0 : i32
      %dma_start3A_263 = tpu.memref_slice %arg13[%add3A_148, %dma_start3A_262] : memref<10240x128xf32, #tpu.memory_space<vmem_shared>> -> memref<16x128xf32, #tpu.memory_space<vmem_shared>>
      tpu.enqueue_dma source(%arg12 : memref<16x128xf32, #tpu.memory_space<vmem>>) target(%dma_start3A_263 : memref<16x128xf32, #tpu.memory_space<vmem_shared>>) target_semaphore(%run_scoped3A : memref<!tpu.dma_semaphore, #tpu.memory_space<semaphore_mem>>)
      %dma_wait3A_264 = arith.constant 0 : i32
      %dma_wait3A_265 = tpu.memref_slice %arg13[%add3A_148, %dma_wait3A_264] : memref<10240x128xf32, #tpu.memory_space<vmem_shared>> -> memref<16x128xf32, #tpu.memory_space<vmem_shared>>
      %dma_wait3A_266 = arith.constant 0 : i32
      %dma_wait3A_267 = tpu.memref_slice %arg13[%add3A_148, %dma_wait3A_266] : memref<10240x128xf32, #tpu.memory_space<vmem_shared>> -> memref<16x128xf32, #tpu.memory_space<vmem_shared>>
      tpu.wait_dma2 semaphore(%run_scoped3A : memref<!tpu.dma_semaphore, #tpu.memory_space<semaphore_mem>>) src(%arg12 : memref<16x128xf32, #tpu.memory_space<vmem>>) dst(%dma_wait3A_267 : memref<16x128xf32, #tpu.memory_space<vmem_shared>>)
      tpu.yield
    }) : () -> ()
    %mul3A_149 = arith.constant 640 : i32
    %mul3A_150 = arith.muli %arg1, %mul3A_149 : i32
    %add3A_151 = arith.constant 448 : i32
    %add3A_152 = arith.addi %mul3A_150, %add3A_151 : i32
    "tpu.region"() ({
      %run_scoped3A = tpu.sem_alloc : memref<!tpu.dma_semaphore, #tpu.memory_space<semaphore_mem>>
      %dma_start3A_260 = arith.constant 0 : i32
      %dma_start3A_261 = tpu.memref_slice %arg13[%add3A_152, %dma_start3A_260] : memref<10240x128xf32, #tpu.memory_space<vmem_shared>> -> memref<16x128xf32, #tpu.memory_space<vmem_shared>>
      %dma_start3A_262 = arith.constant 0 : i32
      %dma_start3A_263 = tpu.memref_slice %arg13[%add3A_152, %dma_start3A_262] : memref<10240x128xf32, #tpu.memory_space<vmem_shared>> -> memref<16x128xf32, #tpu.memory_space<vmem_shared>>
      tpu.enqueue_dma source(%arg12 : memref<16x128xf32, #tpu.memory_space<vmem>>) target(%dma_start3A_263 : memref<16x128xf32, #tpu.memory_space<vmem_shared>>) target_semaphore(%run_scoped3A : memref<!tpu.dma_semaphore, #tpu.memory_space<semaphore_mem>>)
      %dma_wait3A_264 = arith.constant 0 : i32
      %dma_wait3A_265 = tpu.memref_slice %arg13[%add3A_152, %dma_wait3A_264] : memref<10240x128xf32, #tpu.memory_space<vmem_shared>> -> memref<16x128xf32, #tpu.memory_space<vmem_shared>>
      %dma_wait3A_266 = arith.constant 0 : i32
      %dma_wait3A_267 = tpu.memref_slice %arg13[%add3A_152, %dma_wait3A_266] : memref<10240x128xf32, #tpu.memory_space<vmem_shared>> -> memref<16x128xf32, #tpu.memory_space<vmem_shared>>
      tpu.wait_dma2 semaphore(%run_scoped3A : memref<!tpu.dma_semaphore, #tpu.memory_space<semaphore_mem>>) src(%arg12 : memref<16x128xf32, #tpu.memory_space<vmem>>) dst(%dma_wait3A_267 : memref<16x128xf32, #tpu.memory_space<vmem_shared>>)
      tpu.yield
    }) : () -> ()
    %mul3A_153 = arith.constant 640 : i32
    %mul3A_154 = arith.muli %arg1, %mul3A_153 : i32
    %add3A_155 = arith.constant 464 : i32
    %add3A_156 = arith.addi %mul3A_154, %add3A_155 : i32
    "tpu.region"() ({
      %run_scoped3A = tpu.sem_alloc : memref<!tpu.dma_semaphore, #tpu.memory_space<semaphore_mem>>
      %dma_start3A_260 = arith.constant 0 : i32
      %dma_start3A_261 = tpu.memref_slice %arg13[%add3A_156, %dma_start3A_260] : memref<10240x128xf32, #tpu.memory_space<vmem_shared>> -> memref<16x128xf32, #tpu.memory_space<vmem_shared>>
      %dma_start3A_262 = arith.constant 0 : i32
      %dma_start3A_263 = tpu.memref_slice %arg13[%add3A_156, %dma_start3A_262] : memref<10240x128xf32, #tpu.memory_space<vmem_shared>> -> memref<16x128xf32, #tpu.memory_space<vmem_shared>>
      tpu.enqueue_dma source(%arg12 : memref<16x128xf32, #tpu.memory_space<vmem>>) target(%dma_start3A_263 : memref<16x128xf32, #tpu.memory_space<vmem_shared>>) target_semaphore(%run_scoped3A : memref<!tpu.dma_semaphore, #tpu.memory_space<semaphore_mem>>)
      %dma_wait3A_264 = arith.constant 0 : i32
      %dma_wait3A_265 = tpu.memref_slice %arg13[%add3A_156, %dma_wait3A_264] : memref<10240x128xf32, #tpu.memory_space<vmem_shared>> -> memref<16x128xf32, #tpu.memory_space<vmem_shared>>
      %dma_wait3A_266 = arith.constant 0 : i32
      %dma_wait3A_267 = tpu.memref_slice %arg13[%add3A_156, %dma_wait3A_266] : memref<10240x128xf32, #tpu.memory_space<vmem_shared>> -> memref<16x128xf32, #tpu.memory_space<vmem_shared>>
      tpu.wait_dma2 semaphore(%run_scoped3A : memref<!tpu.dma_semaphore, #tpu.memory_space<semaphore_mem>>) src(%arg12 : memref<16x128xf32, #tpu.memory_space<vmem>>) dst(%dma_wait3A_267 : memref<16x128xf32, #tpu.memory_space<vmem_shared>>)
      tpu.yield
    }) : () -> ()
    %mul3A_157 = arith.constant 640 : i32
    %mul3A_158 = arith.muli %arg1, %mul3A_157 : i32
    %add3A_159 = arith.constant 480 : i32
    %add3A_160 = arith.addi %mul3A_158, %add3A_159 : i32
    "tpu.region"() ({
      %run_scoped3A = tpu.sem_alloc : memref<!tpu.dma_semaphore, #tpu.memory_space<semaphore_mem>>
      %dma_start3A_260 = arith.constant 0 : i32
      %dma_start3A_261 = tpu.memref_slice %arg13[%add3A_160, %dma_start3A_260] : memref<10240x128xf32, #tpu.memory_space<vmem_shared>> -> memref<16x128xf32, #tpu.memory_space<vmem_shared>>
      %dma_start3A_262 = arith.constant 0 : i32
      %dma_start3A_263 = tpu.memref_slice %arg13[%add3A_160, %dma_start3A_262] : memref<10240x128xf32, #tpu.memory_space<vmem_shared>> -> memref<16x128xf32, #tpu.memory_space<vmem_shared>>
      tpu.enqueue_dma source(%arg12 : memref<16x128xf32, #tpu.memory_space<vmem>>) target(%dma_start3A_263 : memref<16x128xf32, #tpu.memory_space<vmem_shared>>) target_semaphore(%run_scoped3A : memref<!tpu.dma_semaphore, #tpu.memory_space<semaphore_mem>>)
      %dma_wait3A_264 = arith.constant 0 : i32
      %dma_wait3A_265 = tpu.memref_slice %arg13[%add3A_160, %dma_wait3A_264] : memref<10240x128xf32, #tpu.memory_space<vmem_shared>> -> memref<16x128xf32, #tpu.memory_space<vmem_shared>>
      %dma_wait3A_266 = arith.constant 0 : i32
      %dma_wait3A_267 = tpu.memref_slice %arg13[%add3A_160, %dma_wait3A_266] : memref<10240x128xf32, #tpu.memory_space<vmem_shared>> -> memref<16x128xf32, #tpu.memory_space<vmem_shared>>
      tpu.wait_dma2 semaphore(%run_scoped3A : memref<!tpu.dma_semaphore, #tpu.memory_space<semaphore_mem>>) src(%arg12 : memref<16x128xf32, #tpu.memory_space<vmem>>) dst(%dma_wait3A_267 : memref<16x128xf32, #tpu.memory_space<vmem_shared>>)
      tpu.yield
    }) : () -> ()
    %mul3A_161 = arith.constant 640 : i32
    %mul3A_162 = arith.muli %arg1, %mul3A_161 : i32
    %add3A_163 = arith.constant 496 : i32
    %add3A_164 = arith.addi %mul3A_162, %add3A_163 : i32
    "tpu.region"() ({
      %run_scoped3A = tpu.sem_alloc : memref<!tpu.dma_semaphore, #tpu.memory_space<semaphore_mem>>
      %dma_start3A_260 = arith.constant 0 : i32
      %dma_start3A_261 = tpu.memref_slice %arg13[%add3A_164, %dma_start3A_260] : memref<10240x128xf32, #tpu.memory_space<vmem_shared>> -> memref<16x128xf32, #tpu.memory_space<vmem_shared>>
      %dma_start3A_262 = arith.constant 0 : i32
      %dma_start3A_263 = tpu.memref_slice %arg13[%add3A_164, %dma_start3A_262] : memref<10240x128xf32, #tpu.memory_space<vmem_shared>> -> memref<16x128xf32, #tpu.memory_space<vmem_shared>>
      tpu.enqueue_dma source(%arg12 : memref<16x128xf32, #tpu.memory_space<vmem>>) target(%dma_start3A_263 : memref<16x128xf32, #tpu.memory_space<vmem_shared>>) target_semaphore(%run_scoped3A : memref<!tpu.dma_semaphore, #tpu.memory_space<semaphore_mem>>)
      %dma_wait3A_264 = arith.constant 0 : i32
      %dma_wait3A_265 = tpu.memref_slice %arg13[%add3A_164, %dma_wait3A_264] : memref<10240x128xf32, #tpu.memory_space<vmem_shared>> -> memref<16x128xf32, #tpu.memory_space<vmem_shared>>
      %dma_wait3A_266 = arith.constant 0 : i32
      %dma_wait3A_267 = tpu.memref_slice %arg13[%add3A_164, %dma_wait3A_266] : memref<10240x128xf32, #tpu.memory_space<vmem_shared>> -> memref<16x128xf32, #tpu.memory_space<vmem_shared>>
      tpu.wait_dma2 semaphore(%run_scoped3A : memref<!tpu.dma_semaphore, #tpu.memory_space<semaphore_mem>>) src(%arg12 : memref<16x128xf32, #tpu.memory_space<vmem>>) dst(%dma_wait3A_267 : memref<16x128xf32, #tpu.memory_space<vmem_shared>>)
      tpu.yield
    }) : () -> ()
    %mul3A_165 = arith.constant 640 : i32
    %mul3A_166 = arith.muli %arg1, %mul3A_165 : i32
    %add3A_167 = arith.constant 512 : i32
    %add3A_168 = arith.addi %mul3A_166, %add3A_167 : i32
    "tpu.region"() ({
      %run_scoped3A = tpu.sem_alloc : memref<!tpu.dma_semaphore, #tpu.memory_space<semaphore_mem>>
      %dma_start3A_260 = arith.constant 0 : i32
      %dma_start3A_261 = tpu.memref_slice %arg13[%add3A_168, %dma_start3A_260] : memref<10240x128xf32, #tpu.memory_space<vmem_shared>> -> memref<16x128xf32, #tpu.memory_space<vmem_shared>>
      %dma_start3A_262 = arith.constant 0 : i32
      %dma_start3A_263 = tpu.memref_slice %arg13[%add3A_168, %dma_start3A_262] : memref<10240x128xf32, #tpu.memory_space<vmem_shared>> -> memref<16x128xf32, #tpu.memory_space<vmem_shared>>
      tpu.enqueue_dma source(%arg12 : memref<16x128xf32, #tpu.memory_space<vmem>>) target(%dma_start3A_263 : memref<16x128xf32, #tpu.memory_space<vmem_shared>>) target_semaphore(%run_scoped3A : memref<!tpu.dma_semaphore, #tpu.memory_space<semaphore_mem>>)
      %dma_wait3A_264 = arith.constant 0 : i32
      %dma_wait3A_265 = tpu.memref_slice %arg13[%add3A_168, %dma_wait3A_264] : memref<10240x128xf32, #tpu.memory_space<vmem_shared>> -> memref<16x128xf32, #tpu.memory_space<vmem_shared>>
      %dma_wait3A_266 = arith.constant 0 : i32
      %dma_wait3A_267 = tpu.memref_slice %arg13[%add3A_168, %dma_wait3A_266] : memref<10240x128xf32, #tpu.memory_space<vmem_shared>> -> memref<16x128xf32, #tpu.memory_space<vmem_shared>>
      tpu.wait_dma2 semaphore(%run_scoped3A : memref<!tpu.dma_semaphore, #tpu.memory_space<semaphore_mem>>) src(%arg12 : memref<16x128xf32, #tpu.memory_space<vmem>>) dst(%dma_wait3A_267 : memref<16x128xf32, #tpu.memory_space<vmem_shared>>)
      tpu.yield
    }) : () -> ()
    %mul3A_169 = arith.constant 640 : i32
    %mul3A_170 = arith.muli %arg1, %mul3A_169 : i32
    %add3A_171 = arith.constant 528 : i32
    %add3A_172 = arith.addi %mul3A_170, %add3A_171 : i32
    "tpu.region"() ({
      %run_scoped3A = tpu.sem_alloc : memref<!tpu.dma_semaphore, #tpu.memory_space<semaphore_mem>>
      %dma_start3A_260 = arith.constant 0 : i32
      %dma_start3A_261 = tpu.memref_slice %arg13[%add3A_172, %dma_start3A_260] : memref<10240x128xf32, #tpu.memory_space<vmem_shared>> -> memref<16x128xf32, #tpu.memory_space<vmem_shared>>
      %dma_start3A_262 = arith.constant 0 : i32
      %dma_start3A_263 = tpu.memref_slice %arg13[%add3A_172, %dma_start3A_262] : memref<10240x128xf32, #tpu.memory_space<vmem_shared>> -> memref<16x128xf32, #tpu.memory_space<vmem_shared>>
      tpu.enqueue_dma source(%arg12 : memref<16x128xf32, #tpu.memory_space<vmem>>) target(%dma_start3A_263 : memref<16x128xf32, #tpu.memory_space<vmem_shared>>) target_semaphore(%run_scoped3A : memref<!tpu.dma_semaphore, #tpu.memory_space<semaphore_mem>>)
      %dma_wait3A_264 = arith.constant 0 : i32
      %dma_wait3A_265 = tpu.memref_slice %arg13[%add3A_172, %dma_wait3A_264] : memref<10240x128xf32, #tpu.memory_space<vmem_shared>> -> memref<16x128xf32, #tpu.memory_space<vmem_shared>>
      %dma_wait3A_266 = arith.constant 0 : i32
      %dma_wait3A_267 = tpu.memref_slice %arg13[%add3A_172, %dma_wait3A_266] : memref<10240x128xf32, #tpu.memory_space<vmem_shared>> -> memref<16x128xf32, #tpu.memory_space<vmem_shared>>
      tpu.wait_dma2 semaphore(%run_scoped3A : memref<!tpu.dma_semaphore, #tpu.memory_space<semaphore_mem>>) src(%arg12 : memref<16x128xf32, #tpu.memory_space<vmem>>) dst(%dma_wait3A_267 : memref<16x128xf32, #tpu.memory_space<vmem_shared>>)
      tpu.yield
    }) : () -> ()
    %mul3A_173 = arith.constant 640 : i32
    %mul3A_174 = arith.muli %arg1, %mul3A_173 : i32
    %add3A_175 = arith.constant 544 : i32
    %add3A_176 = arith.addi %mul3A_174, %add3A_175 : i32
    "tpu.region"() ({
      %run_scoped3A = tpu.sem_alloc : memref<!tpu.dma_semaphore, #tpu.memory_space<semaphore_mem>>
      %dma_start3A_260 = arith.constant 0 : i32
      %dma_start3A_261 = tpu.memref_slice %arg13[%add3A_176, %dma_start3A_260] : memref<10240x128xf32, #tpu.memory_space<vmem_shared>> -> memref<16x128xf32, #tpu.memory_space<vmem_shared>>
      %dma_start3A_262 = arith.constant 0 : i32
      %dma_start3A_263 = tpu.memref_slice %arg13[%add3A_176, %dma_start3A_262] : memref<10240x128xf32, #tpu.memory_space<vmem_shared>> -> memref<16x128xf32, #tpu.memory_space<vmem_shared>>
      tpu.enqueue_dma source(%arg12 : memref<16x128xf32, #tpu.memory_space<vmem>>) target(%dma_start3A_263 : memref<16x128xf32, #tpu.memory_space<vmem_shared>>) target_semaphore(%run_scoped3A : memref<!tpu.dma_semaphore, #tpu.memory_space<semaphore_mem>>)
      %dma_wait3A_264 = arith.constant 0 : i32
      %dma_wait3A_265 = tpu.memref_slice %arg13[%add3A_176, %dma_wait3A_264] : memref<10240x128xf32, #tpu.memory_space<vmem_shared>> -> memref<16x128xf32, #tpu.memory_space<vmem_shared>>
      %dma_wait3A_266 = arith.constant 0 : i32
      %dma_wait3A_267 = tpu.memref_slice %arg13[%add3A_176, %dma_wait3A_266] : memref<10240x128xf32, #tpu.memory_space<vmem_shared>> -> memref<16x128xf32, #tpu.memory_space<vmem_shared>>
      tpu.wait_dma2 semaphore(%run_scoped3A : memref<!tpu.dma_semaphore, #tpu.memory_space<semaphore_mem>>) src(%arg12 : memref<16x128xf32, #tpu.memory_space<vmem>>) dst(%dma_wait3A_267 : memref<16x128xf32, #tpu.memory_space<vmem_shared>>)
      tpu.yield
    }) : () -> ()
    %mul3A_177 = arith.constant 640 : i32
    %mul3A_178 = arith.muli %arg1, %mul3A_177 : i32
    %add3A_179 = arith.constant 560 : i32
    %add3A_180 = arith.addi %mul3A_178, %add3A_179 : i32
    "tpu.region"() ({
      %run_scoped3A = tpu.sem_alloc : memref<!tpu.dma_semaphore, #tpu.memory_space<semaphore_mem>>
      %dma_start3A_260 = arith.constant 0 : i32
      %dma_start3A_261 = tpu.memref_slice %arg13[%add3A_180, %dma_start3A_260] : memref<10240x128xf32, #tpu.memory_space<vmem_shared>> -> memref<16x128xf32, #tpu.memory_space<vmem_shared>>
      %dma_start3A_262 = arith.constant 0 : i32
      %dma_start3A_263 = tpu.memref_slice %arg13[%add3A_180, %dma_start3A_262] : memref<10240x128xf32, #tpu.memory_space<vmem_shared>> -> memref<16x128xf32, #tpu.memory_space<vmem_shared>>
      tpu.enqueue_dma source(%arg12 : memref<16x128xf32, #tpu.memory_space<vmem>>) target(%dma_start3A_263 : memref<16x128xf32, #tpu.memory_space<vmem_shared>>) target_semaphore(%run_scoped3A : memref<!tpu.dma_semaphore, #tpu.memory_space<semaphore_mem>>)
      %dma_wait3A_264 = arith.constant 0 : i32
      %dma_wait3A_265 = tpu.memref_slice %arg13[%add3A_180, %dma_wait3A_264] : memref<10240x128xf32, #tpu.memory_space<vmem_shared>> -> memref<16x128xf32, #tpu.memory_space<vmem_shared>>
      %dma_wait3A_266 = arith.constant 0 : i32
      %dma_wait3A_267 = tpu.memref_slice %arg13[%add3A_180, %dma_wait3A_266] : memref<10240x128xf32, #tpu.memory_space<vmem_shared>> -> memref<16x128xf32, #tpu.memory_space<vmem_shared>>
      tpu.wait_dma2 semaphore(%run_scoped3A : memref<!tpu.dma_semaphore, #tpu.memory_space<semaphore_mem>>) src(%arg12 : memref<16x128xf32, #tpu.memory_space<vmem>>) dst(%dma_wait3A_267 : memref<16x128xf32, #tpu.memory_space<vmem_shared>>)
      tpu.yield
    }) : () -> ()
    %mul3A_181 = arith.constant 640 : i32
    %mul3A_182 = arith.muli %arg1, %mul3A_181 : i32
    %add3A_183 = arith.constant 576 : i32
    %add3A_184 = arith.addi %mul3A_182, %add3A_183 : i32
    "tpu.region"() ({
      %run_scoped3A = tpu.sem_alloc : memref<!tpu.dma_semaphore, #tpu.memory_space<semaphore_mem>>
      %dma_start3A_260 = arith.constant 0 : i32
      %dma_start3A_261 = tpu.memref_slice %arg13[%add3A_184, %dma_start3A_260] : memref<10240x128xf32, #tpu.memory_space<vmem_shared>> -> memref<16x128xf32, #tpu.memory_space<vmem_shared>>
      %dma_start3A_262 = arith.constant 0 : i32
      %dma_start3A_263 = tpu.memref_slice %arg13[%add3A_184, %dma_start3A_262] : memref<10240x128xf32, #tpu.memory_space<vmem_shared>> -> memref<16x128xf32, #tpu.memory_space<vmem_shared>>
      tpu.enqueue_dma source(%arg12 : memref<16x128xf32, #tpu.memory_space<vmem>>) target(%dma_start3A_263 : memref<16x128xf32, #tpu.memory_space<vmem_shared>>) target_semaphore(%run_scoped3A : memref<!tpu.dma_semaphore, #tpu.memory_space<semaphore_mem>>)
      %dma_wait3A_264 = arith.constant 0 : i32
      %dma_wait3A_265 = tpu.memref_slice %arg13[%add3A_184, %dma_wait3A_264] : memref<10240x128xf32, #tpu.memory_space<vmem_shared>> -> memref<16x128xf32, #tpu.memory_space<vmem_shared>>
      %dma_wait3A_266 = arith.constant 0 : i32
      %dma_wait3A_267 = tpu.memref_slice %arg13[%add3A_184, %dma_wait3A_266] : memref<10240x128xf32, #tpu.memory_space<vmem_shared>> -> memref<16x128xf32, #tpu.memory_space<vmem_shared>>
      tpu.wait_dma2 semaphore(%run_scoped3A : memref<!tpu.dma_semaphore, #tpu.memory_space<semaphore_mem>>) src(%arg12 : memref<16x128xf32, #tpu.memory_space<vmem>>) dst(%dma_wait3A_267 : memref<16x128xf32, #tpu.memory_space<vmem_shared>>)
      tpu.yield
    }) : () -> ()
    %mul3A_185 = arith.constant 640 : i32
    %mul3A_186 = arith.muli %arg1, %mul3A_185 : i32
    %add3A_187 = arith.constant 592 : i32
    %add3A_188 = arith.addi %mul3A_186, %add3A_187 : i32
    "tpu.region"() ({
      %run_scoped3A = tpu.sem_alloc : memref<!tpu.dma_semaphore, #tpu.memory_space<semaphore_mem>>
      %dma_start3A_260 = arith.constant 0 : i32
      %dma_start3A_261 = tpu.memref_slice %arg13[%add3A_188, %dma_start3A_260] : memref<10240x128xf32, #tpu.memory_space<vmem_shared>> -> memref<16x128xf32, #tpu.memory_space<vmem_shared>>
      %dma_start3A_262 = arith.constant 0 : i32
      %dma_start3A_263 = tpu.memref_slice %arg13[%add3A_188, %dma_start3A_262] : memref<10240x128xf32, #tpu.memory_space<vmem_shared>> -> memref<16x128xf32, #tpu.memory_space<vmem_shared>>
      tpu.enqueue_dma source(%arg12 : memref<16x128xf32, #tpu.memory_space<vmem>>) target(%dma_start3A_263 : memref<16x128xf32, #tpu.memory_space<vmem_shared>>) target_semaphore(%run_scoped3A : memref<!tpu.dma_semaphore, #tpu.memory_space<semaphore_mem>>)
      %dma_wait3A_264 = arith.constant 0 : i32
      %dma_wait3A_265 = tpu.memref_slice %arg13[%add3A_188, %dma_wait3A_264] : memref<10240x128xf32, #tpu.memory_space<vmem_shared>> -> memref<16x128xf32, #tpu.memory_space<vmem_shared>>
      %dma_wait3A_266 = arith.constant 0 : i32
      %dma_wait3A_267 = tpu.memref_slice %arg13[%add3A_188, %dma_wait3A_266] : memref<10240x128xf32, #tpu.memory_space<vmem_shared>> -> memref<16x128xf32, #tpu.memory_space<vmem_shared>>
      tpu.wait_dma2 semaphore(%run_scoped3A : memref<!tpu.dma_semaphore, #tpu.memory_space<semaphore_mem>>) src(%arg12 : memref<16x128xf32, #tpu.memory_space<vmem>>) dst(%dma_wait3A_267 : memref<16x128xf32, #tpu.memory_space<vmem_shared>>)
      tpu.yield
    }) : () -> ()
    %mul3A_189 = arith.constant 640 : i32
    %mul3A_190 = arith.muli %arg1, %mul3A_189 : i32
    %add3A_191 = arith.constant 608 : i32
    %add3A_192 = arith.addi %mul3A_190, %add3A_191 : i32
    "tpu.region"() ({
      %run_scoped3A = tpu.sem_alloc : memref<!tpu.dma_semaphore, #tpu.memory_space<semaphore_mem>>
      %dma_start3A_260 = arith.constant 0 : i32
      %dma_start3A_261 = tpu.memref_slice %arg13[%add3A_192, %dma_start3A_260] : memref<10240x128xf32, #tpu.memory_space<vmem_shared>> -> memref<16x128xf32, #tpu.memory_space<vmem_shared>>
      %dma_start3A_262 = arith.constant 0 : i32
      %dma_start3A_263 = tpu.memref_slice %arg13[%add3A_192, %dma_start3A_262] : memref<10240x128xf32, #tpu.memory_space<vmem_shared>> -> memref<16x128xf32, #tpu.memory_space<vmem_shared>>
      tpu.enqueue_dma source(%arg12 : memref<16x128xf32, #tpu.memory_space<vmem>>) target(%dma_start3A_263 : memref<16x128xf32, #tpu.memory_space<vmem_shared>>) target_semaphore(%run_scoped3A : memref<!tpu.dma_semaphore, #tpu.memory_space<semaphore_mem>>)
      %dma_wait3A_264 = arith.constant 0 : i32
      %dma_wait3A_265 = tpu.memref_slice %arg13[%add3A_192, %dma_wait3A_264] : memref<10240x128xf32, #tpu.memory_space<vmem_shared>> -> memref<16x128xf32, #tpu.memory_space<vmem_shared>>
      %dma_wait3A_266 = arith.constant 0 : i32
      %dma_wait3A_267 = tpu.memref_slice %arg13[%add3A_192, %dma_wait3A_266] : memref<10240x128xf32, #tpu.memory_space<vmem_shared>> -> memref<16x128xf32, #tpu.memory_space<vmem_shared>>
      tpu.wait_dma2 semaphore(%run_scoped3A : memref<!tpu.dma_semaphore, #tpu.memory_space<semaphore_mem>>) src(%arg12 : memref<16x128xf32, #tpu.memory_space<vmem>>) dst(%dma_wait3A_267 : memref<16x128xf32, #tpu.memory_space<vmem_shared>>)
      tpu.yield
    }) : () -> ()
    %mul3A_193 = arith.constant 640 : i32
    %mul3A_194 = arith.muli %arg1, %mul3A_193 : i32
    %add3A_195 = arith.constant 624 : i32
    %add3A_196 = arith.addi %mul3A_194, %add3A_195 : i32
    "tpu.region"() ({
      %run_scoped3A = tpu.sem_alloc : memref<!tpu.dma_semaphore, #tpu.memory_space<semaphore_mem>>
      %dma_start3A_260 = arith.constant 0 : i32
      %dma_start3A_261 = tpu.memref_slice %arg13[%add3A_196, %dma_start3A_260] : memref<10240x128xf32, #tpu.memory_space<vmem_shared>> -> memref<16x128xf32, #tpu.memory_space<vmem_shared>>
      %dma_start3A_262 = arith.constant 0 : i32
      %dma_start3A_263 = tpu.memref_slice %arg13[%add3A_196, %dma_start3A_262] : memref<10240x128xf32, #tpu.memory_space<vmem_shared>> -> memref<16x128xf32, #tpu.memory_space<vmem_shared>>
      tpu.enqueue_dma source(%arg12 : memref<16x128xf32, #tpu.memory_space<vmem>>) target(%dma_start3A_263 : memref<16x128xf32, #tpu.memory_space<vmem_shared>>) target_semaphore(%run_scoped3A : memref<!tpu.dma_semaphore, #tpu.memory_space<semaphore_mem>>)
      %dma_wait3A_264 = arith.constant 0 : i32
      %dma_wait3A_265 = tpu.memref_slice %arg13[%add3A_196, %dma_wait3A_264] : memref<10240x128xf32, #tpu.memory_space<vmem_shared>> -> memref<16x128xf32, #tpu.memory_space<vmem_shared>>
      %dma_wait3A_266 = arith.constant 0 : i32
      %dma_wait3A_267 = tpu.memref_slice %arg13[%add3A_196, %dma_wait3A_266] : memref<10240x128xf32, #tpu.memory_space<vmem_shared>> -> memref<16x128xf32, #tpu.memory_space<vmem_shared>>
      tpu.wait_dma2 semaphore(%run_scoped3A : memref<!tpu.dma_semaphore, #tpu.memory_space<semaphore_mem>>) src(%arg12 : memref<16x128xf32, #tpu.memory_space<vmem>>) dst(%dma_wait3A_267 : memref<16x128xf32, #tpu.memory_space<vmem_shared>>)
      tpu.yield
    }) : () -> ()
    %barrier3A = arith.constant 0 : index
    tpu.barrier barrier_id(%barrier3A)
    %sub3A = arith.constant 2 : i32
    %sub3A_197 = arith.subi %select_n3A, %sub3A : i32
    %jit3A_198 = arith.constant 2 : i32
    %div3A = arith.divsi %sub3A_197, %jit3A_198 : i32
    %sign3A = arith.constant 0 : i32
    %sign3A_199 = arith.cmpi sgt, %sub3A_197, %sign3A : i32
    %sign3A_200 = arith.extui %sign3A_199 : i1 to i32
    %sign3A_201 = arith.constant 0 : i32
    %sign3A_202 = arith.cmpi slt, %sub3A_197, %sign3A_201 : i32
    %sign3A_203 = arith.extui %sign3A_202 : i1 to i32
    %sign3A_204 = arith.subi %sign3A_200, %sign3A_203 : i32
    %sign3A_205 = arith.constant 0 : i32
    %sign3A_206 = arith.cmpi sgt, %jit3A_198, %sign3A_205 : i32
    %sign3A_207 = arith.extui %sign3A_206 : i1 to i32
    %sign3A_208 = arith.constant 0 : i32
    %sign3A_209 = arith.cmpi slt, %jit3A_198, %sign3A_208 : i32
    %sign3A_210 = arith.extui %sign3A_209 : i1 to i32
    %sign3A_211 = arith.subi %sign3A_207, %sign3A_210 : i32
    %ne3A = arith.cmpi ne, %sign3A_204, %sign3A_211 : i32
    %rem3A = arith.remsi %sub3A_197, %jit3A_198 : i32
    %ne3A_212 = arith.constant 0 : i32
    %ne3A_213 = arith.cmpi ne, %rem3A, %ne3A_212 : i32
    %and3A = arith.andi %ne3A, %ne3A_213 : i1
    %sub3A_214 = arith.constant 1 : i32
    %sub3A_215 = arith.subi %div3A, %sub3A_214 : i32
    %select_n3A_216 = arith.select %and3A, %sub3A_215, %div3A : i32
    %while3A = arith.constant 0 : i32
    %while3A_217 = arith.subi %select_n3A_216, %while3A : i32
    %while3A_218 = arith.addi %while3A, %while3A_217 : i32
    %while3A_219 = arith.constant 1 : i32
    %while3A_220 = arith.divsi %while3A_217, %while3A_219 : i32
    %while3A_221 = arith.muli %while3A_220, %while3A_219 : i32
    %while3A_222 = arith.addi %while3A, %while3A_221 : i32
    %while3A_223 = arith.constant 1 : i32
    scf.for %while3A_260 = %while3A to %while3A_222 step %while3A_223  : i32 {
      %mul3A_261 = arith.constant 2 : i32
      %mul3A_262 = arith.muli %mul3A_261, %while3A_260 : i32
      %add3A_263 = arith.constant 1 : i32
      %add3A_264 = arith.addi %mul3A_262, %add3A_263 : i32
      %mul3A_265 = arith.constant 80 : i32
      %mul3A_266 = arith.muli %add3A_264, %mul3A_265 : i32
      %add3A_267 = arith.addi %mul3A_10, %mul3A_266 : i32
      %dma_wait3A_268 = tpu.memref_slice %arg3[%add3A_267] : memref<322560xi32, #tpu.memory_space<hbm>> -> memref<80xi32, #tpu.memory_space<hbm>>
      %dma_wait3A_269 = tpu.memref_slice %arg3[%add3A_267] : memref<322560xi32, #tpu.memory_space<hbm>> -> memref<80xi32, #tpu.memory_space<hbm>>
      tpu.wait_dma2 semaphore(%arg17 : memref<!tpu.dma_semaphore, #tpu.memory_space<semaphore_mem>>) src(%dma_wait3A_269 : memref<80xi32, #tpu.memory_space<hbm>>) dst(%arg7 : memref<80xi32, #tpu.memory_space<vmem>>)
      %dma_wait3A_270 = arith.constant 0 : i32
      %dma_wait3A_271 = arith.constant 0 : i32
      %dma_wait3A_272 = tpu.memref_slice %arg2[%dma_wait3A_270, %dma_wait3A_271] : memref<10000x128xf32, #tpu.memory_space<hbm>> -> memref<10000x128xf32, #tpu.memory_space<hbm>>
      tpu.wait_indirect_dma semaphore(%arg14 : memref<!tpu.dma_semaphore, #tpu.memory_space<semaphore_mem>>) src(%dma_wait3A_272 : memref<10000x128xf32, #tpu.memory_space<hbm>>) dst(%arg10 : memref<80x128xf32, #tpu.memory_space<vmem>>)
      %dma_start3A_273 = arith.constant 0 : i32
      %dma_start3A_274 = arith.constant 0 : i32
      %dma_start3A_275 = tpu.memref_slice %arg2[%dma_start3A_273, %dma_start3A_274] : memref<10000x128xf32, #tpu.memory_space<hbm>> -> memref<10000x128xf32, #tpu.memory_space<hbm>>
      tpu.enqueue_indirect_dma source(%dma_start3A_275 : memref<10000x128xf32, #tpu.memory_space<hbm>>) target(%arg11 : memref<80x128xf32, #tpu.memory_space<vmem>>) offsets(%arg7 : memref<80xi32, #tpu.memory_space<vmem>>) semaphore(%arg15 : memref<!tpu.dma_semaphore, #tpu.memory_space<semaphore_mem>>)
      %add3A_276 = arith.constant 2 : i32
      %add3A_277 = arith.addi %mul3A_262, %add3A_276 : i32
      %mul3A_278 = arith.constant 80 : i32
      %mul3A_279 = arith.muli %add3A_277, %mul3A_278 : i32
      %add3A_280 = arith.addi %mul3A_10, %mul3A_279 : i32
      %dma_start3A_281 = tpu.memref_slice %arg3[%add3A_280] : memref<322560xi32, #tpu.memory_space<hbm>> -> memref<80xi32, #tpu.memory_space<hbm>>
      %dma_start3A_282 = tpu.memref_slice %arg3[%add3A_280] : memref<322560xi32, #tpu.memory_space<hbm>> -> memref<80xi32, #tpu.memory_space<hbm>>
      tpu.enqueue_dma source(%dma_start3A_282 : memref<80xi32, #tpu.memory_space<hbm>>) target(%arg6 : memref<80xi32, #tpu.memory_space<vmem>>) target_semaphore(%arg16 : memref<!tpu.dma_semaphore, #tpu.memory_space<semaphore_mem>>)
      %mul3A_283 = arith.constant 80 : i32
      %mul3A_284 = arith.muli %mul3A_262, %mul3A_283 : i32
      %add3A_285 = arith.addi %mul3A_10, %mul3A_284 : i32
      %dma_wait3A_286 = tpu.memref_slice %arg4[%add3A_285] : memref<322560xi32, #tpu.memory_space<hbm>> -> memref<80xi32, #tpu.memory_space<hbm>>
      %dma_wait3A_287 = tpu.memref_slice %arg4[%add3A_285] : memref<322560xi32, #tpu.memory_space<hbm>> -> memref<80xi32, #tpu.memory_space<hbm>>
      tpu.wait_dma2 semaphore(%arg18 : memref<!tpu.dma_semaphore, #tpu.memory_space<semaphore_mem>>) src(%dma_wait3A_287 : memref<80xi32, #tpu.memory_space<hbm>>) dst(%arg8 : memref<80xi32, #tpu.memory_space<vmem>>)
      "tpu.region"() ({
        %run_scoped3A = tpu.sem_alloc : memref<!tpu.dma_semaphore, #tpu.memory_space<semaphore_mem>>
        %dma_start3A_329 = arith.constant 0 : i32
        %dma_start3A_330 = arith.constant 0 : i32
        %dma_start3A_331 = tpu.memref_slice %arg13[%dma_start3A_329, %dma_start3A_330] : memref<10240x128xf32, #tpu.memory_space<vmem_shared>> -> memref<10240x128xf32, #tpu.memory_space<vmem_shared>>
        tpu.enqueue_indirect_dma source(%arg10 : memref<80x128xf32, #tpu.memory_space<vmem>>) target(%dma_start3A_331 : memref<10240x128xf32, #tpu.memory_space<vmem_shared>>) offsets(%arg8 : memref<80xi32, #tpu.memory_space<vmem>>) semaphore(%run_scoped3A : memref<!tpu.dma_semaphore, #tpu.memory_space<semaphore_mem>>) {add = true}
        %dma_wait3A_332 = arith.constant 0 : i32
        %dma_wait3A_333 = arith.constant 0 : i32
        %dma_wait3A_334 = tpu.memref_slice %arg13[%dma_wait3A_332, %dma_wait3A_333] : memref<10240x128xf32, #tpu.memory_space<vmem_shared>> -> memref<10240x128xf32, #tpu.memory_space<vmem_shared>>
        tpu.wait_indirect_dma semaphore(%run_scoped3A : memref<!tpu.dma_semaphore, #tpu.memory_space<semaphore_mem>>) src(%arg10 : memref<80x128xf32, #tpu.memory_space<vmem>>) dst(%dma_wait3A_334 : memref<10240x128xf32, #tpu.memory_space<vmem_shared>>)
        tpu.yield
      }) : () -> ()
      %add3A_288 = arith.constant 2 : i32
      %add3A_289 = arith.addi %mul3A_262, %add3A_288 : i32
      %mul3A_290 = arith.constant 80 : i32
      %mul3A_291 = arith.muli %add3A_289, %mul3A_290 : i32
      %add3A_292 = arith.addi %mul3A_10, %mul3A_291 : i32
      %dma_start3A_293 = tpu.memref_slice %arg4[%add3A_292] : memref<322560xi32, #tpu.memory_space<hbm>> -> memref<80xi32, #tpu.memory_space<hbm>>
      %dma_start3A_294 = tpu.memref_slice %arg4[%add3A_292] : memref<322560xi32, #tpu.memory_space<hbm>> -> memref<80xi32, #tpu.memory_space<hbm>>
      tpu.enqueue_dma source(%dma_start3A_294 : memref<80xi32, #tpu.memory_space<hbm>>) target(%arg8 : memref<80xi32, #tpu.memory_space<vmem>>) target_semaphore(%arg18 : memref<!tpu.dma_semaphore, #tpu.memory_space<semaphore_mem>>)
      %add3A_295 = arith.constant 2 : i32
      %add3A_296 = arith.addi %mul3A_262, %add3A_295 : i32
      %mul3A_297 = arith.constant 80 : i32
      %mul3A_298 = arith.muli %add3A_296, %mul3A_297 : i32
      %add3A_299 = arith.addi %mul3A_10, %mul3A_298 : i32
      %dma_wait3A_300 = tpu.memref_slice %arg3[%add3A_299] : memref<322560xi32, #tpu.memory_space<hbm>> -> memref<80xi32, #tpu.memory_space<hbm>>
      %dma_wait3A_301 = tpu.memref_slice %arg3[%add3A_299] : memref<322560xi32, #tpu.memory_space<hbm>> -> memref<80xi32, #tpu.memory_space<hbm>>
      tpu.wait_dma2 semaphore(%arg16 : memref<!tpu.dma_semaphore, #tpu.memory_space<semaphore_mem>>) src(%dma_wait3A_301 : memref<80xi32, #tpu.memory_space<hbm>>) dst(%arg6 : memref<80xi32, #tpu.memory_space<vmem>>)
      %dma_wait3A_302 = arith.constant 0 : i32
      %dma_wait3A_303 = arith.constant 0 : i32
      %dma_wait3A_304 = tpu.memref_slice %arg2[%dma_wait3A_302, %dma_wait3A_303] : memref<10000x128xf32, #tpu.memory_space<hbm>> -> memref<10000x128xf32, #tpu.memory_space<hbm>>
      tpu.wait_indirect_dma semaphore(%arg15 : memref<!tpu.dma_semaphore, #tpu.memory_space<semaphore_mem>>) src(%dma_wait3A_304 : memref<10000x128xf32, #tpu.memory_space<hbm>>) dst(%arg11 : memref<80x128xf32, #tpu.memory_space<vmem>>)
      %dma_start3A_305 = arith.constant 0 : i32
      %dma_start3A_306 = arith.constant 0 : i32
      %dma_start3A_307 = tpu.memref_slice %arg2[%dma_start3A_305, %dma_start3A_306] : memref<10000x128xf32, #tpu.memory_space<hbm>> -> memref<10000x128xf32, #tpu.memory_space<hbm>>
      tpu.enqueue_indirect_dma source(%dma_start3A_307 : memref<10000x128xf32, #tpu.memory_space<hbm>>) target(%arg10 : memref<80x128xf32, #tpu.memory_space<vmem>>) offsets(%arg6 : memref<80xi32, #tpu.memory_space<vmem>>) semaphore(%arg14 : memref<!tpu.dma_semaphore, #tpu.memory_space<semaphore_mem>>)
      %add3A_308 = arith.constant 3 : i32
      %add3A_309 = arith.addi %mul3A_262, %add3A_308 : i32
      %mul3A_310 = arith.constant 80 : i32
      %mul3A_311 = arith.muli %add3A_309, %mul3A_310 : i32
      %add3A_312 = arith.addi %mul3A_10, %mul3A_311 : i32
      %dma_start3A_313 = tpu.memref_slice %arg3[%add3A_312] : memref<322560xi32, #tpu.memory_space<hbm>> -> memref<80xi32, #tpu.memory_space<hbm>>
      %dma_start3A_314 = tpu.memref_slice %arg3[%add3A_312] : memref<322560xi32, #tpu.memory_space<hbm>> -> memref<80xi32, #tpu.memory_space<hbm>>
      tpu.enqueue_dma source(%dma_start3A_314 : memref<80xi32, #tpu.memory_space<hbm>>) target(%arg7 : memref<80xi32, #tpu.memory_space<vmem>>) target_semaphore(%arg17 : memref<!tpu.dma_semaphore, #tpu.memory_space<semaphore_mem>>)
      %add3A_315 = arith.constant 1 : i32
      %add3A_316 = arith.addi %mul3A_262, %add3A_315 : i32
      %mul3A_317 = arith.constant 80 : i32
      %mul3A_318 = arith.muli %add3A_316, %mul3A_317 : i32
      %add3A_319 = arith.addi %mul3A_10, %mul3A_318 : i32
      %dma_wait3A_320 = tpu.memref_slice %arg4[%add3A_319] : memref<322560xi32, #tpu.memory_space<hbm>> -> memref<80xi32, #tpu.memory_space<hbm>>
      %dma_wait3A_321 = tpu.memref_slice %arg4[%add3A_319] : memref<322560xi32, #tpu.memory_space<hbm>> -> memref<80xi32, #tpu.memory_space<hbm>>
      tpu.wait_dma2 semaphore(%arg19 : memref<!tpu.dma_semaphore, #tpu.memory_space<semaphore_mem>>) src(%dma_wait3A_321 : memref<80xi32, #tpu.memory_space<hbm>>) dst(%arg9 : memref<80xi32, #tpu.memory_space<vmem>>)
      "tpu.region"() ({
        %run_scoped3A = tpu.sem_alloc : memref<!tpu.dma_semaphore, #tpu.memory_space<semaphore_mem>>
        %dma_start3A_329 = arith.constant 0 : i32
        %dma_start3A_330 = arith.constant 0 : i32
        %dma_start3A_331 = tpu.memref_slice %arg13[%dma_start3A_329, %dma_start3A_330] : memref<10240x128xf32, #tpu.memory_space<vmem_shared>> -> memref<10240x128xf32, #tpu.memory_space<vmem_shared>>
        tpu.enqueue_indirect_dma source(%arg11 : memref<80x128xf32, #tpu.memory_space<vmem>>) target(%dma_start3A_331 : memref<10240x128xf32, #tpu.memory_space<vmem_shared>>) offsets(%arg9 : memref<80xi32, #tpu.memory_space<vmem>>) semaphore(%run_scoped3A : memref<!tpu.dma_semaphore, #tpu.memory_space<semaphore_mem>>) {add = true}
        %dma_wait3A_332 = arith.constant 0 : i32
        %dma_wait3A_333 = arith.constant 0 : i32
        %dma_wait3A_334 = tpu.memref_slice %arg13[%dma_wait3A_332, %dma_wait3A_333] : memref<10240x128xf32, #tpu.memory_space<vmem_shared>> -> memref<10240x128xf32, #tpu.memory_space<vmem_shared>>
        tpu.wait_indirect_dma semaphore(%run_scoped3A : memref<!tpu.dma_semaphore, #tpu.memory_space<semaphore_mem>>) src(%arg11 : memref<80x128xf32, #tpu.memory_space<vmem>>) dst(%dma_wait3A_334 : memref<10240x128xf32, #tpu.memory_space<vmem_shared>>)
        tpu.yield
      }) : () -> ()
      %add3A_322 = arith.constant 3 : i32
      %add3A_323 = arith.addi %mul3A_262, %add3A_322 : i32
      %mul3A_324 = arith.constant 80 : i32
      %mul3A_325 = arith.muli %add3A_323, %mul3A_324 : i32
      %add3A_326 = arith.addi %mul3A_10, %mul3A_325 : i32
      %dma_start3A_327 = tpu.memref_slice %arg4[%add3A_326] : memref<322560xi32, #tpu.memory_space<hbm>> -> memref<80xi32, #tpu.memory_space<hbm>>
      %dma_start3A_328 = tpu.memref_slice %arg4[%add3A_326] : memref<322560xi32, #tpu.memory_space<hbm>> -> memref<80xi32, #tpu.memory_space<hbm>>
      tpu.enqueue_dma source(%dma_start3A_328 : memref<80xi32, #tpu.memory_space<hbm>>) target(%arg9 : memref<80xi32, #tpu.memory_space<vmem>>) target_semaphore(%arg19 : memref<!tpu.dma_semaphore, #tpu.memory_space<semaphore_mem>>)
    }
    %while3A_224 = arith.constant 1 : i32
    scf.for %while3A_260 = %while3A_222 to %while3A_218 step %while3A_224  : i32 {
      %mul3A_261 = arith.constant 2 : i32
      %mul3A_262 = arith.muli %mul3A_261, %while3A_260 : i32
      %add3A_263 = arith.constant 1 : i32
      %add3A_264 = arith.addi %mul3A_262, %add3A_263 : i32
      %mul3A_265 = arith.constant 80 : i32
      %mul3A_266 = arith.muli %add3A_264, %mul3A_265 : i32
      %add3A_267 = arith.addi %mul3A_10, %mul3A_266 : i32
      %dma_wait3A_268 = tpu.memref_slice %arg3[%add3A_267] : memref<322560xi32, #tpu.memory_space<hbm>> -> memref<80xi32, #tpu.memory_space<hbm>>
      %dma_wait3A_269 = tpu.memref_slice %arg3[%add3A_267] : memref<322560xi32, #tpu.memory_space<hbm>> -> memref<80xi32, #tpu.memory_space<hbm>>
      tpu.wait_dma2 semaphore(%arg17 : memref<!tpu.dma_semaphore, #tpu.memory_space<semaphore_mem>>) src(%dma_wait3A_269 : memref<80xi32, #tpu.memory_space<hbm>>) dst(%arg7 : memref<80xi32, #tpu.memory_space<vmem>>)
      %dma_wait3A_270 = arith.constant 0 : i32
      %dma_wait3A_271 = arith.constant 0 : i32
      %dma_wait3A_272 = tpu.memref_slice %arg2[%dma_wait3A_270, %dma_wait3A_271] : memref<10000x128xf32, #tpu.memory_space<hbm>> -> memref<10000x128xf32, #tpu.memory_space<hbm>>
      tpu.wait_indirect_dma semaphore(%arg14 : memref<!tpu.dma_semaphore, #tpu.memory_space<semaphore_mem>>) src(%dma_wait3A_272 : memref<10000x128xf32, #tpu.memory_space<hbm>>) dst(%arg10 : memref<80x128xf32, #tpu.memory_space<vmem>>)
      %dma_start3A_273 = arith.constant 0 : i32
      %dma_start3A_274 = arith.constant 0 : i32
      %dma_start3A_275 = tpu.memref_slice %arg2[%dma_start3A_273, %dma_start3A_274] : memref<10000x128xf32, #tpu.memory_space<hbm>> -> memref<10000x128xf32, #tpu.memory_space<hbm>>
      tpu.enqueue_indirect_dma source(%dma_start3A_275 : memref<10000x128xf32, #tpu.memory_space<hbm>>) target(%arg11 : memref<80x128xf32, #tpu.memory_space<vmem>>) offsets(%arg7 : memref<80xi32, #tpu.memory_space<vmem>>) semaphore(%arg15 : memref<!tpu.dma_semaphore, #tpu.memory_space<semaphore_mem>>)
      %add3A_276 = arith.constant 2 : i32
      %add3A_277 = arith.addi %mul3A_262, %add3A_276 : i32
      %mul3A_278 = arith.constant 80 : i32
      %mul3A_279 = arith.muli %add3A_277, %mul3A_278 : i32
      %add3A_280 = arith.addi %mul3A_10, %mul3A_279 : i32
      %dma_start3A_281 = tpu.memref_slice %arg3[%add3A_280] : memref<322560xi32, #tpu.memory_space<hbm>> -> memref<80xi32, #tpu.memory_space<hbm>>
      %dma_start3A_282 = tpu.memref_slice %arg3[%add3A_280] : memref<322560xi32, #tpu.memory_space<hbm>> -> memref<80xi32, #tpu.memory_space<hbm>>
      tpu.enqueue_dma source(%dma_start3A_282 : memref<80xi32, #tpu.memory_space<hbm>>) target(%arg6 : memref<80xi32, #tpu.memory_space<vmem>>) target_semaphore(%arg16 : memref<!tpu.dma_semaphore, #tpu.memory_space<semaphore_mem>>)
      %mul3A_283 = arith.constant 80 : i32
      %mul3A_284 = arith.muli %mul3A_262, %mul3A_283 : i32
      %add3A_285 = arith.addi %mul3A_10, %mul3A_284 : i32
      %dma_wait3A_286 = tpu.memref_slice %arg4[%add3A_285] : memref<322560xi32, #tpu.memory_space<hbm>> -> memref<80xi32, #tpu.memory_space<hbm>>
      %dma_wait3A_287 = tpu.memref_slice %arg4[%add3A_285] : memref<322560xi32, #tpu.memory_space<hbm>> -> memref<80xi32, #tpu.memory_space<hbm>>
      tpu.wait_dma2 semaphore(%arg18 : memref<!tpu.dma_semaphore, #tpu.memory_space<semaphore_mem>>) src(%dma_wait3A_287 : memref<80xi32, #tpu.memory_space<hbm>>) dst(%arg8 : memref<80xi32, #tpu.memory_space<vmem>>)
      "tpu.region"() ({
        %run_scoped3A = tpu.sem_alloc : memref<!tpu.dma_semaphore, #tpu.memory_space<semaphore_mem>>
        %dma_start3A_329 = arith.constant 0 : i32
        %dma_start3A_330 = arith.constant 0 : i32
        %dma_start3A_331 = tpu.memref_slice %arg13[%dma_start3A_329, %dma_start3A_330] : memref<10240x128xf32, #tpu.memory_space<vmem_shared>> -> memref<10240x128xf32, #tpu.memory_space<vmem_shared>>
        tpu.enqueue_indirect_dma source(%arg10 : memref<80x128xf32, #tpu.memory_space<vmem>>) target(%dma_start3A_331 : memref<10240x128xf32, #tpu.memory_space<vmem_shared>>) offsets(%arg8 : memref<80xi32, #tpu.memory_space<vmem>>) semaphore(%run_scoped3A : memref<!tpu.dma_semaphore, #tpu.memory_space<semaphore_mem>>) {add = true}
        %dma_wait3A_332 = arith.constant 0 : i32
        %dma_wait3A_333 = arith.constant 0 : i32
        %dma_wait3A_334 = tpu.memref_slice %arg13[%dma_wait3A_332, %dma_wait3A_333] : memref<10240x128xf32, #tpu.memory_space<vmem_shared>> -> memref<10240x128xf32, #tpu.memory_space<vmem_shared>>
        tpu.wait_indirect_dma semaphore(%run_scoped3A : memref<!tpu.dma_semaphore, #tpu.memory_space<semaphore_mem>>) src(%arg10 : memref<80x128xf32, #tpu.memory_space<vmem>>) dst(%dma_wait3A_334 : memref<10240x128xf32, #tpu.memory_space<vmem_shared>>)
        tpu.yield
      }) : () -> ()
      %add3A_288 = arith.constant 2 : i32
      %add3A_289 = arith.addi %mul3A_262, %add3A_288 : i32
      %mul3A_290 = arith.constant 80 : i32
      %mul3A_291 = arith.muli %add3A_289, %mul3A_290 : i32
      %add3A_292 = arith.addi %mul3A_10, %mul3A_291 : i32
      %dma_start3A_293 = tpu.memref_slice %arg4[%add3A_292] : memref<322560xi32, #tpu.memory_space<hbm>> -> memref<80xi32, #tpu.memory_space<hbm>>
      %dma_start3A_294 = tpu.memref_slice %arg4[%add3A_292] : memref<322560xi32, #tpu.memory_space<hbm>> -> memref<80xi32, #tpu.memory_space<hbm>>
      tpu.enqueue_dma source(%dma_start3A_294 : memref<80xi32, #tpu.memory_space<hbm>>) target(%arg8 : memref<80xi32, #tpu.memory_space<vmem>>) target_semaphore(%arg18 : memref<!tpu.dma_semaphore, #tpu.memory_space<semaphore_mem>>)
      %add3A_295 = arith.constant 2 : i32
      %add3A_296 = arith.addi %mul3A_262, %add3A_295 : i32
      %mul3A_297 = arith.constant 80 : i32
      %mul3A_298 = arith.muli %add3A_296, %mul3A_297 : i32
      %add3A_299 = arith.addi %mul3A_10, %mul3A_298 : i32
      %dma_wait3A_300 = tpu.memref_slice %arg3[%add3A_299] : memref<322560xi32, #tpu.memory_space<hbm>> -> memref<80xi32, #tpu.memory_space<hbm>>
      %dma_wait3A_301 = tpu.memref_slice %arg3[%add3A_299] : memref<322560xi32, #tpu.memory_space<hbm>> -> memref<80xi32, #tpu.memory_space<hbm>>
      tpu.wait_dma2 semaphore(%arg16 : memref<!tpu.dma_semaphore, #tpu.memory_space<semaphore_mem>>) src(%dma_wait3A_301 : memref<80xi32, #tpu.memory_space<hbm>>) dst(%arg6 : memref<80xi32, #tpu.memory_space<vmem>>)
      %dma_wait3A_302 = arith.constant 0 : i32
      %dma_wait3A_303 = arith.constant 0 : i32
      %dma_wait3A_304 = tpu.memref_slice %arg2[%dma_wait3A_302, %dma_wait3A_303] : memref<10000x128xf32, #tpu.memory_space<hbm>> -> memref<10000x128xf32, #tpu.memory_space<hbm>>
      tpu.wait_indirect_dma semaphore(%arg15 : memref<!tpu.dma_semaphore, #tpu.memory_space<semaphore_mem>>) src(%dma_wait3A_304 : memref<10000x128xf32, #tpu.memory_space<hbm>>) dst(%arg11 : memref<80x128xf32, #tpu.memory_space<vmem>>)
      %dma_start3A_305 = arith.constant 0 : i32
      %dma_start3A_306 = arith.constant 0 : i32
      %dma_start3A_307 = tpu.memref_slice %arg2[%dma_start3A_305, %dma_start3A_306] : memref<10000x128xf32, #tpu.memory_space<hbm>> -> memref<10000x128xf32, #tpu.memory_space<hbm>>
      tpu.enqueue_indirect_dma source(%dma_start3A_307 : memref<10000x128xf32, #tpu.memory_space<hbm>>) target(%arg10 : memref<80x128xf32, #tpu.memory_space<vmem>>) offsets(%arg6 : memref<80xi32, #tpu.memory_space<vmem>>) semaphore(%arg14 : memref<!tpu.dma_semaphore, #tpu.memory_space<semaphore_mem>>)
      %add3A_308 = arith.constant 3 : i32
      %add3A_309 = arith.addi %mul3A_262, %add3A_308 : i32
      %mul3A_310 = arith.constant 80 : i32
      %mul3A_311 = arith.muli %add3A_309, %mul3A_310 : i32
      %add3A_312 = arith.addi %mul3A_10, %mul3A_311 : i32
      %dma_start3A_313 = tpu.memref_slice %arg3[%add3A_312] : memref<322560xi32, #tpu.memory_space<hbm>> -> memref<80xi32, #tpu.memory_space<hbm>>
      %dma_start3A_314 = tpu.memref_slice %arg3[%add3A_312] : memref<322560xi32, #tpu.memory_space<hbm>> -> memref<80xi32, #tpu.memory_space<hbm>>
      tpu.enqueue_dma source(%dma_start3A_314 : memref<80xi32, #tpu.memory_space<hbm>>) target(%arg7 : memref<80xi32, #tpu.memory_space<vmem>>) target_semaphore(%arg17 : memref<!tpu.dma_semaphore, #tpu.memory_space<semaphore_mem>>)
      %add3A_315 = arith.constant 1 : i32
      %add3A_316 = arith.addi %mul3A_262, %add3A_315 : i32
      %mul3A_317 = arith.constant 80 : i32
      %mul3A_318 = arith.muli %add3A_316, %mul3A_317 : i32
      %add3A_319 = arith.addi %mul3A_10, %mul3A_318 : i32
      %dma_wait3A_320 = tpu.memref_slice %arg4[%add3A_319] : memref<322560xi32, #tpu.memory_space<hbm>> -> memref<80xi32, #tpu.memory_space<hbm>>
      %dma_wait3A_321 = tpu.memref_slice %arg4[%add3A_319] : memref<322560xi32, #tpu.memory_space<hbm>> -> memref<80xi32, #tpu.memory_space<hbm>>
      tpu.wait_dma2 semaphore(%arg19 : memref<!tpu.dma_semaphore, #tpu.memory_space<semaphore_mem>>) src(%dma_wait3A_321 : memref<80xi32, #tpu.memory_space<hbm>>) dst(%arg9 : memref<80xi32, #tpu.memory_space<vmem>>)
      "tpu.region"() ({
        %run_scoped3A = tpu.sem_alloc : memref<!tpu.dma_semaphore, #tpu.memory_space<semaphore_mem>>
        %dma_start3A_329 = arith.constant 0 : i32
        %dma_start3A_330 = arith.constant 0 : i32
        %dma_start3A_331 = tpu.memref_slice %arg13[%dma_start3A_329, %dma_start3A_330] : memref<10240x128xf32, #tpu.memory_space<vmem_shared>> -> memref<10240x128xf32, #tpu.memory_space<vmem_shared>>
        tpu.enqueue_indirect_dma source(%arg11 : memref<80x128xf32, #tpu.memory_space<vmem>>) target(%dma_start3A_331 : memref<10240x128xf32, #tpu.memory_space<vmem_shared>>) offsets(%arg9 : memref<80xi32, #tpu.memory_space<vmem>>) semaphore(%run_scoped3A : memref<!tpu.dma_semaphore, #tpu.memory_space<semaphore_mem>>) {add = true}
        %dma_wait3A_332 = arith.constant 0 : i32
        %dma_wait3A_333 = arith.constant 0 : i32
        %dma_wait3A_334 = tpu.memref_slice %arg13[%dma_wait3A_332, %dma_wait3A_333] : memref<10240x128xf32, #tpu.memory_space<vmem_shared>> -> memref<10240x128xf32, #tpu.memory_space<vmem_shared>>
        tpu.wait_indirect_dma semaphore(%run_scoped3A : memref<!tpu.dma_semaphore, #tpu.memory_space<semaphore_mem>>) src(%arg11 : memref<80x128xf32, #tpu.memory_space<vmem>>) dst(%dma_wait3A_334 : memref<10240x128xf32, #tpu.memory_space<vmem_shared>>)
        tpu.yield
      }) : () -> ()
      %add3A_322 = arith.constant 3 : i32
      %add3A_323 = arith.addi %mul3A_262, %add3A_322 : i32
      %mul3A_324 = arith.constant 80 : i32
      %mul3A_325 = arith.muli %add3A_323, %mul3A_324 : i32
      %add3A_326 = arith.addi %mul3A_10, %mul3A_325 : i32
      %dma_start3A_327 = tpu.memref_slice %arg4[%add3A_326] : memref<322560xi32, #tpu.memory_space<hbm>> -> memref<80xi32, #tpu.memory_space<hbm>>
      %dma_start3A_328 = tpu.memref_slice %arg4[%add3A_326] : memref<322560xi32, #tpu.memory_space<hbm>> -> memref<80xi32, #tpu.memory_space<hbm>>
      tpu.enqueue_dma source(%dma_start3A_328 : memref<80xi32, #tpu.memory_space<hbm>>) target(%arg9 : memref<80xi32, #tpu.memory_space<vmem>>) target_semaphore(%arg19 : memref<!tpu.dma_semaphore, #tpu.memory_space<semaphore_mem>>)
    }
    %sub3A_225 = arith.constant 1 : i32
    %sub3A_226 = arith.subi %select_n3A, %sub3A_225 : i32
    %mul3A_227 = arith.constant 80 : i32
    %mul3A_228 = arith.muli %sub3A_226, %mul3A_227 : i32
    %add3A_229 = arith.addi %mul3A_10, %mul3A_228 : i32
    %dma_wait3A_230 = tpu.memref_slice %arg3[%add3A_229] : memref<322560xi32, #tpu.memory_space<hbm>> -> memref<80xi32, #tpu.memory_space<hbm>>
    %dma_wait3A_231 = tpu.memref_slice %arg3[%add3A_229] : memref<322560xi32, #tpu.memory_space<hbm>> -> memref<80xi32, #tpu.memory_space<hbm>>
    tpu.wait_dma2 semaphore(%arg17 : memref<!tpu.dma_semaphore, #tpu.memory_space<semaphore_mem>>) src(%dma_wait3A_231 : memref<80xi32, #tpu.memory_space<hbm>>) dst(%arg7 : memref<80xi32, #tpu.memory_space<vmem>>)
    %dma_wait3A_232 = arith.constant 0 : i32
    %dma_wait3A_233 = arith.constant 0 : i32
    %dma_wait3A_234 = tpu.memref_slice %arg2[%dma_wait3A_232, %dma_wait3A_233] : memref<10000x128xf32, #tpu.memory_space<hbm>> -> memref<10000x128xf32, #tpu.memory_space<hbm>>
    tpu.wait_indirect_dma semaphore(%arg14 : memref<!tpu.dma_semaphore, #tpu.memory_space<semaphore_mem>>) src(%dma_wait3A_234 : memref<10000x128xf32, #tpu.memory_space<hbm>>) dst(%arg10 : memref<80x128xf32, #tpu.memory_space<vmem>>)
    %dma_start3A_235 = arith.constant 0 : i32
    %dma_start3A_236 = arith.constant 0 : i32
    %dma_start3A_237 = tpu.memref_slice %arg2[%dma_start3A_235, %dma_start3A_236] : memref<10000x128xf32, #tpu.memory_space<hbm>> -> memref<10000x128xf32, #tpu.memory_space<hbm>>
    tpu.enqueue_indirect_dma source(%dma_start3A_237 : memref<10000x128xf32, #tpu.memory_space<hbm>>) target(%arg11 : memref<80x128xf32, #tpu.memory_space<vmem>>) offsets(%arg7 : memref<80xi32, #tpu.memory_space<vmem>>) semaphore(%arg15 : memref<!tpu.dma_semaphore, #tpu.memory_space<semaphore_mem>>)
    %sub3A_238 = arith.constant 2 : i32
    %sub3A_239 = arith.subi %select_n3A, %sub3A_238 : i32
    %mul3A_240 = arith.constant 80 : i32
    %mul3A_241 = arith.muli %sub3A_239, %mul3A_240 : i32
    %add3A_242 = arith.addi %mul3A_10, %mul3A_241 : i32
    %dma_wait3A_243 = tpu.memref_slice %arg4[%add3A_242] : memref<322560xi32, #tpu.memory_space<hbm>> -> memref<80xi32, #tpu.memory_space<hbm>>
    %dma_wait3A_244 = tpu.memref_slice %arg4[%add3A_242] : memref<322560xi32, #tpu.memory_space<hbm>> -> memref<80xi32, #tpu.memory_space<hbm>>
    tpu.wait_dma2 semaphore(%arg18 : memref<!tpu.dma_semaphore, #tpu.memory_space<semaphore_mem>>) src(%dma_wait3A_244 : memref<80xi32, #tpu.memory_space<hbm>>) dst(%arg8 : memref<80xi32, #tpu.memory_space<vmem>>)
    "tpu.region"() ({
      %run_scoped3A = tpu.sem_alloc : memref<!tpu.dma_semaphore, #tpu.memory_space<semaphore_mem>>
      %dma_start3A_260 = arith.constant 0 : i32
      %dma_start3A_261 = arith.constant 0 : i32
      %dma_start3A_262 = tpu.memref_slice %arg13[%dma_start3A_260, %dma_start3A_261] : memref<10240x128xf32, #tpu.memory_space<vmem_shared>> -> memref<10240x128xf32, #tpu.memory_space<vmem_shared>>
      tpu.enqueue_indirect_dma source(%arg10 : memref<80x128xf32, #tpu.memory_space<vmem>>) target(%dma_start3A_262 : memref<10240x128xf32, #tpu.memory_space<vmem_shared>>) offsets(%arg8 : memref<80xi32, #tpu.memory_space<vmem>>) semaphore(%run_scoped3A : memref<!tpu.dma_semaphore, #tpu.memory_space<semaphore_mem>>) {add = true}
      %dma_wait3A_263 = arith.constant 0 : i32
      %dma_wait3A_264 = arith.constant 0 : i32
      %dma_wait3A_265 = tpu.memref_slice %arg13[%dma_wait3A_263, %dma_wait3A_264] : memref<10240x128xf32, #tpu.memory_space<vmem_shared>> -> memref<10240x128xf32, #tpu.memory_space<vmem_shared>>
      tpu.wait_indirect_dma semaphore(%run_scoped3A : memref<!tpu.dma_semaphore, #tpu.memory_space<semaphore_mem>>) src(%arg10 : memref<80x128xf32, #tpu.memory_space<vmem>>) dst(%dma_wait3A_265 : memref<10240x128xf32, #tpu.memory_space<vmem_shared>>)
      tpu.yield
    }) : () -> ()
    %dma_wait3A_245 = arith.constant 0 : i32
    %dma_wait3A_246 = arith.constant 0 : i32
    %dma_wait3A_247 = tpu.memref_slice %arg2[%dma_wait3A_245, %dma_wait3A_246] : memref<10000x128xf32, #tpu.memory_space<hbm>> -> memref<10000x128xf32, #tpu.memory_space<hbm>>
    tpu.wait_indirect_dma semaphore(%arg15 : memref<!tpu.dma_semaphore, #tpu.memory_space<semaphore_mem>>) src(%dma_wait3A_247 : memref<10000x128xf32, #tpu.memory_space<hbm>>) dst(%arg11 : memref<80x128xf32, #tpu.memory_space<vmem>>)
    %sub3A_248 = arith.constant 1 : i32
    %sub3A_249 = arith.subi %select_n3A, %sub3A_248 : i32
    %mul3A_250 = arith.constant 80 : i32
    %mul3A_251 = arith.muli %sub3A_249, %mul3A_250 : i32
    %add3A_252 = arith.addi %mul3A_10, %mul3A_251 : i32
    %dma_wait3A_253 = tpu.memref_slice %arg4[%add3A_252] : memref<322560xi32, #tpu.memory_space<hbm>> -> memref<80xi32, #tpu.memory_space<hbm>>
    %dma_wait3A_254 = tpu.memref_slice %arg4[%add3A_252] : memref<322560xi32, #tpu.memory_space<hbm>> -> memref<80xi32, #tpu.memory_space<hbm>>
    tpu.wait_dma2 semaphore(%arg19 : memref<!tpu.dma_semaphore, #tpu.memory_space<semaphore_mem>>) src(%dma_wait3A_254 : memref<80xi32, #tpu.memory_space<hbm>>) dst(%arg9 : memref<80xi32, #tpu.memory_space<vmem>>)
    "tpu.region"() ({
      %run_scoped3A = tpu.sem_alloc : memref<!tpu.dma_semaphore, #tpu.memory_space<semaphore_mem>>
      %dma_start3A_260 = arith.constant 0 : i32
      %dma_start3A_261 = arith.constant 0 : i32
      %dma_start3A_262 = tpu.memref_slice %arg13[%dma_start3A_260, %dma_start3A_261] : memref<10240x128xf32, #tpu.memory_space<vmem_shared>> -> memref<10240x128xf32, #tpu.memory_space<vmem_shared>>
      tpu.enqueue_indirect_dma source(%arg11 : memref<80x128xf32, #tpu.memory_space<vmem>>) target(%dma_start3A_262 : memref<10240x128xf32, #tpu.memory_space<vmem_shared>>) offsets(%arg9 : memref<80xi32, #tpu.memory_space<vmem>>) semaphore(%run_scoped3A : memref<!tpu.dma_semaphore, #tpu.memory_space<semaphore_mem>>) {add = true}
      %dma_wait3A_263 = arith.constant 0 : i32
      %dma_wait3A_264 = arith.constant 0 : i32
      %dma_wait3A_265 = tpu.memref_slice %arg13[%dma_wait3A_263, %dma_wait3A_264] : memref<10240x128xf32, #tpu.memory_space<vmem_shared>> -> memref<10240x128xf32, #tpu.memory_space<vmem_shared>>
      tpu.wait_indirect_dma semaphore(%run_scoped3A : memref<!tpu.dma_semaphore, #tpu.memory_space<semaphore_mem>>) src(%arg11 : memref<80x128xf32, #tpu.memory_space<vmem>>) dst(%dma_wait3A_265 : memref<10240x128xf32, #tpu.memory_space<vmem_shared>>)
      tpu.yield
    }) : () -> ()
    %barrier3A_255 = arith.constant 0 : index
    tpu.barrier barrier_id(%barrier3A_255)
    %mul3A_256 = arith.constant 640 : i32
    %mul3A_257 = arith.muli %arg1, %mul3A_256 : i32
    %mul3A_258 = arith.constant 640 : i32
    %mul3A_259 = arith.muli %arg1, %mul3A_258 : i32
    "tpu.region"() ({
      %run_scoped3A = tpu.sem_alloc : memref<!tpu.dma_semaphore, #tpu.memory_space<semaphore_mem>>
      %dma_start3A_260 = arith.constant 0 : i32
      %dma_start3A_261 = tpu.memref_slice %arg5[%arg0, %mul3A_259, %dma_start3A_260] : memref<2x10240x128xf32, #tpu.memory_space<hbm>> -> memref<1x640x128xf32, #tpu.memory_space<hbm>>
      %dma_start3A_262 = tpu.memref_squeeze %dma_start3A_261 : memref<1x640x128xf32, #tpu.memory_space<hbm>> -> memref<640x128xf32, #tpu.memory_space<hbm>>
      %dma_start3A_263 = arith.constant 0 : i32
      %dma_start3A_264 = tpu.memref_slice %arg13[%mul3A_257, %dma_start3A_263] : memref<10240x128xf32, #tpu.memory_space<vmem_shared>> -> memref<640x128xf32, #tpu.memory_space<vmem_shared>>
      tpu.enqueue_dma source(%dma_start3A_264 : memref<640x128xf32, #tpu.memory_space<vmem_shared>>) target(%dma_start3A_262 : memref<640x128xf32, #tpu.memory_space<hbm>>) target_semaphore(%run_scoped3A : memref<!tpu.dma_semaphore, #tpu.memory_space<semaphore_mem>>)
      %dma_wait3A_265 = arith.constant 0 : i32
      %dma_wait3A_266 = tpu.memref_slice %arg5[%arg0, %mul3A_259, %dma_wait3A_265] : memref<2x10240x128xf32, #tpu.memory_space<hbm>> -> memref<1x640x128xf32, #tpu.memory_space<hbm>>
      %dma_wait3A_267 = tpu.memref_squeeze %dma_wait3A_266 : memref<1x640x128xf32, #tpu.memory_space<hbm>> -> memref<640x128xf32, #tpu.memory_space<hbm>>
      %dma_wait3A_268 = arith.constant 0 : i32
      %dma_wait3A_269 = tpu.memref_slice %arg13[%mul3A_257, %dma_wait3A_268] : memref<10240x128xf32, #tpu.memory_space<vmem_shared>> -> memref<640x128xf32, #tpu.memory_space<vmem_shared>>
      tpu.wait_dma2 semaphore(%run_scoped3A : memref<!tpu.dma_semaphore, #tpu.memory_space<semaphore_mem>>) src(%dma_wait3A_269 : memref<640x128xf32, #tpu.memory_space<vmem_shared>>) dst(%dma_wait3A_267 : memref<640x128xf32, #tpu.memory_space<hbm>>)
      tpu.yield
    }) : () -> ()
    return
  }
}

#map = affine_map<(d0, d1) -> (0, 0)>
#map1 = affine_map<(d0, d1) -> (0)>
#map2 = affine_map<(d0, d1) -> (0, 0, 0)>
module attributes {stable_mosaic.version = 14 : i64} {
  func.func @_agg_body(%arg0: i32, %arg1: i32, %arg2: memref<10000x128xf32, #tpu.memory_space<hbm>>, %arg3: memref<322560xi32, #tpu.memory_space<hbm>>, %arg4: memref<322560xi32, #tpu.memory_space<hbm>>, %arg5: memref<2x10240x128xf32, #tpu.memory_space<hbm>>, %arg6: memref<80xi32, #tpu.memory_space<vmem>>, %arg7: memref<80xi32, #tpu.memory_space<vmem>>, %arg8: memref<80xi32, #tpu.memory_space<vmem>>, %arg9: memref<80xi32, #tpu.memory_space<vmem>>, %arg10: memref<80x128xf32, #tpu.memory_space<vmem>>, %arg11: memref<80x128xf32, #tpu.memory_space<vmem>>, %arg12: memref<16x128xf32, #tpu.memory_space<vmem>>, %arg13: memref<10240x128xf32, #tpu.memory_space<vmem_shared>>, %arg14: memref<!tpu.dma_semaphore, #tpu.memory_space<semaphore_mem>>, %arg15: memref<!tpu.dma_semaphore, #tpu.memory_space<semaphore_mem>>, %arg16: memref<!tpu.dma_semaphore, #tpu.memory_space<semaphore_mem>>, %arg17: memref<!tpu.dma_semaphore, #tpu.memory_space<semaphore_mem>>, %arg18: memref<!tpu.dma_semaphore, #tpu.memory_space<semaphore_mem>>, %arg19: memref<!tpu.dma_semaphore, #tpu.memory_space<semaphore_mem>>) attributes {dimension_semantics = [#tpu.dimension_semantics<core_parallel>, #tpu.dimension_semantics<subcore_parallel>], iteration_bounds = array<i64: 2, 16>, scalar_prefetch = 0 : i64, scratch_operands = 14 : i64, tpu.core_type = #tpu.core_type<sc_vector_subcore>, window_params = [{transform_indices = #map}, {transform_indices = #map1}, {transform_indices = #map1}, {transform_indices = #map2}]} {
    %eq3A = arith.constant 0 : i32
    %eq3A_0 = arith.cmpi eq, %arg0, %eq3A : i32
    %jit3A = arith.constant 98 : i32
    %jit3A_1 = arith.constant 154 : i32
    %select_n3A = arith.select %eq3A_0, %jit3A, %jit3A_1 : i32
    %eq3A_2 = arith.constant 0 : i32
    %eq3A_3 = arith.cmpi eq, %arg0, %eq3A_2 : i32
    %mul3A = arith.constant 98 : i32
    %mul3A_4 = arith.muli %arg1, %mul3A : i32
    %mul3A_5 = arith.constant 154 : i32
    %mul3A_6 = arith.muli %arg1, %mul3A_5 : i32
    %add3A = arith.constant 1568 : i32
    %add3A_7 = arith.addi %add3A, %mul3A_6 : i32
    %select_n3A_8 = arith.select %eq3A_3, %mul3A_4, %add3A_7 : i32
    %mul3A_9 = arith.constant 80 : i32
    %mul3A_10 = arith.muli %select_n3A_8, %mul3A_9 : i32
    %add3A_11 = arith.constant 0 : i32
    %add3A_12 = arith.addi %mul3A_10, %add3A_11 : i32
    %dma_start3A = tpu.memref_slice %arg3[%add3A_12] : memref<322560xi32, #tpu.memory_space<hbm>> -> memref<80xi32, #tpu.memory_space<hbm>>
    %dma_start3A_13 = tpu.memref_slice %arg3[%add3A_12] : memref<322560xi32, #tpu.memory_space<hbm>> -> memref<80xi32, #tpu.memory_space<hbm>>
    tpu.enqueue_dma source(%dma_start3A_13 : memref<80xi32, #tpu.memory_space<hbm>>) target(%arg6 : memref<80xi32, #tpu.memory_space<vmem>>) target_semaphore(%arg16 : memref<!tpu.dma_semaphore, #tpu.memory_space<semaphore_mem>>)
    %add3A_14 = arith.constant 0 : i32
    %add3A_15 = arith.addi %mul3A_10, %add3A_14 : i32
    %dma_start3A_16 = tpu.memref_slice %arg4[%add3A_15] : memref<322560xi32, #tpu.memory_space<hbm>> -> memref<80xi32, #tpu.memory_space<hbm>>
    %dma_start3A_17 = tpu.memref_slice %arg4[%add3A_15] : memref<322560xi32, #tpu.memory_space<hbm>> -> memref<80xi32, #tpu.memory_space<hbm>>
    tpu.enqueue_dma source(%dma_start3A_17 : memref<80xi32, #tpu.memory_space<hbm>>) target(%arg8 : memref<80xi32, #tpu.memory_space<vmem>>) target_semaphore(%arg18 : memref<!tpu.dma_semaphore, #tpu.memory_space<semaphore_mem>>)
    %broadcast_in_dim3A = arith.constant 0.000000e+00 : f32
    %broadcast_in_dim3A_18 = vector.broadcast %broadcast_in_dim3A : f32 to vector<16xf32>
    %scan3A = arith.constant 0 : i32
    %scan3A_19 = arith.constant 16 : i32
    %scan3A_20 = arith.addi %scan3A, %scan3A_19 : i32
    %scan3A_21 = arith.constant 1 : i32
    scf.for %scan3A_260 = %scan3A to %scan3A_20 step %scan3A_21  : i32 {
      %swap3A = arith.index_cast %scan3A_260 : i32 to index
      %swap3A_261 = arith.constant 0 : index
      %swap3A_262 = tpu.vector_load %arg12[%swap3A, %swap3A_261] {strides = array<i32>} : memref<16x128xf32, #tpu.memory_space<vmem>>, vector<1x16xf32>,
      %swap3A_263 = vector.shape_cast %swap3A_262 : vector<1x16xf32> to vector<16xf32>
      %swap3A_264 = vector.shape_cast %broadcast_in_dim3A_18 : vector<16xf32> to vector<1x16xf32>
      tpu.vector_store %arg12[%swap3A, %swap3A_261], %swap3A_264 {strides = array<i32>} : memref<16x128xf32, #tpu.memory_space<vmem>>, vector<1x16xf32>,
      %swap3A_265 = arith.index_cast %scan3A_260 : i32 to index
      %swap3A_266 = arith.constant 16 : index
      %swap3A_267 = tpu.vector_load %arg12[%swap3A_265, %swap3A_266] {strides = array<i32>} : memref<16x128xf32, #tpu.memory_space<vmem>>, vector<1x16xf32>,
      %swap3A_268 = vector.shape_cast %swap3A_267 : vector<1x16xf32> to vector<16xf32>
      %swap3A_269 = vector.shape_cast %broadcast_in_dim3A_18 : vector<16xf32> to vector<1x16xf32>
      tpu.vector_store %arg12[%swap3A_265, %swap3A_266], %swap3A_269 {strides = array<i32>} : memref<16x128xf32, #tpu.memory_space<vmem>>, vector<1x16xf32>,
      %swap3A_270 = arith.index_cast %scan3A_260 : i32 to index
      %swap3A_271 = arith.constant 32 : index
      %swap3A_272 = tpu.vector_load %arg12[%swap3A_270, %swap3A_271] {strides = array<i32>} : memref<16x128xf32, #tpu.memory_space<vmem>>, vector<1x16xf32>,
      %swap3A_273 = vector.shape_cast %swap3A_272 : vector<1x16xf32> to vector<16xf32>
      %swap3A_274 = vector.shape_cast %broadcast_in_dim3A_18 : vector<16xf32> to vector<1x16xf32>
      tpu.vector_store %arg12[%swap3A_270, %swap3A_271], %swap3A_274 {strides = array<i32>} : memref<16x128xf32, #tpu.memory_space<vmem>>, vector<1x16xf32>,
      %swap3A_275 = arith.index_cast %scan3A_260 : i32 to index
      %swap3A_276 = arith.constant 48 : index
      %swap3A_277 = tpu.vector_load %arg12[%swap3A_275, %swap3A_276] {strides = array<i32>} : memref<16x128xf32, #tpu.memory_space<vmem>>, vector<1x16xf32>,
      %swap3A_278 = vector.shape_cast %swap3A_277 : vector<1x16xf32> to vector<16xf32>
      %swap3A_279 = vector.shape_cast %broadcast_in_dim3A_18 : vector<16xf32> to vector<1x16xf32>
      tpu.vector_store %arg12[%swap3A_275, %swap3A_276], %swap3A_279 {strides = array<i32>} : memref<16x128xf32, #tpu.memory_space<vmem>>, vector<1x16xf32>,
      %swap3A_280 = arith.index_cast %scan3A_260 : i32 to index
      %swap3A_281 = arith.constant 64 : index
      %swap3A_282 = tpu.vector_load %arg12[%swap3A_280, %swap3A_281] {strides = array<i32>} : memref<16x128xf32, #tpu.memory_space<vmem>>, vector<1x16xf32>,
      %swap3A_283 = vector.shape_cast %swap3A_282 : vector<1x16xf32> to vector<16xf32>
      %swap3A_284 = vector.shape_cast %broadcast_in_dim3A_18 : vector<16xf32> to vector<1x16xf32>
      tpu.vector_store %arg12[%swap3A_280, %swap3A_281], %swap3A_284 {strides = array<i32>} : memref<16x128xf32, #tpu.memory_space<vmem>>, vector<1x16xf32>,
      %swap3A_285 = arith.index_cast %scan3A_260 : i32 to index
      %swap3A_286 = arith.constant 80 : index
      %swap3A_287 = tpu.vector_load %arg12[%swap3A_285, %swap3A_286] {strides = array<i32>} : memref<16x128xf32, #tpu.memory_space<vmem>>, vector<1x16xf32>,
      %swap3A_288 = vector.shape_cast %swap3A_287 : vector<1x16xf32> to vector<16xf32>
      %swap3A_289 = vector.shape_cast %broadcast_in_dim3A_18 : vector<16xf32> to vector<1x16xf32>
      tpu.vector_store %arg12[%swap3A_285, %swap3A_286], %swap3A_289 {strides = array<i32>} : memref<16x128xf32, #tpu.memory_space<vmem>>, vector<1x16xf32>,
      %swap3A_290 = arith.index_cast %scan3A_260 : i32 to index
      %swap3A_291 = arith.constant 96 : index
      %swap3A_292 = tpu.vector_load %arg12[%swap3A_290, %swap3A_291] {strides = array<i32>} : memref<16x128xf32, #tpu.memory_space<vmem>>, vector<1x16xf32>,
      %swap3A_293 = vector.shape_cast %swap3A_292 : vector<1x16xf32> to vector<16xf32>
      %swap3A_294 = vector.shape_cast %broadcast_in_dim3A_18 : vector<16xf32> to vector<1x16xf32>
      tpu.vector_store %arg12[%swap3A_290, %swap3A_291], %swap3A_294 {strides = array<i32>} : memref<16x128xf32, #tpu.memory_space<vmem>>, vector<1x16xf32>,
      %swap3A_295 = arith.index_cast %scan3A_260 : i32 to index
      %swap3A_296 = arith.constant 112 : index
      %swap3A_297 = tpu.vector_load %arg12[%swap3A_295, %swap3A_296] {strides = array<i32>} : memref<16x128xf32, #tpu.memory_space<vmem>>, vector<1x16xf32>,
      %swap3A_298 = vector.shape_cast %swap3A_297 : vector<1x16xf32> to vector<16xf32>
      %swap3A_299 = vector.shape_cast %broadcast_in_dim3A_18 : vector<16xf32> to vector<1x16xf32>
      tpu.vector_store %arg12[%swap3A_295, %swap3A_296], %swap3A_299 {strides = array<i32>} : memref<16x128xf32, #tpu.memory_space<vmem>>, vector<1x16xf32>,
    }
    %scan3A_22 = arith.constant 16 : i32
    %add3A_23 = arith.constant 0 : i32
    %add3A_24 = arith.addi %mul3A_10, %add3A_23 : i32
    %dma_wait3A = tpu.memref_slice %arg3[%add3A_24] : memref<322560xi32, #tpu.memory_space<hbm>> -> memref<80xi32, #tpu.memory_space<hbm>>
    %dma_wait3A_25 = tpu.memref_slice %arg3[%add3A_24] : memref<322560xi32, #tpu.memory_space<hbm>> -> memref<80xi32, #tpu.memory_space<hbm>>
    tpu.wait_dma2 semaphore(%arg16 : memref<!tpu.dma_semaphore, #tpu.memory_space<semaphore_mem>>) src(%dma_wait3A_25 : memref<80xi32, #tpu.memory_space<hbm>>) dst(%arg6 : memref<80xi32, #tpu.memory_space<vmem>>)
    %dma_start3A_26 = arith.constant 0 : i32
    %dma_start3A_27 = arith.constant 0 : i32
    %dma_start3A_28 = tpu.memref_slice %arg2[%dma_start3A_26, %dma_start3A_27] : memref<10000x128xf32, #tpu.memory_space<hbm>> -> memref<10000x128xf32, #tpu.memory_space<hbm>>
    tpu.enqueue_indirect_dma source(%dma_start3A_28 : memref<10000x128xf32, #tpu.memory_space<hbm>>) target(%arg10 : memref<80x128xf32, #tpu.memory_space<vmem>>) offsets(%arg6 : memref<80xi32, #tpu.memory_space<vmem>>) semaphore(%arg14 : memref<!tpu.dma_semaphore, #tpu.memory_space<semaphore_mem>>)
    %add3A_29 = arith.constant 80 : i32
    %add3A_30 = arith.addi %mul3A_10, %add3A_29 : i32
    %dma_start3A_31 = tpu.memref_slice %arg3[%add3A_30] : memref<322560xi32, #tpu.memory_space<hbm>> -> memref<80xi32, #tpu.memory_space<hbm>>
    %dma_start3A_32 = tpu.memref_slice %arg3[%add3A_30] : memref<322560xi32, #tpu.memory_space<hbm>> -> memref<80xi32, #tpu.memory_space<hbm>>
    tpu.enqueue_dma source(%dma_start3A_32 : memref<80xi32, #tpu.memory_space<hbm>>) target(%arg7 : memref<80xi32, #tpu.memory_space<vmem>>) target_semaphore(%arg17 : memref<!tpu.dma_semaphore, #tpu.memory_space<semaphore_mem>>)
    %add3A_33 = arith.constant 80 : i32
    %add3A_34 = arith.addi %mul3A_10, %add3A_33 : i32
    %dma_start3A_35 = tpu.memref_slice %arg4[%add3A_34] : memref<322560xi32, #tpu.memory_space<hbm>> -> memref<80xi32, #tpu.memory_space<hbm>>
    %dma_start3A_36 = tpu.memref_slice %arg4[%add3A_34] : memref<322560xi32, #tpu.memory_space<hbm>> -> memref<80xi32, #tpu.memory_space<hbm>>
    tpu.enqueue_dma source(%dma_start3A_36 : memref<80xi32, #tpu.memory_space<hbm>>) target(%arg9 : memref<80xi32, #tpu.memory_space<vmem>>) target_semaphore(%arg19 : memref<!tpu.dma_semaphore, #tpu.memory_space<semaphore_mem>>)
    %mul3A_37 = arith.constant 640 : i32
    %mul3A_38 = arith.muli %arg1, %mul3A_37 : i32
    %add3A_39 = arith.constant 0 : i32
    %add3A_40 = arith.addi %mul3A_38, %add3A_39 : i32
    "tpu.region"() ({
      %run_scoped3A = tpu.sem_alloc : memref<!tpu.dma_semaphore, #tpu.memory_space<semaphore_mem>>
      %dma_start3A_260 = arith.constant 0 : i32
      %dma_start3A_261 = tpu.memref_slice %arg13[%add3A_40, %dma_start3A_260] : memref<10240x128xf32, #tpu.memory_space<vmem_shared>> -> memref<16x128xf32, #tpu.memory_space<vmem_shared>>
      %dma_start3A_262 = arith.constant 0 : i32
      %dma_start3A_263 = tpu.memref_slice %arg13[%add3A_40, %dma_start3A_262] : memref<10240x128xf32, #tpu.memory_space<vmem_shared>> -> memref<16x128xf32, #tpu.memory_space<vmem_shared>>
      tpu.enqueue_dma source(%arg12 : memref<16x128xf32, #tpu.memory_space<vmem>>) target(%dma_start3A_263 : memref<16x128xf32, #tpu.memory_space<vmem_shared>>) target_semaphore(%run_scoped3A : memref<!tpu.dma_semaphore, #tpu.memory_space<semaphore_mem>>)
      %dma_wait3A_264 = arith.constant 0 : i32
      %dma_wait3A_265 = tpu.memref_slice %arg13[%add3A_40, %dma_wait3A_264] : memref<10240x128xf32, #tpu.memory_space<vmem_shared>> -> memref<16x128xf32, #tpu.memory_space<vmem_shared>>
      %dma_wait3A_266 = arith.constant 0 : i32
      %dma_wait3A_267 = tpu.memref_slice %arg13[%add3A_40, %dma_wait3A_266] : memref<10240x128xf32, #tpu.memory_space<vmem_shared>> -> memref<16x128xf32, #tpu.memory_space<vmem_shared>>
      tpu.wait_dma2 semaphore(%run_scoped3A : memref<!tpu.dma_semaphore, #tpu.memory_space<semaphore_mem>>) src(%arg12 : memref<16x128xf32, #tpu.memory_space<vmem>>) dst(%dma_wait3A_267 : memref<16x128xf32, #tpu.memory_space<vmem_shared>>)
      tpu.yield
    }) : () -> ()
    %mul3A_41 = arith.constant 640 : i32
    %mul3A_42 = arith.muli %arg1, %mul3A_41 : i32
    %add3A_43 = arith.constant 16 : i32
    %add3A_44 = arith.addi %mul3A_42, %add3A_43 : i32
    "tpu.region"() ({
      %run_scoped3A = tpu.sem_alloc : memref<!tpu.dma_semaphore, #tpu.memory_space<semaphore_mem>>
      %dma_start3A_260 = arith.constant 0 : i32
      %dma_start3A_261 = tpu.memref_slice %arg13[%add3A_44, %dma_start3A_260] : memref<10240x128xf32, #tpu.memory_space<vmem_shared>> -> memref<16x128xf32, #tpu.memory_space<vmem_shared>>
      %dma_start3A_262 = arith.constant 0 : i32
      %dma_start3A_263 = tpu.memref_slice %arg13[%add3A_44, %dma_start3A_262] : memref<10240x128xf32, #tpu.memory_space<vmem_shared>> -> memref<16x128xf32, #tpu.memory_space<vmem_shared>>
      tpu.enqueue_dma source(%arg12 : memref<16x128xf32, #tpu.memory_space<vmem>>) target(%dma_start3A_263 : memref<16x128xf32, #tpu.memory_space<vmem_shared>>) target_semaphore(%run_scoped3A : memref<!tpu.dma_semaphore, #tpu.memory_space<semaphore_mem>>)
      %dma_wait3A_264 = arith.constant 0 : i32
      %dma_wait3A_265 = tpu.memref_slice %arg13[%add3A_44, %dma_wait3A_264] : memref<10240x128xf32, #tpu.memory_space<vmem_shared>> -> memref<16x128xf32, #tpu.memory_space<vmem_shared>>
      %dma_wait3A_266 = arith.constant 0 : i32
      %dma_wait3A_267 = tpu.memref_slice %arg13[%add3A_44, %dma_wait3A_266] : memref<10240x128xf32, #tpu.memory_space<vmem_shared>> -> memref<16x128xf32, #tpu.memory_space<vmem_shared>>
      tpu.wait_dma2 semaphore(%run_scoped3A : memref<!tpu.dma_semaphore, #tpu.memory_space<semaphore_mem>>) src(%arg12 : memref<16x128xf32, #tpu.memory_space<vmem>>) dst(%dma_wait3A_267 : memref<16x128xf32, #tpu.memory_space<vmem_shared>>)
      tpu.yield
    }) : () -> ()
    %mul3A_45 = arith.constant 640 : i32
    %mul3A_46 = arith.muli %arg1, %mul3A_45 : i32
    %add3A_47 = arith.constant 32 : i32
    %add3A_48 = arith.addi %mul3A_46, %add3A_47 : i32
    "tpu.region"() ({
      %run_scoped3A = tpu.sem_alloc : memref<!tpu.dma_semaphore, #tpu.memory_space<semaphore_mem>>
      %dma_start3A_260 = arith.constant 0 : i32
      %dma_start3A_261 = tpu.memref_slice %arg13[%add3A_48, %dma_start3A_260] : memref<10240x128xf32, #tpu.memory_space<vmem_shared>> -> memref<16x128xf32, #tpu.memory_space<vmem_shared>>
      %dma_start3A_262 = arith.constant 0 : i32
      %dma_start3A_263 = tpu.memref_slice %arg13[%add3A_48, %dma_start3A_262] : memref<10240x128xf32, #tpu.memory_space<vmem_shared>> -> memref<16x128xf32, #tpu.memory_space<vmem_shared>>
      tpu.enqueue_dma source(%arg12 : memref<16x128xf32, #tpu.memory_space<vmem>>) target(%dma_start3A_263 : memref<16x128xf32, #tpu.memory_space<vmem_shared>>) target_semaphore(%run_scoped3A : memref<!tpu.dma_semaphore, #tpu.memory_space<semaphore_mem>>)
      %dma_wait3A_264 = arith.constant 0 : i32
      %dma_wait3A_265 = tpu.memref_slice %arg13[%add3A_48, %dma_wait3A_264] : memref<10240x128xf32, #tpu.memory_space<vmem_shared>> -> memref<16x128xf32, #tpu.memory_space<vmem_shared>>
      %dma_wait3A_266 = arith.constant 0 : i32
      %dma_wait3A_267 = tpu.memref_slice %arg13[%add3A_48, %dma_wait3A_266] : memref<10240x128xf32, #tpu.memory_space<vmem_shared>> -> memref<16x128xf32, #tpu.memory_space<vmem_shared>>
      tpu.wait_dma2 semaphore(%run_scoped3A : memref<!tpu.dma_semaphore, #tpu.memory_space<semaphore_mem>>) src(%arg12 : memref<16x128xf32, #tpu.memory_space<vmem>>) dst(%dma_wait3A_267 : memref<16x128xf32, #tpu.memory_space<vmem_shared>>)
      tpu.yield
    }) : () -> ()
    %mul3A_49 = arith.constant 640 : i32
    %mul3A_50 = arith.muli %arg1, %mul3A_49 : i32
    %add3A_51 = arith.constant 48 : i32
    %add3A_52 = arith.addi %mul3A_50, %add3A_51 : i32
    "tpu.region"() ({
      %run_scoped3A = tpu.sem_alloc : memref<!tpu.dma_semaphore, #tpu.memory_space<semaphore_mem>>
      %dma_start3A_260 = arith.constant 0 : i32
      %dma_start3A_261 = tpu.memref_slice %arg13[%add3A_52, %dma_start3A_260] : memref<10240x128xf32, #tpu.memory_space<vmem_shared>> -> memref<16x128xf32, #tpu.memory_space<vmem_shared>>
      %dma_start3A_262 = arith.constant 0 : i32
      %dma_start3A_263 = tpu.memref_slice %arg13[%add3A_52, %dma_start3A_262] : memref<10240x128xf32, #tpu.memory_space<vmem_shared>> -> memref<16x128xf32, #tpu.memory_space<vmem_shared>>
      tpu.enqueue_dma source(%arg12 : memref<16x128xf32, #tpu.memory_space<vmem>>) target(%dma_start3A_263 : memref<16x128xf32, #tpu.memory_space<vmem_shared>>) target_semaphore(%run_scoped3A : memref<!tpu.dma_semaphore, #tpu.memory_space<semaphore_mem>>)
      %dma_wait3A_264 = arith.constant 0 : i32
      %dma_wait3A_265 = tpu.memref_slice %arg13[%add3A_52, %dma_wait3A_264] : memref<10240x128xf32, #tpu.memory_space<vmem_shared>> -> memref<16x128xf32, #tpu.memory_space<vmem_shared>>
      %dma_wait3A_266 = arith.constant 0 : i32
      %dma_wait3A_267 = tpu.memref_slice %arg13[%add3A_52, %dma_wait3A_266] : memref<10240x128xf32, #tpu.memory_space<vmem_shared>> -> memref<16x128xf32, #tpu.memory_space<vmem_shared>>
      tpu.wait_dma2 semaphore(%run_scoped3A : memref<!tpu.dma_semaphore, #tpu.memory_space<semaphore_mem>>) src(%arg12 : memref<16x128xf32, #tpu.memory_space<vmem>>) dst(%dma_wait3A_267 : memref<16x128xf32, #tpu.memory_space<vmem_shared>>)
      tpu.yield
    }) : () -> ()
    %mul3A_53 = arith.constant 640 : i32
    %mul3A_54 = arith.muli %arg1, %mul3A_53 : i32
    %add3A_55 = arith.constant 64 : i32
    %add3A_56 = arith.addi %mul3A_54, %add3A_55 : i32
    "tpu.region"() ({
      %run_scoped3A = tpu.sem_alloc : memref<!tpu.dma_semaphore, #tpu.memory_space<semaphore_mem>>
      %dma_start3A_260 = arith.constant 0 : i32
      %dma_start3A_261 = tpu.memref_slice %arg13[%add3A_56, %dma_start3A_260] : memref<10240x128xf32, #tpu.memory_space<vmem_shared>> -> memref<16x128xf32, #tpu.memory_space<vmem_shared>>
      %dma_start3A_262 = arith.constant 0 : i32
      %dma_start3A_263 = tpu.memref_slice %arg13[%add3A_56, %dma_start3A_262] : memref<10240x128xf32, #tpu.memory_space<vmem_shared>> -> memref<16x128xf32, #tpu.memory_space<vmem_shared>>
      tpu.enqueue_dma source(%arg12 : memref<16x128xf32, #tpu.memory_space<vmem>>) target(%dma_start3A_263 : memref<16x128xf32, #tpu.memory_space<vmem_shared>>) target_semaphore(%run_scoped3A : memref<!tpu.dma_semaphore, #tpu.memory_space<semaphore_mem>>)
      %dma_wait3A_264 = arith.constant 0 : i32
      %dma_wait3A_265 = tpu.memref_slice %arg13[%add3A_56, %dma_wait3A_264] : memref<10240x128xf32, #tpu.memory_space<vmem_shared>> -> memref<16x128xf32, #tpu.memory_space<vmem_shared>>
      %dma_wait3A_266 = arith.constant 0 : i32
      %dma_wait3A_267 = tpu.memref_slice %arg13[%add3A_56, %dma_wait3A_266] : memref<10240x128xf32, #tpu.memory_space<vmem_shared>> -> memref<16x128xf32, #tpu.memory_space<vmem_shared>>
      tpu.wait_dma2 semaphore(%run_scoped3A : memref<!tpu.dma_semaphore, #tpu.memory_space<semaphore_mem>>) src(%arg12 : memref<16x128xf32, #tpu.memory_space<vmem>>) dst(%dma_wait3A_267 : memref<16x128xf32, #tpu.memory_space<vmem_shared>>)
      tpu.yield
    }) : () -> ()
    %mul3A_57 = arith.constant 640 : i32
    %mul3A_58 = arith.muli %arg1, %mul3A_57 : i32
    %add3A_59 = arith.constant 80 : i32
    %add3A_60 = arith.addi %mul3A_58, %add3A_59 : i32
    "tpu.region"() ({
      %run_scoped3A = tpu.sem_alloc : memref<!tpu.dma_semaphore, #tpu.memory_space<semaphore_mem>>
      %dma_start3A_260 = arith.constant 0 : i32
      %dma_start3A_261 = tpu.memref_slice %arg13[%add3A_60, %dma_start3A_260] : memref<10240x128xf32, #tpu.memory_space<vmem_shared>> -> memref<16x128xf32, #tpu.memory_space<vmem_shared>>
      %dma_start3A_262 = arith.constant 0 : i32
      %dma_start3A_263 = tpu.memref_slice %arg13[%add3A_60, %dma_start3A_262] : memref<10240x128xf32, #tpu.memory_space<vmem_shared>> -> memref<16x128xf32, #tpu.memory_space<vmem_shared>>
      tpu.enqueue_dma source(%arg12 : memref<16x128xf32, #tpu.memory_space<vmem>>) target(%dma_start3A_263 : memref<16x128xf32, #tpu.memory_space<vmem_shared>>) target_semaphore(%run_scoped3A : memref<!tpu.dma_semaphore, #tpu.memory_space<semaphore_mem>>)
      %dma_wait3A_264 = arith.constant 0 : i32
      %dma_wait3A_265 = tpu.memref_slice %arg13[%add3A_60, %dma_wait3A_264] : memref<10240x128xf32, #tpu.memory_space<vmem_shared>> -> memref<16x128xf32, #tpu.memory_space<vmem_shared>>
      %dma_wait3A_266 = arith.constant 0 : i32
      %dma_wait3A_267 = tpu.memref_slice %arg13[%add3A_60, %dma_wait3A_266] : memref<10240x128xf32, #tpu.memory_space<vmem_shared>> -> memref<16x128xf32, #tpu.memory_space<vmem_shared>>
      tpu.wait_dma2 semaphore(%run_scoped3A : memref<!tpu.dma_semaphore, #tpu.memory_space<semaphore_mem>>) src(%arg12 : memref<16x128xf32, #tpu.memory_space<vmem>>) dst(%dma_wait3A_267 : memref<16x128xf32, #tpu.memory_space<vmem_shared>>)
      tpu.yield
    }) : () -> ()
    %mul3A_61 = arith.constant 640 : i32
    %mul3A_62 = arith.muli %arg1, %mul3A_61 : i32
    %add3A_63 = arith.constant 96 : i32
    %add3A_64 = arith.addi %mul3A_62, %add3A_63 : i32
    "tpu.region"() ({
      %run_scoped3A = tpu.sem_alloc : memref<!tpu.dma_semaphore, #tpu.memory_space<semaphore_mem>>
      %dma_start3A_260 = arith.constant 0 : i32
      %dma_start3A_261 = tpu.memref_slice %arg13[%add3A_64, %dma_start3A_260] : memref<10240x128xf32, #tpu.memory_space<vmem_shared>> -> memref<16x128xf32, #tpu.memory_space<vmem_shared>>
      %dma_start3A_262 = arith.constant 0 : i32
      %dma_start3A_263 = tpu.memref_slice %arg13[%add3A_64, %dma_start3A_262] : memref<10240x128xf32, #tpu.memory_space<vmem_shared>> -> memref<16x128xf32, #tpu.memory_space<vmem_shared>>
      tpu.enqueue_dma source(%arg12 : memref<16x128xf32, #tpu.memory_space<vmem>>) target(%dma_start3A_263 : memref<16x128xf32, #tpu.memory_space<vmem_shared>>) target_semaphore(%run_scoped3A : memref<!tpu.dma_semaphore, #tpu.memory_space<semaphore_mem>>)
      %dma_wait3A_264 = arith.constant 0 : i32
      %dma_wait3A_265 = tpu.memref_slice %arg13[%add3A_64, %dma_wait3A_264] : memref<10240x128xf32, #tpu.memory_space<vmem_shared>> -> memref<16x128xf32, #tpu.memory_space<vmem_shared>>
      %dma_wait3A_266 = arith.constant 0 : i32
      %dma_wait3A_267 = tpu.memref_slice %arg13[%add3A_64, %dma_wait3A_266] : memref<10240x128xf32, #tpu.memory_space<vmem_shared>> -> memref<16x128xf32, #tpu.memory_space<vmem_shared>>
      tpu.wait_dma2 semaphore(%run_scoped3A : memref<!tpu.dma_semaphore, #tpu.memory_space<semaphore_mem>>) src(%arg12 : memref<16x128xf32, #tpu.memory_space<vmem>>) dst(%dma_wait3A_267 : memref<16x128xf32, #tpu.memory_space<vmem_shared>>)
      tpu.yield
    }) : () -> ()
    %mul3A_65 = arith.constant 640 : i32
    %mul3A_66 = arith.muli %arg1, %mul3A_65 : i32
    %add3A_67 = arith.constant 112 : i32
    %add3A_68 = arith.addi %mul3A_66, %add3A_67 : i32
    "tpu.region"() ({
      %run_scoped3A = tpu.sem_alloc : memref<!tpu.dma_semaphore, #tpu.memory_space<semaphore_mem>>
      %dma_start3A_260 = arith.constant 0 : i32
      %dma_start3A_261 = tpu.memref_slice %arg13[%add3A_68, %dma_start3A_260] : memref<10240x128xf32, #tpu.memory_space<vmem_shared>> -> memref<16x128xf32, #tpu.memory_space<vmem_shared>>
      %dma_start3A_262 = arith.constant 0 : i32
      %dma_start3A_263 = tpu.memref_slice %arg13[%add3A_68, %dma_start3A_262] : memref<10240x128xf32, #tpu.memory_space<vmem_shared>> -> memref<16x128xf32, #tpu.memory_space<vmem_shared>>
      tpu.enqueue_dma source(%arg12 : memref<16x128xf32, #tpu.memory_space<vmem>>) target(%dma_start3A_263 : memref<16x128xf32, #tpu.memory_space<vmem_shared>>) target_semaphore(%run_scoped3A : memref<!tpu.dma_semaphore, #tpu.memory_space<semaphore_mem>>)
      %dma_wait3A_264 = arith.constant 0 : i32
      %dma_wait3A_265 = tpu.memref_slice %arg13[%add3A_68, %dma_wait3A_264] : memref<10240x128xf32, #tpu.memory_space<vmem_shared>> -> memref<16x128xf32, #tpu.memory_space<vmem_shared>>
      %dma_wait3A_266 = arith.constant 0 : i32
      %dma_wait3A_267 = tpu.memref_slice %arg13[%add3A_68, %dma_wait3A_266] : memref<10240x128xf32, #tpu.memory_space<vmem_shared>> -> memref<16x128xf32, #tpu.memory_space<vmem_shared>>
      tpu.wait_dma2 semaphore(%run_scoped3A : memref<!tpu.dma_semaphore, #tpu.memory_space<semaphore_mem>>) src(%arg12 : memref<16x128xf32, #tpu.memory_space<vmem>>) dst(%dma_wait3A_267 : memref<16x128xf32, #tpu.memory_space<vmem_shared>>)
      tpu.yield
    }) : () -> ()
    %mul3A_69 = arith.constant 640 : i32
    %mul3A_70 = arith.muli %arg1, %mul3A_69 : i32
    %add3A_71 = arith.constant 128 : i32
    %add3A_72 = arith.addi %mul3A_70, %add3A_71 : i32
    "tpu.region"() ({
      %run_scoped3A = tpu.sem_alloc : memref<!tpu.dma_semaphore, #tpu.memory_space<semaphore_mem>>
      %dma_start3A_260 = arith.constant 0 : i32
      %dma_start3A_261 = tpu.memref_slice %arg13[%add3A_72, %dma_start3A_260] : memref<10240x128xf32, #tpu.memory_space<vmem_shared>> -> memref<16x128xf32, #tpu.memory_space<vmem_shared>>
      %dma_start3A_262 = arith.constant 0 : i32
      %dma_start3A_263 = tpu.memref_slice %arg13[%add3A_72, %dma_start3A_262] : memref<10240x128xf32, #tpu.memory_space<vmem_shared>> -> memref<16x128xf32, #tpu.memory_space<vmem_shared>>
      tpu.enqueue_dma source(%arg12 : memref<16x128xf32, #tpu.memory_space<vmem>>) target(%dma_start3A_263 : memref<16x128xf32, #tpu.memory_space<vmem_shared>>) target_semaphore(%run_scoped3A : memref<!tpu.dma_semaphore, #tpu.memory_space<semaphore_mem>>)
      %dma_wait3A_264 = arith.constant 0 : i32
      %dma_wait3A_265 = tpu.memref_slice %arg13[%add3A_72, %dma_wait3A_264] : memref<10240x128xf32, #tpu.memory_space<vmem_shared>> -> memref<16x128xf32, #tpu.memory_space<vmem_shared>>
      %dma_wait3A_266 = arith.constant 0 : i32
      %dma_wait3A_267 = tpu.memref_slice %arg13[%add3A_72, %dma_wait3A_266] : memref<10240x128xf32, #tpu.memory_space<vmem_shared>> -> memref<16x128xf32, #tpu.memory_space<vmem_shared>>
      tpu.wait_dma2 semaphore(%run_scoped3A : memref<!tpu.dma_semaphore, #tpu.memory_space<semaphore_mem>>) src(%arg12 : memref<16x128xf32, #tpu.memory_space<vmem>>) dst(%dma_wait3A_267 : memref<16x128xf32, #tpu.memory_space<vmem_shared>>)
      tpu.yield
    }) : () -> ()
    %mul3A_73 = arith.constant 640 : i32
    %mul3A_74 = arith.muli %arg1, %mul3A_73 : i32
    %add3A_75 = arith.constant 144 : i32
    %add3A_76 = arith.addi %mul3A_74, %add3A_75 : i32
    "tpu.region"() ({
      %run_scoped3A = tpu.sem_alloc : memref<!tpu.dma_semaphore, #tpu.memory_space<semaphore_mem>>
      %dma_start3A_260 = arith.constant 0 : i32
      %dma_start3A_261 = tpu.memref_slice %arg13[%add3A_76, %dma_start3A_260] : memref<10240x128xf32, #tpu.memory_space<vmem_shared>> -> memref<16x128xf32, #tpu.memory_space<vmem_shared>>
      %dma_start3A_262 = arith.constant 0 : i32
      %dma_start3A_263 = tpu.memref_slice %arg13[%add3A_76, %dma_start3A_262] : memref<10240x128xf32, #tpu.memory_space<vmem_shared>> -> memref<16x128xf32, #tpu.memory_space<vmem_shared>>
      tpu.enqueue_dma source(%arg12 : memref<16x128xf32, #tpu.memory_space<vmem>>) target(%dma_start3A_263 : memref<16x128xf32, #tpu.memory_space<vmem_shared>>) target_semaphore(%run_scoped3A : memref<!tpu.dma_semaphore, #tpu.memory_space<semaphore_mem>>)
      %dma_wait3A_264 = arith.constant 0 : i32
      %dma_wait3A_265 = tpu.memref_slice %arg13[%add3A_76, %dma_wait3A_264] : memref<10240x128xf32, #tpu.memory_space<vmem_shared>> -> memref<16x128xf32, #tpu.memory_space<vmem_shared>>
      %dma_wait3A_266 = arith.constant 0 : i32
      %dma_wait3A_267 = tpu.memref_slice %arg13[%add3A_76, %dma_wait3A_266] : memref<10240x128xf32, #tpu.memory_space<vmem_shared>> -> memref<16x128xf32, #tpu.memory_space<vmem_shared>>
      tpu.wait_dma2 semaphore(%run_scoped3A : memref<!tpu.dma_semaphore, #tpu.memory_space<semaphore_mem>>) src(%arg12 : memref<16x128xf32, #tpu.memory_space<vmem>>) dst(%dma_wait3A_267 : memref<16x128xf32, #tpu.memory_space<vmem_shared>>)
      tpu.yield
    }) : () -> ()
    %mul3A_77 = arith.constant 640 : i32
    %mul3A_78 = arith.muli %arg1, %mul3A_77 : i32
    %add3A_79 = arith.constant 160 : i32
    %add3A_80 = arith.addi %mul3A_78, %add3A_79 : i32
    "tpu.region"() ({
      %run_scoped3A = tpu.sem_alloc : memref<!tpu.dma_semaphore, #tpu.memory_space<semaphore_mem>>
      %dma_start3A_260 = arith.constant 0 : i32
      %dma_start3A_261 = tpu.memref_slice %arg13[%add3A_80, %dma_start3A_260] : memref<10240x128xf32, #tpu.memory_space<vmem_shared>> -> memref<16x128xf32, #tpu.memory_space<vmem_shared>>
      %dma_start3A_262 = arith.constant 0 : i32
      %dma_start3A_263 = tpu.memref_slice %arg13[%add3A_80, %dma_start3A_262] : memref<10240x128xf32, #tpu.memory_space<vmem_shared>> -> memref<16x128xf32, #tpu.memory_space<vmem_shared>>
      tpu.enqueue_dma source(%arg12 : memref<16x128xf32, #tpu.memory_space<vmem>>) target(%dma_start3A_263 : memref<16x128xf32, #tpu.memory_space<vmem_shared>>) target_semaphore(%run_scoped3A : memref<!tpu.dma_semaphore, #tpu.memory_space<semaphore_mem>>)
      %dma_wait3A_264 = arith.constant 0 : i32
      %dma_wait3A_265 = tpu.memref_slice %arg13[%add3A_80, %dma_wait3A_264] : memref<10240x128xf32, #tpu.memory_space<vmem_shared>> -> memref<16x128xf32, #tpu.memory_space<vmem_shared>>
      %dma_wait3A_266 = arith.constant 0 : i32
      %dma_wait3A_267 = tpu.memref_slice %arg13[%add3A_80, %dma_wait3A_266] : memref<10240x128xf32, #tpu.memory_space<vmem_shared>> -> memref<16x128xf32, #tpu.memory_space<vmem_shared>>
      tpu.wait_dma2 semaphore(%run_scoped3A : memref<!tpu.dma_semaphore, #tpu.memory_space<semaphore_mem>>) src(%arg12 : memref<16x128xf32, #tpu.memory_space<vmem>>) dst(%dma_wait3A_267 : memref<16x128xf32, #tpu.memory_space<vmem_shared>>)
      tpu.yield
    }) : () -> ()
    %mul3A_81 = arith.constant 640 : i32
    %mul3A_82 = arith.muli %arg1, %mul3A_81 : i32
    %add3A_83 = arith.constant 176 : i32
    %add3A_84 = arith.addi %mul3A_82, %add3A_83 : i32
    "tpu.region"() ({
      %run_scoped3A = tpu.sem_alloc : memref<!tpu.dma_semaphore, #tpu.memory_space<semaphore_mem>>
      %dma_start3A_260 = arith.constant 0 : i32
      %dma_start3A_261 = tpu.memref_slice %arg13[%add3A_84, %dma_start3A_260] : memref<10240x128xf32, #tpu.memory_space<vmem_shared>> -> memref<16x128xf32, #tpu.memory_space<vmem_shared>>
      %dma_start3A_262 = arith.constant 0 : i32
      %dma_start3A_263 = tpu.memref_slice %arg13[%add3A_84, %dma_start3A_262] : memref<10240x128xf32, #tpu.memory_space<vmem_shared>> -> memref<16x128xf32, #tpu.memory_space<vmem_shared>>
      tpu.enqueue_dma source(%arg12 : memref<16x128xf32, #tpu.memory_space<vmem>>) target(%dma_start3A_263 : memref<16x128xf32, #tpu.memory_space<vmem_shared>>) target_semaphore(%run_scoped3A : memref<!tpu.dma_semaphore, #tpu.memory_space<semaphore_mem>>)
      %dma_wait3A_264 = arith.constant 0 : i32
      %dma_wait3A_265 = tpu.memref_slice %arg13[%add3A_84, %dma_wait3A_264] : memref<10240x128xf32, #tpu.memory_space<vmem_shared>> -> memref<16x128xf32, #tpu.memory_space<vmem_shared>>
      %dma_wait3A_266 = arith.constant 0 : i32
      %dma_wait3A_267 = tpu.memref_slice %arg13[%add3A_84, %dma_wait3A_266] : memref<10240x128xf32, #tpu.memory_space<vmem_shared>> -> memref<16x128xf32, #tpu.memory_space<vmem_shared>>
      tpu.wait_dma2 semaphore(%run_scoped3A : memref<!tpu.dma_semaphore, #tpu.memory_space<semaphore_mem>>) src(%arg12 : memref<16x128xf32, #tpu.memory_space<vmem>>) dst(%dma_wait3A_267 : memref<16x128xf32, #tpu.memory_space<vmem_shared>>)
      tpu.yield
    }) : () -> ()
    %mul3A_85 = arith.constant 640 : i32
    %mul3A_86 = arith.muli %arg1, %mul3A_85 : i32
    %add3A_87 = arith.constant 192 : i32
    %add3A_88 = arith.addi %mul3A_86, %add3A_87 : i32
    "tpu.region"() ({
      %run_scoped3A = tpu.sem_alloc : memref<!tpu.dma_semaphore, #tpu.memory_space<semaphore_mem>>
      %dma_start3A_260 = arith.constant 0 : i32
      %dma_start3A_261 = tpu.memref_slice %arg13[%add3A_88, %dma_start3A_260] : memref<10240x128xf32, #tpu.memory_space<vmem_shared>> -> memref<16x128xf32, #tpu.memory_space<vmem_shared>>
      %dma_start3A_262 = arith.constant 0 : i32
      %dma_start3A_263 = tpu.memref_slice %arg13[%add3A_88, %dma_start3A_262] : memref<10240x128xf32, #tpu.memory_space<vmem_shared>> -> memref<16x128xf32, #tpu.memory_space<vmem_shared>>
      tpu.enqueue_dma source(%arg12 : memref<16x128xf32, #tpu.memory_space<vmem>>) target(%dma_start3A_263 : memref<16x128xf32, #tpu.memory_space<vmem_shared>>) target_semaphore(%run_scoped3A : memref<!tpu.dma_semaphore, #tpu.memory_space<semaphore_mem>>)
      %dma_wait3A_264 = arith.constant 0 : i32
      %dma_wait3A_265 = tpu.memref_slice %arg13[%add3A_88, %dma_wait3A_264] : memref<10240x128xf32, #tpu.memory_space<vmem_shared>> -> memref<16x128xf32, #tpu.memory_space<vmem_shared>>
      %dma_wait3A_266 = arith.constant 0 : i32
      %dma_wait3A_267 = tpu.memref_slice %arg13[%add3A_88, %dma_wait3A_266] : memref<10240x128xf32, #tpu.memory_space<vmem_shared>> -> memref<16x128xf32, #tpu.memory_space<vmem_shared>>
      tpu.wait_dma2 semaphore(%run_scoped3A : memref<!tpu.dma_semaphore, #tpu.memory_space<semaphore_mem>>) src(%arg12 : memref<16x128xf32, #tpu.memory_space<vmem>>) dst(%dma_wait3A_267 : memref<16x128xf32, #tpu.memory_space<vmem_shared>>)
      tpu.yield
    }) : () -> ()
    %mul3A_89 = arith.constant 640 : i32
    %mul3A_90 = arith.muli %arg1, %mul3A_89 : i32
    %add3A_91 = arith.constant 208 : i32
    %add3A_92 = arith.addi %mul3A_90, %add3A_91 : i32
    "tpu.region"() ({
      %run_scoped3A = tpu.sem_alloc : memref<!tpu.dma_semaphore, #tpu.memory_space<semaphore_mem>>
      %dma_start3A_260 = arith.constant 0 : i32
      %dma_start3A_261 = tpu.memref_slice %arg13[%add3A_92, %dma_start3A_260] : memref<10240x128xf32, #tpu.memory_space<vmem_shared>> -> memref<16x128xf32, #tpu.memory_space<vmem_shared>>
      %dma_start3A_262 = arith.constant 0 : i32
      %dma_start3A_263 = tpu.memref_slice %arg13[%add3A_92, %dma_start3A_262] : memref<10240x128xf32, #tpu.memory_space<vmem_shared>> -> memref<16x128xf32, #tpu.memory_space<vmem_shared>>
      tpu.enqueue_dma source(%arg12 : memref<16x128xf32, #tpu.memory_space<vmem>>) target(%dma_start3A_263 : memref<16x128xf32, #tpu.memory_space<vmem_shared>>) target_semaphore(%run_scoped3A : memref<!tpu.dma_semaphore, #tpu.memory_space<semaphore_mem>>)
      %dma_wait3A_264 = arith.constant 0 : i32
      %dma_wait3A_265 = tpu.memref_slice %arg13[%add3A_92, %dma_wait3A_264] : memref<10240x128xf32, #tpu.memory_space<vmem_shared>> -> memref<16x128xf32, #tpu.memory_space<vmem_shared>>
      %dma_wait3A_266 = arith.constant 0 : i32
      %dma_wait3A_267 = tpu.memref_slice %arg13[%add3A_92, %dma_wait3A_266] : memref<10240x128xf32, #tpu.memory_space<vmem_shared>> -> memref<16x128xf32, #tpu.memory_space<vmem_shared>>
      tpu.wait_dma2 semaphore(%run_scoped3A : memref<!tpu.dma_semaphore, #tpu.memory_space<semaphore_mem>>) src(%arg12 : memref<16x128xf32, #tpu.memory_space<vmem>>) dst(%dma_wait3A_267 : memref<16x128xf32, #tpu.memory_space<vmem_shared>>)
      tpu.yield
    }) : () -> ()
    %mul3A_93 = arith.constant 640 : i32
    %mul3A_94 = arith.muli %arg1, %mul3A_93 : i32
    %add3A_95 = arith.constant 224 : i32
    %add3A_96 = arith.addi %mul3A_94, %add3A_95 : i32
    "tpu.region"() ({
      %run_scoped3A = tpu.sem_alloc : memref<!tpu.dma_semaphore, #tpu.memory_space<semaphore_mem>>
      %dma_start3A_260 = arith.constant 0 : i32
      %dma_start3A_261 = tpu.memref_slice %arg13[%add3A_96, %dma_start3A_260] : memref<10240x128xf32, #tpu.memory_space<vmem_shared>> -> memref<16x128xf32, #tpu.memory_space<vmem_shared>>
      %dma_start3A_262 = arith.constant 0 : i32
      %dma_start3A_263 = tpu.memref_slice %arg13[%add3A_96, %dma_start3A_262] : memref<10240x128xf32, #tpu.memory_space<vmem_shared>> -> memref<16x128xf32, #tpu.memory_space<vmem_shared>>
      tpu.enqueue_dma source(%arg12 : memref<16x128xf32, #tpu.memory_space<vmem>>) target(%dma_start3A_263 : memref<16x128xf32, #tpu.memory_space<vmem_shared>>) target_semaphore(%run_scoped3A : memref<!tpu.dma_semaphore, #tpu.memory_space<semaphore_mem>>)
      %dma_wait3A_264 = arith.constant 0 : i32
      %dma_wait3A_265 = tpu.memref_slice %arg13[%add3A_96, %dma_wait3A_264] : memref<10240x128xf32, #tpu.memory_space<vmem_shared>> -> memref<16x128xf32, #tpu.memory_space<vmem_shared>>
      %dma_wait3A_266 = arith.constant 0 : i32
      %dma_wait3A_267 = tpu.memref_slice %arg13[%add3A_96, %dma_wait3A_266] : memref<10240x128xf32, #tpu.memory_space<vmem_shared>> -> memref<16x128xf32, #tpu.memory_space<vmem_shared>>
      tpu.wait_dma2 semaphore(%run_scoped3A : memref<!tpu.dma_semaphore, #tpu.memory_space<semaphore_mem>>) src(%arg12 : memref<16x128xf32, #tpu.memory_space<vmem>>) dst(%dma_wait3A_267 : memref<16x128xf32, #tpu.memory_space<vmem_shared>>)
      tpu.yield
    }) : () -> ()
    %mul3A_97 = arith.constant 640 : i32
    %mul3A_98 = arith.muli %arg1, %mul3A_97 : i32
    %add3A_99 = arith.constant 240 : i32
    %add3A_100 = arith.addi %mul3A_98, %add3A_99 : i32
    "tpu.region"() ({
      %run_scoped3A = tpu.sem_alloc : memref<!tpu.dma_semaphore, #tpu.memory_space<semaphore_mem>>
      %dma_start3A_260 = arith.constant 0 : i32
      %dma_start3A_261 = tpu.memref_slice %arg13[%add3A_100, %dma_start3A_260] : memref<10240x128xf32, #tpu.memory_space<vmem_shared>> -> memref<16x128xf32, #tpu.memory_space<vmem_shared>>
      %dma_start3A_262 = arith.constant 0 : i32
      %dma_start3A_263 = tpu.memref_slice %arg13[%add3A_100, %dma_start3A_262] : memref<10240x128xf32, #tpu.memory_space<vmem_shared>> -> memref<16x128xf32, #tpu.memory_space<vmem_shared>>
      tpu.enqueue_dma source(%arg12 : memref<16x128xf32, #tpu.memory_space<vmem>>) target(%dma_start3A_263 : memref<16x128xf32, #tpu.memory_space<vmem_shared>>) target_semaphore(%run_scoped3A : memref<!tpu.dma_semaphore, #tpu.memory_space<semaphore_mem>>)
      %dma_wait3A_264 = arith.constant 0 : i32
      %dma_wait3A_265 = tpu.memref_slice %arg13[%add3A_100, %dma_wait3A_264] : memref<10240x128xf32, #tpu.memory_space<vmem_shared>> -> memref<16x128xf32, #tpu.memory_space<vmem_shared>>
      %dma_wait3A_266 = arith.constant 0 : i32
      %dma_wait3A_267 = tpu.memref_slice %arg13[%add3A_100, %dma_wait3A_266] : memref<10240x128xf32, #tpu.memory_space<vmem_shared>> -> memref<16x128xf32, #tpu.memory_space<vmem_shared>>
      tpu.wait_dma2 semaphore(%run_scoped3A : memref<!tpu.dma_semaphore, #tpu.memory_space<semaphore_mem>>) src(%arg12 : memref<16x128xf32, #tpu.memory_space<vmem>>) dst(%dma_wait3A_267 : memref<16x128xf32, #tpu.memory_space<vmem_shared>>)
      tpu.yield
    }) : () -> ()
    %mul3A_101 = arith.constant 640 : i32
    %mul3A_102 = arith.muli %arg1, %mul3A_101 : i32
    %add3A_103 = arith.constant 256 : i32
    %add3A_104 = arith.addi %mul3A_102, %add3A_103 : i32
    "tpu.region"() ({
      %run_scoped3A = tpu.sem_alloc : memref<!tpu.dma_semaphore, #tpu.memory_space<semaphore_mem>>
      %dma_start3A_260 = arith.constant 0 : i32
      %dma_start3A_261 = tpu.memref_slice %arg13[%add3A_104, %dma_start3A_260] : memref<10240x128xf32, #tpu.memory_space<vmem_shared>> -> memref<16x128xf32, #tpu.memory_space<vmem_shared>>
      %dma_start3A_262 = arith.constant 0 : i32
      %dma_start3A_263 = tpu.memref_slice %arg13[%add3A_104, %dma_start3A_262] : memref<10240x128xf32, #tpu.memory_space<vmem_shared>> -> memref<16x128xf32, #tpu.memory_space<vmem_shared>>
      tpu.enqueue_dma source(%arg12 : memref<16x128xf32, #tpu.memory_space<vmem>>) target(%dma_start3A_263 : memref<16x128xf32, #tpu.memory_space<vmem_shared>>) target_semaphore(%run_scoped3A : memref<!tpu.dma_semaphore, #tpu.memory_space<semaphore_mem>>)
      %dma_wait3A_264 = arith.constant 0 : i32
      %dma_wait3A_265 = tpu.memref_slice %arg13[%add3A_104, %dma_wait3A_264] : memref<10240x128xf32, #tpu.memory_space<vmem_shared>> -> memref<16x128xf32, #tpu.memory_space<vmem_shared>>
      %dma_wait3A_266 = arith.constant 0 : i32
      %dma_wait3A_267 = tpu.memref_slice %arg13[%add3A_104, %dma_wait3A_266] : memref<10240x128xf32, #tpu.memory_space<vmem_shared>> -> memref<16x128xf32, #tpu.memory_space<vmem_shared>>
      tpu.wait_dma2 semaphore(%run_scoped3A : memref<!tpu.dma_semaphore, #tpu.memory_space<semaphore_mem>>) src(%arg12 : memref<16x128xf32, #tpu.memory_space<vmem>>) dst(%dma_wait3A_267 : memref<16x128xf32, #tpu.memory_space<vmem_shared>>)
      tpu.yield
    }) : () -> ()
    %mul3A_105 = arith.constant 640 : i32
    %mul3A_106 = arith.muli %arg1, %mul3A_105 : i32
    %add3A_107 = arith.constant 272 : i32
    %add3A_108 = arith.addi %mul3A_106, %add3A_107 : i32
    "tpu.region"() ({
      %run_scoped3A = tpu.sem_alloc : memref<!tpu.dma_semaphore, #tpu.memory_space<semaphore_mem>>
      %dma_start3A_260 = arith.constant 0 : i32
      %dma_start3A_261 = tpu.memref_slice %arg13[%add3A_108, %dma_start3A_260] : memref<10240x128xf32, #tpu.memory_space<vmem_shared>> -> memref<16x128xf32, #tpu.memory_space<vmem_shared>>
      %dma_start3A_262 = arith.constant 0 : i32
      %dma_start3A_263 = tpu.memref_slice %arg13[%add3A_108, %dma_start3A_262] : memref<10240x128xf32, #tpu.memory_space<vmem_shared>> -> memref<16x128xf32, #tpu.memory_space<vmem_shared>>
      tpu.enqueue_dma source(%arg12 : memref<16x128xf32, #tpu.memory_space<vmem>>) target(%dma_start3A_263 : memref<16x128xf32, #tpu.memory_space<vmem_shared>>) target_semaphore(%run_scoped3A : memref<!tpu.dma_semaphore, #tpu.memory_space<semaphore_mem>>)
      %dma_wait3A_264 = arith.constant 0 : i32
      %dma_wait3A_265 = tpu.memref_slice %arg13[%add3A_108, %dma_wait3A_264] : memref<10240x128xf32, #tpu.memory_space<vmem_shared>> -> memref<16x128xf32, #tpu.memory_space<vmem_shared>>
      %dma_wait3A_266 = arith.constant 0 : i32
      %dma_wait3A_267 = tpu.memref_slice %arg13[%add3A_108, %dma_wait3A_266] : memref<10240x128xf32, #tpu.memory_space<vmem_shared>> -> memref<16x128xf32, #tpu.memory_space<vmem_shared>>
      tpu.wait_dma2 semaphore(%run_scoped3A : memref<!tpu.dma_semaphore, #tpu.memory_space<semaphore_mem>>) src(%arg12 : memref<16x128xf32, #tpu.memory_space<vmem>>) dst(%dma_wait3A_267 : memref<16x128xf32, #tpu.memory_space<vmem_shared>>)
      tpu.yield
    }) : () -> ()
    %mul3A_109 = arith.constant 640 : i32
    %mul3A_110 = arith.muli %arg1, %mul3A_109 : i32
    %add3A_111 = arith.constant 288 : i32
    %add3A_112 = arith.addi %mul3A_110, %add3A_111 : i32
    "tpu.region"() ({
      %run_scoped3A = tpu.sem_alloc : memref<!tpu.dma_semaphore, #tpu.memory_space<semaphore_mem>>
      %dma_start3A_260 = arith.constant 0 : i32
      %dma_start3A_261 = tpu.memref_slice %arg13[%add3A_112, %dma_start3A_260] : memref<10240x128xf32, #tpu.memory_space<vmem_shared>> -> memref<16x128xf32, #tpu.memory_space<vmem_shared>>
      %dma_start3A_262 = arith.constant 0 : i32
      %dma_start3A_263 = tpu.memref_slice %arg13[%add3A_112, %dma_start3A_262] : memref<10240x128xf32, #tpu.memory_space<vmem_shared>> -> memref<16x128xf32, #tpu.memory_space<vmem_shared>>
      tpu.enqueue_dma source(%arg12 : memref<16x128xf32, #tpu.memory_space<vmem>>) target(%dma_start3A_263 : memref<16x128xf32, #tpu.memory_space<vmem_shared>>) target_semaphore(%run_scoped3A : memref<!tpu.dma_semaphore, #tpu.memory_space<semaphore_mem>>)
      %dma_wait3A_264 = arith.constant 0 : i32
      %dma_wait3A_265 = tpu.memref_slice %arg13[%add3A_112, %dma_wait3A_264] : memref<10240x128xf32, #tpu.memory_space<vmem_shared>> -> memref<16x128xf32, #tpu.memory_space<vmem_shared>>
      %dma_wait3A_266 = arith.constant 0 : i32
      %dma_wait3A_267 = tpu.memref_slice %arg13[%add3A_112, %dma_wait3A_266] : memref<10240x128xf32, #tpu.memory_space<vmem_shared>> -> memref<16x128xf32, #tpu.memory_space<vmem_shared>>
      tpu.wait_dma2 semaphore(%run_scoped3A : memref<!tpu.dma_semaphore, #tpu.memory_space<semaphore_mem>>) src(%arg12 : memref<16x128xf32, #tpu.memory_space<vmem>>) dst(%dma_wait3A_267 : memref<16x128xf32, #tpu.memory_space<vmem_shared>>)
      tpu.yield
    }) : () -> ()
    %mul3A_113 = arith.constant 640 : i32
    %mul3A_114 = arith.muli %arg1, %mul3A_113 : i32
    %add3A_115 = arith.constant 304 : i32
    %add3A_116 = arith.addi %mul3A_114, %add3A_115 : i32
    "tpu.region"() ({
      %run_scoped3A = tpu.sem_alloc : memref<!tpu.dma_semaphore, #tpu.memory_space<semaphore_mem>>
      %dma_start3A_260 = arith.constant 0 : i32
      %dma_start3A_261 = tpu.memref_slice %arg13[%add3A_116, %dma_start3A_260] : memref<10240x128xf32, #tpu.memory_space<vmem_shared>> -> memref<16x128xf32, #tpu.memory_space<vmem_shared>>
      %dma_start3A_262 = arith.constant 0 : i32
      %dma_start3A_263 = tpu.memref_slice %arg13[%add3A_116, %dma_start3A_262] : memref<10240x128xf32, #tpu.memory_space<vmem_shared>> -> memref<16x128xf32, #tpu.memory_space<vmem_shared>>
      tpu.enqueue_dma source(%arg12 : memref<16x128xf32, #tpu.memory_space<vmem>>) target(%dma_start3A_263 : memref<16x128xf32, #tpu.memory_space<vmem_shared>>) target_semaphore(%run_scoped3A : memref<!tpu.dma_semaphore, #tpu.memory_space<semaphore_mem>>)
      %dma_wait3A_264 = arith.constant 0 : i32
      %dma_wait3A_265 = tpu.memref_slice %arg13[%add3A_116, %dma_wait3A_264] : memref<10240x128xf32, #tpu.memory_space<vmem_shared>> -> memref<16x128xf32, #tpu.memory_space<vmem_shared>>
      %dma_wait3A_266 = arith.constant 0 : i32
      %dma_wait3A_267 = tpu.memref_slice %arg13[%add3A_116, %dma_wait3A_266] : memref<10240x128xf32, #tpu.memory_space<vmem_shared>> -> memref<16x128xf32, #tpu.memory_space<vmem_shared>>
      tpu.wait_dma2 semaphore(%run_scoped3A : memref<!tpu.dma_semaphore, #tpu.memory_space<semaphore_mem>>) src(%arg12 : memref<16x128xf32, #tpu.memory_space<vmem>>) dst(%dma_wait3A_267 : memref<16x128xf32, #tpu.memory_space<vmem_shared>>)
      tpu.yield
    }) : () -> ()
    %mul3A_117 = arith.constant 640 : i32
    %mul3A_118 = arith.muli %arg1, %mul3A_117 : i32
    %add3A_119 = arith.constant 320 : i32
    %add3A_120 = arith.addi %mul3A_118, %add3A_119 : i32
    "tpu.region"() ({
      %run_scoped3A = tpu.sem_alloc : memref<!tpu.dma_semaphore, #tpu.memory_space<semaphore_mem>>
      %dma_start3A_260 = arith.constant 0 : i32
      %dma_start3A_261 = tpu.memref_slice %arg13[%add3A_120, %dma_start3A_260] : memref<10240x128xf32, #tpu.memory_space<vmem_shared>> -> memref<16x128xf32, #tpu.memory_space<vmem_shared>>
      %dma_start3A_262 = arith.constant 0 : i32
      %dma_start3A_263 = tpu.memref_slice %arg13[%add3A_120, %dma_start3A_262] : memref<10240x128xf32, #tpu.memory_space<vmem_shared>> -> memref<16x128xf32, #tpu.memory_space<vmem_shared>>
      tpu.enqueue_dma source(%arg12 : memref<16x128xf32, #tpu.memory_space<vmem>>) target(%dma_start3A_263 : memref<16x128xf32, #tpu.memory_space<vmem_shared>>) target_semaphore(%run_scoped3A : memref<!tpu.dma_semaphore, #tpu.memory_space<semaphore_mem>>)
      %dma_wait3A_264 = arith.constant 0 : i32
      %dma_wait3A_265 = tpu.memref_slice %arg13[%add3A_120, %dma_wait3A_264] : memref<10240x128xf32, #tpu.memory_space<vmem_shared>> -> memref<16x128xf32, #tpu.memory_space<vmem_shared>>
      %dma_wait3A_266 = arith.constant 0 : i32
      %dma_wait3A_267 = tpu.memref_slice %arg13[%add3A_120, %dma_wait3A_266] : memref<10240x128xf32, #tpu.memory_space<vmem_shared>> -> memref<16x128xf32, #tpu.memory_space<vmem_shared>>
      tpu.wait_dma2 semaphore(%run_scoped3A : memref<!tpu.dma_semaphore, #tpu.memory_space<semaphore_mem>>) src(%arg12 : memref<16x128xf32, #tpu.memory_space<vmem>>) dst(%dma_wait3A_267 : memref<16x128xf32, #tpu.memory_space<vmem_shared>>)
      tpu.yield
    }) : () -> ()
    %mul3A_121 = arith.constant 640 : i32
    %mul3A_122 = arith.muli %arg1, %mul3A_121 : i32
    %add3A_123 = arith.constant 336 : i32
    %add3A_124 = arith.addi %mul3A_122, %add3A_123 : i32
    "tpu.region"() ({
      %run_scoped3A = tpu.sem_alloc : memref<!tpu.dma_semaphore, #tpu.memory_space<semaphore_mem>>
      %dma_start3A_260 = arith.constant 0 : i32
      %dma_start3A_261 = tpu.memref_slice %arg13[%add3A_124, %dma_start3A_260] : memref<10240x128xf32, #tpu.memory_space<vmem_shared>> -> memref<16x128xf32, #tpu.memory_space<vmem_shared>>
      %dma_start3A_262 = arith.constant 0 : i32
      %dma_start3A_263 = tpu.memref_slice %arg13[%add3A_124, %dma_start3A_262] : memref<10240x128xf32, #tpu.memory_space<vmem_shared>> -> memref<16x128xf32, #tpu.memory_space<vmem_shared>>
      tpu.enqueue_dma source(%arg12 : memref<16x128xf32, #tpu.memory_space<vmem>>) target(%dma_start3A_263 : memref<16x128xf32, #tpu.memory_space<vmem_shared>>) target_semaphore(%run_scoped3A : memref<!tpu.dma_semaphore, #tpu.memory_space<semaphore_mem>>)
      %dma_wait3A_264 = arith.constant 0 : i32
      %dma_wait3A_265 = tpu.memref_slice %arg13[%add3A_124, %dma_wait3A_264] : memref<10240x128xf32, #tpu.memory_space<vmem_shared>> -> memref<16x128xf32, #tpu.memory_space<vmem_shared>>
      %dma_wait3A_266 = arith.constant 0 : i32
      %dma_wait3A_267 = tpu.memref_slice %arg13[%add3A_124, %dma_wait3A_266] : memref<10240x128xf32, #tpu.memory_space<vmem_shared>> -> memref<16x128xf32, #tpu.memory_space<vmem_shared>>
      tpu.wait_dma2 semaphore(%run_scoped3A : memref<!tpu.dma_semaphore, #tpu.memory_space<semaphore_mem>>) src(%arg12 : memref<16x128xf32, #tpu.memory_space<vmem>>) dst(%dma_wait3A_267 : memref<16x128xf32, #tpu.memory_space<vmem_shared>>)
      tpu.yield
    }) : () -> ()
    %mul3A_125 = arith.constant 640 : i32
    %mul3A_126 = arith.muli %arg1, %mul3A_125 : i32
    %add3A_127 = arith.constant 352 : i32
    %add3A_128 = arith.addi %mul3A_126, %add3A_127 : i32
    "tpu.region"() ({
      %run_scoped3A = tpu.sem_alloc : memref<!tpu.dma_semaphore, #tpu.memory_space<semaphore_mem>>
      %dma_start3A_260 = arith.constant 0 : i32
      %dma_start3A_261 = tpu.memref_slice %arg13[%add3A_128, %dma_start3A_260] : memref<10240x128xf32, #tpu.memory_space<vmem_shared>> -> memref<16x128xf32, #tpu.memory_space<vmem_shared>>
      %dma_start3A_262 = arith.constant 0 : i32
      %dma_start3A_263 = tpu.memref_slice %arg13[%add3A_128, %dma_start3A_262] : memref<10240x128xf32, #tpu.memory_space<vmem_shared>> -> memref<16x128xf32, #tpu.memory_space<vmem_shared>>
      tpu.enqueue_dma source(%arg12 : memref<16x128xf32, #tpu.memory_space<vmem>>) target(%dma_start3A_263 : memref<16x128xf32, #tpu.memory_space<vmem_shared>>) target_semaphore(%run_scoped3A : memref<!tpu.dma_semaphore, #tpu.memory_space<semaphore_mem>>)
      %dma_wait3A_264 = arith.constant 0 : i32
      %dma_wait3A_265 = tpu.memref_slice %arg13[%add3A_128, %dma_wait3A_264] : memref<10240x128xf32, #tpu.memory_space<vmem_shared>> -> memref<16x128xf32, #tpu.memory_space<vmem_shared>>
      %dma_wait3A_266 = arith.constant 0 : i32
      %dma_wait3A_267 = tpu.memref_slice %arg13[%add3A_128, %dma_wait3A_266] : memref<10240x128xf32, #tpu.memory_space<vmem_shared>> -> memref<16x128xf32, #tpu.memory_space<vmem_shared>>
      tpu.wait_dma2 semaphore(%run_scoped3A : memref<!tpu.dma_semaphore, #tpu.memory_space<semaphore_mem>>) src(%arg12 : memref<16x128xf32, #tpu.memory_space<vmem>>) dst(%dma_wait3A_267 : memref<16x128xf32, #tpu.memory_space<vmem_shared>>)
      tpu.yield
    }) : () -> ()
    %mul3A_129 = arith.constant 640 : i32
    %mul3A_130 = arith.muli %arg1, %mul3A_129 : i32
    %add3A_131 = arith.constant 368 : i32
    %add3A_132 = arith.addi %mul3A_130, %add3A_131 : i32
    "tpu.region"() ({
      %run_scoped3A = tpu.sem_alloc : memref<!tpu.dma_semaphore, #tpu.memory_space<semaphore_mem>>
      %dma_start3A_260 = arith.constant 0 : i32
      %dma_start3A_261 = tpu.memref_slice %arg13[%add3A_132, %dma_start3A_260] : memref<10240x128xf32, #tpu.memory_space<vmem_shared>> -> memref<16x128xf32, #tpu.memory_space<vmem_shared>>
      %dma_start3A_262 = arith.constant 0 : i32
      %dma_start3A_263 = tpu.memref_slice %arg13[%add3A_132, %dma_start3A_262] : memref<10240x128xf32, #tpu.memory_space<vmem_shared>> -> memref<16x128xf32, #tpu.memory_space<vmem_shared>>
      tpu.enqueue_dma source(%arg12 : memref<16x128xf32, #tpu.memory_space<vmem>>) target(%dma_start3A_263 : memref<16x128xf32, #tpu.memory_space<vmem_shared>>) target_semaphore(%run_scoped3A : memref<!tpu.dma_semaphore, #tpu.memory_space<semaphore_mem>>)
      %dma_wait3A_264 = arith.constant 0 : i32
      %dma_wait3A_265 = tpu.memref_slice %arg13[%add3A_132, %dma_wait3A_264] : memref<10240x128xf32, #tpu.memory_space<vmem_shared>> -> memref<16x128xf32, #tpu.memory_space<vmem_shared>>
      %dma_wait3A_266 = arith.constant 0 : i32
      %dma_wait3A_267 = tpu.memref_slice %arg13[%add3A_132, %dma_wait3A_266] : memref<10240x128xf32, #tpu.memory_space<vmem_shared>> -> memref<16x128xf32, #tpu.memory_space<vmem_shared>>
      tpu.wait_dma2 semaphore(%run_scoped3A : memref<!tpu.dma_semaphore, #tpu.memory_space<semaphore_mem>>) src(%arg12 : memref<16x128xf32, #tpu.memory_space<vmem>>) dst(%dma_wait3A_267 : memref<16x128xf32, #tpu.memory_space<vmem_shared>>)
      tpu.yield
    }) : () -> ()
    %mul3A_133 = arith.constant 640 : i32
    %mul3A_134 = arith.muli %arg1, %mul3A_133 : i32
    %add3A_135 = arith.constant 384 : i32
    %add3A_136 = arith.addi %mul3A_134, %add3A_135 : i32
    "tpu.region"() ({
      %run_scoped3A = tpu.sem_alloc : memref<!tpu.dma_semaphore, #tpu.memory_space<semaphore_mem>>
      %dma_start3A_260 = arith.constant 0 : i32
      %dma_start3A_261 = tpu.memref_slice %arg13[%add3A_136, %dma_start3A_260] : memref<10240x128xf32, #tpu.memory_space<vmem_shared>> -> memref<16x128xf32, #tpu.memory_space<vmem_shared>>
      %dma_start3A_262 = arith.constant 0 : i32
      %dma_start3A_263 = tpu.memref_slice %arg13[%add3A_136, %dma_start3A_262] : memref<10240x128xf32, #tpu.memory_space<vmem_shared>> -> memref<16x128xf32, #tpu.memory_space<vmem_shared>>
      tpu.enqueue_dma source(%arg12 : memref<16x128xf32, #tpu.memory_space<vmem>>) target(%dma_start3A_263 : memref<16x128xf32, #tpu.memory_space<vmem_shared>>) target_semaphore(%run_scoped3A : memref<!tpu.dma_semaphore, #tpu.memory_space<semaphore_mem>>)
      %dma_wait3A_264 = arith.constant 0 : i32
      %dma_wait3A_265 = tpu.memref_slice %arg13[%add3A_136, %dma_wait3A_264] : memref<10240x128xf32, #tpu.memory_space<vmem_shared>> -> memref<16x128xf32, #tpu.memory_space<vmem_shared>>
      %dma_wait3A_266 = arith.constant 0 : i32
      %dma_wait3A_267 = tpu.memref_slice %arg13[%add3A_136, %dma_wait3A_266] : memref<10240x128xf32, #tpu.memory_space<vmem_shared>> -> memref<16x128xf32, #tpu.memory_space<vmem_shared>>
      tpu.wait_dma2 semaphore(%run_scoped3A : memref<!tpu.dma_semaphore, #tpu.memory_space<semaphore_mem>>) src(%arg12 : memref<16x128xf32, #tpu.memory_space<vmem>>) dst(%dma_wait3A_267 : memref<16x128xf32, #tpu.memory_space<vmem_shared>>)
      tpu.yield
    }) : () -> ()
    %mul3A_137 = arith.constant 640 : i32
    %mul3A_138 = arith.muli %arg1, %mul3A_137 : i32
    %add3A_139 = arith.constant 400 : i32
    %add3A_140 = arith.addi %mul3A_138, %add3A_139 : i32
    "tpu.region"() ({
      %run_scoped3A = tpu.sem_alloc : memref<!tpu.dma_semaphore, #tpu.memory_space<semaphore_mem>>
      %dma_start3A_260 = arith.constant 0 : i32
      %dma_start3A_261 = tpu.memref_slice %arg13[%add3A_140, %dma_start3A_260] : memref<10240x128xf32, #tpu.memory_space<vmem_shared>> -> memref<16x128xf32, #tpu.memory_space<vmem_shared>>
      %dma_start3A_262 = arith.constant 0 : i32
      %dma_start3A_263 = tpu.memref_slice %arg13[%add3A_140, %dma_start3A_262] : memref<10240x128xf32, #tpu.memory_space<vmem_shared>> -> memref<16x128xf32, #tpu.memory_space<vmem_shared>>
      tpu.enqueue_dma source(%arg12 : memref<16x128xf32, #tpu.memory_space<vmem>>) target(%dma_start3A_263 : memref<16x128xf32, #tpu.memory_space<vmem_shared>>) target_semaphore(%run_scoped3A : memref<!tpu.dma_semaphore, #tpu.memory_space<semaphore_mem>>)
      %dma_wait3A_264 = arith.constant 0 : i32
      %dma_wait3A_265 = tpu.memref_slice %arg13[%add3A_140, %dma_wait3A_264] : memref<10240x128xf32, #tpu.memory_space<vmem_shared>> -> memref<16x128xf32, #tpu.memory_space<vmem_shared>>
      %dma_wait3A_266 = arith.constant 0 : i32
      %dma_wait3A_267 = tpu.memref_slice %arg13[%add3A_140, %dma_wait3A_266] : memref<10240x128xf32, #tpu.memory_space<vmem_shared>> -> memref<16x128xf32, #tpu.memory_space<vmem_shared>>
      tpu.wait_dma2 semaphore(%run_scoped3A : memref<!tpu.dma_semaphore, #tpu.memory_space<semaphore_mem>>) src(%arg12 : memref<16x128xf32, #tpu.memory_space<vmem>>) dst(%dma_wait3A_267 : memref<16x128xf32, #tpu.memory_space<vmem_shared>>)
      tpu.yield
    }) : () -> ()
    %mul3A_141 = arith.constant 640 : i32
    %mul3A_142 = arith.muli %arg1, %mul3A_141 : i32
    %add3A_143 = arith.constant 416 : i32
    %add3A_144 = arith.addi %mul3A_142, %add3A_143 : i32
    "tpu.region"() ({
      %run_scoped3A = tpu.sem_alloc : memref<!tpu.dma_semaphore, #tpu.memory_space<semaphore_mem>>
      %dma_start3A_260 = arith.constant 0 : i32
      %dma_start3A_261 = tpu.memref_slice %arg13[%add3A_144, %dma_start3A_260] : memref<10240x128xf32, #tpu.memory_space<vmem_shared>> -> memref<16x128xf32, #tpu.memory_space<vmem_shared>>
      %dma_start3A_262 = arith.constant 0 : i32
      %dma_start3A_263 = tpu.memref_slice %arg13[%add3A_144, %dma_start3A_262] : memref<10240x128xf32, #tpu.memory_space<vmem_shared>> -> memref<16x128xf32, #tpu.memory_space<vmem_shared>>
      tpu.enqueue_dma source(%arg12 : memref<16x128xf32, #tpu.memory_space<vmem>>) target(%dma_start3A_263 : memref<16x128xf32, #tpu.memory_space<vmem_shared>>) target_semaphore(%run_scoped3A : memref<!tpu.dma_semaphore, #tpu.memory_space<semaphore_mem>>)
      %dma_wait3A_264 = arith.constant 0 : i32
      %dma_wait3A_265 = tpu.memref_slice %arg13[%add3A_144, %dma_wait3A_264] : memref<10240x128xf32, #tpu.memory_space<vmem_shared>> -> memref<16x128xf32, #tpu.memory_space<vmem_shared>>
      %dma_wait3A_266 = arith.constant 0 : i32
      %dma_wait3A_267 = tpu.memref_slice %arg13[%add3A_144, %dma_wait3A_266] : memref<10240x128xf32, #tpu.memory_space<vmem_shared>> -> memref<16x128xf32, #tpu.memory_space<vmem_shared>>
      tpu.wait_dma2 semaphore(%run_scoped3A : memref<!tpu.dma_semaphore, #tpu.memory_space<semaphore_mem>>) src(%arg12 : memref<16x128xf32, #tpu.memory_space<vmem>>) dst(%dma_wait3A_267 : memref<16x128xf32, #tpu.memory_space<vmem_shared>>)
      tpu.yield
    }) : () -> ()
    %mul3A_145 = arith.constant 640 : i32
    %mul3A_146 = arith.muli %arg1, %mul3A_145 : i32
    %add3A_147 = arith.constant 432 : i32
    %add3A_148 = arith.addi %mul3A_146, %add3A_147 : i32
    "tpu.region"() ({
      %run_scoped3A = tpu.sem_alloc : memref<!tpu.dma_semaphore, #tpu.memory_space<semaphore_mem>>
      %dma_start3A_260 = arith.constant 0 : i32
      %dma_start3A_261 = tpu.memref_slice %arg13[%add3A_148, %dma_start3A_260] : memref<10240x128xf32, #tpu.memory_space<vmem_shared>> -> memref<16x128xf32, #tpu.memory_space<vmem_shared>>
      %dma_start3A_262 = arith.constant 0 : i32
      %dma_start3A_263 = tpu.memref_slice %arg13[%add3A_148, %dma_start3A_262] : memref<10240x128xf32, #tpu.memory_space<vmem_shared>> -> memref<16x128xf32, #tpu.memory_space<vmem_shared>>
      tpu.enqueue_dma source(%arg12 : memref<16x128xf32, #tpu.memory_space<vmem>>) target(%dma_start3A_263 : memref<16x128xf32, #tpu.memory_space<vmem_shared>>) target_semaphore(%run_scoped3A : memref<!tpu.dma_semaphore, #tpu.memory_space<semaphore_mem>>)
      %dma_wait3A_264 = arith.constant 0 : i32
      %dma_wait3A_265 = tpu.memref_slice %arg13[%add3A_148, %dma_wait3A_264] : memref<10240x128xf32, #tpu.memory_space<vmem_shared>> -> memref<16x128xf32, #tpu.memory_space<vmem_shared>>
      %dma_wait3A_266 = arith.constant 0 : i32
      %dma_wait3A_267 = tpu.memref_slice %arg13[%add3A_148, %dma_wait3A_266] : memref<10240x128xf32, #tpu.memory_space<vmem_shared>> -> memref<16x128xf32, #tpu.memory_space<vmem_shared>>
      tpu.wait_dma2 semaphore(%run_scoped3A : memref<!tpu.dma_semaphore, #tpu.memory_space<semaphore_mem>>) src(%arg12 : memref<16x128xf32, #tpu.memory_space<vmem>>) dst(%dma_wait3A_267 : memref<16x128xf32, #tpu.memory_space<vmem_shared>>)
      tpu.yield
    }) : () -> ()
    %mul3A_149 = arith.constant 640 : i32
    %mul3A_150 = arith.muli %arg1, %mul3A_149 : i32
    %add3A_151 = arith.constant 448 : i32
    %add3A_152 = arith.addi %mul3A_150, %add3A_151 : i32
    "tpu.region"() ({
      %run_scoped3A = tpu.sem_alloc : memref<!tpu.dma_semaphore, #tpu.memory_space<semaphore_mem>>
      %dma_start3A_260 = arith.constant 0 : i32
      %dma_start3A_261 = tpu.memref_slice %arg13[%add3A_152, %dma_start3A_260] : memref<10240x128xf32, #tpu.memory_space<vmem_shared>> -> memref<16x128xf32, #tpu.memory_space<vmem_shared>>
      %dma_start3A_262 = arith.constant 0 : i32
      %dma_start3A_263 = tpu.memref_slice %arg13[%add3A_152, %dma_start3A_262] : memref<10240x128xf32, #tpu.memory_space<vmem_shared>> -> memref<16x128xf32, #tpu.memory_space<vmem_shared>>
      tpu.enqueue_dma source(%arg12 : memref<16x128xf32, #tpu.memory_space<vmem>>) target(%dma_start3A_263 : memref<16x128xf32, #tpu.memory_space<vmem_shared>>) target_semaphore(%run_scoped3A : memref<!tpu.dma_semaphore, #tpu.memory_space<semaphore_mem>>)
      %dma_wait3A_264 = arith.constant 0 : i32
      %dma_wait3A_265 = tpu.memref_slice %arg13[%add3A_152, %dma_wait3A_264] : memref<10240x128xf32, #tpu.memory_space<vmem_shared>> -> memref<16x128xf32, #tpu.memory_space<vmem_shared>>
      %dma_wait3A_266 = arith.constant 0 : i32
      %dma_wait3A_267 = tpu.memref_slice %arg13[%add3A_152, %dma_wait3A_266] : memref<10240x128xf32, #tpu.memory_space<vmem_shared>> -> memref<16x128xf32, #tpu.memory_space<vmem_shared>>
      tpu.wait_dma2 semaphore(%run_scoped3A : memref<!tpu.dma_semaphore, #tpu.memory_space<semaphore_mem>>) src(%arg12 : memref<16x128xf32, #tpu.memory_space<vmem>>) dst(%dma_wait3A_267 : memref<16x128xf32, #tpu.memory_space<vmem_shared>>)
      tpu.yield
    }) : () -> ()
    %mul3A_153 = arith.constant 640 : i32
    %mul3A_154 = arith.muli %arg1, %mul3A_153 : i32
    %add3A_155 = arith.constant 464 : i32
    %add3A_156 = arith.addi %mul3A_154, %add3A_155 : i32
    "tpu.region"() ({
      %run_scoped3A = tpu.sem_alloc : memref<!tpu.dma_semaphore, #tpu.memory_space<semaphore_mem>>
      %dma_start3A_260 = arith.constant 0 : i32
      %dma_start3A_261 = tpu.memref_slice %arg13[%add3A_156, %dma_start3A_260] : memref<10240x128xf32, #tpu.memory_space<vmem_shared>> -> memref<16x128xf32, #tpu.memory_space<vmem_shared>>
      %dma_start3A_262 = arith.constant 0 : i32
      %dma_start3A_263 = tpu.memref_slice %arg13[%add3A_156, %dma_start3A_262] : memref<10240x128xf32, #tpu.memory_space<vmem_shared>> -> memref<16x128xf32, #tpu.memory_space<vmem_shared>>
      tpu.enqueue_dma source(%arg12 : memref<16x128xf32, #tpu.memory_space<vmem>>) target(%dma_start3A_263 : memref<16x128xf32, #tpu.memory_space<vmem_shared>>) target_semaphore(%run_scoped3A : memref<!tpu.dma_semaphore, #tpu.memory_space<semaphore_mem>>)
      %dma_wait3A_264 = arith.constant 0 : i32
      %dma_wait3A_265 = tpu.memref_slice %arg13[%add3A_156, %dma_wait3A_264] : memref<10240x128xf32, #tpu.memory_space<vmem_shared>> -> memref<16x128xf32, #tpu.memory_space<vmem_shared>>
      %dma_wait3A_266 = arith.constant 0 : i32
      %dma_wait3A_267 = tpu.memref_slice %arg13[%add3A_156, %dma_wait3A_266] : memref<10240x128xf32, #tpu.memory_space<vmem_shared>> -> memref<16x128xf32, #tpu.memory_space<vmem_shared>>
      tpu.wait_dma2 semaphore(%run_scoped3A : memref<!tpu.dma_semaphore, #tpu.memory_space<semaphore_mem>>) src(%arg12 : memref<16x128xf32, #tpu.memory_space<vmem>>) dst(%dma_wait3A_267 : memref<16x128xf32, #tpu.memory_space<vmem_shared>>)
      tpu.yield
    }) : () -> ()
    %mul3A_157 = arith.constant 640 : i32
    %mul3A_158 = arith.muli %arg1, %mul3A_157 : i32
    %add3A_159 = arith.constant 480 : i32
    %add3A_160 = arith.addi %mul3A_158, %add3A_159 : i32
    "tpu.region"() ({
      %run_scoped3A = tpu.sem_alloc : memref<!tpu.dma_semaphore, #tpu.memory_space<semaphore_mem>>
      %dma_start3A_260 = arith.constant 0 : i32
      %dma_start3A_261 = tpu.memref_slice %arg13[%add3A_160, %dma_start3A_260] : memref<10240x128xf32, #tpu.memory_space<vmem_shared>> -> memref<16x128xf32, #tpu.memory_space<vmem_shared>>
      %dma_start3A_262 = arith.constant 0 : i32
      %dma_start3A_263 = tpu.memref_slice %arg13[%add3A_160, %dma_start3A_262] : memref<10240x128xf32, #tpu.memory_space<vmem_shared>> -> memref<16x128xf32, #tpu.memory_space<vmem_shared>>
      tpu.enqueue_dma source(%arg12 : memref<16x128xf32, #tpu.memory_space<vmem>>) target(%dma_start3A_263 : memref<16x128xf32, #tpu.memory_space<vmem_shared>>) target_semaphore(%run_scoped3A : memref<!tpu.dma_semaphore, #tpu.memory_space<semaphore_mem>>)
      %dma_wait3A_264 = arith.constant 0 : i32
      %dma_wait3A_265 = tpu.memref_slice %arg13[%add3A_160, %dma_wait3A_264] : memref<10240x128xf32, #tpu.memory_space<vmem_shared>> -> memref<16x128xf32, #tpu.memory_space<vmem_shared>>
      %dma_wait3A_266 = arith.constant 0 : i32
      %dma_wait3A_267 = tpu.memref_slice %arg13[%add3A_160, %dma_wait3A_266] : memref<10240x128xf32, #tpu.memory_space<vmem_shared>> -> memref<16x128xf32, #tpu.memory_space<vmem_shared>>
      tpu.wait_dma2 semaphore(%run_scoped3A : memref<!tpu.dma_semaphore, #tpu.memory_space<semaphore_mem>>) src(%arg12 : memref<16x128xf32, #tpu.memory_space<vmem>>) dst(%dma_wait3A_267 : memref<16x128xf32, #tpu.memory_space<vmem_shared>>)
      tpu.yield
    }) : () -> ()
    %mul3A_161 = arith.constant 640 : i32
    %mul3A_162 = arith.muli %arg1, %mul3A_161 : i32
    %add3A_163 = arith.constant 496 : i32
    %add3A_164 = arith.addi %mul3A_162, %add3A_163 : i32
    "tpu.region"() ({
      %run_scoped3A = tpu.sem_alloc : memref<!tpu.dma_semaphore, #tpu.memory_space<semaphore_mem>>
      %dma_start3A_260 = arith.constant 0 : i32
      %dma_start3A_261 = tpu.memref_slice %arg13[%add3A_164, %dma_start3A_260] : memref<10240x128xf32, #tpu.memory_space<vmem_shared>> -> memref<16x128xf32, #tpu.memory_space<vmem_shared>>
      %dma_start3A_262 = arith.constant 0 : i32
      %dma_start3A_263 = tpu.memref_slice %arg13[%add3A_164, %dma_start3A_262] : memref<10240x128xf32, #tpu.memory_space<vmem_shared>> -> memref<16x128xf32, #tpu.memory_space<vmem_shared>>
      tpu.enqueue_dma source(%arg12 : memref<16x128xf32, #tpu.memory_space<vmem>>) target(%dma_start3A_263 : memref<16x128xf32, #tpu.memory_space<vmem_shared>>) target_semaphore(%run_scoped3A : memref<!tpu.dma_semaphore, #tpu.memory_space<semaphore_mem>>)
      %dma_wait3A_264 = arith.constant 0 : i32
      %dma_wait3A_265 = tpu.memref_slice %arg13[%add3A_164, %dma_wait3A_264] : memref<10240x128xf32, #tpu.memory_space<vmem_shared>> -> memref<16x128xf32, #tpu.memory_space<vmem_shared>>
      %dma_wait3A_266 = arith.constant 0 : i32
      %dma_wait3A_267 = tpu.memref_slice %arg13[%add3A_164, %dma_wait3A_266] : memref<10240x128xf32, #tpu.memory_space<vmem_shared>> -> memref<16x128xf32, #tpu.memory_space<vmem_shared>>
      tpu.wait_dma2 semaphore(%run_scoped3A : memref<!tpu.dma_semaphore, #tpu.memory_space<semaphore_mem>>) src(%arg12 : memref<16x128xf32, #tpu.memory_space<vmem>>) dst(%dma_wait3A_267 : memref<16x128xf32, #tpu.memory_space<vmem_shared>>)
      tpu.yield
    }) : () -> ()
    %mul3A_165 = arith.constant 640 : i32
    %mul3A_166 = arith.muli %arg1, %mul3A_165 : i32
    %add3A_167 = arith.constant 512 : i32
    %add3A_168 = arith.addi %mul3A_166, %add3A_167 : i32
    "tpu.region"() ({
      %run_scoped3A = tpu.sem_alloc : memref<!tpu.dma_semaphore, #tpu.memory_space<semaphore_mem>>
      %dma_start3A_260 = arith.constant 0 : i32
      %dma_start3A_261 = tpu.memref_slice %arg13[%add3A_168, %dma_start3A_260] : memref<10240x128xf32, #tpu.memory_space<vmem_shared>> -> memref<16x128xf32, #tpu.memory_space<vmem_shared>>
      %dma_start3A_262 = arith.constant 0 : i32
      %dma_start3A_263 = tpu.memref_slice %arg13[%add3A_168, %dma_start3A_262] : memref<10240x128xf32, #tpu.memory_space<vmem_shared>> -> memref<16x128xf32, #tpu.memory_space<vmem_shared>>
      tpu.enqueue_dma source(%arg12 : memref<16x128xf32, #tpu.memory_space<vmem>>) target(%dma_start3A_263 : memref<16x128xf32, #tpu.memory_space<vmem_shared>>) target_semaphore(%run_scoped3A : memref<!tpu.dma_semaphore, #tpu.memory_space<semaphore_mem>>)
      %dma_wait3A_264 = arith.constant 0 : i32
      %dma_wait3A_265 = tpu.memref_slice %arg13[%add3A_168, %dma_wait3A_264] : memref<10240x128xf32, #tpu.memory_space<vmem_shared>> -> memref<16x128xf32, #tpu.memory_space<vmem_shared>>
      %dma_wait3A_266 = arith.constant 0 : i32
      %dma_wait3A_267 = tpu.memref_slice %arg13[%add3A_168, %dma_wait3A_266] : memref<10240x128xf32, #tpu.memory_space<vmem_shared>> -> memref<16x128xf32, #tpu.memory_space<vmem_shared>>
      tpu.wait_dma2 semaphore(%run_scoped3A : memref<!tpu.dma_semaphore, #tpu.memory_space<semaphore_mem>>) src(%arg12 : memref<16x128xf32, #tpu.memory_space<vmem>>) dst(%dma_wait3A_267 : memref<16x128xf32, #tpu.memory_space<vmem_shared>>)
      tpu.yield
    }) : () -> ()
    %mul3A_169 = arith.constant 640 : i32
    %mul3A_170 = arith.muli %arg1, %mul3A_169 : i32
    %add3A_171 = arith.constant 528 : i32
    %add3A_172 = arith.addi %mul3A_170, %add3A_171 : i32
    "tpu.region"() ({
      %run_scoped3A = tpu.sem_alloc : memref<!tpu.dma_semaphore, #tpu.memory_space<semaphore_mem>>
      %dma_start3A_260 = arith.constant 0 : i32
      %dma_start3A_261 = tpu.memref_slice %arg13[%add3A_172, %dma_start3A_260] : memref<10240x128xf32, #tpu.memory_space<vmem_shared>> -> memref<16x128xf32, #tpu.memory_space<vmem_shared>>
      %dma_start3A_262 = arith.constant 0 : i32
      %dma_start3A_263 = tpu.memref_slice %arg13[%add3A_172, %dma_start3A_262] : memref<10240x128xf32, #tpu.memory_space<vmem_shared>> -> memref<16x128xf32, #tpu.memory_space<vmem_shared>>
      tpu.enqueue_dma source(%arg12 : memref<16x128xf32, #tpu.memory_space<vmem>>) target(%dma_start3A_263 : memref<16x128xf32, #tpu.memory_space<vmem_shared>>) target_semaphore(%run_scoped3A : memref<!tpu.dma_semaphore, #tpu.memory_space<semaphore_mem>>)
      %dma_wait3A_264 = arith.constant 0 : i32
      %dma_wait3A_265 = tpu.memref_slice %arg13[%add3A_172, %dma_wait3A_264] : memref<10240x128xf32, #tpu.memory_space<vmem_shared>> -> memref<16x128xf32, #tpu.memory_space<vmem_shared>>
      %dma_wait3A_266 = arith.constant 0 : i32
      %dma_wait3A_267 = tpu.memref_slice %arg13[%add3A_172, %dma_wait3A_266] : memref<10240x128xf32, #tpu.memory_space<vmem_shared>> -> memref<16x128xf32, #tpu.memory_space<vmem_shared>>
      tpu.wait_dma2 semaphore(%run_scoped3A : memref<!tpu.dma_semaphore, #tpu.memory_space<semaphore_mem>>) src(%arg12 : memref<16x128xf32, #tpu.memory_space<vmem>>) dst(%dma_wait3A_267 : memref<16x128xf32, #tpu.memory_space<vmem_shared>>)
      tpu.yield
    }) : () -> ()
    %mul3A_173 = arith.constant 640 : i32
    %mul3A_174 = arith.muli %arg1, %mul3A_173 : i32
    %add3A_175 = arith.constant 544 : i32
    %add3A_176 = arith.addi %mul3A_174, %add3A_175 : i32
    "tpu.region"() ({
      %run_scoped3A = tpu.sem_alloc : memref<!tpu.dma_semaphore, #tpu.memory_space<semaphore_mem>>
      %dma_start3A_260 = arith.constant 0 : i32
      %dma_start3A_261 = tpu.memref_slice %arg13[%add3A_176, %dma_start3A_260] : memref<10240x128xf32, #tpu.memory_space<vmem_shared>> -> memref<16x128xf32, #tpu.memory_space<vmem_shared>>
      %dma_start3A_262 = arith.constant 0 : i32
      %dma_start3A_263 = tpu.memref_slice %arg13[%add3A_176, %dma_start3A_262] : memref<10240x128xf32, #tpu.memory_space<vmem_shared>> -> memref<16x128xf32, #tpu.memory_space<vmem_shared>>
      tpu.enqueue_dma source(%arg12 : memref<16x128xf32, #tpu.memory_space<vmem>>) target(%dma_start3A_263 : memref<16x128xf32, #tpu.memory_space<vmem_shared>>) target_semaphore(%run_scoped3A : memref<!tpu.dma_semaphore, #tpu.memory_space<semaphore_mem>>)
      %dma_wait3A_264 = arith.constant 0 : i32
      %dma_wait3A_265 = tpu.memref_slice %arg13[%add3A_176, %dma_wait3A_264] : memref<10240x128xf32, #tpu.memory_space<vmem_shared>> -> memref<16x128xf32, #tpu.memory_space<vmem_shared>>
      %dma_wait3A_266 = arith.constant 0 : i32
      %dma_wait3A_267 = tpu.memref_slice %arg13[%add3A_176, %dma_wait3A_266] : memref<10240x128xf32, #tpu.memory_space<vmem_shared>> -> memref<16x128xf32, #tpu.memory_space<vmem_shared>>
      tpu.wait_dma2 semaphore(%run_scoped3A : memref<!tpu.dma_semaphore, #tpu.memory_space<semaphore_mem>>) src(%arg12 : memref<16x128xf32, #tpu.memory_space<vmem>>) dst(%dma_wait3A_267 : memref<16x128xf32, #tpu.memory_space<vmem_shared>>)
      tpu.yield
    }) : () -> ()
    %mul3A_177 = arith.constant 640 : i32
    %mul3A_178 = arith.muli %arg1, %mul3A_177 : i32
    %add3A_179 = arith.constant 560 : i32
    %add3A_180 = arith.addi %mul3A_178, %add3A_179 : i32
    "tpu.region"() ({
      %run_scoped3A = tpu.sem_alloc : memref<!tpu.dma_semaphore, #tpu.memory_space<semaphore_mem>>
      %dma_start3A_260 = arith.constant 0 : i32
      %dma_start3A_261 = tpu.memref_slice %arg13[%add3A_180, %dma_start3A_260] : memref<10240x128xf32, #tpu.memory_space<vmem_shared>> -> memref<16x128xf32, #tpu.memory_space<vmem_shared>>
      %dma_start3A_262 = arith.constant 0 : i32
      %dma_start3A_263 = tpu.memref_slice %arg13[%add3A_180, %dma_start3A_262] : memref<10240x128xf32, #tpu.memory_space<vmem_shared>> -> memref<16x128xf32, #tpu.memory_space<vmem_shared>>
      tpu.enqueue_dma source(%arg12 : memref<16x128xf32, #tpu.memory_space<vmem>>) target(%dma_start3A_263 : memref<16x128xf32, #tpu.memory_space<vmem_shared>>) target_semaphore(%run_scoped3A : memref<!tpu.dma_semaphore, #tpu.memory_space<semaphore_mem>>)
      %dma_wait3A_264 = arith.constant 0 : i32
      %dma_wait3A_265 = tpu.memref_slice %arg13[%add3A_180, %dma_wait3A_264] : memref<10240x128xf32, #tpu.memory_space<vmem_shared>> -> memref<16x128xf32, #tpu.memory_space<vmem_shared>>
      %dma_wait3A_266 = arith.constant 0 : i32
      %dma_wait3A_267 = tpu.memref_slice %arg13[%add3A_180, %dma_wait3A_266] : memref<10240x128xf32, #tpu.memory_space<vmem_shared>> -> memref<16x128xf32, #tpu.memory_space<vmem_shared>>
      tpu.wait_dma2 semaphore(%run_scoped3A : memref<!tpu.dma_semaphore, #tpu.memory_space<semaphore_mem>>) src(%arg12 : memref<16x128xf32, #tpu.memory_space<vmem>>) dst(%dma_wait3A_267 : memref<16x128xf32, #tpu.memory_space<vmem_shared>>)
      tpu.yield
    }) : () -> ()
    %mul3A_181 = arith.constant 640 : i32
    %mul3A_182 = arith.muli %arg1, %mul3A_181 : i32
    %add3A_183 = arith.constant 576 : i32
    %add3A_184 = arith.addi %mul3A_182, %add3A_183 : i32
    "tpu.region"() ({
      %run_scoped3A = tpu.sem_alloc : memref<!tpu.dma_semaphore, #tpu.memory_space<semaphore_mem>>
      %dma_start3A_260 = arith.constant 0 : i32
      %dma_start3A_261 = tpu.memref_slice %arg13[%add3A_184, %dma_start3A_260] : memref<10240x128xf32, #tpu.memory_space<vmem_shared>> -> memref<16x128xf32, #tpu.memory_space<vmem_shared>>
      %dma_start3A_262 = arith.constant 0 : i32
      %dma_start3A_263 = tpu.memref_slice %arg13[%add3A_184, %dma_start3A_262] : memref<10240x128xf32, #tpu.memory_space<vmem_shared>> -> memref<16x128xf32, #tpu.memory_space<vmem_shared>>
      tpu.enqueue_dma source(%arg12 : memref<16x128xf32, #tpu.memory_space<vmem>>) target(%dma_start3A_263 : memref<16x128xf32, #tpu.memory_space<vmem_shared>>) target_semaphore(%run_scoped3A : memref<!tpu.dma_semaphore, #tpu.memory_space<semaphore_mem>>)
      %dma_wait3A_264 = arith.constant 0 : i32
      %dma_wait3A_265 = tpu.memref_slice %arg13[%add3A_184, %dma_wait3A_264] : memref<10240x128xf32, #tpu.memory_space<vmem_shared>> -> memref<16x128xf32, #tpu.memory_space<vmem_shared>>
      %dma_wait3A_266 = arith.constant 0 : i32
      %dma_wait3A_267 = tpu.memref_slice %arg13[%add3A_184, %dma_wait3A_266] : memref<10240x128xf32, #tpu.memory_space<vmem_shared>> -> memref<16x128xf32, #tpu.memory_space<vmem_shared>>
      tpu.wait_dma2 semaphore(%run_scoped3A : memref<!tpu.dma_semaphore, #tpu.memory_space<semaphore_mem>>) src(%arg12 : memref<16x128xf32, #tpu.memory_space<vmem>>) dst(%dma_wait3A_267 : memref<16x128xf32, #tpu.memory_space<vmem_shared>>)
      tpu.yield
    }) : () -> ()
    %mul3A_185 = arith.constant 640 : i32
    %mul3A_186 = arith.muli %arg1, %mul3A_185 : i32
    %add3A_187 = arith.constant 592 : i32
    %add3A_188 = arith.addi %mul3A_186, %add3A_187 : i32
    "tpu.region"() ({
      %run_scoped3A = tpu.sem_alloc : memref<!tpu.dma_semaphore, #tpu.memory_space<semaphore_mem>>
      %dma_start3A_260 = arith.constant 0 : i32
      %dma_start3A_261 = tpu.memref_slice %arg13[%add3A_188, %dma_start3A_260] : memref<10240x128xf32, #tpu.memory_space<vmem_shared>> -> memref<16x128xf32, #tpu.memory_space<vmem_shared>>
      %dma_start3A_262 = arith.constant 0 : i32
      %dma_start3A_263 = tpu.memref_slice %arg13[%add3A_188, %dma_start3A_262] : memref<10240x128xf32, #tpu.memory_space<vmem_shared>> -> memref<16x128xf32, #tpu.memory_space<vmem_shared>>
      tpu.enqueue_dma source(%arg12 : memref<16x128xf32, #tpu.memory_space<vmem>>) target(%dma_start3A_263 : memref<16x128xf32, #tpu.memory_space<vmem_shared>>) target_semaphore(%run_scoped3A : memref<!tpu.dma_semaphore, #tpu.memory_space<semaphore_mem>>)
      %dma_wait3A_264 = arith.constant 0 : i32
      %dma_wait3A_265 = tpu.memref_slice %arg13[%add3A_188, %dma_wait3A_264] : memref<10240x128xf32, #tpu.memory_space<vmem_shared>> -> memref<16x128xf32, #tpu.memory_space<vmem_shared>>
      %dma_wait3A_266 = arith.constant 0 : i32
      %dma_wait3A_267 = tpu.memref_slice %arg13[%add3A_188, %dma_wait3A_266] : memref<10240x128xf32, #tpu.memory_space<vmem_shared>> -> memref<16x128xf32, #tpu.memory_space<vmem_shared>>
      tpu.wait_dma2 semaphore(%run_scoped3A : memref<!tpu.dma_semaphore, #tpu.memory_space<semaphore_mem>>) src(%arg12 : memref<16x128xf32, #tpu.memory_space<vmem>>) dst(%dma_wait3A_267 : memref<16x128xf32, #tpu.memory_space<vmem_shared>>)
      tpu.yield
    }) : () -> ()
    %mul3A_189 = arith.constant 640 : i32
    %mul3A_190 = arith.muli %arg1, %mul3A_189 : i32
    %add3A_191 = arith.constant 608 : i32
    %add3A_192 = arith.addi %mul3A_190, %add3A_191 : i32
    "tpu.region"() ({
      %run_scoped3A = tpu.sem_alloc : memref<!tpu.dma_semaphore, #tpu.memory_space<semaphore_mem>>
      %dma_start3A_260 = arith.constant 0 : i32
      %dma_start3A_261 = tpu.memref_slice %arg13[%add3A_192, %dma_start3A_260] : memref<10240x128xf32, #tpu.memory_space<vmem_shared>> -> memref<16x128xf32, #tpu.memory_space<vmem_shared>>
      %dma_start3A_262 = arith.constant 0 : i32
      %dma_start3A_263 = tpu.memref_slice %arg13[%add3A_192, %dma_start3A_262] : memref<10240x128xf32, #tpu.memory_space<vmem_shared>> -> memref<16x128xf32, #tpu.memory_space<vmem_shared>>
      tpu.enqueue_dma source(%arg12 : memref<16x128xf32, #tpu.memory_space<vmem>>) target(%dma_start3A_263 : memref<16x128xf32, #tpu.memory_space<vmem_shared>>) target_semaphore(%run_scoped3A : memref<!tpu.dma_semaphore, #tpu.memory_space<semaphore_mem>>)
      %dma_wait3A_264 = arith.constant 0 : i32
      %dma_wait3A_265 = tpu.memref_slice %arg13[%add3A_192, %dma_wait3A_264] : memref<10240x128xf32, #tpu.memory_space<vmem_shared>> -> memref<16x128xf32, #tpu.memory_space<vmem_shared>>
      %dma_wait3A_266 = arith.constant 0 : i32
      %dma_wait3A_267 = tpu.memref_slice %arg13[%add3A_192, %dma_wait3A_266] : memref<10240x128xf32, #tpu.memory_space<vmem_shared>> -> memref<16x128xf32, #tpu.memory_space<vmem_shared>>
      tpu.wait_dma2 semaphore(%run_scoped3A : memref<!tpu.dma_semaphore, #tpu.memory_space<semaphore_mem>>) src(%arg12 : memref<16x128xf32, #tpu.memory_space<vmem>>) dst(%dma_wait3A_267 : memref<16x128xf32, #tpu.memory_space<vmem_shared>>)
      tpu.yield
    }) : () -> ()
    %mul3A_193 = arith.constant 640 : i32
    %mul3A_194 = arith.muli %arg1, %mul3A_193 : i32
    %add3A_195 = arith.constant 624 : i32
    %add3A_196 = arith.addi %mul3A_194, %add3A_195 : i32
    "tpu.region"() ({
      %run_scoped3A = tpu.sem_alloc : memref<!tpu.dma_semaphore, #tpu.memory_space<semaphore_mem>>
      %dma_start3A_260 = arith.constant 0 : i32
      %dma_start3A_261 = tpu.memref_slice %arg13[%add3A_196, %dma_start3A_260] : memref<10240x128xf32, #tpu.memory_space<vmem_shared>> -> memref<16x128xf32, #tpu.memory_space<vmem_shared>>
      %dma_start3A_262 = arith.constant 0 : i32
      %dma_start3A_263 = tpu.memref_slice %arg13[%add3A_196, %dma_start3A_262] : memref<10240x128xf32, #tpu.memory_space<vmem_shared>> -> memref<16x128xf32, #tpu.memory_space<vmem_shared>>
      tpu.enqueue_dma source(%arg12 : memref<16x128xf32, #tpu.memory_space<vmem>>) target(%dma_start3A_263 : memref<16x128xf32, #tpu.memory_space<vmem_shared>>) target_semaphore(%run_scoped3A : memref<!tpu.dma_semaphore, #tpu.memory_space<semaphore_mem>>)
      %dma_wait3A_264 = arith.constant 0 : i32
      %dma_wait3A_265 = tpu.memref_slice %arg13[%add3A_196, %dma_wait3A_264] : memref<10240x128xf32, #tpu.memory_space<vmem_shared>> -> memref<16x128xf32, #tpu.memory_space<vmem_shared>>
      %dma_wait3A_266 = arith.constant 0 : i32
      %dma_wait3A_267 = tpu.memref_slice %arg13[%add3A_196, %dma_wait3A_266] : memref<10240x128xf32, #tpu.memory_space<vmem_shared>> -> memref<16x128xf32, #tpu.memory_space<vmem_shared>>
      tpu.wait_dma2 semaphore(%run_scoped3A : memref<!tpu.dma_semaphore, #tpu.memory_space<semaphore_mem>>) src(%arg12 : memref<16x128xf32, #tpu.memory_space<vmem>>) dst(%dma_wait3A_267 : memref<16x128xf32, #tpu.memory_space<vmem_shared>>)
      tpu.yield
    }) : () -> ()
    %barrier3A = arith.constant 0 : index
    tpu.barrier barrier_id(%barrier3A)
    %sub3A = arith.constant 2 : i32
    %sub3A_197 = arith.subi %select_n3A, %sub3A : i32
    %jit3A_198 = arith.constant 2 : i32
    %div3A = arith.divsi %sub3A_197, %jit3A_198 : i32
    %sign3A = arith.constant 0 : i32
    %sign3A_199 = arith.cmpi sgt, %sub3A_197, %sign3A : i32
    %sign3A_200 = arith.extui %sign3A_199 : i1 to i32
    %sign3A_201 = arith.constant 0 : i32
    %sign3A_202 = arith.cmpi slt, %sub3A_197, %sign3A_201 : i32
    %sign3A_203 = arith.extui %sign3A_202 : i1 to i32
    %sign3A_204 = arith.subi %sign3A_200, %sign3A_203 : i32
    %sign3A_205 = arith.constant 0 : i32
    %sign3A_206 = arith.cmpi sgt, %jit3A_198, %sign3A_205 : i32
    %sign3A_207 = arith.extui %sign3A_206 : i1 to i32
    %sign3A_208 = arith.constant 0 : i32
    %sign3A_209 = arith.cmpi slt, %jit3A_198, %sign3A_208 : i32
    %sign3A_210 = arith.extui %sign3A_209 : i1 to i32
    %sign3A_211 = arith.subi %sign3A_207, %sign3A_210 : i32
    %ne3A = arith.cmpi ne, %sign3A_204, %sign3A_211 : i32
    %rem3A = arith.remsi %sub3A_197, %jit3A_198 : i32
    %ne3A_212 = arith.constant 0 : i32
    %ne3A_213 = arith.cmpi ne, %rem3A, %ne3A_212 : i32
    %and3A = arith.andi %ne3A, %ne3A_213 : i1
    %sub3A_214 = arith.constant 1 : i32
    %sub3A_215 = arith.subi %div3A, %sub3A_214 : i32
    %select_n3A_216 = arith.select %and3A, %sub3A_215, %div3A : i32
    %while3A = arith.constant 0 : i32
    %while3A_217 = arith.subi %select_n3A_216, %while3A : i32
    %while3A_218 = arith.addi %while3A, %while3A_217 : i32
    %while3A_219 = arith.constant 1 : i32
    %while3A_220 = arith.divsi %while3A_217, %while3A_219 : i32
    %while3A_221 = arith.muli %while3A_220, %while3A_219 : i32
    %while3A_222 = arith.addi %while3A, %while3A_221 : i32
    %while3A_223 = arith.constant 1 : i32
    scf.for %while3A_260 = %while3A to %while3A_222 step %while3A_223  : i32 {
      %mul3A_261 = arith.constant 2 : i32
      %mul3A_262 = arith.muli %mul3A_261, %while3A_260 : i32
      %add3A_263 = arith.constant 1 : i32
      %add3A_264 = arith.addi %mul3A_262, %add3A_263 : i32
      %mul3A_265 = arith.constant 80 : i32
      %mul3A_266 = arith.muli %add3A_264, %mul3A_265 : i32
      %add3A_267 = arith.addi %mul3A_10, %mul3A_266 : i32
      %dma_wait3A_268 = tpu.memref_slice %arg3[%add3A_267] : memref<322560xi32, #tpu.memory_space<hbm>> -> memref<80xi32, #tpu.memory_space<hbm>>
      %dma_wait3A_269 = tpu.memref_slice %arg3[%add3A_267] : memref<322560xi32, #tpu.memory_space<hbm>> -> memref<80xi32, #tpu.memory_space<hbm>>
      tpu.wait_dma2 semaphore(%arg17 : memref<!tpu.dma_semaphore, #tpu.memory_space<semaphore_mem>>) src(%dma_wait3A_269 : memref<80xi32, #tpu.memory_space<hbm>>) dst(%arg7 : memref<80xi32, #tpu.memory_space<vmem>>)
      %dma_wait3A_270 = arith.constant 0 : i32
      %dma_wait3A_271 = arith.constant 0 : i32
      %dma_wait3A_272 = tpu.memref_slice %arg2[%dma_wait3A_270, %dma_wait3A_271] : memref<10000x128xf32, #tpu.memory_space<hbm>> -> memref<10000x128xf32, #tpu.memory_space<hbm>>
      tpu.wait_indirect_dma semaphore(%arg14 : memref<!tpu.dma_semaphore, #tpu.memory_space<semaphore_mem>>) src(%dma_wait3A_272 : memref<10000x128xf32, #tpu.memory_space<hbm>>) dst(%arg10 : memref<80x128xf32, #tpu.memory_space<vmem>>)
      %dma_start3A_273 = arith.constant 0 : i32
      %dma_start3A_274 = arith.constant 0 : i32
      %dma_start3A_275 = tpu.memref_slice %arg2[%dma_start3A_273, %dma_start3A_274] : memref<10000x128xf32, #tpu.memory_space<hbm>> -> memref<10000x128xf32, #tpu.memory_space<hbm>>
      tpu.enqueue_indirect_dma source(%dma_start3A_275 : memref<10000x128xf32, #tpu.memory_space<hbm>>) target(%arg11 : memref<80x128xf32, #tpu.memory_space<vmem>>) offsets(%arg7 : memref<80xi32, #tpu.memory_space<vmem>>) semaphore(%arg15 : memref<!tpu.dma_semaphore, #tpu.memory_space<semaphore_mem>>)
      %add3A_276 = arith.constant 2 : i32
      %add3A_277 = arith.addi %mul3A_262, %add3A_276 : i32
      %mul3A_278 = arith.constant 80 : i32
      %mul3A_279 = arith.muli %add3A_277, %mul3A_278 : i32
      %add3A_280 = arith.addi %mul3A_10, %mul3A_279 : i32
      %dma_start3A_281 = tpu.memref_slice %arg3[%add3A_280] : memref<322560xi32, #tpu.memory_space<hbm>> -> memref<80xi32, #tpu.memory_space<hbm>>
      %dma_start3A_282 = tpu.memref_slice %arg3[%add3A_280] : memref<322560xi32, #tpu.memory_space<hbm>> -> memref<80xi32, #tpu.memory_space<hbm>>
      tpu.enqueue_dma source(%dma_start3A_282 : memref<80xi32, #tpu.memory_space<hbm>>) target(%arg6 : memref<80xi32, #tpu.memory_space<vmem>>) target_semaphore(%arg16 : memref<!tpu.dma_semaphore, #tpu.memory_space<semaphore_mem>>)
      %mul3A_283 = arith.constant 80 : i32
      %mul3A_284 = arith.muli %mul3A_262, %mul3A_283 : i32
      %add3A_285 = arith.addi %mul3A_10, %mul3A_284 : i32
      %dma_wait3A_286 = tpu.memref_slice %arg4[%add3A_285] : memref<322560xi32, #tpu.memory_space<hbm>> -> memref<80xi32, #tpu.memory_space<hbm>>
      %dma_wait3A_287 = tpu.memref_slice %arg4[%add3A_285] : memref<322560xi32, #tpu.memory_space<hbm>> -> memref<80xi32, #tpu.memory_space<hbm>>
      tpu.wait_dma2 semaphore(%arg18 : memref<!tpu.dma_semaphore, #tpu.memory_space<semaphore_mem>>) src(%dma_wait3A_287 : memref<80xi32, #tpu.memory_space<hbm>>) dst(%arg8 : memref<80xi32, #tpu.memory_space<vmem>>)
      "tpu.region"() ({
        %run_scoped3A = tpu.sem_alloc : memref<!tpu.dma_semaphore, #tpu.memory_space<semaphore_mem>>
        %dma_start3A_329 = arith.constant 0 : i32
        %dma_start3A_330 = arith.constant 0 : i32
        %dma_start3A_331 = tpu.memref_slice %arg13[%dma_start3A_329, %dma_start3A_330] : memref<10240x128xf32, #tpu.memory_space<vmem_shared>> -> memref<10240x128xf32, #tpu.memory_space<vmem_shared>>
        tpu.enqueue_indirect_dma source(%arg10 : memref<80x128xf32, #tpu.memory_space<vmem>>) target(%dma_start3A_331 : memref<10240x128xf32, #tpu.memory_space<vmem_shared>>) offsets(%arg8 : memref<80xi32, #tpu.memory_space<vmem>>) semaphore(%run_scoped3A : memref<!tpu.dma_semaphore, #tpu.memory_space<semaphore_mem>>) {add = true}
        %dma_wait3A_332 = arith.constant 0 : i32
        %dma_wait3A_333 = arith.constant 0 : i32
        %dma_wait3A_334 = tpu.memref_slice %arg13[%dma_wait3A_332, %dma_wait3A_333] : memref<10240x128xf32, #tpu.memory_space<vmem_shared>> -> memref<10240x128xf32, #tpu.memory_space<vmem_shared>>
        tpu.wait_indirect_dma semaphore(%run_scoped3A : memref<!tpu.dma_semaphore, #tpu.memory_space<semaphore_mem>>) src(%arg10 : memref<80x128xf32, #tpu.memory_space<vmem>>) dst(%dma_wait3A_334 : memref<10240x128xf32, #tpu.memory_space<vmem_shared>>)
        tpu.yield
      }) : () -> ()
      %add3A_288 = arith.constant 2 : i32
      %add3A_289 = arith.addi %mul3A_262, %add3A_288 : i32
      %mul3A_290 = arith.constant 80 : i32
      %mul3A_291 = arith.muli %add3A_289, %mul3A_290 : i32
      %add3A_292 = arith.addi %mul3A_10, %mul3A_291 : i32
      %dma_start3A_293 = tpu.memref_slice %arg4[%add3A_292] : memref<322560xi32, #tpu.memory_space<hbm>> -> memref<80xi32, #tpu.memory_space<hbm>>
      %dma_start3A_294 = tpu.memref_slice %arg4[%add3A_292] : memref<322560xi32, #tpu.memory_space<hbm>> -> memref<80xi32, #tpu.memory_space<hbm>>
      tpu.enqueue_dma source(%dma_start3A_294 : memref<80xi32, #tpu.memory_space<hbm>>) target(%arg8 : memref<80xi32, #tpu.memory_space<vmem>>) target_semaphore(%arg18 : memref<!tpu.dma_semaphore, #tpu.memory_space<semaphore_mem>>)
      %add3A_295 = arith.constant 2 : i32
      %add3A_296 = arith.addi %mul3A_262, %add3A_295 : i32
      %mul3A_297 = arith.constant 80 : i32
      %mul3A_298 = arith.muli %add3A_296, %mul3A_297 : i32
      %add3A_299 = arith.addi %mul3A_10, %mul3A_298 : i32
      %dma_wait3A_300 = tpu.memref_slice %arg3[%add3A_299] : memref<322560xi32, #tpu.memory_space<hbm>> -> memref<80xi32, #tpu.memory_space<hbm>>
      %dma_wait3A_301 = tpu.memref_slice %arg3[%add3A_299] : memref<322560xi32, #tpu.memory_space<hbm>> -> memref<80xi32, #tpu.memory_space<hbm>>
      tpu.wait_dma2 semaphore(%arg16 : memref<!tpu.dma_semaphore, #tpu.memory_space<semaphore_mem>>) src(%dma_wait3A_301 : memref<80xi32, #tpu.memory_space<hbm>>) dst(%arg6 : memref<80xi32, #tpu.memory_space<vmem>>)
      %dma_wait3A_302 = arith.constant 0 : i32
      %dma_wait3A_303 = arith.constant 0 : i32
      %dma_wait3A_304 = tpu.memref_slice %arg2[%dma_wait3A_302, %dma_wait3A_303] : memref<10000x128xf32, #tpu.memory_space<hbm>> -> memref<10000x128xf32, #tpu.memory_space<hbm>>
      tpu.wait_indirect_dma semaphore(%arg15 : memref<!tpu.dma_semaphore, #tpu.memory_space<semaphore_mem>>) src(%dma_wait3A_304 : memref<10000x128xf32, #tpu.memory_space<hbm>>) dst(%arg11 : memref<80x128xf32, #tpu.memory_space<vmem>>)
      %dma_start3A_305 = arith.constant 0 : i32
      %dma_start3A_306 = arith.constant 0 : i32
      %dma_start3A_307 = tpu.memref_slice %arg2[%dma_start3A_305, %dma_start3A_306] : memref<10000x128xf32, #tpu.memory_space<hbm>> -> memref<10000x128xf32, #tpu.memory_space<hbm>>
      tpu.enqueue_indirect_dma source(%dma_start3A_307 : memref<10000x128xf32, #tpu.memory_space<hbm>>) target(%arg10 : memref<80x128xf32, #tpu.memory_space<vmem>>) offsets(%arg6 : memref<80xi32, #tpu.memory_space<vmem>>) semaphore(%arg14 : memref<!tpu.dma_semaphore, #tpu.memory_space<semaphore_mem>>)
      %add3A_308 = arith.constant 3 : i32
      %add3A_309 = arith.addi %mul3A_262, %add3A_308 : i32
      %mul3A_310 = arith.constant 80 : i32
      %mul3A_311 = arith.muli %add3A_309, %mul3A_310 : i32
      %add3A_312 = arith.addi %mul3A_10, %mul3A_311 : i32
      %dma_start3A_313 = tpu.memref_slice %arg3[%add3A_312] : memref<322560xi32, #tpu.memory_space<hbm>> -> memref<80xi32, #tpu.memory_space<hbm>>
      %dma_start3A_314 = tpu.memref_slice %arg3[%add3A_312] : memref<322560xi32, #tpu.memory_space<hbm>> -> memref<80xi32, #tpu.memory_space<hbm>>
      tpu.enqueue_dma source(%dma_start3A_314 : memref<80xi32, #tpu.memory_space<hbm>>) target(%arg7 : memref<80xi32, #tpu.memory_space<vmem>>) target_semaphore(%arg17 : memref<!tpu.dma_semaphore, #tpu.memory_space<semaphore_mem>>)
      %add3A_315 = arith.constant 1 : i32
      %add3A_316 = arith.addi %mul3A_262, %add3A_315 : i32
      %mul3A_317 = arith.constant 80 : i32
      %mul3A_318 = arith.muli %add3A_316, %mul3A_317 : i32
      %add3A_319 = arith.addi %mul3A_10, %mul3A_318 : i32
      %dma_wait3A_320 = tpu.memref_slice %arg4[%add3A_319] : memref<322560xi32, #tpu.memory_space<hbm>> -> memref<80xi32, #tpu.memory_space<hbm>>
      %dma_wait3A_321 = tpu.memref_slice %arg4[%add3A_319] : memref<322560xi32, #tpu.memory_space<hbm>> -> memref<80xi32, #tpu.memory_space<hbm>>
      tpu.wait_dma2 semaphore(%arg19 : memref<!tpu.dma_semaphore, #tpu.memory_space<semaphore_mem>>) src(%dma_wait3A_321 : memref<80xi32, #tpu.memory_space<hbm>>) dst(%arg9 : memref<80xi32, #tpu.memory_space<vmem>>)
      "tpu.region"() ({
        %run_scoped3A = tpu.sem_alloc : memref<!tpu.dma_semaphore, #tpu.memory_space<semaphore_mem>>
        %dma_start3A_329 = arith.constant 0 : i32
        %dma_start3A_330 = arith.constant 0 : i32
        %dma_start3A_331 = tpu.memref_slice %arg13[%dma_start3A_329, %dma_start3A_330] : memref<10240x128xf32, #tpu.memory_space<vmem_shared>> -> memref<10240x128xf32, #tpu.memory_space<vmem_shared>>
        tpu.enqueue_indirect_dma source(%arg11 : memref<80x128xf32, #tpu.memory_space<vmem>>) target(%dma_start3A_331 : memref<10240x128xf32, #tpu.memory_space<vmem_shared>>) offsets(%arg9 : memref<80xi32, #tpu.memory_space<vmem>>) semaphore(%run_scoped3A : memref<!tpu.dma_semaphore, #tpu.memory_space<semaphore_mem>>) {add = true}
        %dma_wait3A_332 = arith.constant 0 : i32
        %dma_wait3A_333 = arith.constant 0 : i32
        %dma_wait3A_334 = tpu.memref_slice %arg13[%dma_wait3A_332, %dma_wait3A_333] : memref<10240x128xf32, #tpu.memory_space<vmem_shared>> -> memref<10240x128xf32, #tpu.memory_space<vmem_shared>>
        tpu.wait_indirect_dma semaphore(%run_scoped3A : memref<!tpu.dma_semaphore, #tpu.memory_space<semaphore_mem>>) src(%arg11 : memref<80x128xf32, #tpu.memory_space<vmem>>) dst(%dma_wait3A_334 : memref<10240x128xf32, #tpu.memory_space<vmem_shared>>)
        tpu.yield
      }) : () -> ()
      %add3A_322 = arith.constant 3 : i32
      %add3A_323 = arith.addi %mul3A_262, %add3A_322 : i32
      %mul3A_324 = arith.constant 80 : i32
      %mul3A_325 = arith.muli %add3A_323, %mul3A_324 : i32
      %add3A_326 = arith.addi %mul3A_10, %mul3A_325 : i32
      %dma_start3A_327 = tpu.memref_slice %arg4[%add3A_326] : memref<322560xi32, #tpu.memory_space<hbm>> -> memref<80xi32, #tpu.memory_space<hbm>>
      %dma_start3A_328 = tpu.memref_slice %arg4[%add3A_326] : memref<322560xi32, #tpu.memory_space<hbm>> -> memref<80xi32, #tpu.memory_space<hbm>>
      tpu.enqueue_dma source(%dma_start3A_328 : memref<80xi32, #tpu.memory_space<hbm>>) target(%arg9 : memref<80xi32, #tpu.memory_space<vmem>>) target_semaphore(%arg19 : memref<!tpu.dma_semaphore, #tpu.memory_space<semaphore_mem>>)
    }
    %while3A_224 = arith.constant 1 : i32
    scf.for %while3A_260 = %while3A_222 to %while3A_218 step %while3A_224  : i32 {
      %mul3A_261 = arith.constant 2 : i32
      %mul3A_262 = arith.muli %mul3A_261, %while3A_260 : i32
      %add3A_263 = arith.constant 1 : i32
      %add3A_264 = arith.addi %mul3A_262, %add3A_263 : i32
      %mul3A_265 = arith.constant 80 : i32
      %mul3A_266 = arith.muli %add3A_264, %mul3A_265 : i32
      %add3A_267 = arith.addi %mul3A_10, %mul3A_266 : i32
      %dma_wait3A_268 = tpu.memref_slice %arg3[%add3A_267] : memref<322560xi32, #tpu.memory_space<hbm>> -> memref<80xi32, #tpu.memory_space<hbm>>
      %dma_wait3A_269 = tpu.memref_slice %arg3[%add3A_267] : memref<322560xi32, #tpu.memory_space<hbm>> -> memref<80xi32, #tpu.memory_space<hbm>>
      tpu.wait_dma2 semaphore(%arg17 : memref<!tpu.dma_semaphore, #tpu.memory_space<semaphore_mem>>) src(%dma_wait3A_269 : memref<80xi32, #tpu.memory_space<hbm>>) dst(%arg7 : memref<80xi32, #tpu.memory_space<vmem>>)
      %dma_wait3A_270 = arith.constant 0 : i32
      %dma_wait3A_271 = arith.constant 0 : i32
      %dma_wait3A_272 = tpu.memref_slice %arg2[%dma_wait3A_270, %dma_wait3A_271] : memref<10000x128xf32, #tpu.memory_space<hbm>> -> memref<10000x128xf32, #tpu.memory_space<hbm>>
      tpu.wait_indirect_dma semaphore(%arg14 : memref<!tpu.dma_semaphore, #tpu.memory_space<semaphore_mem>>) src(%dma_wait3A_272 : memref<10000x128xf32, #tpu.memory_space<hbm>>) dst(%arg10 : memref<80x128xf32, #tpu.memory_space<vmem>>)
      %dma_start3A_273 = arith.constant 0 : i32
      %dma_start3A_274 = arith.constant 0 : i32
      %dma_start3A_275 = tpu.memref_slice %arg2[%dma_start3A_273, %dma_start3A_274] : memref<10000x128xf32, #tpu.memory_space<hbm>> -> memref<10000x128xf32, #tpu.memory_space<hbm>>
      tpu.enqueue_indirect_dma source(%dma_start3A_275 : memref<10000x128xf32, #tpu.memory_space<hbm>>) target(%arg11 : memref<80x128xf32, #tpu.memory_space<vmem>>) offsets(%arg7 : memref<80xi32, #tpu.memory_space<vmem>>) semaphore(%arg15 : memref<!tpu.dma_semaphore, #tpu.memory_space<semaphore_mem>>)
      %add3A_276 = arith.constant 2 : i32
      %add3A_277 = arith.addi %mul3A_262, %add3A_276 : i32
      %mul3A_278 = arith.constant 80 : i32
      %mul3A_279 = arith.muli %add3A_277, %mul3A_278 : i32
      %add3A_280 = arith.addi %mul3A_10, %mul3A_279 : i32
      %dma_start3A_281 = tpu.memref_slice %arg3[%add3A_280] : memref<322560xi32, #tpu.memory_space<hbm>> -> memref<80xi32, #tpu.memory_space<hbm>>
      %dma_start3A_282 = tpu.memref_slice %arg3[%add3A_280] : memref<322560xi32, #tpu.memory_space<hbm>> -> memref<80xi32, #tpu.memory_space<hbm>>
      tpu.enqueue_dma source(%dma_start3A_282 : memref<80xi32, #tpu.memory_space<hbm>>) target(%arg6 : memref<80xi32, #tpu.memory_space<vmem>>) target_semaphore(%arg16 : memref<!tpu.dma_semaphore, #tpu.memory_space<semaphore_mem>>)
      %mul3A_283 = arith.constant 80 : i32
      %mul3A_284 = arith.muli %mul3A_262, %mul3A_283 : i32
      %add3A_285 = arith.addi %mul3A_10, %mul3A_284 : i32
      %dma_wait3A_286 = tpu.memref_slice %arg4[%add3A_285] : memref<322560xi32, #tpu.memory_space<hbm>> -> memref<80xi32, #tpu.memory_space<hbm>>
      %dma_wait3A_287 = tpu.memref_slice %arg4[%add3A_285] : memref<322560xi32, #tpu.memory_space<hbm>> -> memref<80xi32, #tpu.memory_space<hbm>>
      tpu.wait_dma2 semaphore(%arg18 : memref<!tpu.dma_semaphore, #tpu.memory_space<semaphore_mem>>) src(%dma_wait3A_287 : memref<80xi32, #tpu.memory_space<hbm>>) dst(%arg8 : memref<80xi32, #tpu.memory_space<vmem>>)
      "tpu.region"() ({
        %run_scoped3A = tpu.sem_alloc : memref<!tpu.dma_semaphore, #tpu.memory_space<semaphore_mem>>
        %dma_start3A_329 = arith.constant 0 : i32
        %dma_start3A_330 = arith.constant 0 : i32
        %dma_start3A_331 = tpu.memref_slice %arg13[%dma_start3A_329, %dma_start3A_330] : memref<10240x128xf32, #tpu.memory_space<vmem_shared>> -> memref<10240x128xf32, #tpu.memory_space<vmem_shared>>
        tpu.enqueue_indirect_dma source(%arg10 : memref<80x128xf32, #tpu.memory_space<vmem>>) target(%dma_start3A_331 : memref<10240x128xf32, #tpu.memory_space<vmem_shared>>) offsets(%arg8 : memref<80xi32, #tpu.memory_space<vmem>>) semaphore(%run_scoped3A : memref<!tpu.dma_semaphore, #tpu.memory_space<semaphore_mem>>) {add = true}
        %dma_wait3A_332 = arith.constant 0 : i32
        %dma_wait3A_333 = arith.constant 0 : i32
        %dma_wait3A_334 = tpu.memref_slice %arg13[%dma_wait3A_332, %dma_wait3A_333] : memref<10240x128xf32, #tpu.memory_space<vmem_shared>> -> memref<10240x128xf32, #tpu.memory_space<vmem_shared>>
        tpu.wait_indirect_dma semaphore(%run_scoped3A : memref<!tpu.dma_semaphore, #tpu.memory_space<semaphore_mem>>) src(%arg10 : memref<80x128xf32, #tpu.memory_space<vmem>>) dst(%dma_wait3A_334 : memref<10240x128xf32, #tpu.memory_space<vmem_shared>>)
        tpu.yield
      }) : () -> ()
      %add3A_288 = arith.constant 2 : i32
      %add3A_289 = arith.addi %mul3A_262, %add3A_288 : i32
      %mul3A_290 = arith.constant 80 : i32
      %mul3A_291 = arith.muli %add3A_289, %mul3A_290 : i32
      %add3A_292 = arith.addi %mul3A_10, %mul3A_291 : i32
      %dma_start3A_293 = tpu.memref_slice %arg4[%add3A_292] : memref<322560xi32, #tpu.memory_space<hbm>> -> memref<80xi32, #tpu.memory_space<hbm>>
      %dma_start3A_294 = tpu.memref_slice %arg4[%add3A_292] : memref<322560xi32, #tpu.memory_space<hbm>> -> memref<80xi32, #tpu.memory_space<hbm>>
      tpu.enqueue_dma source(%dma_start3A_294 : memref<80xi32, #tpu.memory_space<hbm>>) target(%arg8 : memref<80xi32, #tpu.memory_space<vmem>>) target_semaphore(%arg18 : memref<!tpu.dma_semaphore, #tpu.memory_space<semaphore_mem>>)
      %add3A_295 = arith.constant 2 : i32
      %add3A_296 = arith.addi %mul3A_262, %add3A_295 : i32
      %mul3A_297 = arith.constant 80 : i32
      %mul3A_298 = arith.muli %add3A_296, %mul3A_297 : i32
      %add3A_299 = arith.addi %mul3A_10, %mul3A_298 : i32
      %dma_wait3A_300 = tpu.memref_slice %arg3[%add3A_299] : memref<322560xi32, #tpu.memory_space<hbm>> -> memref<80xi32, #tpu.memory_space<hbm>>
      %dma_wait3A_301 = tpu.memref_slice %arg3[%add3A_299] : memref<322560xi32, #tpu.memory_space<hbm>> -> memref<80xi32, #tpu.memory_space<hbm>>
      tpu.wait_dma2 semaphore(%arg16 : memref<!tpu.dma_semaphore, #tpu.memory_space<semaphore_mem>>) src(%dma_wait3A_301 : memref<80xi32, #tpu.memory_space<hbm>>) dst(%arg6 : memref<80xi32, #tpu.memory_space<vmem>>)
      %dma_wait3A_302 = arith.constant 0 : i32
      %dma_wait3A_303 = arith.constant 0 : i32
      %dma_wait3A_304 = tpu.memref_slice %arg2[%dma_wait3A_302, %dma_wait3A_303] : memref<10000x128xf32, #tpu.memory_space<hbm>> -> memref<10000x128xf32, #tpu.memory_space<hbm>>
      tpu.wait_indirect_dma semaphore(%arg15 : memref<!tpu.dma_semaphore, #tpu.memory_space<semaphore_mem>>) src(%dma_wait3A_304 : memref<10000x128xf32, #tpu.memory_space<hbm>>) dst(%arg11 : memref<80x128xf32, #tpu.memory_space<vmem>>)
      %dma_start3A_305 = arith.constant 0 : i32
      %dma_start3A_306 = arith.constant 0 : i32
      %dma_start3A_307 = tpu.memref_slice %arg2[%dma_start3A_305, %dma_start3A_306] : memref<10000x128xf32, #tpu.memory_space<hbm>> -> memref<10000x128xf32, #tpu.memory_space<hbm>>
      tpu.enqueue_indirect_dma source(%dma_start3A_307 : memref<10000x128xf32, #tpu.memory_space<hbm>>) target(%arg10 : memref<80x128xf32, #tpu.memory_space<vmem>>) offsets(%arg6 : memref<80xi32, #tpu.memory_space<vmem>>) semaphore(%arg14 : memref<!tpu.dma_semaphore, #tpu.memory_space<semaphore_mem>>)
      %add3A_308 = arith.constant 3 : i32
      %add3A_309 = arith.addi %mul3A_262, %add3A_308 : i32
      %mul3A_310 = arith.constant 80 : i32
      %mul3A_311 = arith.muli %add3A_309, %mul3A_310 : i32
      %add3A_312 = arith.addi %mul3A_10, %mul3A_311 : i32
      %dma_start3A_313 = tpu.memref_slice %arg3[%add3A_312] : memref<322560xi32, #tpu.memory_space<hbm>> -> memref<80xi32, #tpu.memory_space<hbm>>
      %dma_start3A_314 = tpu.memref_slice %arg3[%add3A_312] : memref<322560xi32, #tpu.memory_space<hbm>> -> memref<80xi32, #tpu.memory_space<hbm>>
      tpu.enqueue_dma source(%dma_start3A_314 : memref<80xi32, #tpu.memory_space<hbm>>) target(%arg7 : memref<80xi32, #tpu.memory_space<vmem>>) target_semaphore(%arg17 : memref<!tpu.dma_semaphore, #tpu.memory_space<semaphore_mem>>)
      %add3A_315 = arith.constant 1 : i32
      %add3A_316 = arith.addi %mul3A_262, %add3A_315 : i32
      %mul3A_317 = arith.constant 80 : i32
      %mul3A_318 = arith.muli %add3A_316, %mul3A_317 : i32
      %add3A_319 = arith.addi %mul3A_10, %mul3A_318 : i32
      %dma_wait3A_320 = tpu.memref_slice %arg4[%add3A_319] : memref<322560xi32, #tpu.memory_space<hbm>> -> memref<80xi32, #tpu.memory_space<hbm>>
      %dma_wait3A_321 = tpu.memref_slice %arg4[%add3A_319] : memref<322560xi32, #tpu.memory_space<hbm>> -> memref<80xi32, #tpu.memory_space<hbm>>
      tpu.wait_dma2 semaphore(%arg19 : memref<!tpu.dma_semaphore, #tpu.memory_space<semaphore_mem>>) src(%dma_wait3A_321 : memref<80xi32, #tpu.memory_space<hbm>>) dst(%arg9 : memref<80xi32, #tpu.memory_space<vmem>>)
      "tpu.region"() ({
        %run_scoped3A = tpu.sem_alloc : memref<!tpu.dma_semaphore, #tpu.memory_space<semaphore_mem>>
        %dma_start3A_329 = arith.constant 0 : i32
        %dma_start3A_330 = arith.constant 0 : i32
        %dma_start3A_331 = tpu.memref_slice %arg13[%dma_start3A_329, %dma_start3A_330] : memref<10240x128xf32, #tpu.memory_space<vmem_shared>> -> memref<10240x128xf32, #tpu.memory_space<vmem_shared>>
        tpu.enqueue_indirect_dma source(%arg11 : memref<80x128xf32, #tpu.memory_space<vmem>>) target(%dma_start3A_331 : memref<10240x128xf32, #tpu.memory_space<vmem_shared>>) offsets(%arg9 : memref<80xi32, #tpu.memory_space<vmem>>) semaphore(%run_scoped3A : memref<!tpu.dma_semaphore, #tpu.memory_space<semaphore_mem>>) {add = true}
        %dma_wait3A_332 = arith.constant 0 : i32
        %dma_wait3A_333 = arith.constant 0 : i32
        %dma_wait3A_334 = tpu.memref_slice %arg13[%dma_wait3A_332, %dma_wait3A_333] : memref<10240x128xf32, #tpu.memory_space<vmem_shared>> -> memref<10240x128xf32, #tpu.memory_space<vmem_shared>>
        tpu.wait_indirect_dma semaphore(%run_scoped3A : memref<!tpu.dma_semaphore, #tpu.memory_space<semaphore_mem>>) src(%arg11 : memref<80x128xf32, #tpu.memory_space<vmem>>) dst(%dma_wait3A_334 : memref<10240x128xf32, #tpu.memory_space<vmem_shared>>)
        tpu.yield
      }) : () -> ()
      %add3A_322 = arith.constant 3 : i32
      %add3A_323 = arith.addi %mul3A_262, %add3A_322 : i32
      %mul3A_324 = arith.constant 80 : i32
      %mul3A_325 = arith.muli %add3A_323, %mul3A_324 : i32
      %add3A_326 = arith.addi %mul3A_10, %mul3A_325 : i32
      %dma_start3A_327 = tpu.memref_slice %arg4[%add3A_326] : memref<322560xi32, #tpu.memory_space<hbm>> -> memref<80xi32, #tpu.memory_space<hbm>>
      %dma_start3A_328 = tpu.memref_slice %arg4[%add3A_326] : memref<322560xi32, #tpu.memory_space<hbm>> -> memref<80xi32, #tpu.memory_space<hbm>>
      tpu.enqueue_dma source(%dma_start3A_328 : memref<80xi32, #tpu.memory_space<hbm>>) target(%arg9 : memref<80xi32, #tpu.memory_space<vmem>>) target_semaphore(%arg19 : memref<!tpu.dma_semaphore, #tpu.memory_space<semaphore_mem>>)
    }
    %sub3A_225 = arith.constant 1 : i32
    %sub3A_226 = arith.subi %select_n3A, %sub3A_225 : i32
    %mul3A_227 = arith.constant 80 : i32
    %mul3A_228 = arith.muli %sub3A_226, %mul3A_227 : i32
    %add3A_229 = arith.addi %mul3A_10, %mul3A_228 : i32
    %dma_wait3A_230 = tpu.memref_slice %arg3[%add3A_229] : memref<322560xi32, #tpu.memory_space<hbm>> -> memref<80xi32, #tpu.memory_space<hbm>>
    %dma_wait3A_231 = tpu.memref_slice %arg3[%add3A_229] : memref<322560xi32, #tpu.memory_space<hbm>> -> memref<80xi32, #tpu.memory_space<hbm>>
    tpu.wait_dma2 semaphore(%arg17 : memref<!tpu.dma_semaphore, #tpu.memory_space<semaphore_mem>>) src(%dma_wait3A_231 : memref<80xi32, #tpu.memory_space<hbm>>) dst(%arg7 : memref<80xi32, #tpu.memory_space<vmem>>)
    %dma_wait3A_232 = arith.constant 0 : i32
    %dma_wait3A_233 = arith.constant 0 : i32
    %dma_wait3A_234 = tpu.memref_slice %arg2[%dma_wait3A_232, %dma_wait3A_233] : memref<10000x128xf32, #tpu.memory_space<hbm>> -> memref<10000x128xf32, #tpu.memory_space<hbm>>
    tpu.wait_indirect_dma semaphore(%arg14 : memref<!tpu.dma_semaphore, #tpu.memory_space<semaphore_mem>>) src(%dma_wait3A_234 : memref<10000x128xf32, #tpu.memory_space<hbm>>) dst(%arg10 : memref<80x128xf32, #tpu.memory_space<vmem>>)
    %dma_start3A_235 = arith.constant 0 : i32
    %dma_start3A_236 = arith.constant 0 : i32
    %dma_start3A_237 = tpu.memref_slice %arg2[%dma_start3A_235, %dma_start3A_236] : memref<10000x128xf32, #tpu.memory_space<hbm>> -> memref<10000x128xf32, #tpu.memory_space<hbm>>
    tpu.enqueue_indirect_dma source(%dma_start3A_237 : memref<10000x128xf32, #tpu.memory_space<hbm>>) target(%arg11 : memref<80x128xf32, #tpu.memory_space<vmem>>) offsets(%arg7 : memref<80xi32, #tpu.memory_space<vmem>>) semaphore(%arg15 : memref<!tpu.dma_semaphore, #tpu.memory_space<semaphore_mem>>)
    %sub3A_238 = arith.constant 2 : i32
    %sub3A_239 = arith.subi %select_n3A, %sub3A_238 : i32
    %mul3A_240 = arith.constant 80 : i32
    %mul3A_241 = arith.muli %sub3A_239, %mul3A_240 : i32
    %add3A_242 = arith.addi %mul3A_10, %mul3A_241 : i32
    %dma_wait3A_243 = tpu.memref_slice %arg4[%add3A_242] : memref<322560xi32, #tpu.memory_space<hbm>> -> memref<80xi32, #tpu.memory_space<hbm>>
    %dma_wait3A_244 = tpu.memref_slice %arg4[%add3A_242] : memref<322560xi32, #tpu.memory_space<hbm>> -> memref<80xi32, #tpu.memory_space<hbm>>
    tpu.wait_dma2 semaphore(%arg18 : memref<!tpu.dma_semaphore, #tpu.memory_space<semaphore_mem>>) src(%dma_wait3A_244 : memref<80xi32, #tpu.memory_space<hbm>>) dst(%arg8 : memref<80xi32, #tpu.memory_space<vmem>>)
    "tpu.region"() ({
      %run_scoped3A = tpu.sem_alloc : memref<!tpu.dma_semaphore, #tpu.memory_space<semaphore_mem>>
      %dma_start3A_260 = arith.constant 0 : i32
      %dma_start3A_261 = arith.constant 0 : i32
      %dma_start3A_262 = tpu.memref_slice %arg13[%dma_start3A_260, %dma_start3A_261] : memref<10240x128xf32, #tpu.memory_space<vmem_shared>> -> memref<10240x128xf32, #tpu.memory_space<vmem_shared>>
      tpu.enqueue_indirect_dma source(%arg10 : memref<80x128xf32, #tpu.memory_space<vmem>>) target(%dma_start3A_262 : memref<10240x128xf32, #tpu.memory_space<vmem_shared>>) offsets(%arg8 : memref<80xi32, #tpu.memory_space<vmem>>) semaphore(%run_scoped3A : memref<!tpu.dma_semaphore, #tpu.memory_space<semaphore_mem>>) {add = true}
      %dma_wait3A_263 = arith.constant 0 : i32
      %dma_wait3A_264 = arith.constant 0 : i32
      %dma_wait3A_265 = tpu.memref_slice %arg13[%dma_wait3A_263, %dma_wait3A_264] : memref<10240x128xf32, #tpu.memory_space<vmem_shared>> -> memref<10240x128xf32, #tpu.memory_space<vmem_shared>>
      tpu.wait_indirect_dma semaphore(%run_scoped3A : memref<!tpu.dma_semaphore, #tpu.memory_space<semaphore_mem>>) src(%arg10 : memref<80x128xf32, #tpu.memory_space<vmem>>) dst(%dma_wait3A_265 : memref<10240x128xf32, #tpu.memory_space<vmem_shared>>)
      tpu.yield
    }) : () -> ()
    %dma_wait3A_245 = arith.constant 0 : i32
    %dma_wait3A_246 = arith.constant 0 : i32
    %dma_wait3A_247 = tpu.memref_slice %arg2[%dma_wait3A_245, %dma_wait3A_246] : memref<10000x128xf32, #tpu.memory_space<hbm>> -> memref<10000x128xf32, #tpu.memory_space<hbm>>
    tpu.wait_indirect_dma semaphore(%arg15 : memref<!tpu.dma_semaphore, #tpu.memory_space<semaphore_mem>>) src(%dma_wait3A_247 : memref<10000x128xf32, #tpu.memory_space<hbm>>) dst(%arg11 : memref<80x128xf32, #tpu.memory_space<vmem>>)
    %sub3A_248 = arith.constant 1 : i32
    %sub3A_249 = arith.subi %select_n3A, %sub3A_248 : i32
    %mul3A_250 = arith.constant 80 : i32
    %mul3A_251 = arith.muli %sub3A_249, %mul3A_250 : i32
    %add3A_252 = arith.addi %mul3A_10, %mul3A_251 : i32
    %dma_wait3A_253 = tpu.memref_slice %arg4[%add3A_252] : memref<322560xi32, #tpu.memory_space<hbm>> -> memref<80xi32, #tpu.memory_space<hbm>>
    %dma_wait3A_254 = tpu.memref_slice %arg4[%add3A_252] : memref<322560xi32, #tpu.memory_space<hbm>> -> memref<80xi32, #tpu.memory_space<hbm>>
    tpu.wait_dma2 semaphore(%arg19 : memref<!tpu.dma_semaphore, #tpu.memory_space<semaphore_mem>>) src(%dma_wait3A_254 : memref<80xi32, #tpu.memory_space<hbm>>) dst(%arg9 : memref<80xi32, #tpu.memory_space<vmem>>)
    "tpu.region"() ({
      %run_scoped3A = tpu.sem_alloc : memref<!tpu.dma_semaphore, #tpu.memory_space<semaphore_mem>>
      %dma_start3A_260 = arith.constant 0 : i32
      %dma_start3A_261 = arith.constant 0 : i32
      %dma_start3A_262 = tpu.memref_slice %arg13[%dma_start3A_260, %dma_start3A_261] : memref<10240x128xf32, #tpu.memory_space<vmem_shared>> -> memref<10240x128xf32, #tpu.memory_space<vmem_shared>>
      tpu.enqueue_indirect_dma source(%arg11 : memref<80x128xf32, #tpu.memory_space<vmem>>) target(%dma_start3A_262 : memref<10240x128xf32, #tpu.memory_space<vmem_shared>>) offsets(%arg9 : memref<80xi32, #tpu.memory_space<vmem>>) semaphore(%run_scoped3A : memref<!tpu.dma_semaphore, #tpu.memory_space<semaphore_mem>>) {add = true}
      %dma_wait3A_263 = arith.constant 0 : i32
      %dma_wait3A_264 = arith.constant 0 : i32
      %dma_wait3A_265 = tpu.memref_slice %arg13[%dma_wait3A_263, %dma_wait3A_264] : memref<10240x128xf32, #tpu.memory_space<vmem_shared>> -> memref<10240x128xf32, #tpu.memory_space<vmem_shared>>
      tpu.wait_indirect_dma semaphore(%run_scoped3A : memref<!tpu.dma_semaphore, #tpu.memory_space<semaphore_mem>>) src(%arg11 : memref<80x128xf32, #tpu.memory_space<vmem>>) dst(%dma_wait3A_265 : memref<10240x128xf32, #tpu.memory_space<vmem_shared>>)
      tpu.yield
    }) : () -> ()
    %barrier3A_255 = arith.constant 0 : index
    tpu.barrier barrier_id(%barrier3A_255)
    %mul3A_256 = arith.constant 640 : i32
    %mul3A_257 = arith.muli %arg1, %mul3A_256 : i32
    %mul3A_258 = arith.constant 640 : i32
    %mul3A_259 = arith.muli %arg1, %mul3A_258 : i32
    "tpu.region"() ({
      %run_scoped3A = tpu.sem_alloc : memref<!tpu.dma_semaphore, #tpu.memory_space<semaphore_mem>>
      %dma_start3A_260 = arith.constant 0 : i32
      %dma_start3A_261 = tpu.memref_slice %arg5[%arg0, %mul3A_259, %dma_start3A_260] : memref<2x10240x128xf32, #tpu.memory_space<hbm>> -> memref<1x640x128xf32, #tpu.memory_space<hbm>>
      %dma_start3A_262 = tpu.memref_squeeze %dma_start3A_261 : memref<1x640x128xf32, #tpu.memory_space<hbm>> -> memref<640x128xf32, #tpu.memory_space<hbm>>
      %dma_start3A_263 = arith.constant 0 : i32
      %dma_start3A_264 = tpu.memref_slice %arg13[%mul3A_257, %dma_start3A_263] : memref<10240x128xf32, #tpu.memory_space<vmem_shared>> -> memref<640x128xf32, #tpu.memory_space<vmem_shared>>
      tpu.enqueue_dma source(%dma_start3A_264 : memref<640x128xf32, #tpu.memory_space<vmem_shared>>) target(%dma_start3A_262 : memref<640x128xf32, #tpu.memory_space<hbm>>) target_semaphore(%run_scoped3A : memref<!tpu.dma_semaphore, #tpu.memory_space<semaphore_mem>>)
      %dma_wait3A_265 = arith.constant 0 : i32
      %dma_wait3A_266 = tpu.memref_slice %arg5[%arg0, %mul3A_259, %dma_wait3A_265] : memref<2x10240x128xf32, #tpu.memory_space<hbm>> -> memref<1x640x128xf32, #tpu.memory_space<hbm>>
      %dma_wait3A_267 = tpu.memref_squeeze %dma_wait3A_266 : memref<1x640x128xf32, #tpu.memory_space<hbm>> -> memref<640x128xf32, #tpu.memory_space<hbm>>
      %dma_wait3A_268 = arith.constant 0 : i32
      %dma_wait3A_269 = tpu.memref_slice %arg13[%mul3A_257, %dma_wait3A_268] : memref<10240x128xf32, #tpu.memory_space<vmem_shared>> -> memref<640x128xf32, #tpu.memory_space<vmem_shared>>
      tpu.wait_dma2 semaphore(%run_scoped3A : memref<!tpu.dma_semaphore, #tpu.memory_space<semaphore_mem>>) src(%dma_wait3A_269 : memref<640x128xf32, #tpu.memory_space<vmem_shared>>) dst(%dma_wait3A_267 : memref<640x128xf32, #tpu.memory_space<hbm>>)
      tpu.yield
    }) : () -> ()
    return
  }
}

module attributes {stable_mosaic.version = 14 : i64} {
  func.func @_combine_body(%arg0: i32, %arg1: memref<2x1000x128xf32, #tpu.memory_space<vmem>>, %arg2: memref<1000x1xf32, #tpu.memory_space<vmem>>, %arg3: memref<1000x128xf32, #tpu.memory_space<vmem>>) attributes {dimension_semantics = [#tpu.dimension_semantics<arbitrary>], iteration_bounds = array<i64: 10>, scalar_prefetch = 0 : i64, scratch_operands = 0 : i64, tpu.core_type = #tpu.core_type<tc>, window_params = [{transform_indices = @transform_0, window_bounds = array<i64: 2, 1000, 128>}, {transform_indices = @transform_1, window_bounds = array<i64: 1000, 1>}, {transform_indices = @transform_2, window_bounds = array<i64: 1000, 128>}]} {
    %get3A = arith.constant 0 : index
    %get3A_0 = arith.constant 0 : index
    %get3A_1 = arith.constant 0 : index
    %get3A_2 = vector.load %arg1[%get3A, %get3A_0, %get3A_1] : memref<2x1000x128xf32, #tpu.memory_space<vmem>>, vector<1x1000x128xf32>
    %get3A_3 = vector.shape_cast %get3A_2 : vector<1x1000x128xf32> to vector<1000x128xf32>
    %get3A_4 = arith.constant 1 : index
    %get3A_5 = arith.constant 0 : index
    %get3A_6 = arith.constant 0 : index
    %get3A_7 = vector.load %arg1[%get3A_4, %get3A_5, %get3A_6] : memref<2x1000x128xf32, #tpu.memory_space<vmem>>, vector<1x1000x128xf32>
    %get3A_8 = vector.shape_cast %get3A_7 : vector<1x1000x128xf32> to vector<1000x128xf32>
    %add3A = arith.addf %get3A_3, %get3A_8 : vector<1000x128xf32>
    %get3A_9 = arith.constant 0 : index
    %get3A_10 = arith.constant 0 : index
    %get3A_11 = vector.load %arg2[%get3A_9, %get3A_10] : memref<1000x1xf32, #tpu.memory_space<vmem>>, vector<1000x1xf32>
    %div3A = vector.broadcast %get3A_11 : vector<1000x1xf32> to vector<1000x128xf32>
    %div3A_12 = arith.divf %add3A, %div3A : vector<1000x128xf32>
    %swap3A = arith.constant 0 : index
    %swap3A_13 = arith.constant 0 : index
    %swap3A_14 = vector.load %arg3[%swap3A, %swap3A_13] : memref<1000x128xf32, #tpu.memory_space<vmem>>, vector<1000x128xf32>
    tpu.vector_store %arg3[%swap3A, %swap3A_13], %div3A_12 {strides = array<i32>} : memref<1000x128xf32, #tpu.memory_space<vmem>>, vector<1000x128xf32>,
    return
  }
  func.func @transform_0(%arg0: i32) -> (i32, i32, i32) {
    %c0_i32 = arith.constant 0 : i32
    %c0_i32_0 = arith.constant 0 : i32
    %c0_i32_1 = arith.constant 0 : i32
    return %c0_i32, %arg0, %c0_i32_0 : i32, i32, i32
  }
  func.func @transform_1(%arg0: i32) -> (i32, i32) {
    %c0_i32 = arith.constant 0 : i32
    %c0_i32_0 = arith.constant 0 : i32
    return %arg0, %c0_i32 : i32, i32
  }
  func.func @transform_2(%arg0: i32) -> (i32, i32) {
    %c0_i32 = arith.constant 0 : i32
    %c0_i32_0 = arith.constant 0 : i32
    return %arg0, %c0_i32 : i32, i32
  }
}

module attributes {stable_mosaic.version = 14 : i64} {
  func.func @_final_body(%arg0: i32, %arg1: memref<1000x128xf32, #tpu.memory_space<vmem>>, %arg2: memref<1000x128xf32, #tpu.memory_space<vmem>>, %arg3: memref<2x1000x128xf32, #tpu.memory_space<vmem>>, %arg4: memref<1000x1xf32, #tpu.memory_space<vmem>>, %arg5: memref<128x128xf32, #tpu.memory_space<vmem>>, %arg6: memref<128x128xf32, #tpu.memory_space<vmem>>, %arg7: memref<128x128xf32, #tpu.memory_space<vmem>>, %arg8: memref<128x128xf32, #tpu.memory_space<vmem>>, %arg9: memref<1x128xf32, #tpu.memory_space<vmem>>, %arg10: memref<4x128xf32, #tpu.memory_space<vmem>>, %arg11: memref<1x128xf32, #tpu.memory_space<vmem>>, %arg12: memref<1x128xf32, #tpu.memory_space<vmem>>, %arg13: memref<1000x128xf32, #tpu.memory_space<vmem>>) attributes {dimension_semantics = [#tpu.dimension_semantics<arbitrary>], iteration_bounds = array<i64: 10>, scalar_prefetch = 0 : i64, scratch_operands = 0 : i64, tpu.core_type = #tpu.core_type<tc>, window_params = [{transform_indices = @transform_0, window_bounds = array<i64: 1000, 128>}, {transform_indices = @transform_1, window_bounds = array<i64: 1000, 128>}, {transform_indices = @transform_2, window_bounds = array<i64: 2, 1000, 128>}, {transform_indices = @transform_3, window_bounds = array<i64: 1000, 1>}, {pipeline_mode = #tpu.pipeline_mode<synchronous>, transform_indices = @transform_4, window_bounds = array<i64: 128, 128>}, {pipeline_mode = #tpu.pipeline_mode<synchronous>, transform_indices = @transform_5, window_bounds = array<i64: 128, 128>}, {pipeline_mode = #tpu.pipeline_mode<synchronous>, transform_indices = @transform_6, window_bounds = array<i64: 128, 128>}, {pipeline_mode = #tpu.pipeline_mode<synchronous>, transform_indices = @transform_7, window_bounds = array<i64: 128, 128>}, {pipeline_mode = #tpu.pipeline_mode<synchronous>, transform_indices = @transform_8, window_bounds = array<i64: 1, 128>}, {pipeline_mode = #tpu.pipeline_mode<synchronous>, transform_indices = @transform_9, window_bounds = array<i64: 4, 128>}, {pipeline_mode = #tpu.pipeline_mode<synchronous>, transform_indices = @transform_10, window_bounds = array<i64: 1, 128>}, {pipeline_mode = #tpu.pipeline_mode<synchronous>, transform_indices = @transform_11, window_bounds = array<i64: 1, 128>}, {transform_indices = @transform_12, window_bounds = array<i64: 1000, 128>}]} {
    %get3A = arith.constant 0 : index
    %get3A_0 = arith.constant 0 : index
    %get3A_1 = vector.load %arg10[%get3A, %get3A_0] : memref<4x128xf32, #tpu.memory_space<vmem>>, vector<4x128xf32>
    %logistic3A = arith.negf %get3A_1 : vector<4x128xf32>
    %logistic3A_2 = math.exp %logistic3A : vector<4x128xf32>
    %logistic3A_3 = arith.constant 1.000000e+00 : f32
    %logistic3A_4 = vector.broadcast %logistic3A_3 : f32 to vector<4x128xf32>
    %logistic3A_5 = arith.addf %logistic3A_4, %logistic3A_2 : vector<4x128xf32>
    %logistic3A_6 = arith.divf %logistic3A_4, %logistic3A_5 : vector<4x128xf32>
    %mul3A = arith.constant 2.000000e+00 : f32
    %mul3A_7 = vector.broadcast %mul3A : f32 to vector<4x128xf32>
    %mul3A_8 = arith.mulf %mul3A_7, %logistic3A_6 : vector<4x128xf32>
    %get3A_9 = arith.constant 0 : index
    %get3A_10 = arith.constant 0 : index
    %get3A_11 = vector.load %arg1[%get3A_9, %get3A_10] : memref<1000x128xf32, #tpu.memory_space<vmem>>, vector<1000x128xf32>
    %get3A_12 = arith.constant 0 : index
    %get3A_13 = arith.constant 0 : index
    %get3A_14 = vector.load %arg2[%get3A_12, %get3A_13] : memref<1000x128xf32, #tpu.memory_space<vmem>>, vector<1000x128xf32>
    %get3A_15 = arith.constant 0 : index
    %get3A_16 = arith.constant 0 : index
    %get3A_17 = arith.constant 0 : index
    %get3A_18 = vector.load %arg3[%get3A_15, %get3A_16, %get3A_17] : memref<2x1000x128xf32, #tpu.memory_space<vmem>>, vector<1x1000x128xf32>
    %get3A_19 = vector.shape_cast %get3A_18 : vector<1x1000x128xf32> to vector<1000x128xf32>
    %get3A_20 = arith.constant 1 : index
    %get3A_21 = arith.constant 0 : index
    %get3A_22 = arith.constant 0 : index
    %get3A_23 = vector.load %arg3[%get3A_20, %get3A_21, %get3A_22] : memref<2x1000x128xf32, #tpu.memory_space<vmem>>, vector<1x1000x128xf32>
    %get3A_24 = vector.shape_cast %get3A_23 : vector<1x1000x128xf32> to vector<1000x128xf32>
    %add3A = arith.addf %get3A_19, %get3A_24 : vector<1000x128xf32>
    %get3A_25 = arith.constant 0 : index
    %get3A_26 = arith.constant 0 : index
    %get3A_27 = vector.load %arg4[%get3A_25, %get3A_26] : memref<1000x1xf32, #tpu.memory_space<vmem>>, vector<1000x1xf32>
    %div3A = vector.broadcast %get3A_27 : vector<1000x1xf32> to vector<1000x128xf32>
    %div3A_28 = arith.divf %add3A, %div3A : vector<1000x128xf32>
    %sub3A = arith.subf %get3A_11, %get3A_14 : vector<1000x128xf32>
    %slice3A = vector.extract_strided_slice %mul3A_8 {offsets = [0, 0], sizes = [1, 128], strides = [1, 1]} : vector<4x128xf32> to vector<1x128xf32>
    %get3A_29 = arith.constant 0 : index
    %get3A_30 = arith.constant 0 : index
    %get3A_31 = vector.load %arg5[%get3A_29, %get3A_30] : memref<128x128xf32, #tpu.memory_space<vmem>>, vector<128x128xf32>
    %dot_general3A = arith.constant dense<0.000000e+00> : vector<1000x128xf32>
    %dot_general3A_32 = tpu.matmul %get3A_11, %get3A_31, %dot_general3A {dimension_numbers = #tpu.dot_dimension_numbers<[1], [0], [0], [1], [0, 0, 1, 1], [], []>, precision = #tpu.contract_precision<fp32>, transpose_lhs_hint = false} : vector<1000x128xf32>, vector<128x128xf32>, vector<1000x128xf32> -> vector<1000x128xf32>
    %mul3A_33 = vector.broadcast %slice3A : vector<1x128xf32> to vector<1000x128xf32>
    %mul3A_34 = arith.mulf %mul3A_33, %dot_general3A_32 : vector<1000x128xf32>
    %slice3A_35 = vector.extract_strided_slice %mul3A_8 {offsets = [1, 0], sizes = [1, 128], strides = [1, 1]} : vector<4x128xf32> to vector<1x128xf32>
    %get3A_36 = arith.constant 0 : index
    %get3A_37 = arith.constant 0 : index
    %get3A_38 = vector.load %arg6[%get3A_36, %get3A_37] : memref<128x128xf32, #tpu.memory_space<vmem>>, vector<128x128xf32>
    %dot_general3A_39 = arith.constant dense<0.000000e+00> : vector<1000x128xf32>
    %dot_general3A_40 = tpu.matmul %get3A_14, %get3A_38, %dot_general3A_39 {dimension_numbers = #tpu.dot_dimension_numbers<[1], [0], [0], [1], [0, 0, 1, 1], [], []>, precision = #tpu.contract_precision<fp32>, transpose_lhs_hint = false} : vector<1000x128xf32>, vector<128x128xf32>, vector<1000x128xf32> -> vector<1000x128xf32>
    %mul3A_41 = vector.broadcast %slice3A_35 : vector<1x128xf32> to vector<1000x128xf32>
    %mul3A_42 = arith.mulf %mul3A_41, %dot_general3A_40 : vector<1000x128xf32>
    %add3A_43 = arith.addf %mul3A_34, %mul3A_42 : vector<1000x128xf32>
    %slice3A_44 = vector.extract_strided_slice %mul3A_8 {offsets = [2, 0], sizes = [1, 128], strides = [1, 1]} : vector<4x128xf32> to vector<1x128xf32>
    %get3A_45 = arith.constant 0 : index
    %get3A_46 = arith.constant 0 : index
    %get3A_47 = vector.load %arg7[%get3A_45, %get3A_46] : memref<128x128xf32, #tpu.memory_space<vmem>>, vector<128x128xf32>
    %dot_general3A_48 = arith.constant dense<0.000000e+00> : vector<1000x128xf32>
    %dot_general3A_49 = tpu.matmul %sub3A, %get3A_47, %dot_general3A_48 {dimension_numbers = #tpu.dot_dimension_numbers<[1], [0], [0], [1], [0, 0, 1, 1], [], []>, precision = #tpu.contract_precision<fp32>, transpose_lhs_hint = false} : vector<1000x128xf32>, vector<128x128xf32>, vector<1000x128xf32> -> vector<1000x128xf32>
    %mul3A_50 = vector.broadcast %slice3A_44 : vector<1x128xf32> to vector<1000x128xf32>
    %mul3A_51 = arith.mulf %mul3A_50, %dot_general3A_49 : vector<1000x128xf32>
    %add3A_52 = arith.addf %add3A_43, %mul3A_51 : vector<1000x128xf32>
    %slice3A_53 = vector.extract_strided_slice %mul3A_8 {offsets = [3, 0], sizes = [1, 128], strides = [1, 1]} : vector<4x128xf32> to vector<1x128xf32>
    %get3A_54 = arith.constant 0 : index
    %get3A_55 = arith.constant 0 : index
    %get3A_56 = vector.load %arg8[%get3A_54, %get3A_55] : memref<128x128xf32, #tpu.memory_space<vmem>>, vector<128x128xf32>
    %dot_general3A_57 = arith.constant dense<0.000000e+00> : vector<1000x128xf32>
    %dot_general3A_58 = tpu.matmul %div3A_28, %get3A_56, %dot_general3A_57 {dimension_numbers = #tpu.dot_dimension_numbers<[1], [0], [0], [1], [0, 0, 1, 1], [], []>, precision = #tpu.contract_precision<fp32>, transpose_lhs_hint = false} : vector<1000x128xf32>, vector<128x128xf32>, vector<1000x128xf32> -> vector<1000x128xf32>
    %mul3A_59 = vector.broadcast %slice3A_53 : vector<1x128xf32> to vector<1000x128xf32>
    %mul3A_60 = arith.mulf %mul3A_59, %dot_general3A_58 : vector<1000x128xf32>
    %add3A_61 = arith.addf %add3A_52, %mul3A_60 : vector<1000x128xf32>
    %get3A_62 = arith.constant 0 : index
    %get3A_63 = arith.constant 0 : index
    %get3A_64 = vector.load %arg9[%get3A_62, %get3A_63] : memref<1x128xf32, #tpu.memory_space<vmem>>, vector<1x128xf32>
    %add3A_65 = vector.broadcast %get3A_64 : vector<1x128xf32> to vector<1000x128xf32>
    %add3A_66 = arith.addf %add3A_61, %add3A_65 : vector<1000x128xf32>
    %reduce_sum3A = arith.constant dense<0.000000e+00> : vector<1000xf32>
    %reduce_sum3A_67 = vector.multi_reduction <add>, %add3A_66, %reduce_sum3A [1] : vector<1000x128xf32> to vector<1000xf32>
    %broadcast_in_dim3A = vector.shape_cast %reduce_sum3A_67 : vector<1000xf32> to vector<1000x1xf32>
    %div3A_68 = arith.constant 1.280000e+02 : f32
    %div3A_69 = vector.broadcast %div3A_68 : f32 to vector<1000x1xf32>
    %div3A_70 = arith.divf %broadcast_in_dim3A, %div3A_69 : vector<1000x1xf32>
    %sub3A_71 = vector.broadcast %div3A_70 : vector<1000x1xf32> to vector<1000x128xf32>
    %sub3A_72 = arith.subf %add3A_66, %sub3A_71 : vector<1000x128xf32>
    %mul3A_73 = arith.mulf %sub3A_72, %sub3A_72 : vector<1000x128xf32>
    %reduce_sum3A_74 = arith.constant dense<0.000000e+00> : vector<1000xf32>
    %reduce_sum3A_75 = vector.multi_reduction <add>, %mul3A_73, %reduce_sum3A_74 [1] : vector<1000x128xf32> to vector<1000xf32>
    %broadcast_in_dim3A_76 = vector.shape_cast %reduce_sum3A_75 : vector<1000xf32> to vector<1000x1xf32>
    %div3A_77 = arith.constant 1.280000e+02 : f32
    %div3A_78 = vector.broadcast %div3A_77 : f32 to vector<1000x1xf32>
    %div3A_79 = arith.divf %broadcast_in_dim3A_76, %div3A_78 : vector<1000x1xf32>
    %add3A_80 = arith.constant 9.99999974E-6 : f32
    %add3A_81 = vector.broadcast %add3A_80 : f32 to vector<1000x1xf32>
    %add3A_82 = arith.addf %div3A_79, %add3A_81 : vector<1000x1xf32>
    %rsqrt3A = math.rsqrt %add3A_82 : vector<1000x1xf32>
    %mul3A_83 = vector.broadcast %rsqrt3A : vector<1000x1xf32> to vector<1000x128xf32>
    %mul3A_84 = arith.mulf %sub3A_72, %mul3A_83 : vector<1000x128xf32>
    %get3A_85 = arith.constant 0 : index
    %get3A_86 = arith.constant 0 : index
    %get3A_87 = vector.load %arg11[%get3A_85, %get3A_86] : memref<1x128xf32, #tpu.memory_space<vmem>>, vector<1x128xf32>
    %mul3A_88 = vector.broadcast %get3A_87 : vector<1x128xf32> to vector<1000x128xf32>
    %mul3A_89 = arith.mulf %mul3A_84, %mul3A_88 : vector<1000x128xf32>
    %get3A_90 = arith.constant 0 : index
    %get3A_91 = arith.constant 0 : index
    %get3A_92 = vector.load %arg12[%get3A_90, %get3A_91] : memref<1x128xf32, #tpu.memory_space<vmem>>, vector<1x128xf32>
    %add3A_93 = vector.broadcast %get3A_92 : vector<1x128xf32> to vector<1000x128xf32>
    %add3A_94 = arith.addf %mul3A_89, %add3A_93 : vector<1000x128xf32>
    %swap3A = arith.constant 0 : index
    %swap3A_95 = arith.constant 0 : index
    %swap3A_96 = vector.load %arg13[%swap3A, %swap3A_95] : memref<1000x128xf32, #tpu.memory_space<vmem>>, vector<1000x128xf32>
    tpu.vector_store %arg13[%swap3A, %swap3A_95], %add3A_94 {strides = array<i32>} : memref<1000x128xf32, #tpu.memory_space<vmem>>, vector<1000x128xf32>,
    return
  }
  func.func @transform_0(%arg0: i32) -> (i32, i32) {
    %c0_i32 = arith.constant 0 : i32
    %c0_i32_0 = arith.constant 0 : i32
    return %arg0, %c0_i32 : i32, i32
  }
  func.func @transform_1(%arg0: i32) -> (i32, i32) {
    %c0_i32 = arith.constant 0 : i32
    %c0_i32_0 = arith.constant 0 : i32
    return %arg0, %c0_i32 : i32, i32
  }
  func.func @transform_2(%arg0: i32) -> (i32, i32, i32) {
    %c0_i32 = arith.constant 0 : i32
    %c0_i32_0 = arith.constant 0 : i32
    %c0_i32_1 = arith.constant 0 : i32
    return %c0_i32, %arg0, %c0_i32_0 : i32, i32, i32
  }
  func.func @transform_3(%arg0: i32) -> (i32, i32) {
    %c0_i32 = arith.constant 0 : i32
    %c0_i32_0 = arith.constant 0 : i32
    return %arg0, %c0_i32 : i32, i32
  }
  func.func @transform_4(%arg0: i32) -> (i32, i32) {
    %c0_i32 = arith.constant 0 : i32
    %c0_i32_0 = arith.constant 0 : i32
    %c0_i32_1 = arith.constant 0 : i32
    return %c0_i32, %c0_i32_0 : i32, i32
  }
  func.func @transform_5(%arg0: i32) -> (i32, i32) {
    %c0_i32 = arith.constant 0 : i32
    %c0_i32_0 = arith.constant 0 : i32
    %c0_i32_1 = arith.constant 0 : i32
    return %c0_i32, %c0_i32_0 : i32, i32
  }
  func.func @transform_6(%arg0: i32) -> (i32, i32) {
    %c0_i32 = arith.constant 0 : i32
    %c0_i32_0 = arith.constant 0 : i32
    %c0_i32_1 = arith.constant 0 : i32
    return %c0_i32, %c0_i32_0 : i32, i32
  }
  func.func @transform_7(%arg0: i32) -> (i32, i32) {
    %c0_i32 = arith.constant 0 : i32
    %c0_i32_0 = arith.constant 0 : i32
    %c0_i32_1 = arith.constant 0 : i32
    return %c0_i32, %c0_i32_0 : i32, i32
  }
  func.func @transform_8(%arg0: i32) -> (i32, i32) {
    %c0_i32 = arith.constant 0 : i32
    %c0_i32_0 = arith.constant 0 : i32
    %c0_i32_1 = arith.constant 0 : i32
    return %c0_i32, %c0_i32_0 : i32, i32
  }
  func.func @transform_9(%arg0: i32) -> (i32, i32) {
    %c0_i32 = arith.constant 0 : i32
    %c0_i32_0 = arith.constant 0 : i32
    %c0_i32_1 = arith.constant 0 : i32
    return %c0_i32, %c0_i32_0 : i32, i32
  }
  func.func @transform_10(%arg0: i32) -> (i32, i32) {
    %c0_i32 = arith.constant 0 : i32
    %c0_i32_0 = arith.constant 0 : i32
    %c0_i32_1 = arith.constant 0 : i32
    return %c0_i32, %c0_i32_0 : i32, i32
  }
  func.func @transform_11(%arg0: i32) -> (i32, i32) {
    %c0_i32 = arith.constant 0 : i32
    %c0_i32_0 = arith.constant 0 : i32
    %c0_i32_1 = arith.constant 0 : i32
    return %c0_i32, %c0_i32_0 : i32, i32
  }
  func.func @transform_12(%arg0: i32) -> (i32, i32) {
    %c0_i32 = arith.constant 0 : i32
    %c0_i32_0 = arith.constant 0 : i32
    return %arg0, %c0_i32 : i32, i32
  }
}

</mosaic_0001>

<sc_bundles>
// kernel: kernel.6.cloned.1.call-start
scs
__scs_entry_jumppad:
0x0: {  	(pc) =	sbr.rel $0x88, $3  }
0x1: {  	(tag) =	ssettag $0x0;
	lr =	simm.s32 $0x1  }
0x2: {  	[smem:$0x3F96] =	sst lr;
	_ =	strace $0xD0000000  }
0x3: {  	_ = 	snop  }
0x4: {  	_ = 	snop  }
0x5: {  	_ = 	snop  }
0x6: {  	_ = 	snop  }
0x7: {  	_ = 	snop  }
__scs_overlays_trampoline_lowered:
0x8: {  	[smem:$0x3FA5] =	sst s0  }
0x9: {  	[smem:$0x3FA6] =	sst s1  }
0xa: {  	[smem:$0x3FA7] =	sst s2  }
0xb: {  	[smem:$0x3FA8] =	sst s3  }
0xc: {  	[smem:$0x3FA9] =	sst s4  }
0xd: {  	[smem:$0x3FAA] =	sst s5  }
0xe: {  	[smem:$0x3FAB] =	sst s6  }
0xf: {  	[smem:$0x3FAC] =	sst s7  }
0x10: {  	[smem:$0x3FAD] =	sst s8  }
0x11: {  	[smem:$0x3FAE] =	sst s9;
	s0 =	simm.s32 @!p0 $0x0  }
0x12: {  	s1 =	sld [smem:$0x3F94];
	s0 =	simm.s32 @p0 $0x1  }
0x13: {  	[smem:$0x3FAF] =	sst s0;
	s0 =	simm.s32 @!p1 $0x0  }
0x14: {  	s2 =	sld [smem:$0x3F93];
	s0 =	simm.s32 @p1 $0x1  }
0x15: {  	[smem:$0x3FB0] =	sst s0;
	s0 =	simm.s32 @!p2 $0x0  }
0x16: {  	s3 =	sld [smem:$0x3FDB];
	s0 =	simm.s32 @p2 $0x1  }
0x17: {  	s4 =	simm.s32 $0x1BF5;
	[smem:$0x3FB2] =	sst s0  }
0x18: {  	s0 =	sld [smem:$0x3F95];
	_ =	swait.ge [sflag:s4], $0x0  }
0x19: {  	s7 =	sld [smem:$0x3F96]  }
0x1a: {  	s8 =	sadd.s32 $0xFFFFE003, lr  }
0x1b: {  	s9 =	sadd.s32 $0xFFFFFEF7, lr;
	s5 =	simm.s32 $0xFFFFFFFF;
	p2 =	slt.u32 s8, $0xFFFFF086  }
0x1c: {  	p1 =	slt.u32 s9, $0xF7A;
	s5 =	simm.s32 @!p2 $0x0  }
0x1d: {  	s5 =	simm.s32 @p1 $0x1;
	p0 =	seq.s32 s7, s2  }
0x1e: {  	s7 =	smul.u32 @!p0 $0xF7A, s2;
	p2 =	seq.s32 @!p0 s5, $0x0  }
0x1f: {  	s9 =	smul.u32 $0xF7A, s1;
	s8 =	simm.s32 @!p0 $0x1BF5;
	p2 =	por !p2, p0  }
0x20: {  	[sflag:s8] =	ssyncset.s32 @!p0 $0xFFFFF086;
	s6 =	sadd.s32 @!p0 s3, s7;
	s7 =	simm.s32 @!p0 $0x108  }
0x21: {  	s3 =	sadd.s32 s3, s9;
	s6 =	sadd.s32 @!p0 $0x88, s6;
	s7 =	simm.s32 @p2 $0x1082  }
0x22: {  	[simem:s7], [sflag:s8] =	dma.local @!p0 [hbm:s6], $0xF7A  }
0x23: {  	s9 =	sor.u32 $0xD0000000, s2;
	s6 =	simm.s32 $0x108;
	_ =	swait.ge @!p0 [sflag:s8], $0x0  }
0x24: {  	s3 =	sadd.s32 $0x88, s3;
	s6 =	simm.s32 @!p1 $0x1082;
	[sflag:s4] =	ssyncset.s32 $0xFFFFF086  }
0x25: {  	[simem:s6], [sflag:s4] =	dma.local [hbm:s3], $0xF7A  }
0x26: {  	[smem:$0x3F96] =	sst s1;
	(tag) =	ssettag s2;
	_ =	strace s9  }
0x27: {  	s1 =	sld [smem:$0x3FA6]  }
0x28: {  	s2 =	sld [smem:$0x3FA7]  }
0x29: {  	s4 =	sld [smem:$0x3FA9]  }
0x2a: {  	p0 =	seq.s32 s5, $0x0;
	s5 =	sld [smem:$0x3FAA]  }
0x2b: {  	s6 =	sld [smem:$0x3FAB]  }
0x2c: {  	s7 =	sld [smem:$0x3FAC]  }
0x2d: {  	s3 =	simm.s32 $0x108;
	s8 =	sld [smem:$0x3FAD]  }
0x2e: {  	s3 =	simm.s32 @!p0 $0x1082;
	s9 =	sld [smem:$0x3FAE]  }
0x2f: {  	lr =	sadd.s32 s0, s3;
	s0 =	sld [smem:$0x3FA5]  }
0x30: {  	s3 =	sld [smem:$0x3FA8]  }
0x31: {  	[smem:$0x3FB1] =	sst s10  }
0x32: {  	s10 =	sld [smem:$0x3FAF];
	_ =	sdelay $0x3  }
0x33: {  	p0 =	seq.s32 s10, $0x1;
	s10 =	sld [smem:$0x3FB1];
	_ =	sdelay $0x3  }
0x34: {  	[smem:$0x3FB1] =	sst s10  }
0x35: {  	s10 =	sld [smem:$0x3FB0];
	_ =	sdelay $0x3  }
0x36: {  	p1 =	seq.s32 s10, $0x1;
	s10 =	sld [smem:$0x3FB1];
	_ =	sdelay $0x3  }
0x37: {  	[smem:$0x3FB1] =	sst s10  }
0x38: {  	s10 =	sld [smem:$0x3FB2]  }
0x39: {  	_ = 	snop;
	(pc) =	sbr.ind lr, $3  }
0x3a: {  	_ = 	snop  }
0x3b: {  	_ = 	snop  }
0x3c: {  	p2 =	seq.s32 s10, $0x1;
	s10 =	sld [smem:$0x3FB1]  }
0x3d: {  	_ =	shalt  }
0x3e: {  	_ =	shalt  }
0x3f: {  	_ =	shalt  }
0x40: {  	_ =	shalt  }
0x41: {  	_ =	shalt  }
0x42: {  	_ =	shalt  }
0x43: {  	_ =	shalt  }
0x44: {  	_ =	shalt  }
0x45: {  	_ =	shalt  }
0x46: {  	_ =	shalt  }
0x47: {  	_ =	shalt  }
0x48: {  	_ =	shalt  }
0x49: {  	_ =	shalt  }
0x4a: {  	_ =	shalt  }
0x4b: {  	_ =	shalt  }
0x4c: {  	_ =	shalt  }
0x4d: {  	_ =	shalt  }
0x4e: {  	_ =	shalt  }
0x4f: {  	_ =	shalt  }
0x50: {  	_ =	shalt  }
0x51: {  	_ =	shalt  }
0x52: {  	_ =	shalt  }
0x53: {  	_ =	shalt  }
0x54: {  	_ =	shalt  }
0x55: {  	_ =	shalt  }
0x56: {  	_ =	shalt  }
0x57: {  	_ =	shalt  }
0x58: {  	_ =	shalt  }
0x59: {  	_ =	shalt  }
0x5a: {  	_ =	shalt  }
0x5b: {  	_ =	shalt  }
0x5c: {  	_ =	shalt  }
0x5d: {  	_ =	shalt  }
0x5e: {  	_ =	shalt  }
0x5f: {  	_ =	shalt  }
0x60: {  	_ =	shalt  }
0x61: {  	_ =	shalt  }
0x62: {  	_ =	shalt  }
0x63: {  	_ =	shalt  }
0x64: {  	_ =	shalt  }
0x65: {  	_ =	shalt  }
0x66: {  	_ =	shalt  }
0x67: {  	_ =	shalt  }
0x68: {  	_ =	shalt  }
0x69: {  	_ =	shalt  }
0x6a: {  	_ =	shalt  }
0x6b: {  	_ =	shalt  }
0x6c: {  	_ =	shalt  }
0x6d: {  	_ =	shalt  }
0x6e: {  	_ =	shalt  }
0x6f: {  	_ =	shalt  }
0x70: {  	_ =	shalt  }
0x71: {  	_ =	shalt  }
0x72: {  	_ =	shalt  }
0x73: {  	_ =	shalt  }
0x74: {  	_ =	shalt  }
0x75: {  	_ =	shalt  }
0x76: {  	_ =	shalt  }
0x77: {  	_ =	shalt  }
0x78: {  	_ =	shalt  }
0x79: {  	_ =	shalt  }
0x7a: {  	_ =	shalt  }
0x7b: {  	_ =	shalt  }
0x7c: {  	_ =	shalt  }
0x7d: {  	_ =	shalt  }
0x7e: {  	_ =	shalt  }
0x7f: {  	_ =	shalt  }
0x80: {  	_ =	shalt  }
0x81: {  	_ =	shalt  }
0x82: {  	_ =	shalt  }
0x83: {  	_ =	shalt  }
0x84: {  	_ =	shalt  }
0x85: {  	_ =	shalt  }
0x86: {  	_ =	shalt  }
0x87: {  	_ =	shalt  }
.Lfunc_end0:
.L_simem_size_0:
called_computation_lowered:
.L_overlay_start_0:
0x88: {  	s2 =	sld [smem:$0x3FD9]  }
0x89: {  	s3 =	sld [smem:$0x3FFE];
	_ =	sdelay $0x1  }
0x8a: {  	s1 =	srdreg.scid  }
0x8b: {  	s0 =	sand.u32 $0x1, s1  }
0x8c: {  	s17 =	sshll.u32 s0, $0xA;
	s2 =	sadd.s32 s3, s2  }
0x8d: {  	s2 =	sadd.s32 s2, s17  }
0x8e: {  	[smem:$0x3FBD] =	sst s2  }
0x8f: {  	_ = 	snop  }
0x90: {  	s2 =	sld [smem:$0x3FC9];
	(tm) =	ssettm $0x1  }
0x91: {  	s18 =	sld [smem:$0x3FFB];
	_ =	sdelay $0x3  }
0x92: {  	_ =	strace s18  }
0x93: {  	s3 =	sld [smem:$0x3FFC];
	_ =	sdelay $0x3  }
0x94: {  	_ =	strace s3  }
0x95: {  	s3 =	sld [smem:$0x3FFD];
	_ =	sdelay $0x3  }
0x96: {  	_ =	strace s3  }
0x97: {  	_ =	strace $0x8FFFFFFF  }
0x98: {  	s19 =	sld [smem:$0x3FDB];
	_ =	sdelay $0x1  }
0x99: {  	s4 =	simm.s32 $_scs_section_size  }
0x9a: {  	s5 =	simm.s32 $_size__tile_overlayer_lowered;
	s6 =	simm.s32 $_tile_overlayer_lowered  }
0x9b: {  	s22 =	simm.s32 $0x1BFF;
	s21 =	sshll.u32 s6, $0x1;
	s3 =	sadd.s32 s4, s19  }
0x9c: {  	s7 =	simm.s32 $0x0;
	s20 =	sshll.u32 s5, $0x1;
	s5 =	sadd.s32 s21, s3  }
0x9d: {  	[timem:s7], [sflag:s22] =	dma.local [hbm:s5], s20  }
0x9e: {  	_ =	swait.ge [sflag:s22], s20  }
0x9f: {  	s4 =	ssub.s32 $0x0, s20;
	[sflag:s22] =	ssyncset.done $0x0  }
0xa0: {  	[sflag:s22] =	ssyncadd.s32 s4;
	_ =	sdelay $0x1  }
0xa1: {  	s23 =	simm.s32 $0x1B8B  }
0xa2: {  	_ =	swait.ge [sflag:s23], $0x1  }
0xa3: {  	[sflag:s23] =	ssyncset.done $0x0  }
0xa4: {  	s25 =	simm.s32 $0x1B8E;
	s24 =	sld [smem:$0x3FFE];
	[sflag:s23] =	ssyncadd.s32 $0xFFFFFFFF  }
0xa5: {  	s26 =	simm.s32 $execute0_lowered;
	[smem:$0x3FD2] =	sst s25  }
0xa6: {  	s5 =	sshll.u32 s26, $0x1;
	_ =	strace $0x80000046;
	[dreg:$0x1] =	wrdreg $0xFFFFFFFF  }
0xa7: {  	s28 =	simm.s32 $_size_execute0_lowered;
	s3 =	sadd.s32 s3, s5;
	[dreg:$0x0] =	wrdreg $0x0  }
0xa8: {  	s5 =	sshll.u32 s28, $0x1;
	[dreg:$0x2] =	wrdreg s3  }
0xa9: {  	[dreg:$0x3] =	wrdreg s5  }
0xaa: {  	[dreg:$0x4] =	wrdreg $0xC0  }
0xab: {  	_ =	task [dreg:s7], $0x5FFFF  }
0xac: {  	[dreg:$0x1] =	wrdreg $0xFFFFFFFF  }
0xad: {  	[dreg:$0x0] =	wrdreg $0x60  }
0xae: {  	[dreg:$0x2] =	wrdreg s2  }
0xaf: {  	[dreg:$0x3] =	wrdreg s24  }
0xb0: {  	[dreg:$0x4] =	wrdreg $0x5A000  }
0xb1: {  	[dreg:$0x5] =	wrdreg $0x9  }
0xb2: {  	_ =	task.clear_ibuf [dreg:s7], $0x6FFFF;
	_ =	strace $0x90000046  }
0xb3: {  	s29 =	simm.s32 $0x9;
	_ =	strace $0x80000048  }
0xb4: {  	_ =	swait.ge [sflag:s29], $0x1  }
0xb5: {  	[sflag:s29] =	ssyncadd.s32 $0xFFFFFFFF  }
0xb6: {  	_ =	strace $0x90000048  }
0xb7: {  	_ =	sfence  }
0xb8: {  	s30 =	sld [smem:$0x0];
	_ =	sdelay $0x2  }
0xb9: {  	s31 =	sshll.u32 s1, $0xD;
	s1 =	sshrl.u32 s1, $0x2  }
0xba: {  	s3 =	sand.u32 $0x4000, s31;
	s1 =	sadd.s32 s1, s30  }
0xbb: {  	s0 =	sor.u32 s3, s0;
	s1 =	sshll.u32 s1, $0x11  }
0xbc: {  	s0 =	sor.u32 s1, s0  }
0xbd: {  	s0 =	sadd.s32 $0x8F2B, s0  }
0xbe: {  	[sflag:s0] =	ssyncadd.remote.s32 $0x1  }
0xbf: {  	_ =	sfence.sel $0xFFFF  }
0xc0: {  	[dreg:$0x0] =	wrdreg $0xFFFFFFFF;
	(pc) =	sbr.abs _section_cstart, $3  }
0xc1: {  	[dreg:$0x1] =	wrdreg $0xFFFFFFFF  }
0xc2: {  	_ =	task.clear_ibuf [dreg:s7], $0x2FFFF;
	_ =	strace $0x9FFFFFFF  }
0xc3: {  	(tm) =	ssettm $0x7FFFFFFF  }
tec
execute0_lowered:
.L_overlay_start_1:
0x0: {  	(tag) =	ssettag $0x1  }
0x1: {  	s11 =	stileid.u32  }
0x2: {  	s1 =	rddreg [dreg:$0x0];
	s5 =	smul.u32 $0x9A, s11  }
0x3: {  	s3 =	srdreg.scid;
	s8 =	smul.u32 $0x62, s11  }
0x4: {  	s0 =	rddreg [dreg:$0x1];
	s3 =	sand.u32 $0x1, s3;
	s21 =	smul.u32 $0x50000, s11  }
0x5: {  	s2 =	rddreg [dreg:$0x2];
	s4 =	simm.s32 $0x0;
	s7 =	smul.u32 $0x140000, s3  }
0x6: {  	p0 =	seq.s32 s3, $0x0;
	s3 =	ssub.s32 $0x2, s3;
	s10 =	sadd.s32 $0x620, s5  }
0x7: {  	[smem:$0x7FF] =	sst s4;
	s20 =	sshrl.u32 s3, $0x1;
	s10 =	smov.u32 @p0 s8  }
0x8: {  	s3 =	ssub.s32 s3, s20;
	s8 =	smul.u32 $0x50, s10;
	s10 =	sshrl.u32 s21, $0x2  }
0x9: {  	s9 =	smul.u32 $0x14000, s11;
	s19 =	smax.u32 s3, $0x1;
	s10 =	sadd.s32 s10, s2  }
0xa: {  	_ =	strace $0x80000047;
	[dreg:$0x13] =	wrdreg s19;
	s28 =	sadd.s32 $0x800, s10  }
0xb: {  	s7 =	sadd.s32 s9, s7;
	s9 =	sadd.s32 $0x1000, s10;
	[dreg:$0x8] =	wrdreg s28  }
0xc: {  	s11 =	sadd.s32 $0x1800, s10;
	[dreg:$0x9] =	wrdreg s9  }
0xd: {  	s12 =	sadd.s32 $0x2000, s10;
	[dreg:$0xa] =	wrdreg s11  }
0xe: {  	s13 =	sadd.s32 $0x2800, s10;
	[dreg:$0xb] =	wrdreg s12  }
0xf: {  	s14 =	sadd.s32 $0x3000, s10;
	[dreg:$0xc] =	wrdreg s13  }
0x10: {  	s6 =	sadd.s32 $0x2000, s0;
	s15 =	sadd.s32 $0x3800, s10;
	[dreg:$0xd] =	wrdreg s14  }
0x11: {  	s5 =	sadd.s32 $0xBE00, s0;
	s16 =	sadd.s32 $0x4000, s10;
	[dreg:$0xe] =	wrdreg s15  }
0x12: {  	s7 =	sshrl.u32 s7, $0x3;
	s17 =	sadd.s32 $0x4800, s10;
	[dreg:$0xf] =	wrdreg s16  }
0x13: {  	s0 =	sadd.s32 s7, s0;
	s18 =	sadd.s32 $0x5000, s10;
	[dreg:$0x10] =	wrdreg s17  }
0x14: {  	s0 =	sadd.s32 $0x15C00, s0;
	[dreg:$0x11] =	wrdreg s18  }
0x15: {  	s20 =	sadd.s32 $0x5800, s10;
	[dreg:$0x12] =	wrdreg s0  }
0x16: {  	s21 =	sadd.s32 $0x6000, s10;
	[dreg:$0x14] =	wrdreg s20  }
0x17: {  	s3 =	sadd.s32 $0x8800, s10;
	[dreg:$0x15] =	wrdreg s21  }
0x18: {  	s22 =	sshrl.u32 s8, $0x3;
	s19 =	sadd.s32 $0xE800, s10;
	[dreg:$0x1a] =	wrdreg s3  }
0x19: {  	s23 =	sadd.s32 s5, s22;
	[smem:$0x7F7] =	sst s19  }
0x1a: {  	s7 =	sadd.s32 s6, s22;
	[dreg:$0x4] =	wrdreg s23  }
0x1b: {  	s28 =	sadd.s32 $0x8000, s10;
	[dreg:$0x5] =	wrdreg s7  }
0x1c: {  	s9 =	sadd.s32 $0xA000, s10;
	[dreg:$0x19] =	wrdreg s28  }
0x1d: {  	s29 =	sadd.s32 $0x12000, s10;
	s11 =	sadd.s32 $0xA800, s10;
	[dreg:$0x1d] =	wrdreg s9  }
0x1e: {  	s30 =	sadd.s32 $0x12800, s10;
	s12 =	sadd.s32 $0xB000, s10;
	[dreg:$0x1e] =	wrdreg s11  }
0x1f: {  	s31 =	sadd.s32 $0x13000, s10;
	s13 =	sadd.s32 $0xB800, s10;
	[dreg:$0x1f] =	wrdreg s12  }
0x20: {  	s24 =	sadd.s32 $0xA, s22;
	s14 =	sadd.s32 $0xC000, s10;
	[smem:$0x7F1] =	sst s13  }
0x21: {  	s22 =	simm.s32 $0x30;
	s15 =	sadd.s32 $0xC800, s10;
	[smem:$0x7F2] =	sst s14  }
0x22: {  	s16 =	sadd.s32 $0xD000, s10;
	s17 =	sadd.s32 $0xD800, s10;
	[smem:$0x7F3] =	sst s15  }
0x23: {  	s18 =	sadd.s32 $0xE000, s10;
	s20 =	sadd.s32 $0xF000, s10;
	[smem:$0x7F4] =	sst s16  }
0x24: {  	s21 =	sadd.s32 $0xF800, s10;
	s0 =	sadd.s32 $0x13800, s10;
	[smem:$0x7F5] =	sst s17  }
0x25: {  	s3 =	simm.s32 $0x100;
	s19 =	simm.s32 $0x2;
	[smem:$0x7F6] =	sst s18  }
0x26: {  	s25 =	sadd.s32 s5, s24;
	s26 =	sadd.s32 s6, s24;
	[smem:$0x7F8] =	sst s20  }
0x27: {  	s22 =	simm.s32 @!p0 $0x4C;
	s24 =	sadd.s32 $0xF0, s8;
	[smem:$0x7F9] =	sst s21  }
0x28: {  	s23 =	sadd.s32 $0x6800, s10;
	s7 =	sadd.s32 $0x9000, s10;
	[dreg:$0x6] =	wrdreg s25  }
0x29: {  	s8 =	sadd.s32 $0x9800, s10;
	s28 =	sadd.s32 $0x11800, s10;
	[dreg:$0x7] =	wrdreg s26  }
0x2a: {  	s9 =	simm.s32 $0x200;
	s11 =	simm.s32 $0x80;
	[dreg:$0x16] =	wrdreg s23  }
0x2b: {  	s12 =	simm.s32 $0x180;
	s13 =	simm.s32 $0x5200;
	[dreg:$0x1b] =	wrdreg s7  }
0x2c: {  	s14 =	simm.s32 $0x7;
	s15 =	simm.s32 $0x4;
	[dreg:$0x1c] =	wrdreg s8  }
0x2d: {  	s16 =	simm.s32 $0x1;
	s25 =	sadd.s32 $0x7000, s10;
	[smem:$0x7FD] =	sst s28  }
0x2e: {  	s17 =	simm.s32 $0x2A00;
	s26 =	sadd.s32 $0x7800, s10;
	[dreg:$0x17] =	wrdreg s25  }
0x2f: {  	s18 =	simm.s32 $0x5;
	s23 =	sadd.s32 $0x10000, s10;
	[dreg:$0x18] =	wrdreg s26  }
0x30: {  	s20 =	simm.s32 $0x6;
	[smem:$0x7FA] =	sst s23;
	s25 =	sadd.s32 $0x10800, s10  }
0x31: {  	s21 =	simm.s32 $0x0;
	s26 =	sadd.s32 $0x11000, s10;
	[smem:$0x7FB] =	sst s25  }
0x32: {  	v0 =	vimm.f32 $0.0e+00;
	s7 =	simm.s32 $0x3;
	s8 =	simm.s32 $0x50;
	[smem:$0x7FC] =	sst s26  }
.LBB2_1:
0x33: {  	s23 =	rddreg [dreg:$0x4]  }
0x34: {  	[tilespmem:s4], [sflag:$0x3] =	stream.linear.gather [hbm4b:s23+s4], $0x50, $0x38;
	[tilespmem:$0x19A00] =	vst v63  }
0x35: {  	s28 =	rddreg [dreg:$0x5];
	s25 =	simm.s32 $0x200;
	s23 =	simm.s32 $0x0  }
0x36: {  	[tilespmem:s3], [sflag:$0x5] =	stream.linear.gather [hbm4b:s28+s4], $0x50, $0x38;
	[tilespmem:$0x19A00] =	vst v63  }
.LBB2_2:
0x37: {  	p0 =	sne.s32 s25, $0x1E00;
	[tilespmem:s23+$0x5270] =	vst v0  }
0x38: {  	[tilespmem:s23+$0x5200] =	vst v0  }
0x39: {  	[tilespmem:s23+$0x5210] =	vst v0  }
.Ltmp0:
0x3a: {  	[tilespmem:s23+$0x5220] =	vst v0;
	(pc) =	sbr.rel @p0 .LBB2_2-.Ltmp0, $4  }
0x3b: {  	[tilespmem:s23+$0x5230] =	vst v0  }
0x3c: {  	[tilespmem:s23+$0x5240] =	vst v0  }
0x3d: {  	[tilespmem:s23+$0x5250] =	vst v0  }
0x3e: {  	[tilespmem:s23+$0x5260] =	vst v0;
	s23 =	sshra.s32 s25, $0x2;
	s25 =	sadd.s32 $0x200, s25  }
0x3f: {  	[tilespmem:s23+$0x5270] =	vst v0  }
0x40: {  	[tilespmem:s23+$0x5200] =	vst v0  }
0x41: {  	[tilespmem:s23+$0x5210] =	vst v0  }
0x42: {  	[tilespmem:s23+$0x5220] =	vst v0  }
0x43: {  	[tilespmem:s23+$0x5230] =	vst v0  }
0x44: {  	[tilespmem:s23+$0x5240] =	vst v0  }
0x45: {  	[tilespmem:s23+$0x5250] =	vst v0  }
0x46: {  	[tilespmem:s23+$0x5260] =	vst v0  }
0x47: {  	_ =	swait.ge [sflag:s7], $0x50  }
0x48: {  	[sflag:s7] =	ssyncset.done $0x0  }
0x49: {  	[sflag:s7] =	ssyncadd.s32 $0xFFFFFFB0  }
0x4a: {  	[tilespmem:s9], [sflag:$0x1] =	stream.indirect.gather [hbm4b:s1+s8], $0x80, s4, s8, $0xb8;
	[tilespmem:$0x19A00] =	vst v63  }
0x4b: {  	s28 =	rddreg [dreg:$0x6]  }
0x4c: {  	[tilespmem:s11], [sflag:$0x4] =	stream.linear.gather [hbm4b:s28+s4], $0x50, $0x38;
	[tilespmem:$0x19A00] =	vst v63  }
0x4d: {  	s25 =	rddreg [dreg:$0x7]  }
0x4e: {  	[tilespmem:s12], [sflag:$0x6] =	stream.linear.gather [hbm4b:s25+s4], $0x50, $0x38;
	[tilespmem:$0x19A00] =	vst v63  }
0x4f: {  	_ = 	snop  }
0x50: {  	[spmem:s10] =	stream.linear.scatter [tilespmem:s13], [sflag:$0x7], $0x800, $0x38;
	[tilespmem:$0x19A00] =	vst v63  }
0x51: {  	_ =	swait.ge [sflag:s14], $0x800  }
0x52: {  	[sflag:s14] =	ssyncset.done $0x0  }
0x53: {  	s26 =	rddreg [dreg:$0x8];
	[sflag:s14] =	ssyncadd.s32 $0xFFFFF800  }
0x54: {  	[spmem:s26] =	stream.linear.scatter [tilespmem:s13], [sflag:$0x7], $0x800, $0x38;
	[tilespmem:$0x19A00] =	vst v63  }
0x55: {  	_ =	swait.ge [sflag:s14], $0x800  }
0x56: {  	[sflag:s14] =	ssyncset.done $0x0  }
0x57: {  	s28 =	rddreg [dreg:$0x9];
	[sflag:s14] =	ssyncadd.s32 $0xFFFFF800  }
0x58: {  	[spmem:s28] =	stream.linear.scatter [tilespmem:s13], [sflag:$0x7], $0x800, $0x38;
	[tilespmem:$0x19A00] =	vst v63  }
0x59: {  	_ =	swait.ge [sflag:s14], $0x800  }
0x5a: {  	[sflag:s14] =	ssyncset.done $0x0  }
0x5b: {  	s25 =	rddreg [dreg:$0xa];
	[sflag:s14] =	ssyncadd.s32 $0xFFFFF800  }
0x5c: {  	[spmem:s25] =	stream.linear.scatter [tilespmem:s13], [sflag:$0x7], $0x800, $0x38;
	[tilespmem:$0x19A00] =	vst v63  }
0x5d: {  	_ =	swait.ge [sflag:s14], $0x800  }
0x5e: {  	[sflag:s14] =	ssyncset.done $0x0  }
0x5f: {  	s26 =	rddreg [dreg:$0xb];
	[sflag:s14] =	ssyncadd.s32 $0xFFFFF800  }
0x60: {  	[spmem:s26] =	stream.linear.scatter [tilespmem:s13], [sflag:$0x7], $0x800, $0x38;
	[tilespmem:$0x19A00] =	vst v63  }
0x61: {  	_ =	swait.ge [sflag:s14], $0x800  }
0x62: {  	[sflag:s14] =	ssyncset.done $0x0  }
0x63: {  	s28 =	rddreg [dreg:$0xc];
	[sflag:s14] =	ssyncadd.s32 $0xFFFFF800  }
0x64: {  	[spmem:s28] =	stream.linear.scatter [tilespmem:s13], [sflag:$0x7], $0x800, $0x38;
	[tilespmem:$0x19A00] =	vst v63  }
0x65: {  	_ =	swait.ge [sflag:s14], $0x800  }
0x66: {  	[sflag:s14] =	ssyncset.done $0x0  }
0x67: {  	s25 =	rddreg [dreg:$0xd];
	[sflag:s14] =	ssyncadd.s32 $0xFFFFF800  }
0x68: {  	[spmem:s25] =	stream.linear.scatter [tilespmem:s13], [sflag:$0x7], $0x800, $0x38;
	[tilespmem:$0x19A00] =	vst v63  }
0x69: {  	_ =	swait.ge [sflag:s14], $0x800  }
0x6a: {  	[sflag:s14] =	ssyncset.done $0x0  }
0x6b: {  	s26 =	rddreg [dreg:$0xe];
	[sflag:s14] =	ssyncadd.s32 $0xFFFFF800  }
0x6c: {  	[spmem:s26] =	stream.linear.scatter [tilespmem:s13], [sflag:$0x7], $0x800, $0x38;
	[tilespmem:$0x19A00] =	vst v63  }
0x6d: {  	_ =	swait.ge [sflag:s14], $0x800  }
0x6e: {  	[sflag:s14] =	ssyncset.done $0x0  }
0x6f: {  	s28 =	rddreg [dreg:$0xf];
	[sflag:s14] =	ssyncadd.s32 $0xFFFFF800  }
0x70: {  	[spmem:s28] =	stream.linear.scatter [tilespmem:s13], [sflag:$0x7], $0x800, $0x38;
	[tilespmem:$0x19A00] =	vst v63  }
0x71: {  	_ =	swait.ge [sflag:s14], $0x800  }
0x72: {  	[sflag:s14] =	ssyncset.done $0x0  }
0x73: {  	s25 =	rddreg [dreg:$0x10];
	[sflag:s14] =	ssyncadd.s32 $0xFFFFF800  }
0x74: {  	[spmem:s25] =	stream.linear.scatter [tilespmem:s13], [sflag:$0x7], $0x800, $0x38;
	[tilespmem:$0x19A00] =	vst v63  }
0x75: {  	_ =	swait.ge [sflag:s14], $0x800  }
0x76: {  	[sflag:s14] =	ssyncset.done $0x0  }
0x77: {  	s26 =	rddreg [dreg:$0x11];
	[sflag:s14] =	ssyncadd.s32 $0xFFFFF800  }
0x78: {  	[spmem:s26] =	stream.linear.scatter [tilespmem:s13], [sflag:$0x7], $0x800, $0x38;
	[tilespmem:$0x19A00] =	vst v63  }
0x79: {  	_ =	swait.ge [sflag:s14], $0x800  }
0x7a: {  	[sflag:s14] =	ssyncset.done $0x0  }
0x7b: {  	s28 =	rddreg [dreg:$0x14];
	[sflag:s14] =	ssyncadd.s32 $0xFFFFF800  }
0x7c: {  	[spmem:s28] =	stream.linear.scatter [tilespmem:s13], [sflag:$0x7], $0x800, $0x38;
	[tilespmem:$0x19A00] =	vst v63  }
0x7d: {  	_ =	swait.ge [sflag:s14], $0x800  }
0x7e: {  	[sflag:s14] =	ssyncset.done $0x0  }
0x7f: {  	s25 =	rddreg [dreg:$0x15];
	[sflag:s14] =	ssyncadd.s32 $0xFFFFF800  }
0x80: {  	[spmem:s25] =	stream.linear.scatter [tilespmem:s13], [sflag:$0x7], $0x800, $0x38;
	[tilespmem:$0x19A00] =	vst v63  }
0x81: {  	_ =	swait.ge [sflag:s14], $0x800  }
0x82: {  	[sflag:s14] =	ssyncset.done $0x0  }
0x83: {  	s26 =	rddreg [dreg:$0x16];
	[sflag:s14] =	ssyncadd.s32 $0xFFFFF800  }
0x84: {  	[spmem:s26] =	stream.linear.scatter [tilespmem:s13], [sflag:$0x7], $0x800, $0x38;
	[tilespmem:$0x19A00] =	vst v63  }
0x85: {  	_ =	swait.ge [sflag:s14], $0x800  }
0x86: {  	[sflag:s14] =	ssyncset.done $0x0  }
0x87: {  	s28 =	rddreg [dreg:$0x17];
	[sflag:s14] =	ssyncadd.s32 $0xFFFFF800  }
0x88: {  	[spmem:s28] =	stream.linear.scatter [tilespmem:s13], [sflag:$0x7], $0x800, $0x38;
	[tilespmem:$0x19A00] =	vst v63  }
0x89: {  	_ =	swait.ge [sflag:s14], $0x800  }
0x8a: {  	[sflag:s14] =	ssyncset.done $0x0  }
0x8b: {  	s25 =	rddreg [dreg:$0x18];
	[sflag:s14] =	ssyncadd.s32 $0xFFFFF800  }
0x8c: {  	[spmem:s25] =	stream.linear.scatter [tilespmem:s13], [sflag:$0x7], $0x800, $0x38;
	[tilespmem:$0x19A00] =	vst v63  }
0x8d: {  	_ =	swait.ge [sflag:s14], $0x800  }
0x8e: {  	[sflag:s14] =	ssyncset.done $0x0  }
0x8f: {  	s26 =	rddreg [dreg:$0x19];
	[sflag:s14] =	ssyncadd.s32 $0xFFFFF800  }
0x90: {  	[spmem:s26] =	stream.linear.scatter [tilespmem:s13], [sflag:$0x7], $0x800, $0x38;
	[tilespmem:$0x19A00] =	vst v63  }
0x91: {  	_ =	swait.ge [sflag:s14], $0x800  }
0x92: {  	[sflag:s14] =	ssyncset.done $0x0  }
0x93: {  	s28 =	rddreg [dreg:$0x1a];
	[sflag:s14] =	ssyncadd.s32 $0xFFFFF800  }
0x94: {  	[spmem:s28] =	stream.linear.scatter [tilespmem:s13], [sflag:$0x7], $0x800, $0x38;
	[tilespmem:$0x19A00] =	vst v63  }
0x95: {  	_ =	swait.ge [sflag:s14], $0x800  }
0x96: {  	[sflag:s14] =	ssyncset.done $0x0  }
0x97: {  	s25 =	rddreg [dreg:$0x1b];
	[sflag:s14] =	ssyncadd.s32 $0xFFFFF800  }
0x98: {  	[spmem:s25] =	stream.linear.scatter [tilespmem:s13], [sflag:$0x7], $0x800, $0x38;
	[tilespmem:$0x19A00] =	vst v63  }
0x99: {  	_ =	swait.ge [sflag:s14], $0x800  }
0x9a: {  	[sflag:s14] =	ssyncset.done $0x0  }
0x9b: {  	s26 =	rddreg [dreg:$0x1c];
	[sflag:s14] =	ssyncadd.s32 $0xFFFFF800  }
0x9c: {  	[spmem:s26] =	stream.linear.scatter [tilespmem:s13], [sflag:$0x7], $0x800, $0x38;
	[tilespmem:$0x19A00] =	vst v63  }
0x9d: {  	_ =	swait.ge [sflag:s14], $0x800  }
0x9e: {  	[sflag:s14] =	ssyncset.done $0x0  }
0x9f: {  	s28 =	rddreg [dreg:$0x1d];
	[sflag:s14] =	ssyncadd.s32 $0xFFFFF800  }
0xa0: {  	[spmem:s28] =	stream.linear.scatter [tilespmem:s13], [sflag:$0x7], $0x800, $0x38;
	[tilespmem:$0x19A00] =	vst v63  }
0xa1: {  	_ =	swait.ge [sflag:s14], $0x800  }
0xa2: {  	[sflag:s14] =	ssyncset.done $0x0  }
0xa3: {  	s25 =	rddreg [dreg:$0x1e];
	[sflag:s14] =	ssyncadd.s32 $0xFFFFF800  }
0xa4: {  	[spmem:s25] =	stream.linear.scatter [tilespmem:s13], [sflag:$0x7], $0x800, $0x38;
	[tilespmem:$0x19A00] =	vst v63  }
0xa5: {  	_ =	swait.ge [sflag:s14], $0x800  }
0xa6: {  	[sflag:s14] =	ssyncset.done $0x0  }
0xa7: {  	s26 =	rddreg [dreg:$0x1f];
	[sflag:s14] =	ssyncadd.s32 $0xFFFFF800  }
0xa8: {  	[spmem:s26] =	stream.linear.scatter [tilespmem:s13], [sflag:$0x7], $0x800, $0x38;
	[tilespmem:$0x19A00] =	vst v63  }
0xa9: {  	_ =	swait.ge [sflag:s14], $0x800  }
0xaa: {  	s28 =	sld [smem:$0x7F1]  }
0xab: {  	[sflag:s14] =	ssyncset.done $0x0  }
0xac: {  	[sflag:s14] =	ssyncadd.s32 $0xFFFFF800  }
0xad: {  	[spmem:s28] =	stream.linear.scatter [tilespmem:s13], [sflag:$0x7], $0x800, $0x38;
	[tilespmem:$0x19A00] =	vst v63  }
0xae: {  	_ =	swait.ge [sflag:s14], $0x800  }
0xaf: {  	s25 =	sld [smem:$0x7F2]  }
0xb0: {  	[sflag:s14] =	ssyncset.done $0x0  }
0xb1: {  	[sflag:s14] =	ssyncadd.s32 $0xFFFFF800  }
0xb2: {  	[spmem:s25] =	stream.linear.scatter [tilespmem:s13], [sflag:$0x7], $0x800, $0x38;
	[tilespmem:$0x19A00] =	vst v63  }
0xb3: {  	_ =	swait.ge [sflag:s14], $0x800  }
0xb4: {  	s26 =	sld [smem:$0x7F3]  }
0xb5: {  	[sflag:s14] =	ssyncset.done $0x0  }
0xb6: {  	[sflag:s14] =	ssyncadd.s32 $0xFFFFF800  }
0xb7: {  	[spmem:s26] =	stream.linear.scatter [tilespmem:s13], [sflag:$0x7], $0x800, $0x38;
	[tilespmem:$0x19A00] =	vst v63  }
0xb8: {  	_ =	swait.ge [sflag:s14], $0x800  }
0xb9: {  	s28 =	sld [smem:$0x7F4]  }
0xba: {  	[sflag:s14] =	ssyncset.done $0x0  }
0xbb: {  	[sflag:s14] =	ssyncadd.s32 $0xFFFFF800  }
0xbc: {  	[spmem:s28] =	stream.linear.scatter [tilespmem:s13], [sflag:$0x7], $0x800, $0x38;
	[tilespmem:$0x19A00] =	vst v63  }
0xbd: {  	_ =	swait.ge [sflag:s14], $0x800  }
0xbe: {  	s25 =	sld [smem:$0x7F5]  }
0xbf: {  	[sflag:s14] =	ssyncset.done $0x0  }
0xc0: {  	[sflag:s14] =	ssyncadd.s32 $0xFFFFF800  }
0xc1: {  	[spmem:s25] =	stream.linear.scatter [tilespmem:s13], [sflag:$0x7], $0x800, $0x38;
	[tilespmem:$0x19A00] =	vst v63  }
0xc2: {  	_ =	swait.ge [sflag:s14], $0x800  }
0xc3: {  	s26 =	sld [smem:$0x7F6]  }
0xc4: {  	[sflag:s14] =	ssyncset.done $0x0  }
0xc5: {  	[sflag:s14] =	ssyncadd.s32 $0xFFFFF800  }
0xc6: {  	[spmem:s26] =	stream.linear.scatter [tilespmem:s13], [sflag:$0x7], $0x800, $0x38;
	[tilespmem:$0x19A00] =	vst v63  }
0xc7: {  	_ =	swait.ge [sflag:s14], $0x800  }
0xc8: {  	s28 =	sld [smem:$0x7F7]  }
0xc9: {  	[sflag:s14] =	ssyncset.done $0x0  }
0xca: {  	[sflag:s14] =	ssyncadd.s32 $0xFFFFF800  }
0xcb: {  	[spmem:s28] =	stream.linear.scatter [tilespmem:s13], [sflag:$0x7], $0x800, $0x38;
	[tilespmem:$0x19A00] =	vst v63  }
0xcc: {  	_ =	swait.ge [sflag:s14], $0x800  }
0xcd: {  	s25 =	sld [smem:$0x7F8]  }
0xce: {  	[sflag:s14] =	ssyncset.done $0x0  }
0xcf: {  	[sflag:s14] =	ssyncadd.s32 $0xFFFFF800  }
0xd0: {  	[spmem:s25] =	stream.linear.scatter [tilespmem:s13], [sflag:$0x7], $0x800, $0x38;
	[tilespmem:$0x19A00] =	vst v63  }
0xd1: {  	_ =	swait.ge [sflag:s14], $0x800  }
0xd2: {  	s26 =	sld [smem:$0x7F9]  }
0xd3: {  	[sflag:s14] =	ssyncset.done $0x0  }
0xd4: {  	[sflag:s14] =	ssyncadd.s32 $0xFFFFF800  }
0xd5: {  	[spmem:s26] =	stream.linear.scatter [tilespmem:s13], [sflag:$0x7], $0x800, $0x38;
	[tilespmem:$0x19A00] =	vst v63  }
0xd6: {  	_ =	swait.ge [sflag:s14], $0x800  }
0xd7: {  	s28 =	sld [smem:$0x7FA]  }
0xd8: {  	[sflag:s14] =	ssyncset.done $0x0  }
0xd9: {  	[sflag:s14] =	ssyncadd.s32 $0xFFFFF800  }
0xda: {  	[spmem:s28] =	stream.linear.scatter [tilespmem:s13], [sflag:$0x7], $0x800, $0x38;
	[tilespmem:$0x19A00] =	vst v63  }
0xdb: {  	_ =	swait.ge [sflag:s14], $0x800  }
0xdc: {  	s25 =	sld [smem:$0x7FB]  }
0xdd: {  	[sflag:s14] =	ssyncset.done $0x0  }
0xde: {  	[sflag:s14] =	ssyncadd.s32 $0xFFFFF800  }
0xdf: {  	[spmem:s25] =	stream.linear.scatter [tilespmem:s13], [sflag:$0x7], $0x800, $0x38;
	[tilespmem:$0x19A00] =	vst v63  }
0xe0: {  	_ =	swait.ge [sflag:s14], $0x800  }
0xe1: {  	s26 =	sld [smem:$0x7FC]  }
0xe2: {  	[sflag:s14] =	ssyncset.done $0x0  }
0xe3: {  	[sflag:s14] =	ssyncadd.s32 $0xFFFFF800  }
0xe4: {  	[spmem:s26] =	stream.linear.scatter [tilespmem:s13], [sflag:$0x7], $0x800, $0x38;
	[tilespmem:$0x19A00] =	vst v63  }
0xe5: {  	_ =	swait.ge [sflag:s14], $0x800  }
0xe6: {  	s28 =	sld [smem:$0x7FD]  }
0xe7: {  	[sflag:s14] =	ssyncset.done $0x0  }
0xe8: {  	[sflag:s14] =	ssyncadd.s32 $0xFFFFF800  }
0xe9: {  	[spmem:s28] =	stream.linear.scatter [tilespmem:s13], [sflag:$0x7], $0x800, $0x38;
	[tilespmem:$0x19A00] =	vst v63  }
0xea: {  	_ =	swait.ge [sflag:s14], $0x800  }
0xeb: {  	[sflag:s14] =	ssyncset.done $0x0  }
0xec: {  	[sflag:s14] =	ssyncadd.s32 $0xFFFFF800  }
0xed: {  	[spmem:s29] =	stream.linear.scatter [tilespmem:s13], [sflag:$0x7], $0x800, $0x38;
	[tilespmem:$0x19A00] =	vst v63  }
0xee: {  	_ =	swait.ge [sflag:s14], $0x800  }
0xef: {  	[sflag:s14] =	ssyncset.done $0x0  }
0xf0: {  	[sflag:s14] =	ssyncadd.s32 $0xFFFFF800  }
0xf1: {  	[spmem:s30] =	stream.linear.scatter [tilespmem:s13], [sflag:$0x7], $0x800, $0x38;
	[tilespmem:$0x19A00] =	vst v63  }
0xf2: {  	_ =	swait.ge [sflag:s14], $0x800  }
0xf3: {  	[sflag:s14] =	ssyncset.done $0x0  }
0xf4: {  	[sflag:s14] =	ssyncadd.s32 $0xFFFFF800  }
0xf5: {  	[spmem:s31] =	stream.linear.scatter [tilespmem:s13], [sflag:$0x7], $0x800, $0x38;
	[tilespmem:$0x19A00] =	vst v63  }
0xf6: {  	_ =	swait.ge [sflag:s14], $0x800  }
0xf7: {  	[sflag:s14] =	ssyncset.done $0x0  }
0xf8: {  	[sflag:s14] =	ssyncadd.s32 $0xFFFFF800  }
0xf9: {  	[spmem:s0] =	stream.linear.scatter [tilespmem:s13], [sflag:$0x7], $0x800, $0x38;
	[tilespmem:$0x19A00] =	vst v63  }
0xfa: {  	_ =	swait.ge [sflag:s14], $0x800  }
0xfb: {  	[sflag:s14] =	ssyncset.done $0x0  }
0xfc: {  	[sflag:s14] =	ssyncadd.s32 $0xFFFFF800  }
0xfd: {  	[bflag:$0x0] =	sbarrier.arrive $0xFFFF  }
0xfe: {  	_ =	swait.ge [sflag:s15], $0x50  }
0xff: {  	[sflag:s15] =	ssyncset.done $0x0  }
0x100: {  	[sflag:s15] =	ssyncadd.s32 $0xFFFFFFB0  }
0x101: {  	_ =	swait.ge [sflag:s16], $0x2800  }
0x102: {  	s25 =	sadd.s32 $0xFFFFFFB0, s24;
	[sflag:s16] =	ssyncset.done $0x0  }
0x103: {  	s23 =	sshrl.u32 s25, $0x3;
	[sflag:s16] =	ssyncadd.s32 $0xFFFFD800  }
0x104: {  	[tilespmem:s17], [sflag:$0x2] =	stream.indirect.gather [hbm4b:s1+s8], $0x80, s11, s8, $0xb8;
	[tilespmem:$0x19A00] =	vst v63  }
0x105: {  	s25 =	sadd.s32 s5, s23  }
0x106: {  	[tilespmem:s4], [sflag:$0x3] =	stream.linear.gather [hbm4b:s25+s4], $0x50, $0x38;
	[tilespmem:$0x19A00] =	vst v63  }
0x107: {  	_ =	swait.ge [sflag:s18], $0x50  }
0x108: {  	[sflag:s18] =	ssyncset.done $0x0  }
0x109: {  	[sflag:s18] =	ssyncadd.s32 $0xFFFFFFB0  }
0x10a: {  	[spmem:s2] =	stream.indirect.scatter.add.f32 [tilespmem:s9], [sflag:$0x7], $0x80, s3, s8, $0xb8;
	[tilespmem:$0x19A00] =	vst v63  }
0x10b: {  	_ =	swait.ge [sflag:s14], $0x2800  }
0x10c: {  	[sflag:s14] =	ssyncset.done $0x0  }
0x10d: {  	s23 =	sadd.s32 s6, s23;
	[sflag:s14] =	ssyncadd.s32 $0xFFFFD800  }
0x10e: {  	[tilespmem:s3], [sflag:$0x5] =	stream.linear.gather [hbm4b:s23+s4], $0x50, $0x38;
	[tilespmem:$0x19A00] =	vst v63  }
0x10f: {  	_ =	swait.ge [sflag:s7], $0x50  }
0x110: {  	[sflag:s7] =	ssyncset.done $0x0  }
0x111: {  	[sflag:s7] =	ssyncadd.s32 $0xFFFFFFB0  }
0x112: {  	_ =	swait.ge [sflag:s19], $0x2800  }
0x113: {  	[sflag:s19] =	ssyncset.done $0x0  }
0x114: {  	s26 =	sshrl.u32 s24, $0x3;
	[sflag:s19] =	ssyncadd.s32 $0xFFFFD800  }
0x115: {  	[tilespmem:s9], [sflag:$0x1] =	stream.indirect.gather [hbm4b:s1+s8], $0x80, s4, s8, $0xb8;
	[tilespmem:$0x19A00] =	vst v63  }
0x116: {  	s28 =	sadd.s32 s5, s26  }
0x117: {  	[tilespmem:s11], [sflag:$0x4] =	stream.linear.gather [hbm4b:s28+s4], $0x50, $0x38;
	[tilespmem:$0x19A00] =	vst v63  }
0x118: {  	p0 =	sne.s32 s22, $0x1;
	_ =	swait.ge [sflag:s20], $0x50  }
.Ltmp1:
0x119: {  	[sflag:s20] =	ssyncset.done $0x0;
	(pc) =	sbr.rel @!p0 .LBB2_5-.Ltmp1, $4  }
0x11a: {  	[sflag:s20] =	ssyncadd.s32 $0xFFFFFFB0  }
0x11b: {  	[spmem:s2] =	stream.indirect.scatter.add.f32 [tilespmem:s17], [sflag:$0x7], $0x80, s12, s8, $0xb8;
	[tilespmem:$0x19A00] =	vst v63  }
0x11c: {  	s26 =	sadd.s32 s6, s26;
	_ =	swait.ge [sflag:s14], $0x2800  }
0x11d: {  	s25 =	smov.u32 s24;
	s23 =	sadd.s32 $0xFFFFFFFF, s22;
	[sflag:s14] =	ssyncset.done $0x0  }
.LBB2_4:
0x11e: {  	p0 =	sne.s32 s23, $0x1;
	[sflag:s14] =	ssyncadd.s32 $0xFFFFD800;
	s25 =	sadd.s32 $0xA0, s25  }
0x11f: {  	[tilespmem:s12], [sflag:$0x6] =	stream.linear.gather [hbm4b:s26+s4], $0x50, $0x38;
	[tilespmem:$0x19A00] =	vst v63  }
0x120: {  	s23 =	sadd.s32 $0xFFFFFFFF, s23;
	_ =	swait.ge [sflag:s15], $0x50  }
0x121: {  	[sflag:s15] =	ssyncset.done $0x0  }
0x122: {  	[sflag:s15] =	ssyncadd.s32 $0xFFFFFFB0  }
0x123: {  	_ =	swait.ge [sflag:s16], $0x2800  }
0x124: {  	s26 =	sadd.s32 $0xFFFFFFB0, s25;
	[sflag:s16] =	ssyncset.done $0x0  }
0x125: {  	s26 =	sshrl.u32 s26, $0x3;
	[sflag:s16] =	ssyncadd.s32 $0xFFFFD800  }
0x126: {  	[tilespmem:s17], [sflag:$0x2] =	stream.indirect.gather [hbm4b:s1+s8], $0x80, s11, s8, $0xb8;
	[tilespmem:$0x19A00] =	vst v63  }
0x127: {  	s28 =	sadd.s32 s5, s26  }
0x128: {  	[tilespmem:s4], [sflag:$0x3] =	stream.linear.gather [hbm4b:s28+s4], $0x50, $0x38;
	[tilespmem:$0x19A00] =	vst v63  }
0x129: {  	_ =	swait.ge [sflag:s18], $0x50  }
0x12a: {  	[sflag:s18] =	ssyncset.done $0x0  }
0x12b: {  	[sflag:s18] =	ssyncadd.s32 $0xFFFFFFB0  }
0x12c: {  	[spmem:s2] =	stream.indirect.scatter.add.f32 [tilespmem:s9], [sflag:$0x7], $0x80, s3, s8, $0xb8;
	[tilespmem:$0x19A00] =	vst v63  }
0x12d: {  	_ =	swait.ge [sflag:s14], $0x2800  }
0x12e: {  	s26 =	sadd.s32 s6, s26;
	[sflag:s14] =	ssyncset.done $0x0  }
0x12f: {  	[sflag:s14] =	ssyncadd.s32 $0xFFFFD800  }
0x130: {  	[tilespmem:s3], [sflag:$0x5] =	stream.linear.gather [hbm4b:s26+s4], $0x50, $0x38;
	[tilespmem:$0x19A00] =	vst v63  }
0x131: {  	_ =	swait.ge [sflag:s7], $0x50  }
0x132: {  	[sflag:s7] =	ssyncset.done $0x0  }
0x133: {  	[sflag:s7] =	ssyncadd.s32 $0xFFFFFFB0  }
0x134: {  	_ =	swait.ge [sflag:s19], $0x2800  }
0x135: {  	[sflag:s19] =	ssyncset.done $0x0  }
0x136: {  	s26 =	sshrl.u32 s25, $0x3;
	[sflag:s19] =	ssyncadd.s32 $0xFFFFD800  }
0x137: {  	[tilespmem:s9], [sflag:$0x1] =	stream.indirect.gather [hbm4b:s1+s8], $0x80, s4, s8, $0xb8;
	[tilespmem:$0x19A00] =	vst v63  }
0x138: {  	s28 =	sadd.s32 s5, s26  }
0x139: {  	[tilespmem:s11], [sflag:$0x4] =	stream.linear.gather [hbm4b:s28+s4], $0x50, $0x38;
	[tilespmem:$0x19A00] =	vst v63  }
0x13a: {  	_ =	swait.ge [sflag:s20], $0x50  }
.Ltmp2:
0x13b: {  	[sflag:s20] =	ssyncset.done $0x0;
	(pc) =	sbr.rel @p0 .LBB2_4-.Ltmp2, $4  }
0x13c: {  	[sflag:s20] =	ssyncadd.s32 $0xFFFFFFB0  }
0x13d: {  	[spmem:s2] =	stream.indirect.scatter.add.f32 [tilespmem:s17], [sflag:$0x7], $0x80, s12, s8, $0xb8;
	[tilespmem:$0x19A00] =	vst v63  }
0x13e: {  	_ =	swait.ge [sflag:s14], $0x2800  }
0x13f: {  	s26 =	sadd.s32 s6, s26;
	[sflag:s14] =	ssyncset.done $0x0  }
.LBB2_5:
0x140: {  	[sflag:s14] =	ssyncadd.s32 $0xFFFFD800  }
0x141: {  	[tilespmem:s12], [sflag:$0x6] =	stream.linear.gather [hbm4b:s26+s4], $0x50, $0x38;
	[tilespmem:$0x19A00] =	vst v63  }
0x142: {  	_ =	swait.ge [sflag:s15], $0x50  }
0x143: {  	[sflag:s15] =	ssyncset.done $0x0  }
0x144: {  	[sflag:s15] =	ssyncadd.s32 $0xFFFFFFB0  }
0x145: {  	_ =	swait.ge [sflag:s16], $0x2800  }
0x146: {  	[sflag:s16] =	ssyncset.done $0x0  }
0x147: {  	[sflag:s16] =	ssyncadd.s32 $0xFFFFD800  }
0x148: {  	[tilespmem:s17], [sflag:$0x2] =	stream.indirect.gather [hbm4b:s1+s8], $0x80, s11, s8, $0xb8;
	[tilespmem:$0x19A00] =	vst v63  }
0x149: {  	_ =	swait.ge [sflag:s18], $0x50  }
0x14a: {  	[sflag:s18] =	ssyncset.done $0x0  }
0x14b: {  	[sflag:s18] =	ssyncadd.s32 $0xFFFFFFB0  }
0x14c: {  	[spmem:s2] =	stream.indirect.scatter.add.f32 [tilespmem:s9], [sflag:$0x7], $0x80, s3, s8, $0xb8;
	[tilespmem:$0x19A00] =	vst v63  }
0x14d: {  	_ =	swait.ge [sflag:s14], $0x2800  }
0x14e: {  	[sflag:s14] =	ssyncset.done $0x0  }
0x14f: {  	[sflag:s14] =	ssyncadd.s32 $0xFFFFD800  }
0x150: {  	_ =	swait.ge [sflag:s19], $0x2800  }
0x151: {  	[sflag:s19] =	ssyncset.done $0x0  }
0x152: {  	[sflag:s19] =	ssyncadd.s32 $0xFFFFD800  }
0x153: {  	_ =	swait.ge [sflag:s20], $0x50  }
0x154: {  	[sflag:s20] =	ssyncset.done $0x0  }
0x155: {  	[sflag:s20] =	ssyncadd.s32 $0xFFFFFFB0  }
0x156: {  	[spmem:s2] =	stream.indirect.scatter.add.f32 [tilespmem:s17], [sflag:$0x7], $0x80, s12, s8, $0xb8;
	[tilespmem:$0x19A00] =	vst v63  }
0x157: {  	_ =	swait.ge [sflag:s14], $0x2800  }
0x158: {  	[sflag:s14] =	ssyncset.done $0x0  }
0x159: {  	s23 =	stileid.u32;
	[sflag:s14] =	ssyncadd.s32 $0xFFFFD800  }
0x15a: {  	s23 =	sshll.u32 s23, $0x6;
	[bflag:$0x0] =	sbarrier.arrive $0xFFFF  }
0x15b: {  	s25 =	sshrl.u32 s10, $0x3;
	s23 =	sor.u32 $0x1C07, s23;
	s28 =	rddreg [dreg:$0x12]  }
0x15c: {  	[hbm:s28], [sflag:s23] =	dma.local [spmem:s25], $0x2800  }
0x15d: {  	_ =	swait.ge [sflag:s14], $0x2800  }
0x15e: {  	s21 =	sadd.s32 $0x1, s21;
	s28 =	rddreg [dreg:$0x13]  }
0x15f: {  	p0 =	sne.s32 s21, s28  }
.Ltmp3:
0x160: {  	_ = 	snop;
	(pc) =	sbr.rel @p0 .LBB2_1-.Ltmp3, $3  }
0x161: {  	_ =	sdelay $0x1  }
0x162: {  	[sflag:s14] =	ssyncset.done $0x0  }
0x163: {  	[sflag:s14] =	ssyncadd.s32 $0xFFFFD800  }
0x164: {  	_ =	sfence.sel $0x180000  }
0x165: {  	[bflag:$0x0] =	sbarrier.arrive $0xFFFF  }
0x166: {  	_ =	strace $0x90000047  }
0x167: {  	s0 =	stileid.u32;
	[bflag:$0x2] =	sbarrier.arrive $0xFFFF  }
0x168: {  	p0 =	sne.s32 s0, $0x0;
	s0 =	rddreg [dreg:$0x3]  }
0x169: {  	s0 =	sadd.s32 @!p0 $0x100000, s0  }
0x16a: {  	[sflag:s0] =	ssyncadd.tile.s32 @!p0 $0x1;
	_ =	shalt  }
.Lfunc_end2:
_tile_overlayer_lowered:
.L_overlay_start_2:
0x16b: {  	(tag) =	ssettag $0x2  }
0x16c: {  	s0 =	rddreg [dreg:$0x0];
	s2 =	stileid.u32  }
0x16d: {  	s1 =	rddreg [dreg:$0x1];
	p0 =	sne.s32 s2, $0x0  }
0x16e: {  	s3 =	rddreg [dreg:$0x2];
	[bflag:$0x3] =	sbarrier.arrive $0xFFFF;
	s2 =	simm.s32 @!p0 $0x1C07  }
0x16f: {  	[timem:s3], [sflag:s2] =	dma.local @!p0 [hbm:s0], s1  }
0x170: {  	s0 =	simm.s32 @!p0 $0x7  }
0x171: {  	_ =	swait.ge @!p0 [sflag:s0], s1  }
0x172: {  	s1 =	ssub.s32 @!p0 $0x0, s1;
	[sflag:s0] =	ssyncset.done @!p0 $0x0  }
0x173: {  	[sflag:s0] =	ssyncadd.s32 @!p0 s1  }
0x174: {  	[bflag:$0x3] =	sbarrier.arrive $0xFFFF  }
0x175: {  	_ =	shalt  }

// kernel: kernel.9.cloned.1.call-start
scs
__scs_entry_jumppad:
0x0: {  	(pc) =	sbr.rel $0x88, $3  }
0x1: {  	(tag) =	ssettag $0x0;
	lr =	simm.s32 $0x1  }
0x2: {  	[smem:$0x3F96] =	sst lr;
	_ =	strace $0xD0000000  }
0x3: {  	_ = 	snop  }
0x4: {  	_ = 	snop  }
0x5: {  	_ = 	snop  }
0x6: {  	_ = 	snop  }
0x7: {  	_ = 	snop  }
__scs_overlays_trampoline_lowered:
0x8: {  	[smem:$0x3FA5] =	sst s0  }
0x9: {  	[smem:$0x3FA6] =	sst s1  }
0xa: {  	[smem:$0x3FA7] =	sst s2  }
0xb: {  	[smem:$0x3FA8] =	sst s3  }
0xc: {  	[smem:$0x3FA9] =	sst s4  }
0xd: {  	[smem:$0x3FAA] =	sst s5  }
0xe: {  	[smem:$0x3FAB] =	sst s6  }
0xf: {  	[smem:$0x3FAC] =	sst s7  }
0x10: {  	[smem:$0x3FAD] =	sst s8  }
0x11: {  	[smem:$0x3FAE] =	sst s9;
	s0 =	simm.s32 @!p0 $0x0  }
0x12: {  	s1 =	sld [smem:$0x3F94];
	s0 =	simm.s32 @p0 $0x1  }
0x13: {  	[smem:$0x3FAF] =	sst s0;
	s0 =	simm.s32 @!p1 $0x0  }
0x14: {  	s2 =	sld [smem:$0x3F93];
	s0 =	simm.s32 @p1 $0x1  }
0x15: {  	[smem:$0x3FB0] =	sst s0;
	s0 =	simm.s32 @!p2 $0x0  }
0x16: {  	s3 =	sld [smem:$0x3FDB];
	s0 =	simm.s32 @p2 $0x1  }
0x17: {  	s4 =	simm.s32 $0x1BF5;
	[smem:$0x3FB2] =	sst s0  }
0x18: {  	s0 =	sld [smem:$0x3F95];
	_ =	swait.ge [sflag:s4], $0x0  }
0x19: {  	s7 =	sld [smem:$0x3F96]  }
0x1a: {  	s8 =	sadd.s32 $0xFFFFE003, lr  }
0x1b: {  	s9 =	sadd.s32 $0xFFFFFEF7, lr;
	s5 =	simm.s32 $0xFFFFFFFF;
	p2 =	slt.u32 s8, $0xFFFFF086  }
0x1c: {  	p1 =	slt.u32 s9, $0xF7A;
	s5 =	simm.s32 @!p2 $0x0  }
0x1d: {  	s5 =	simm.s32 @p1 $0x1;
	p0 =	seq.s32 s7, s2  }
0x1e: {  	s7 =	smul.u32 @!p0 $0xF7A, s2;
	p2 =	seq.s32 @!p0 s5, $0x0  }
0x1f: {  	s9 =	smul.u32 $0xF7A, s1;
	s8 =	simm.s32 @!p0 $0x1BF5;
	p2 =	por !p2, p0  }
0x20: {  	[sflag:s8] =	ssyncset.s32 @!p0 $0xFFFFF086;
	s6 =	sadd.s32 @!p0 s3, s7;
	s7 =	simm.s32 @!p0 $0x108  }
0x21: {  	s3 =	sadd.s32 s3, s9;
	s6 =	sadd.s32 @!p0 $0x88, s6;
	s7 =	simm.s32 @p2 $0x1082  }
0x22: {  	[simem:s7], [sflag:s8] =	dma.local @!p0 [hbm:s6], $0xF7A  }
0x23: {  	s9 =	sor.u32 $0xD0000000, s2;
	s6 =	simm.s32 $0x108;
	_ =	swait.ge @!p0 [sflag:s8], $0x0  }
0x24: {  	s3 =	sadd.s32 $0x88, s3;
	s6 =	simm.s32 @!p1 $0x1082;
	[sflag:s4] =	ssyncset.s32 $0xFFFFF086  }
0x25: {  	[simem:s6], [sflag:s4] =	dma.local [hbm:s3], $0xF7A  }
0x26: {  	[smem:$0x3F96] =	sst s1;
	(tag) =	ssettag s2;
	_ =	strace s9  }
0x27: {  	s1 =	sld [smem:$0x3FA6]  }
0x28: {  	s2 =	sld [smem:$0x3FA7]  }
0x29: {  	s4 =	sld [smem:$0x3FA9]  }
0x2a: {  	p0 =	seq.s32 s5, $0x0;
	s5 =	sld [smem:$0x3FAA]  }
0x2b: {  	s6 =	sld [smem:$0x3FAB]  }
0x2c: {  	s7 =	sld [smem:$0x3FAC]  }
0x2d: {  	s3 =	simm.s32 $0x108;
	s8 =	sld [smem:$0x3FAD]  }
0x2e: {  	s3 =	simm.s32 @!p0 $0x1082;
	s9 =	sld [smem:$0x3FAE]  }
0x2f: {  	lr =	sadd.s32 s0, s3;
	s0 =	sld [smem:$0x3FA5]  }
0x30: {  	s3 =	sld [smem:$0x3FA8]  }
0x31: {  	[smem:$0x3FB1] =	sst s10  }
0x32: {  	s10 =	sld [smem:$0x3FAF];
	_ =	sdelay $0x3  }
0x33: {  	p0 =	seq.s32 s10, $0x1;
	s10 =	sld [smem:$0x3FB1];
	_ =	sdelay $0x3  }
0x34: {  	[smem:$0x3FB1] =	sst s10  }
0x35: {  	s10 =	sld [smem:$0x3FB0];
	_ =	sdelay $0x3  }
0x36: {  	p1 =	seq.s32 s10, $0x1;
	s10 =	sld [smem:$0x3FB1];
	_ =	sdelay $0x3  }
0x37: {  	[smem:$0x3FB1] =	sst s10  }
0x38: {  	s10 =	sld [smem:$0x3FB2]  }
0x39: {  	_ = 	snop;
	(pc) =	sbr.ind lr, $3  }
0x3a: {  	_ = 	snop  }
0x3b: {  	_ = 	snop  }
0x3c: {  	p2 =	seq.s32 s10, $0x1;
	s10 =	sld [smem:$0x3FB1]  }
0x3d: {  	_ =	shalt  }
0x3e: {  	_ =	shalt  }
0x3f: {  	_ =	shalt  }
0x40: {  	_ =	shalt  }
0x41: {  	_ =	shalt  }
0x42: {  	_ =	shalt  }
0x43: {  	_ =	shalt  }
0x44: {  	_ =	shalt  }
0x45: {  	_ =	shalt  }
0x46: {  	_ =	shalt  }
0x47: {  	_ =	shalt  }
0x48: {  	_ =	shalt  }
0x49: {  	_ =	shalt  }
0x4a: {  	_ =	shalt  }
0x4b: {  	_ =	shalt  }
0x4c: {  	_ =	shalt  }
0x4d: {  	_ =	shalt  }
0x4e: {  	_ =	shalt  }
0x4f: {  	_ =	shalt  }
0x50: {  	_ =	shalt  }
0x51: {  	_ =	shalt  }
0x52: {  	_ =	shalt  }
0x53: {  	_ =	shalt  }
0x54: {  	_ =	shalt  }
0x55: {  	_ =	shalt  }
0x56: {  	_ =	shalt  }
0x57: {  	_ =	shalt  }
0x58: {  	_ =	shalt  }
0x59: {  	_ =	shalt  }
0x5a: {  	_ =	shalt  }
0x5b: {  	_ =	shalt  }
0x5c: {  	_ =	shalt  }
0x5d: {  	_ =	shalt  }
0x5e: {  	_ =	shalt  }
0x5f: {  	_ =	shalt  }
0x60: {  	_ =	shalt  }
0x61: {  	_ =	shalt  }
0x62: {  	_ =	shalt  }
0x63: {  	_ =	shalt  }
0x64: {  	_ =	shalt  }
0x65: {  	_ =	shalt  }
0x66: {  	_ =	shalt  }
0x67: {  	_ =	shalt  }
0x68: {  	_ =	shalt  }
0x69: {  	_ =	shalt  }
0x6a: {  	_ =	shalt  }
0x6b: {  	_ =	shalt  }
0x6c: {  	_ =	shalt  }
0x6d: {  	_ =	shalt  }
0x6e: {  	_ =	shalt  }
0x6f: {  	_ =	shalt  }
0x70: {  	_ =	shalt  }
0x71: {  	_ =	shalt  }
0x72: {  	_ =	shalt  }
0x73: {  	_ =	shalt  }
0x74: {  	_ =	shalt  }
0x75: {  	_ =	shalt  }
0x76: {  	_ =	shalt  }
0x77: {  	_ =	shalt  }
0x78: {  	_ =	shalt  }
0x79: {  	_ =	shalt  }
0x7a: {  	_ =	shalt  }
0x7b: {  	_ =	shalt  }
0x7c: {  	_ =	shalt  }
0x7d: {  	_ =	shalt  }
0x7e: {  	_ =	shalt  }
0x7f: {  	_ =	shalt  }
0x80: {  	_ =	shalt  }
0x81: {  	_ =	shalt  }
0x82: {  	_ =	shalt  }
0x83: {  	_ =	shalt  }
0x84: {  	_ =	shalt  }
0x85: {  	_ =	shalt  }
0x86: {  	_ =	shalt  }
0x87: {  	_ =	shalt  }
.Lfunc_end0:
.L_simem_size_0:
called_computation.1_lowered:
.L_overlay_start_0:
0x88: {  	s2 =	sld [smem:$0x3FD9]  }
0x89: {  	s3 =	sld [smem:$0x3FFE];
	_ =	sdelay $0x1  }
0x8a: {  	s1 =	srdreg.scid  }
0x8b: {  	s0 =	sand.u32 $0x1, s1  }
0x8c: {  	s17 =	sshll.u32 s0, $0xA;
	s2 =	sadd.s32 s3, s2  }
0x8d: {  	s2 =	sadd.s32 s2, s17  }
0x8e: {  	[smem:$0x3FBD] =	sst s2  }
0x8f: {  	_ = 	snop  }
0x90: {  	s2 =	sld [smem:$0x3FD0];
	(tm) =	ssettm $0x1  }
0x91: {  	s18 =	sld [smem:$0x3FFB];
	_ =	sdelay $0x3  }
0x92: {  	_ =	strace s18  }
0x93: {  	s3 =	sld [smem:$0x3FFC];
	_ =	sdelay $0x3  }
0x94: {  	_ =	strace s3  }
0x95: {  	s3 =	sld [smem:$0x3FFD];
	_ =	sdelay $0x3  }
0x96: {  	_ =	strace s3  }
0x97: {  	_ =	strace $0x8FFFFFFF  }
0x98: {  	s19 =	sld [smem:$0x3FDB];
	_ =	sdelay $0x1  }
0x99: {  	s4 =	simm.s32 $_scs_section_size  }
0x9a: {  	s5 =	simm.s32 $_size__tile_overlayer_lowered;
	s6 =	simm.s32 $_tile_overlayer_lowered  }
0x9b: {  	s22 =	simm.s32 $0x1BFF;
	s21 =	sshll.u32 s6, $0x1;
	s3 =	sadd.s32 s4, s19  }
0x9c: {  	s7 =	simm.s32 $0x0;
	s20 =	sshll.u32 s5, $0x1;
	s5 =	sadd.s32 s21, s3  }
0x9d: {  	[timem:s7], [sflag:s22] =	dma.local [hbm:s5], s20  }
0x9e: {  	_ =	swait.ge [sflag:s22], s20  }
0x9f: {  	s4 =	ssub.s32 $0x0, s20;
	[sflag:s22] =	ssyncset.done $0x0  }
0xa0: {  	[sflag:s22] =	ssyncadd.s32 s4;
	_ =	sdelay $0x1  }
0xa1: {  	s23 =	simm.s32 $0x1B8B  }
0xa2: {  	_ =	swait.ge [sflag:s23], $0x1  }
0xa3: {  	[sflag:s23] =	ssyncset.done $0x0  }
0xa4: {  	s25 =	simm.s32 $0x1B8E;
	s24 =	sld [smem:$0x3FFE];
	[sflag:s23] =	ssyncadd.s32 $0xFFFFFFFF  }
0xa5: {  	s26 =	simm.s32 $execute0_lowered;
	[smem:$0x3FD2] =	sst s25  }
0xa6: {  	s5 =	sshll.u32 s26, $0x1;
	_ =	strace $0x80000049;
	[dreg:$0x1] =	wrdreg $0xFFFFFFFF  }
0xa7: {  	s28 =	simm.s32 $_size_execute0_lowered;
	s3 =	sadd.s32 s3, s5;
	[dreg:$0x0] =	wrdreg $0x0  }
0xa8: {  	s5 =	sshll.u32 s28, $0x1;
	[dreg:$0x2] =	wrdreg s3  }
0xa9: {  	[dreg:$0x3] =	wrdreg s5  }
0xaa: {  	[dreg:$0x4] =	wrdreg $0xC0  }
0xab: {  	_ =	task [dreg:s7], $0x5FFFF  }
0xac: {  	[dreg:$0x1] =	wrdreg $0xFFFFFFFF  }
0xad: {  	[dreg:$0x0] =	wrdreg $0x60  }
0xae: {  	[dreg:$0x2] =	wrdreg s2  }
0xaf: {  	[dreg:$0x3] =	wrdreg s24  }
0xb0: {  	[dreg:$0x4] =	wrdreg $0x5A000  }
0xb1: {  	[dreg:$0x5] =	wrdreg $0x9  }
0xb2: {  	_ =	task.clear_ibuf [dreg:s7], $0x6FFFF;
	_ =	strace $0x90000049  }
0xb3: {  	s29 =	simm.s32 $0x9;
	_ =	strace $0x8000004B  }
0xb4: {  	_ =	swait.ge [sflag:s29], $0x1  }
0xb5: {  	[sflag:s29] =	ssyncadd.s32 $0xFFFFFFFF  }
0xb6: {  	_ =	strace $0x9000004B  }
0xb7: {  	_ =	sfence  }
0xb8: {  	s30 =	sld [smem:$0x0];
	_ =	sdelay $0x2  }
0xb9: {  	s31 =	sshll.u32 s1, $0xD;
	s1 =	sshrl.u32 s1, $0x2  }
0xba: {  	s3 =	sand.u32 $0x4000, s31;
	s1 =	sadd.s32 s1, s30  }
0xbb: {  	s0 =	sor.u32 s3, s0;
	s1 =	sshll.u32 s1, $0x11  }
0xbc: {  	s0 =	sor.u32 s1, s0  }
0xbd: {  	s0 =	sadd.s32 $0x8F2B, s0  }
0xbe: {  	[sflag:s0] =	ssyncadd.remote.s32 $0x1  }
0xbf: {  	_ =	sfence.sel $0xFFFF  }
0xc0: {  	[dreg:$0x0] =	wrdreg $0xFFFFFFFF;
	(pc) =	sbr.abs _section_cstart, $3  }
0xc1: {  	[dreg:$0x1] =	wrdreg $0xFFFFFFFF  }
0xc2: {  	_ =	task.clear_ibuf [dreg:s7], $0x2FFFF;
	_ =	strace $0x9FFFFFFF  }
0xc3: {  	(tm) =	ssettm $0x7FFFFFFF  }
tec
execute0_lowered:
.L_overlay_start_1:
0x0: {  	(tag) =	ssettag $0x1  }
0x1: {  	s11 =	stileid.u32  }
0x2: {  	s1 =	rddreg [dreg:$0x0];
	s5 =	smul.u32 $0x9A, s11  }
0x3: {  	s3 =	srdreg.scid;
	s8 =	smul.u32 $0x62, s11  }
0x4: {  	s0 =	rddreg [dreg:$0x1];
	s3 =	sand.u32 $0x1, s3;
	s21 =	smul.u32 $0x50000, s11  }
0x5: {  	s2 =	rddreg [dreg:$0x2];
	s4 =	simm.s32 $0x0;
	s7 =	smul.u32 $0x140000, s3  }
0x6: {  	p0 =	seq.s32 s3, $0x0;
	s3 =	ssub.s32 $0x2, s3;
	s10 =	sadd.s32 $0x620, s5  }
0x7: {  	[smem:$0x7FF] =	sst s4;
	s20 =	sshrl.u32 s3, $0x1;
	s10 =	smov.u32 @p0 s8  }
0x8: {  	s3 =	ssub.s32 s3, s20;
	s8 =	smul.u32 $0x50, s10;
	s10 =	sshrl.u32 s21, $0x2  }
0x9: {  	s9 =	smul.u32 $0x14000, s11;
	s19 =	smax.u32 s3, $0x1;
	s10 =	sadd.s32 s10, s2  }
0xa: {  	_ =	strace $0x8000004A;
	[dreg:$0x13] =	wrdreg s19;
	s28 =	sadd.s32 $0x800, s10  }
0xb: {  	s7 =	sadd.s32 s9, s7;
	s9 =	sadd.s32 $0x1000, s10;
	[dreg:$0x8] =	wrdreg s28  }
0xc: {  	s11 =	sadd.s32 $0x1800, s10;
	[dreg:$0x9] =	wrdreg s9  }
0xd: {  	s12 =	sadd.s32 $0x2000, s10;
	[dreg:$0xa] =	wrdreg s11  }
0xe: {  	s13 =	sadd.s32 $0x2800, s10;
	[dreg:$0xb] =	wrdreg s12  }
0xf: {  	s14 =	sadd.s32 $0x3000, s10;
	[dreg:$0xc] =	wrdreg s13  }
0x10: {  	s6 =	sadd.s32 $0x2000, s0;
	s15 =	sadd.s32 $0x3800, s10;
	[dreg:$0xd] =	wrdreg s14  }
0x11: {  	s5 =	sadd.s32 $0xBE00, s0;
	s16 =	sadd.s32 $0x4000, s10;
	[dreg:$0xe] =	wrdreg s15  }
0x12: {  	s7 =	sshrl.u32 s7, $0x3;
	s17 =	sadd.s32 $0x4800, s10;
	[dreg:$0xf] =	wrdreg s16  }
0x13: {  	s0 =	sadd.s32 s7, s0;
	s18 =	sadd.s32 $0x5000, s10;
	[dreg:$0x10] =	wrdreg s17  }
0x14: {  	s0 =	sadd.s32 $0x15C00, s0;
	[dreg:$0x11] =	wrdreg s18  }
0x15: {  	s20 =	sadd.s32 $0x5800, s10;
	[dreg:$0x12] =	wrdreg s0  }
0x16: {  	s21 =	sadd.s32 $0x6000, s10;
	[dreg:$0x14] =	wrdreg s20  }
0x17: {  	s3 =	sadd.s32 $0x8800, s10;
	[dreg:$0x15] =	wrdreg s21  }
0x18: {  	s22 =	sshrl.u32 s8, $0x3;
	s19 =	sadd.s32 $0xE800, s10;
	[dreg:$0x1a] =	wrdreg s3  }
0x19: {  	s23 =	sadd.s32 s5, s22;
	[smem:$0x7F7] =	sst s19  }
0x1a: {  	s7 =	sadd.s32 s6, s22;
	[dreg:$0x4] =	wrdreg s23  }
0x1b: {  	s28 =	sadd.s32 $0x8000, s10;
	[dreg:$0x5] =	wrdreg s7  }
0x1c: {  	s9 =	sadd.s32 $0xA000, s10;
	[dreg:$0x19] =	wrdreg s28  }
0x1d: {  	s29 =	sadd.s32 $0x12000, s10;
	s11 =	sadd.s32 $0xA800, s10;
	[dreg:$0x1d] =	wrdreg s9  }
0x1e: {  	s30 =	sadd.s32 $0x12800, s10;
	s12 =	sadd.s32 $0xB000, s10;
	[dreg:$0x1e] =	wrdreg s11  }
0x1f: {  	s31 =	sadd.s32 $0x13000, s10;
	s13 =	sadd.s32 $0xB800, s10;
	[dreg:$0x1f] =	wrdreg s12  }
0x20: {  	s24 =	sadd.s32 $0xA, s22;
	s14 =	sadd.s32 $0xC000, s10;
	[smem:$0x7F1] =	sst s13  }
0x21: {  	s22 =	simm.s32 $0x30;
	s15 =	sadd.s32 $0xC800, s10;
	[smem:$0x7F2] =	sst s14  }
0x22: {  	s16 =	sadd.s32 $0xD000, s10;
	s17 =	sadd.s32 $0xD800, s10;
	[smem:$0x7F3] =	sst s15  }
0x23: {  	s18 =	sadd.s32 $0xE000, s10;
	s20 =	sadd.s32 $0xF000, s10;
	[smem:$0x7F4] =	sst s16  }
0x24: {  	s21 =	sadd.s32 $0xF800, s10;
	s0 =	sadd.s32 $0x13800, s10;
	[smem:$0x7F5] =	sst s17  }
0x25: {  	s3 =	simm.s32 $0x100;
	s19 =	simm.s32 $0x2;
	[smem:$0x7F6] =	sst s18  }
0x26: {  	s25 =	sadd.s32 s5, s24;
	s26 =	sadd.s32 s6, s24;
	[smem:$0x7F8] =	sst s20  }
0x27: {  	s22 =	simm.s32 @!p0 $0x4C;
	s24 =	sadd.s32 $0xF0, s8;
	[smem:$0x7F9] =	sst s21  }
0x28: {  	s23 =	sadd.s32 $0x6800, s10;
	s7 =	sadd.s32 $0x9000, s10;
	[dreg:$0x6] =	wrdreg s25  }
0x29: {  	s8 =	sadd.s32 $0x9800, s10;
	s28 =	sadd.s32 $0x11800, s10;
	[dreg:$0x7] =	wrdreg s26  }
0x2a: {  	s9 =	simm.s32 $0x200;
	s11 =	simm.s32 $0x80;
	[dreg:$0x16] =	wrdreg s23  }
0x2b: {  	s12 =	simm.s32 $0x180;
	s13 =	simm.s32 $0x5200;
	[dreg:$0x1b] =	wrdreg s7  }
0x2c: {  	s14 =	simm.s32 $0x7;
	s15 =	simm.s32 $0x4;
	[dreg:$0x1c] =	wrdreg s8  }
0x2d: {  	s16 =	simm.s32 $0x1;
	s25 =	sadd.s32 $0x7000, s10;
	[smem:$0x7FD] =	sst s28  }
0x2e: {  	s17 =	simm.s32 $0x2A00;
	s26 =	sadd.s32 $0x7800, s10;
	[dreg:$0x17] =	wrdreg s25  }
0x2f: {  	s18 =	simm.s32 $0x5;
	s23 =	sadd.s32 $0x10000, s10;
	[dreg:$0x18] =	wrdreg s26  }
0x30: {  	s20 =	simm.s32 $0x6;
	[smem:$0x7FA] =	sst s23;
	s25 =	sadd.s32 $0x10800, s10  }
0x31: {  	s21 =	simm.s32 $0x0;
	s26 =	sadd.s32 $0x11000, s10;
	[smem:$0x7FB] =	sst s25  }
0x32: {  	v0 =	vimm.f32 $0.0e+00;
	s7 =	simm.s32 $0x3;
	s8 =	simm.s32 $0x50;
	[smem:$0x7FC] =	sst s26  }
.LBB2_1:
0x33: {  	s23 =	rddreg [dreg:$0x4]  }
0x34: {  	[tilespmem:s4], [sflag:$0x3] =	stream.linear.gather [hbm4b:s23+s4], $0x50, $0x38;
	[tilespmem:$0x19A00] =	vst v63  }
0x35: {  	s28 =	rddreg [dreg:$0x5];
	s25 =	simm.s32 $0x200;
	s23 =	simm.s32 $0x0  }
0x36: {  	[tilespmem:s3], [sflag:$0x5] =	stream.linear.gather [hbm4b:s28+s4], $0x50, $0x38;
	[tilespmem:$0x19A00] =	vst v63  }
.LBB2_2:
0x37: {  	p0 =	sne.s32 s25, $0x1E00;
	[tilespmem:s23+$0x5270] =	vst v0  }
0x38: {  	[tilespmem:s23+$0x5200] =	vst v0  }
0x39: {  	[tilespmem:s23+$0x5210] =	vst v0  }
.Ltmp0:
0x3a: {  	[tilespmem:s23+$0x5220] =	vst v0;
	(pc) =	sbr.rel @p0 .LBB2_2-.Ltmp0, $4  }
0x3b: {  	[tilespmem:s23+$0x5230] =	vst v0  }
0x3c: {  	[tilespmem:s23+$0x5240] =	vst v0  }
0x3d: {  	[tilespmem:s23+$0x5250] =	vst v0  }
0x3e: {  	[tilespmem:s23+$0x5260] =	vst v0;
	s23 =	sshra.s32 s25, $0x2;
	s25 =	sadd.s32 $0x200, s25  }
0x3f: {  	[tilespmem:s23+$0x5270] =	vst v0  }
0x40: {  	[tilespmem:s23+$0x5200] =	vst v0  }
0x41: {  	[tilespmem:s23+$0x5210] =	vst v0  }
0x42: {  	[tilespmem:s23+$0x5220] =	vst v0  }
0x43: {  	[tilespmem:s23+$0x5230] =	vst v0  }
0x44: {  	[tilespmem:s23+$0x5240] =	vst v0  }
0x45: {  	[tilespmem:s23+$0x5250] =	vst v0  }
0x46: {  	[tilespmem:s23+$0x5260] =	vst v0  }
0x47: {  	_ =	swait.ge [sflag:s7], $0x50  }
0x48: {  	[sflag:s7] =	ssyncset.done $0x0  }
0x49: {  	[sflag:s7] =	ssyncadd.s32 $0xFFFFFFB0  }
0x4a: {  	[tilespmem:s9], [sflag:$0x1] =	stream.indirect.gather [hbm4b:s1+s8], $0x80, s4, s8, $0xb8;
	[tilespmem:$0x19A00] =	vst v63  }
0x4b: {  	s28 =	rddreg [dreg:$0x6]  }
0x4c: {  	[tilespmem:s11], [sflag:$0x4] =	stream.linear.gather [hbm4b:s28+s4], $0x50, $0x38;
	[tilespmem:$0x19A00] =	vst v63  }
0x4d: {  	s25 =	rddreg [dreg:$0x7]  }
0x4e: {  	[tilespmem:s12], [sflag:$0x6] =	stream.linear.gather [hbm4b:s25+s4], $0x50, $0x38;
	[tilespmem:$0x19A00] =	vst v63  }
0x4f: {  	_ = 	snop  }
0x50: {  	[spmem:s10] =	stream.linear.scatter [tilespmem:s13], [sflag:$0x7], $0x800, $0x38;
	[tilespmem:$0x19A00] =	vst v63  }
0x51: {  	_ =	swait.ge [sflag:s14], $0x800  }
0x52: {  	[sflag:s14] =	ssyncset.done $0x0  }
0x53: {  	s26 =	rddreg [dreg:$0x8];
	[sflag:s14] =	ssyncadd.s32 $0xFFFFF800  }
0x54: {  	[spmem:s26] =	stream.linear.scatter [tilespmem:s13], [sflag:$0x7], $0x800, $0x38;
	[tilespmem:$0x19A00] =	vst v63  }
0x55: {  	_ =	swait.ge [sflag:s14], $0x800  }
0x56: {  	[sflag:s14] =	ssyncset.done $0x0  }
0x57: {  	s28 =	rddreg [dreg:$0x9];
	[sflag:s14] =	ssyncadd.s32 $0xFFFFF800  }
0x58: {  	[spmem:s28] =	stream.linear.scatter [tilespmem:s13], [sflag:$0x7], $0x800, $0x38;
	[tilespmem:$0x19A00] =	vst v63  }
0x59: {  	_ =	swait.ge [sflag:s14], $0x800  }
0x5a: {  	[sflag:s14] =	ssyncset.done $0x0  }
0x5b: {  	s25 =	rddreg [dreg:$0xa];
	[sflag:s14] =	ssyncadd.s32 $0xFFFFF800  }
0x5c: {  	[spmem:s25] =	stream.linear.scatter [tilespmem:s13], [sflag:$0x7], $0x800, $0x38;
	[tilespmem:$0x19A00] =	vst v63  }
0x5d: {  	_ =	swait.ge [sflag:s14], $0x800  }
0x5e: {  	[sflag:s14] =	ssyncset.done $0x0  }
0x5f: {  	s26 =	rddreg [dreg:$0xb];
	[sflag:s14] =	ssyncadd.s32 $0xFFFFF800  }
0x60: {  	[spmem:s26] =	stream.linear.scatter [tilespmem:s13], [sflag:$0x7], $0x800, $0x38;
	[tilespmem:$0x19A00] =	vst v63  }
0x61: {  	_ =	swait.ge [sflag:s14], $0x800  }
0x62: {  	[sflag:s14] =	ssyncset.done $0x0  }
0x63: {  	s28 =	rddreg [dreg:$0xc];
	[sflag:s14] =	ssyncadd.s32 $0xFFFFF800  }
0x64: {  	[spmem:s28] =	stream.linear.scatter [tilespmem:s13], [sflag:$0x7], $0x800, $0x38;
	[tilespmem:$0x19A00] =	vst v63  }
0x65: {  	_ =	swait.ge [sflag:s14], $0x800  }
0x66: {  	[sflag:s14] =	ssyncset.done $0x0  }
0x67: {  	s25 =	rddreg [dreg:$0xd];
	[sflag:s14] =	ssyncadd.s32 $0xFFFFF800  }
0x68: {  	[spmem:s25] =	stream.linear.scatter [tilespmem:s13], [sflag:$0x7], $0x800, $0x38;
	[tilespmem:$0x19A00] =	vst v63  }
0x69: {  	_ =	swait.ge [sflag:s14], $0x800  }
0x6a: {  	[sflag:s14] =	ssyncset.done $0x0  }
0x6b: {  	s26 =	rddreg [dreg:$0xe];
	[sflag:s14] =	ssyncadd.s32 $0xFFFFF800  }
0x6c: {  	[spmem:s26] =	stream.linear.scatter [tilespmem:s13], [sflag:$0x7], $0x800, $0x38;
	[tilespmem:$0x19A00] =	vst v63  }
0x6d: {  	_ =	swait.ge [sflag:s14], $0x800  }
0x6e: {  	[sflag:s14] =	ssyncset.done $0x0  }
0x6f: {  	s28 =	rddreg [dreg:$0xf];
	[sflag:s14] =	ssyncadd.s32 $0xFFFFF800  }
0x70: {  	[spmem:s28] =	stream.linear.scatter [tilespmem:s13], [sflag:$0x7], $0x800, $0x38;
	[tilespmem:$0x19A00] =	vst v63  }
0x71: {  	_ =	swait.ge [sflag:s14], $0x800  }
0x72: {  	[sflag:s14] =	ssyncset.done $0x0  }
0x73: {  	s25 =	rddreg [dreg:$0x10];
	[sflag:s14] =	ssyncadd.s32 $0xFFFFF800  }
0x74: {  	[spmem:s25] =	stream.linear.scatter [tilespmem:s13], [sflag:$0x7], $0x800, $0x38;
	[tilespmem:$0x19A00] =	vst v63  }
0x75: {  	_ =	swait.ge [sflag:s14], $0x800  }
0x76: {  	[sflag:s14] =	ssyncset.done $0x0  }
0x77: {  	s26 =	rddreg [dreg:$0x11];
	[sflag:s14] =	ssyncadd.s32 $0xFFFFF800  }
0x78: {  	[spmem:s26] =	stream.linear.scatter [tilespmem:s13], [sflag:$0x7], $0x800, $0x38;
	[tilespmem:$0x19A00] =	vst v63  }
0x79: {  	_ =	swait.ge [sflag:s14], $0x800  }
0x7a: {  	[sflag:s14] =	ssyncset.done $0x0  }
0x7b: {  	s28 =	rddreg [dreg:$0x14];
	[sflag:s14] =	ssyncadd.s32 $0xFFFFF800  }
0x7c: {  	[spmem:s28] =	stream.linear.scatter [tilespmem:s13], [sflag:$0x7], $0x800, $0x38;
	[tilespmem:$0x19A00] =	vst v63  }
0x7d: {  	_ =	swait.ge [sflag:s14], $0x800  }
0x7e: {  	[sflag:s14] =	ssyncset.done $0x0  }
0x7f: {  	s25 =	rddreg [dreg:$0x15];
	[sflag:s14] =	ssyncadd.s32 $0xFFFFF800  }
0x80: {  	[spmem:s25] =	stream.linear.scatter [tilespmem:s13], [sflag:$0x7], $0x800, $0x38;
	[tilespmem:$0x19A00] =	vst v63  }
0x81: {  	_ =	swait.ge [sflag:s14], $0x800  }
0x82: {  	[sflag:s14] =	ssyncset.done $0x0  }
0x83: {  	s26 =	rddreg [dreg:$0x16];
	[sflag:s14] =	ssyncadd.s32 $0xFFFFF800  }
0x84: {  	[spmem:s26] =	stream.linear.scatter [tilespmem:s13], [sflag:$0x7], $0x800, $0x38;
	[tilespmem:$0x19A00] =	vst v63  }
0x85: {  	_ =	swait.ge [sflag:s14], $0x800  }
0x86: {  	[sflag:s14] =	ssyncset.done $0x0  }
0x87: {  	s28 =	rddreg [dreg:$0x17];
	[sflag:s14] =	ssyncadd.s32 $0xFFFFF800  }
0x88: {  	[spmem:s28] =	stream.linear.scatter [tilespmem:s13], [sflag:$0x7], $0x800, $0x38;
	[tilespmem:$0x19A00] =	vst v63  }
0x89: {  	_ =	swait.ge [sflag:s14], $0x800  }
0x8a: {  	[sflag:s14] =	ssyncset.done $0x0  }
0x8b: {  	s25 =	rddreg [dreg:$0x18];
	[sflag:s14] =	ssyncadd.s32 $0xFFFFF800  }
0x8c: {  	[spmem:s25] =	stream.linear.scatter [tilespmem:s13], [sflag:$0x7], $0x800, $0x38;
	[tilespmem:$0x19A00] =	vst v63  }
0x8d: {  	_ =	swait.ge [sflag:s14], $0x800  }
0x8e: {  	[sflag:s14] =	ssyncset.done $0x0  }
0x8f: {  	s26 =	rddreg [dreg:$0x19];
	[sflag:s14] =	ssyncadd.s32 $0xFFFFF800  }
0x90: {  	[spmem:s26] =	stream.linear.scatter [tilespmem:s13], [sflag:$0x7], $0x800, $0x38;
	[tilespmem:$0x19A00] =	vst v63  }
0x91: {  	_ =	swait.ge [sflag:s14], $0x800  }
0x92: {  	[sflag:s14] =	ssyncset.done $0x0  }
0x93: {  	s28 =	rddreg [dreg:$0x1a];
	[sflag:s14] =	ssyncadd.s32 $0xFFFFF800  }
0x94: {  	[spmem:s28] =	stream.linear.scatter [tilespmem:s13], [sflag:$0x7], $0x800, $0x38;
	[tilespmem:$0x19A00] =	vst v63  }
0x95: {  	_ =	swait.ge [sflag:s14], $0x800  }
0x96: {  	[sflag:s14] =	ssyncset.done $0x0  }
0x97: {  	s25 =	rddreg [dreg:$0x1b];
	[sflag:s14] =	ssyncadd.s32 $0xFFFFF800  }
0x98: {  	[spmem:s25] =	stream.linear.scatter [tilespmem:s13], [sflag:$0x7], $0x800, $0x38;
	[tilespmem:$0x19A00] =	vst v63  }
0x99: {  	_ =	swait.ge [sflag:s14], $0x800  }
0x9a: {  	[sflag:s14] =	ssyncset.done $0x0  }
0x9b: {  	s26 =	rddreg [dreg:$0x1c];
	[sflag:s14] =	ssyncadd.s32 $0xFFFFF800  }
0x9c: {  	[spmem:s26] =	stream.linear.scatter [tilespmem:s13], [sflag:$0x7], $0x800, $0x38;
	[tilespmem:$0x19A00] =	vst v63  }
0x9d: {  	_ =	swait.ge [sflag:s14], $0x800  }
0x9e: {  	[sflag:s14] =	ssyncset.done $0x0  }
0x9f: {  	s28 =	rddreg [dreg:$0x1d];
	[sflag:s14] =	ssyncadd.s32 $0xFFFFF800  }
0xa0: {  	[spmem:s28] =	stream.linear.scatter [tilespmem:s13], [sflag:$0x7], $0x800, $0x38;
	[tilespmem:$0x19A00] =	vst v63  }
0xa1: {  	_ =	swait.ge [sflag:s14], $0x800  }
0xa2: {  	[sflag:s14] =	ssyncset.done $0x0  }
0xa3: {  	s25 =	rddreg [dreg:$0x1e];
	[sflag:s14] =	ssyncadd.s32 $0xFFFFF800  }
0xa4: {  	[spmem:s25] =	stream.linear.scatter [tilespmem:s13], [sflag:$0x7], $0x800, $0x38;
	[tilespmem:$0x19A00] =	vst v63  }
0xa5: {  	_ =	swait.ge [sflag:s14], $0x800  }
0xa6: {  	[sflag:s14] =	ssyncset.done $0x0  }
0xa7: {  	s26 =	rddreg [dreg:$0x1f];
	[sflag:s14] =	ssyncadd.s32 $0xFFFFF800  }
0xa8: {  	[spmem:s26] =	stream.linear.scatter [tilespmem:s13], [sflag:$0x7], $0x800, $0x38;
	[tilespmem:$0x19A00] =	vst v63  }
0xa9: {  	_ =	swait.ge [sflag:s14], $0x800  }
0xaa: {  	s28 =	sld [smem:$0x7F1]  }
0xab: {  	[sflag:s14] =	ssyncset.done $0x0  }
0xac: {  	[sflag:s14] =	ssyncadd.s32 $0xFFFFF800  }
0xad: {  	[spmem:s28] =	stream.linear.scatter [tilespmem:s13], [sflag:$0x7], $0x800, $0x38;
	[tilespmem:$0x19A00] =	vst v63  }
0xae: {  	_ =	swait.ge [sflag:s14], $0x800  }
0xaf: {  	s25 =	sld [smem:$0x7F2]  }
0xb0: {  	[sflag:s14] =	ssyncset.done $0x0  }
0xb1: {  	[sflag:s14] =	ssyncadd.s32 $0xFFFFF800  }
0xb2: {  	[spmem:s25] =	stream.linear.scatter [tilespmem:s13], [sflag:$0x7], $0x800, $0x38;
	[tilespmem:$0x19A00] =	vst v63  }
0xb3: {  	_ =	swait.ge [sflag:s14], $0x800  }
0xb4: {  	s26 =	sld [smem:$0x7F3]  }
0xb5: {  	[sflag:s14] =	ssyncset.done $0x0  }
0xb6: {  	[sflag:s14] =	ssyncadd.s32 $0xFFFFF800  }
0xb7: {  	[spmem:s26] =	stream.linear.scatter [tilespmem:s13], [sflag:$0x7], $0x800, $0x38;
	[tilespmem:$0x19A00] =	vst v63  }
0xb8: {  	_ =	swait.ge [sflag:s14], $0x800  }
0xb9: {  	s28 =	sld [smem:$0x7F4]  }
0xba: {  	[sflag:s14] =	ssyncset.done $0x0  }
0xbb: {  	[sflag:s14] =	ssyncadd.s32 $0xFFFFF800  }
0xbc: {  	[spmem:s28] =	stream.linear.scatter [tilespmem:s13], [sflag:$0x7], $0x800, $0x38;
	[tilespmem:$0x19A00] =	vst v63  }
0xbd: {  	_ =	swait.ge [sflag:s14], $0x800  }
0xbe: {  	s25 =	sld [smem:$0x7F5]  }
0xbf: {  	[sflag:s14] =	ssyncset.done $0x0  }
0xc0: {  	[sflag:s14] =	ssyncadd.s32 $0xFFFFF800  }
0xc1: {  	[spmem:s25] =	stream.linear.scatter [tilespmem:s13], [sflag:$0x7], $0x800, $0x38;
	[tilespmem:$0x19A00] =	vst v63  }
0xc2: {  	_ =	swait.ge [sflag:s14], $0x800  }
0xc3: {  	s26 =	sld [smem:$0x7F6]  }
0xc4: {  	[sflag:s14] =	ssyncset.done $0x0  }
0xc5: {  	[sflag:s14] =	ssyncadd.s32 $0xFFFFF800  }
0xc6: {  	[spmem:s26] =	stream.linear.scatter [tilespmem:s13], [sflag:$0x7], $0x800, $0x38;
	[tilespmem:$0x19A00] =	vst v63  }
0xc7: {  	_ =	swait.ge [sflag:s14], $0x800  }
0xc8: {  	s28 =	sld [smem:$0x7F7]  }
0xc9: {  	[sflag:s14] =	ssyncset.done $0x0  }
0xca: {  	[sflag:s14] =	ssyncadd.s32 $0xFFFFF800  }
0xcb: {  	[spmem:s28] =	stream.linear.scatter [tilespmem:s13], [sflag:$0x7], $0x800, $0x38;
	[tilespmem:$0x19A00] =	vst v63  }
0xcc: {  	_ =	swait.ge [sflag:s14], $0x800  }
0xcd: {  	s25 =	sld [smem:$0x7F8]  }
0xce: {  	[sflag:s14] =	ssyncset.done $0x0  }
0xcf: {  	[sflag:s14] =	ssyncadd.s32 $0xFFFFF800  }
0xd0: {  	[spmem:s25] =	stream.linear.scatter [tilespmem:s13], [sflag:$0x7], $0x800, $0x38;
	[tilespmem:$0x19A00] =	vst v63  }
0xd1: {  	_ =	swait.ge [sflag:s14], $0x800  }
0xd2: {  	s26 =	sld [smem:$0x7F9]  }
0xd3: {  	[sflag:s14] =	ssyncset.done $0x0  }
0xd4: {  	[sflag:s14] =	ssyncadd.s32 $0xFFFFF800  }
0xd5: {  	[spmem:s26] =	stream.linear.scatter [tilespmem:s13], [sflag:$0x7], $0x800, $0x38;
	[tilespmem:$0x19A00] =	vst v63  }
0xd6: {  	_ =	swait.ge [sflag:s14], $0x800  }
0xd7: {  	s28 =	sld [smem:$0x7FA]  }
0xd8: {  	[sflag:s14] =	ssyncset.done $0x0  }
0xd9: {  	[sflag:s14] =	ssyncadd.s32 $0xFFFFF800  }
0xda: {  	[spmem:s28] =	stream.linear.scatter [tilespmem:s13], [sflag:$0x7], $0x800, $0x38;
	[tilespmem:$0x19A00] =	vst v63  }
0xdb: {  	_ =	swait.ge [sflag:s14], $0x800  }
0xdc: {  	s25 =	sld [smem:$0x7FB]  }
0xdd: {  	[sflag:s14] =	ssyncset.done $0x0  }
0xde: {  	[sflag:s14] =	ssyncadd.s32 $0xFFFFF800  }
0xdf: {  	[spmem:s25] =	stream.linear.scatter [tilespmem:s13], [sflag:$0x7], $0x800, $0x38;
	[tilespmem:$0x19A00] =	vst v63  }
0xe0: {  	_ =	swait.ge [sflag:s14], $0x800  }
0xe1: {  	s26 =	sld [smem:$0x7FC]  }
0xe2: {  	[sflag:s14] =	ssyncset.done $0x0  }
0xe3: {  	[sflag:s14] =	ssyncadd.s32 $0xFFFFF800  }
0xe4: {  	[spmem:s26] =	stream.linear.scatter [tilespmem:s13], [sflag:$0x7], $0x800, $0x38;
	[tilespmem:$0x19A00] =	vst v63  }
0xe5: {  	_ =	swait.ge [sflag:s14], $0x800  }
0xe6: {  	s28 =	sld [smem:$0x7FD]  }
0xe7: {  	[sflag:s14] =	ssyncset.done $0x0  }
0xe8: {  	[sflag:s14] =	ssyncadd.s32 $0xFFFFF800  }
0xe9: {  	[spmem:s28] =	stream.linear.scatter [tilespmem:s13], [sflag:$0x7], $0x800, $0x38;
	[tilespmem:$0x19A00] =	vst v63  }
0xea: {  	_ =	swait.ge [sflag:s14], $0x800  }
0xeb: {  	[sflag:s14] =	ssyncset.done $0x0  }
0xec: {  	[sflag:s14] =	ssyncadd.s32 $0xFFFFF800  }
0xed: {  	[spmem:s29] =	stream.linear.scatter [tilespmem:s13], [sflag:$0x7], $0x800, $0x38;
	[tilespmem:$0x19A00] =	vst v63  }
0xee: {  	_ =	swait.ge [sflag:s14], $0x800  }
0xef: {  	[sflag:s14] =	ssyncset.done $0x0  }
0xf0: {  	[sflag:s14] =	ssyncadd.s32 $0xFFFFF800  }
0xf1: {  	[spmem:s30] =	stream.linear.scatter [tilespmem:s13], [sflag:$0x7], $0x800, $0x38;
	[tilespmem:$0x19A00] =	vst v63  }
0xf2: {  	_ =	swait.ge [sflag:s14], $0x800  }
0xf3: {  	[sflag:s14] =	ssyncset.done $0x0  }
0xf4: {  	[sflag:s14] =	ssyncadd.s32 $0xFFFFF800  }
0xf5: {  	[spmem:s31] =	stream.linear.scatter [tilespmem:s13], [sflag:$0x7], $0x800, $0x38;
	[tilespmem:$0x19A00] =	vst v63  }
0xf6: {  	_ =	swait.ge [sflag:s14], $0x800  }
0xf7: {  	[sflag:s14] =	ssyncset.done $0x0  }
0xf8: {  	[sflag:s14] =	ssyncadd.s32 $0xFFFFF800  }
0xf9: {  	[spmem:s0] =	stream.linear.scatter [tilespmem:s13], [sflag:$0x7], $0x800, $0x38;
	[tilespmem:$0x19A00] =	vst v63  }
0xfa: {  	_ =	swait.ge [sflag:s14], $0x800  }
0xfb: {  	[sflag:s14] =	ssyncset.done $0x0  }
0xfc: {  	[sflag:s14] =	ssyncadd.s32 $0xFFFFF800  }
0xfd: {  	[bflag:$0x0] =	sbarrier.arrive $0xFFFF  }
0xfe: {  	_ =	swait.ge [sflag:s15], $0x50  }
0xff: {  	[sflag:s15] =	ssyncset.done $0x0  }
0x100: {  	[sflag:s15] =	ssyncadd.s32 $0xFFFFFFB0  }
0x101: {  	_ =	swait.ge [sflag:s16], $0x2800  }
0x102: {  	s25 =	sadd.s32 $0xFFFFFFB0, s24;
	[sflag:s16] =	ssyncset.done $0x0  }
0x103: {  	s23 =	sshrl.u32 s25, $0x3;
	[sflag:s16] =	ssyncadd.s32 $0xFFFFD800  }
0x104: {  	[tilespmem:s17], [sflag:$0x2] =	stream.indirect.gather [hbm4b:s1+s8], $0x80, s11, s8, $0xb8;
	[tilespmem:$0x19A00] =	vst v63  }
0x105: {  	s25 =	sadd.s32 s5, s23  }
0x106: {  	[tilespmem:s4], [sflag:$0x3] =	stream.linear.gather [hbm4b:s25+s4], $0x50, $0x38;
	[tilespmem:$0x19A00] =	vst v63  }
0x107: {  	_ =	swait.ge [sflag:s18], $0x50  }
0x108: {  	[sflag:s18] =	ssyncset.done $0x0  }
0x109: {  	[sflag:s18] =	ssyncadd.s32 $0xFFFFFFB0  }
0x10a: {  	[spmem:s2] =	stream.indirect.scatter.add.f32 [tilespmem:s9], [sflag:$0x7], $0x80, s3, s8, $0xb8;
	[tilespmem:$0x19A00] =	vst v63  }
0x10b: {  	_ =	swait.ge [sflag:s14], $0x2800  }
0x10c: {  	[sflag:s14] =	ssyncset.done $0x0  }
0x10d: {  	s23 =	sadd.s32 s6, s23;
	[sflag:s14] =	ssyncadd.s32 $0xFFFFD800  }
0x10e: {  	[tilespmem:s3], [sflag:$0x5] =	stream.linear.gather [hbm4b:s23+s4], $0x50, $0x38;
	[tilespmem:$0x19A00] =	vst v63  }
0x10f: {  	_ =	swait.ge [sflag:s7], $0x50  }
0x110: {  	[sflag:s7] =	ssyncset.done $0x0  }
0x111: {  	[sflag:s7] =	ssyncadd.s32 $0xFFFFFFB0  }
0x112: {  	_ =	swait.ge [sflag:s19], $0x2800  }
0x113: {  	[sflag:s19] =	ssyncset.done $0x0  }
0x114: {  	s26 =	sshrl.u32 s24, $0x3;
	[sflag:s19] =	ssyncadd.s32 $0xFFFFD800  }
0x115: {  	[tilespmem:s9], [sflag:$0x1] =	stream.indirect.gather [hbm4b:s1+s8], $0x80, s4, s8, $0xb8;
	[tilespmem:$0x19A00] =	vst v63  }
0x116: {  	s28 =	sadd.s32 s5, s26  }
0x117: {  	[tilespmem:s11], [sflag:$0x4] =	stream.linear.gather [hbm4b:s28+s4], $0x50, $0x38;
	[tilespmem:$0x19A00] =	vst v63  }
0x118: {  	p0 =	sne.s32 s22, $0x1;
	_ =	swait.ge [sflag:s20], $0x50  }
.Ltmp1:
0x119: {  	[sflag:s20] =	ssyncset.done $0x0;
	(pc) =	sbr.rel @!p0 .LBB2_5-.Ltmp1, $4  }
0x11a: {  	[sflag:s20] =	ssyncadd.s32 $0xFFFFFFB0  }
0x11b: {  	[spmem:s2] =	stream.indirect.scatter.add.f32 [tilespmem:s17], [sflag:$0x7], $0x80, s12, s8, $0xb8;
	[tilespmem:$0x19A00] =	vst v63  }
0x11c: {  	s26 =	sadd.s32 s6, s26;
	_ =	swait.ge [sflag:s14], $0x2800  }
0x11d: {  	s25 =	smov.u32 s24;
	s23 =	sadd.s32 $0xFFFFFFFF, s22;
	[sflag:s14] =	ssyncset.done $0x0  }
.LBB2_4:
0x11e: {  	p0 =	sne.s32 s23, $0x1;
	[sflag:s14] =	ssyncadd.s32 $0xFFFFD800;
	s25 =	sadd.s32 $0xA0, s25  }
0x11f: {  	[tilespmem:s12], [sflag:$0x6] =	stream.linear.gather [hbm4b:s26+s4], $0x50, $0x38;
	[tilespmem:$0x19A00] =	vst v63  }
0x120: {  	s23 =	sadd.s32 $0xFFFFFFFF, s23;
	_ =	swait.ge [sflag:s15], $0x50  }
0x121: {  	[sflag:s15] =	ssyncset.done $0x0  }
0x122: {  	[sflag:s15] =	ssyncadd.s32 $0xFFFFFFB0  }
0x123: {  	_ =	swait.ge [sflag:s16], $0x2800  }
0x124: {  	s26 =	sadd.s32 $0xFFFFFFB0, s25;
	[sflag:s16] =	ssyncset.done $0x0  }
0x125: {  	s26 =	sshrl.u32 s26, $0x3;
	[sflag:s16] =	ssyncadd.s32 $0xFFFFD800  }
0x126: {  	[tilespmem:s17], [sflag:$0x2] =	stream.indirect.gather [hbm4b:s1+s8], $0x80, s11, s8, $0xb8;
	[tilespmem:$0x19A00] =	vst v63  }
0x127: {  	s28 =	sadd.s32 s5, s26  }
0x128: {  	[tilespmem:s4], [sflag:$0x3] =	stream.linear.gather [hbm4b:s28+s4], $0x50, $0x38;
	[tilespmem:$0x19A00] =	vst v63  }
0x129: {  	_ =	swait.ge [sflag:s18], $0x50  }
0x12a: {  	[sflag:s18] =	ssyncset.done $0x0  }
0x12b: {  	[sflag:s18] =	ssyncadd.s32 $0xFFFFFFB0  }
0x12c: {  	[spmem:s2] =	stream.indirect.scatter.add.f32 [tilespmem:s9], [sflag:$0x7], $0x80, s3, s8, $0xb8;
	[tilespmem:$0x19A00] =	vst v63  }
0x12d: {  	_ =	swait.ge [sflag:s14], $0x2800  }
0x12e: {  	s26 =	sadd.s32 s6, s26;
	[sflag:s14] =	ssyncset.done $0x0  }
0x12f: {  	[sflag:s14] =	ssyncadd.s32 $0xFFFFD800  }
0x130: {  	[tilespmem:s3], [sflag:$0x5] =	stream.linear.gather [hbm4b:s26+s4], $0x50, $0x38;
	[tilespmem:$0x19A00] =	vst v63  }
0x131: {  	_ =	swait.ge [sflag:s7], $0x50  }
0x132: {  	[sflag:s7] =	ssyncset.done $0x0  }
0x133: {  	[sflag:s7] =	ssyncadd.s32 $0xFFFFFFB0  }
0x134: {  	_ =	swait.ge [sflag:s19], $0x2800  }
0x135: {  	[sflag:s19] =	ssyncset.done $0x0  }
0x136: {  	s26 =	sshrl.u32 s25, $0x3;
	[sflag:s19] =	ssyncadd.s32 $0xFFFFD800  }
0x137: {  	[tilespmem:s9], [sflag:$0x1] =	stream.indirect.gather [hbm4b:s1+s8], $0x80, s4, s8, $0xb8;
	[tilespmem:$0x19A00] =	vst v63  }
0x138: {  	s28 =	sadd.s32 s5, s26  }
0x139: {  	[tilespmem:s11], [sflag:$0x4] =	stream.linear.gather [hbm4b:s28+s4], $0x50, $0x38;
	[tilespmem:$0x19A00] =	vst v63  }
0x13a: {  	_ =	swait.ge [sflag:s20], $0x50  }
.Ltmp2:
0x13b: {  	[sflag:s20] =	ssyncset.done $0x0;
	(pc) =	sbr.rel @p0 .LBB2_4-.Ltmp2, $4  }
0x13c: {  	[sflag:s20] =	ssyncadd.s32 $0xFFFFFFB0  }
0x13d: {  	[spmem:s2] =	stream.indirect.scatter.add.f32 [tilespmem:s17], [sflag:$0x7], $0x80, s12, s8, $0xb8;
	[tilespmem:$0x19A00] =	vst v63  }
0x13e: {  	_ =	swait.ge [sflag:s14], $0x2800  }
0x13f: {  	s26 =	sadd.s32 s6, s26;
	[sflag:s14] =	ssyncset.done $0x0  }
.LBB2_5:
0x140: {  	[sflag:s14] =	ssyncadd.s32 $0xFFFFD800  }
0x141: {  	[tilespmem:s12], [sflag:$0x6] =	stream.linear.gather [hbm4b:s26+s4], $0x50, $0x38;
	[tilespmem:$0x19A00] =	vst v63  }
0x142: {  	_ =	swait.ge [sflag:s15], $0x50  }
0x143: {  	[sflag:s15] =	ssyncset.done $0x0  }
0x144: {  	[sflag:s15] =	ssyncadd.s32 $0xFFFFFFB0  }
0x145: {  	_ =	swait.ge [sflag:s16], $0x2800  }
0x146: {  	[sflag:s16] =	ssyncset.done $0x0  }
0x147: {  	[sflag:s16] =	ssyncadd.s32 $0xFFFFD800  }
0x148: {  	[tilespmem:s17], [sflag:$0x2] =	stream.indirect.gather [hbm4b:s1+s8], $0x80, s11, s8, $0xb8;
	[tilespmem:$0x19A00] =	vst v63  }
0x149: {  	_ =	swait.ge [sflag:s18], $0x50  }
0x14a: {  	[sflag:s18] =	ssyncset.done $0x0  }
0x14b: {  	[sflag:s18] =	ssyncadd.s32 $0xFFFFFFB0  }
0x14c: {  	[spmem:s2] =	stream.indirect.scatter.add.f32 [tilespmem:s9], [sflag:$0x7], $0x80, s3, s8, $0xb8;
	[tilespmem:$0x19A00] =	vst v63  }
0x14d: {  	_ =	swait.ge [sflag:s14], $0x2800  }
0x14e: {  	[sflag:s14] =	ssyncset.done $0x0  }
0x14f: {  	[sflag:s14] =	ssyncadd.s32 $0xFFFFD800  }
0x150: {  	_ =	swait.ge [sflag:s19], $0x2800  }
0x151: {  	[sflag:s19] =	ssyncset.done $0x0  }
0x152: {  	[sflag:s19] =	ssyncadd.s32 $0xFFFFD800  }
0x153: {  	_ =	swait.ge [sflag:s20], $0x50  }
0x154: {  	[sflag:s20] =	ssyncset.done $0x0  }
0x155: {  	[sflag:s20] =	ssyncadd.s32 $0xFFFFFFB0  }
0x156: {  	[spmem:s2] =	stream.indirect.scatter.add.f32 [tilespmem:s17], [sflag:$0x7], $0x80, s12, s8, $0xb8;
	[tilespmem:$0x19A00] =	vst v63  }
0x157: {  	_ =	swait.ge [sflag:s14], $0x2800  }
0x158: {  	[sflag:s14] =	ssyncset.done $0x0  }
0x159: {  	s23 =	stileid.u32;
	[sflag:s14] =	ssyncadd.s32 $0xFFFFD800  }
0x15a: {  	s23 =	sshll.u32 s23, $0x6;
	[bflag:$0x0] =	sbarrier.arrive $0xFFFF  }
0x15b: {  	s25 =	sshrl.u32 s10, $0x3;
	s23 =	sor.u32 $0x1C07, s23;
	s28 =	rddreg [dreg:$0x12]  }
0x15c: {  	[hbm:s28], [sflag:s23] =	dma.local [spmem:s25], $0x2800  }
0x15d: {  	_ =	swait.ge [sflag:s14], $0x2800  }
0x15e: {  	s21 =	sadd.s32 $0x1, s21;
	s28 =	rddreg [dreg:$0x13]  }
0x15f: {  	p0 =	sne.s32 s21, s28  }
.Ltmp3:
0x160: {  	_ = 	snop;
	(pc) =	sbr.rel @p0 .LBB2_1-.Ltmp3, $3  }
0x161: {  	_ =	sdelay $0x1  }
0x162: {  	[sflag:s14] =	ssyncset.done $0x0  }
0x163: {  	[sflag:s14] =	ssyncadd.s32 $0xFFFFD800  }
0x164: {  	_ =	sfence.sel $0x180000  }
0x165: {  	[bflag:$0x0] =	sbarrier.arrive $0xFFFF  }
0x166: {  	_ =	strace $0x9000004A  }
0x167: {  	s0 =	stileid.u32;
	[bflag:$0x2] =	sbarrier.arrive $0xFFFF  }
0x168: {  	p0 =	sne.s32 s0, $0x0;
	s0 =	rddreg [dreg:$0x3]  }
0x169: {  	s0 =	sadd.s32 @!p0 $0x100000, s0  }
0x16a: {  	[sflag:s0] =	ssyncadd.tile.s32 @!p0 $0x1;
	_ =	shalt  }
.Lfunc_end2:
_tile_overlayer_lowered:
.L_overlay_start_2:
0x16b: {  	(tag) =	ssettag $0x2  }
0x16c: {  	s0 =	rddreg [dreg:$0x0];
	s2 =	stileid.u32  }
0x16d: {  	s1 =	rddreg [dreg:$0x1];
	p0 =	sne.s32 s2, $0x0  }
0x16e: {  	s3 =	rddreg [dreg:$0x2];
	[bflag:$0x3] =	sbarrier.arrive $0xFFFF;
	s2 =	simm.s32 @!p0 $0x1C07  }
0x16f: {  	[timem:s3], [sflag:s2] =	dma.local @!p0 [hbm:s0], s1  }
0x170: {  	s0 =	simm.s32 @!p0 $0x7  }
0x171: {  	_ =	swait.ge @!p0 [sflag:s0], s1  }
0x172: {  	s1 =	ssub.s32 @!p0 $0x0, s1;
	[sflag:s0] =	ssyncset.done @!p0 $0x0  }
0x173: {  	[sflag:s0] =	ssyncadd.s32 @!p0 s1  }
0x174: {  	[bflag:$0x3] =	sbarrier.arrive $0xFFFF  }
0x175: {  	_ =	shalt  }

</sc_bundles>
